<compile_context>
chip_gen: v7x
topology: tpu7x:2x2x1
jax: 0.10.2.dev20260603
libtpu: 0.0.44.dev20260713+nightly
codegen_flags: <defaults>
</compile_context>

<pallas_src>
import jax
import jax.numpy as jnp
from jax import lax
from jax.experimental import pallas as pl
from jax.experimental.pallas import tpu as pltpu
from jax.experimental.pallas import tpu_sc as plsc

LANES = 16
UNROLL = 8


def _sc_kernel(nnz_pad, n, rows_per_worker, num_cores, idx_bits):
    ngroups = nnz_pad // LANES
    nout_groups = n // LANES
    assert ngroups % UNROLL == 0 and nout_groups % UNROLL == 0
    idx_mask = (1 << idx_bits) - 1
    av_shift = 2 * idx_bits

    def body(inputs_hbm, bias_hbm, vel_hbm, w3_hbm, meta_hbm, out_hbm,
             metabuf, valsbuf, biasbuf, xb0, xb1, ac0, ac1, ac2, xs, os):
        wid = lax.axis_index("s") * num_cores + lax.axis_index("c")
        base = wid * rows_per_worker
        xbufs = (xb0, xb1)
        accs = (ac0, ac1, ac2)

        iota = lax.iota(jnp.int32, LANES)
        prv = jnp.maximum(iota - 1, 0)
        nxt = iota + 1
        nxt_clamped = jnp.minimum(nxt, LANES - 1)
        first_lane = iota == 0
        last_lane = iota == LANES - 1

        pltpu.sync_copy(meta_hbm, metabuf)
        pltpu.sync_copy(w3_hbm, ac0.at[pl.ds(0, nnz_pad)])
        pltpu.sync_copy(vel_hbm, xb0)
        pltpu.sync_copy(bias_hbm, biasbuf)

        @plsc.parallel_loop(0, ngroups, 1, unroll=UNROLL)
        def _(g):
            s = pl.ds(g * LANES, LANES)
            w = metabuf[s]
            jv = w & idx_mask
            vv = plsc.load_gather(xb0, [jv])
            valsbuf[s] = ac0[s] * vv
            iv = lax.shift_right_logical(w, idx_bits) & idx_mask
            iv_prev = jnp.take_along_axis(iv, prv, axis=0)
            is_start = first_lane | (iv != iv_prev)
            av = plsc.cummax(jnp.where(is_start, iota, 0))
            metabuf[s] = w | (av << av_shift)

        def start_x(row, m):
            pltpu.make_async_copy(inputs_hbm.at[base + row], xbufs[m],
                                  xs.at[m]).start()

        def wait_x(row, m):
            pltpu.make_async_copy(inputs_hbm.at[base + row], xbufs[m],
                                  xs.at[m]).wait()

        def start_out(row, m):
            pltpu.make_async_copy(accs[m], out_hbm.at[base + row],
                                  os.at[m]).start()

        def wait_out(row, m):
            pltpu.make_async_copy(accs[m], out_hbm.at[base + row],
                                  os.at[m]).wait()

        def or_fn(i, carry):
            return jnp.maximum(carry,
                               jnp.abs(biasbuf[pl.ds(i * LANES, LANES)]))

        any_v = lax.fori_loop(0, nout_groups, or_fn,
                              jnp.zeros((LANES,), jnp.float32))
        has_bias = jnp.any(any_v != 0.0)

        def add_bias(acc_ref):
            @pl.when(has_bias)
            def _():
                @plsc.parallel_loop(0, nout_groups, 1, unroll=UNROLL)
                def _(i):
                    s = pl.ds(i * LANES, LANES)
                    acc_ref[s] = acc_ref[s] + biasbuf[s]

        def process_row(row, mx, ma):
            xbuf = xbufs[mx]
            acc = accs[ma]
            acc_next = accs[(ma + 1) % 3]

            @pl.when(row >= 2)
            def _():
                wait_out(row - 2, (ma + 1) % 3)

            wait_x(row, mx)

            @plsc.parallel_loop(0, ngroups, 1, unroll=UNROLL)
            def _(g):
                s = pl.ds(g * LANES, LANES)
                acc_next[s] = jnp.zeros((LANES,), jnp.float32)
                w = metabuf[s]
                vv = valsbuf[s]
                jv = w & idx_mask
                iv = lax.shift_right_logical(w, idx_bits) & idx_mask
                av = lax.shift_right_logical(w, av_shift)
                xg = plsc.load_gather(xbuf, [jv])
                c = vv * xg
                cs = plsc.cumsum(c)
                t = cs - c
                gv = jnp.take_along_axis(t, av, axis=0)
                res = cs - gv
                av_nxt = jnp.take_along_axis(av, nxt_clamped, axis=0)
                em = (av_nxt == nxt) | last_lane
                plsc.addupdate_scatter(acc, [iv], res, mask=em)

            @plsc.parallel_loop(ngroups, nout_groups, 1, unroll=UNROLL)
            def _(i):
                s = pl.ds(i * LANES, LANES)
                acc_next[s] = jnp.zeros((LANES,), jnp.float32)

            add_bias(acc_next)
            start_out(row, ma)

            @pl.when(row <= rows_per_worker - 3)
            def _():
                start_x(row + 2, mx)

        start_x(0, 0)
        start_x(1, 1)

        @plsc.parallel_loop(0, nout_groups, 1, unroll=UNROLL)
        def _(i):
            s = pl.ds(i * LANES, LANES)
            ac0[s] = jnp.zeros((LANES,), jnp.float32)

        add_bias(ac0)

        def row6_fn(i, _):
            for u in range(6):
                process_row(i * 6 + u, u % 2, u % 3)
            return _

        nfull = rows_per_worker // 6
        lax.fori_loop(0, nfull, row6_fn, None)
        for r in range(nfull * 6, rows_per_worker):
            process_row(r, r % 2, r % 3)
        for r in range(rows_per_worker - 2, rows_per_worker):
            wait_out(r, r % 3)

    return body


def kernel(inputs, W3, b, velocity, I, J):
    b_rows, n = inputs.shape
    nnz = I.shape[0]
    idx_bits = max(int(n - 1).bit_length(), 1)
    assert 2 * idx_bits + 4 <= 32
    block = LANES * UNROLL
    nnz_pad = (nnz + block - 1) // block * block

    pad = nnz_pad - nnz
    I_p = jnp.concatenate([I, jnp.full((pad,), I[-1], I.dtype)]).astype(
        jnp.int32)
    J_p = jnp.concatenate([J, jnp.zeros((pad,), J.dtype)]).astype(jnp.int32)
    W3_p = jnp.concatenate([W3, jnp.zeros((pad,), W3.dtype)])
    meta = J_p | (I_p << idx_bits)

    mesh = plsc.VectorSubcoreMesh(core_axis_name="c", subcore_axis_name="s")
    num_workers = mesh.num_cores * mesh.num_subcores
    assert b_rows % num_workers == 0
    rows_per_worker = b_rows // num_workers

    run = pl.kernel(
        _sc_kernel(nnz_pad, n, rows_per_worker, mesh.num_cores, idx_bits),
        out_type=jax.ShapeDtypeStruct((b_rows, n), jnp.float32),
        mesh=mesh,
        compiler_params=pltpu.CompilerParams(needs_layout_passes=False),
        scratch_types=[
            pltpu.VMEM((nnz_pad,), jnp.int32),
            pltpu.VMEM((nnz_pad,), jnp.float32),
            pltpu.VMEM((n,), jnp.float32),
            pltpu.VMEM((n,), jnp.float32),
            pltpu.VMEM((n,), jnp.float32),
            pltpu.VMEM((n,), jnp.float32),
            pltpu.VMEM((n,), jnp.float32),
            pltpu.VMEM((n,), jnp.float32),
            pltpu.SemaphoreType.DMA((2,)),
            pltpu.SemaphoreType.DMA((3,)),
        ],
    )
    return run(inputs, b, velocity, W3_p, meta)

# --- scband reference (transcript-rebuilt; emitter-appended) ---
"""Pipeline reference for scband-utop-layer-11295763988480 (READ-ONLY COPY).

The authoritative reference and input builder live on the scoring server;
editing this copy changes nothing except your own understanding.
"""

import jax, jax.numpy as jnp
import numpy as np

B = 4096
N = 16384  # input_dim == output_dim
NNZ = 12300  # hardcoded in the original build()


def setup_inputs(seed: int = 0) -> dict:
    key = jax.random.key(seed)
    k1, k2, k3, k4, k5 = jax.random.split(key, 5)
    inputs = jax.random.normal(k1, (B, N), dtype=jnp.float32)
    # truncnorm(-2*std, 2*std, loc=0, scale=std=0.01)
    W3 = jax.random.truncated_normal(k2, -2.0, 2.0, (NNZ,), dtype=jnp.float32) * 0.01
    b = jnp.zeros((N,), dtype=jnp.float32)
    # stands in for 1250 * velocity[2, :] loaded from CSV
    velocity = jax.random.uniform(k3, (N,), dtype=jnp.float32) * 1250.0
    # stands in for (I, J) = wind.nonzero(); nonzero() yields row-major (lexicographically
    # sorted) indices, so sort I to mimic a valid tf.SparseTensor ordering
    I = jnp.sort(jax.random.randint(k4, (NNZ,), 0, N, dtype=jnp.int32))
    J = jax.random.randint(k5, (NNZ,), 0, N, dtype=jnp.int32)
    return {"inputs": inputs, "W3": W3, "b": b, "velocity": velocity, "I": I, "J": J}


def reference(inputs, W3, b, velocity, I, J):
    # sparse_w3 = SparseTensor(indices=(I,J), values=W3, shape=[N, N])
    # sp_w3 = sparse_w3 * velocity  (broadcast over columns -> scale value (i,j) by velocity[j])
    vals = W3 * jnp.take(velocity, J, axis=0)  # [NNZ]
    # result = (sp_w3 @ inputs^T)^T + b
    gathered = jnp.take(inputs, J, axis=1)      # [B, NNZ]
    contrib = vals[:, None] * gathered.T        # [NNZ, B]
    out = jax.ops.segment_sum(contrib, I, num_segments=inputs.shape[1])  # [N, B]
    return out.T + b                             # [B, N]

if __name__ == "__main__":
    import jax
    _d = setup_inputs()
    print(jax.jit(kernel)(*tuple(_d.values())))

</pallas_src>

<mosaic_0001>
#map = affine_map<(d0, d1) -> (0, 0)>
#map1 = affine_map<(d0, d1) -> (0)>
module attributes {stable_mosaic.version = 14 : i64} {
  func.func @body(%arg0: i32, %arg1: i32, %arg2: memref<4096x16384xf32, #tpu.memory_space<hbm>>, %arg3: memref<16384xf32, #tpu.memory_space<hbm>>, %arg4: memref<16384xf32, #tpu.memory_space<hbm>>, %arg5: memref<12416xf32, #tpu.memory_space<hbm>>, %arg6: memref<12416xi32, #tpu.memory_space<hbm>>, %arg7: memref<4096x16384xf32, #tpu.memory_space<hbm>>, %arg8: memref<12416xi32, #tpu.memory_space<vmem>>, %arg9: memref<12416xf32, #tpu.memory_space<vmem>>, %arg10: memref<16384xf32, #tpu.memory_space<vmem>>, %arg11: memref<16384xf32, #tpu.memory_space<vmem>>, %arg12: memref<16384xf32, #tpu.memory_space<vmem>>, %arg13: memref<16384xf32, #tpu.memory_space<vmem>>, %arg14: memref<16384xf32, #tpu.memory_space<vmem>>, %arg15: memref<16384xf32, #tpu.memory_space<vmem>>, %arg16: memref<2x!tpu.dma_semaphore, #tpu.memory_space<semaphore_mem>>, %arg17: memref<3x!tpu.dma_semaphore, #tpu.memory_space<semaphore_mem>>) attributes {dimension_semantics = [#tpu.dimension_semantics<core_parallel>, #tpu.dimension_semantics<subcore_parallel>], iteration_bounds = array<i64: 2, 16>, scalar_prefetch = 0 : i64, scratch_operands = 10 : i64, tpu.core_type = #tpu.core_type<sc_vector_subcore>, window_params = [{transform_indices = #map}, {transform_indices = #map1}, {transform_indices = #map1}, {transform_indices = #map1}, {transform_indices = #map1}, {transform_indices = #map}]} {
    %mul3A = arith.constant 2 : i32
    %mul3A_0 = arith.muli %arg1, %mul3A : i32
    %add3A = arith.addi %mul3A_0, %arg0 : i32
    %mul3A_1 = arith.constant 128 : i32
    %mul3A_2 = arith.muli %add3A, %mul3A_1 : i32
    %iota3A = tpu.iota {dimensions = array<i32: 0>} : vector<16xi32>
    %sub3A = arith.constant 1 : i32
    %sub3A_3 = vector.broadcast %sub3A : i32 to vector<16xi32>
    %sub3A_4 = arith.subi %iota3A, %sub3A_3 : vector<16xi32>
    %max3A = arith.constant 0 : i32
    %max3A_5 = vector.broadcast %max3A : i32 to vector<16xi32>
    %max3A_6 = arith.maxsi %sub3A_4, %max3A_5 : vector<16xi32>
    %add3A_7 = arith.constant 1 : i32
    %add3A_8 = vector.broadcast %add3A_7 : i32 to vector<16xi32>
    %add3A_9 = arith.addi %iota3A, %add3A_8 : vector<16xi32>
    %min3A = arith.constant 15 : i32
    %min3A_10 = vector.broadcast %min3A : i32 to vector<16xi32>
    %min3A_11 = arith.minsi %add3A_9, %min3A_10 : vector<16xi32>
    %eq3A = arith.constant 0 : i32
    %eq3A_12 = vector.broadcast %eq3A : i32 to vector<16xi32>
    %eq3A_13 = arith.cmpi eq, %iota3A, %eq3A_12 : vector<16xi32>
    %eq3A_14 = arith.constant 15 : i32
    %eq3A_15 = vector.broadcast %eq3A_14 : i32 to vector<16xi32>
    %eq3A_16 = arith.cmpi eq, %iota3A, %eq3A_15 : vector<16xi32>
    "tpu.region"() ({
      %run_scoped3A = tpu.sem_alloc : memref<!tpu.dma_semaphore, #tpu.memory_space<semaphore_mem>>
      tpu.enqueue_dma source(%arg6 : memref<12416xi32, #tpu.memory_space<hbm>>) target(%arg8 : memref<12416xi32, #tpu.memory_space<vmem>>) target_semaphore(%run_scoped3A : memref<!tpu.dma_semaphore, #tpu.memory_space<semaphore_mem>>)
      tpu.wait_dma2 semaphore(%run_scoped3A : memref<!tpu.dma_semaphore, #tpu.memory_space<semaphore_mem>>) src(%arg6 : memref<12416xi32, #tpu.memory_space<hbm>>) dst(%arg8 : memref<12416xi32, #tpu.memory_space<vmem>>)
      tpu.yield
    }) : () -> ()
    "tpu.region"() ({
      %run_scoped3A = tpu.sem_alloc : memref<!tpu.dma_semaphore, #tpu.memory_space<semaphore_mem>>
      %dma_start3A_172 = arith.constant 0 : i32
      %dma_start3A_173 = tpu.memref_slice %arg13[%dma_start3A_172] : memref<16384xf32, #tpu.memory_space<vmem>> -> memref<12416xf32, #tpu.memory_space<vmem>>
      %dma_start3A_174 = arith.constant 0 : i32
      %dma_start3A_175 = tpu.memref_slice %arg13[%dma_start3A_174] : memref<16384xf32, #tpu.memory_space<vmem>> -> memref<12416xf32, #tpu.memory_space<vmem>>
      tpu.enqueue_dma source(%arg5 : memref<12416xf32, #tpu.memory_space<hbm>>) target(%dma_start3A_175 : memref<12416xf32, #tpu.memory_space<vmem>>) target_semaphore(%run_scoped3A : memref<!tpu.dma_semaphore, #tpu.memory_space<semaphore_mem>>)
      %dma_wait3A_176 = arith.constant 0 : i32
      %dma_wait3A_177 = tpu.memref_slice %arg13[%dma_wait3A_176] : memref<16384xf32, #tpu.memory_space<vmem>> -> memref<12416xf32, #tpu.memory_space<vmem>>
      %dma_wait3A_178 = arith.constant 0 : i32
      %dma_wait3A_179 = tpu.memref_slice %arg13[%dma_wait3A_178] : memref<16384xf32, #tpu.memory_space<vmem>> -> memref<12416xf32, #tpu.memory_space<vmem>>
      tpu.wait_dma2 semaphore(%run_scoped3A : memref<!tpu.dma_semaphore, #tpu.memory_space<semaphore_mem>>) src(%arg5 : memref<12416xf32, #tpu.memory_space<hbm>>) dst(%dma_wait3A_179 : memref<12416xf32, #tpu.memory_space<vmem>>)
      tpu.yield
    }) : () -> ()
    "tpu.region"() ({
      %run_scoped3A = tpu.sem_alloc : memref<!tpu.dma_semaphore, #tpu.memory_space<semaphore_mem>>
      tpu.enqueue_dma source(%arg4 : memref<16384xf32, #tpu.memory_space<hbm>>) target(%arg11 : memref<16384xf32, #tpu.memory_space<vmem>>) target_semaphore(%run_scoped3A : memref<!tpu.dma_semaphore, #tpu.memory_space<semaphore_mem>>)
      tpu.wait_dma2 semaphore(%run_scoped3A : memref<!tpu.dma_semaphore, #tpu.memory_space<semaphore_mem>>) src(%arg4 : memref<16384xf32, #tpu.memory_space<hbm>>) dst(%arg11 : memref<16384xf32, #tpu.memory_space<vmem>>)
      tpu.yield
    }) : () -> ()
    "tpu.region"() ({
      %run_scoped3A = tpu.sem_alloc : memref<!tpu.dma_semaphore, #tpu.memory_space<semaphore_mem>>
      tpu.enqueue_dma source(%arg3 : memref<16384xf32, #tpu.memory_space<hbm>>) target(%arg10 : memref<16384xf32, #tpu.memory_space<vmem>>) target_semaphore(%run_scoped3A : memref<!tpu.dma_semaphore, #tpu.memory_space<semaphore_mem>>)
      tpu.wait_dma2 semaphore(%run_scoped3A : memref<!tpu.dma_semaphore, #tpu.memory_space<semaphore_mem>>) src(%arg3 : memref<16384xf32, #tpu.memory_space<hbm>>) dst(%arg10 : memref<16384xf32, #tpu.memory_space<vmem>>)
      tpu.yield
    }) : () -> ()
    %parallel_loop3A = arith.constant 0 : i32
    %parallel_loop3A_17 = arith.constant 776 : i32
    %parallel_loop3A_18 = arith.constant 1 : i32
    scf.for %parallel_loop3A_172 = %parallel_loop3A to %parallel_loop3A_17 step %parallel_loop3A_18  : i32 {
      %parallel_loop3A_173 = arith.constant 16 : i32
      %parallel_loop3A_174 = arith.muli %parallel_loop3A_172, %parallel_loop3A_173 : i32
      %parallel_loop3A_175 = arith.index_cast %parallel_loop3A_174 : i32 to index
      %parallel_loop3A_176 = tpu.vector_load %arg8[%parallel_loop3A_175] {strides = array<i32>} : memref<12416xi32, #tpu.memory_space<vmem>>, vector<16xi32>,
      %parallel_loop3A_177 = arith.constant 16383 : i32
      %parallel_loop3A_178 = vector.broadcast %parallel_loop3A_177 : i32 to vector<16xi32>
      %parallel_loop3A_179 = arith.andi %parallel_loop3A_176, %parallel_loop3A_178 : vector<16xi32>
      %parallel_loop3A_180 = tpu.vector_load_idx %arg11[%parallel_loop3A_179] : memref<16384xf32, #tpu.memory_space<vmem>>[vector<16xi32>], vector<16xf32>,
      %parallel_loop3A_181 = arith.index_cast %parallel_loop3A_174 : i32 to index
      %parallel_loop3A_182 = tpu.vector_load %arg13[%parallel_loop3A_181] {strides = array<i32>} : memref<16384xf32, #tpu.memory_space<vmem>>, vector<16xf32>,
      %parallel_loop3A_183 = arith.mulf %parallel_loop3A_182, %parallel_loop3A_180 : vector<16xf32>
      %parallel_loop3A_184 = arith.index_cast %parallel_loop3A_174 : i32 to index
      %parallel_loop3A_185 = tpu.vector_load %arg9[%parallel_loop3A_184] {strides = array<i32>} : memref<12416xf32, #tpu.memory_space<vmem>>, vector<16xf32>,
      tpu.vector_store %arg9[%parallel_loop3A_184], %parallel_loop3A_183 {strides = array<i32>} : memref<12416xf32, #tpu.memory_space<vmem>>, vector<16xf32>,
      %parallel_loop3A_186 = arith.constant 14 : i32
      %parallel_loop3A_187 = vector.broadcast %parallel_loop3A_186 : i32 to vector<16xi32>
      %parallel_loop3A_188 = arith.shrui %parallel_loop3A_176, %parallel_loop3A_187 : vector<16xi32>
      %parallel_loop3A_189 = arith.constant 16383 : i32
      %parallel_loop3A_190 = vector.broadcast %parallel_loop3A_189 : i32 to vector<16xi32>
      %parallel_loop3A_191 = arith.andi %parallel_loop3A_188, %parallel_loop3A_190 : vector<16xi32>
      %parallel_loop3A_192 = arith.constant 0 : i32
      %parallel_loop3A_193 = vector.broadcast %parallel_loop3A_192 : i32 to vector<16xi32>
      %parallel_loop3A_194 = arith.cmpi slt, %max3A_6, %parallel_loop3A_193 : vector<16xi32>
      %parallel_loop3A_195 = arith.constant 16 : i32
      %parallel_loop3A_196 = vector.broadcast %parallel_loop3A_195 : i32 to vector<16xi32>
      %parallel_loop3A_197 = arith.addi %max3A_6, %parallel_loop3A_196 : vector<16xi32>
      %parallel_loop3A_198 = arith.select %parallel_loop3A_194, %parallel_loop3A_197, %max3A_6 : vector<16xi1>, vector<16xi32>
      %parallel_loop3A_199 = vector.shape_cast %parallel_loop3A_198 : vector<16xi32> to vector<16x1xi32>
      %parallel_loop3A_200 = vector.shape_cast %parallel_loop3A_199 : vector<16x1xi32> to vector<16xi32>
      %parallel_loop3A_201 = tpu.dynamic_gather %parallel_loop3A_191[%parallel_loop3A_200] in [0] : vector<16xi32>, vector<16xi32> -> vector<16xi32>
      %parallel_loop3A_202 = arith.cmpi ne, %parallel_loop3A_191, %parallel_loop3A_201 : vector<16xi32>
      %parallel_loop3A_203 = arith.ori %eq3A_13, %parallel_loop3A_202 : vector<16xi1>
      %parallel_loop3A_204 = arith.constant 0 : i32
      %parallel_loop3A_205 = vector.broadcast %parallel_loop3A_204 : i32 to vector<16xi32>
      %parallel_loop3A_206 = arith.select %parallel_loop3A_203, %iota3A, %parallel_loop3A_205 : vector<16xi1>, vector<16xi32>
      %parallel_loop3A_207 = arith.constant true
      %parallel_loop3A_208 = vector.broadcast %parallel_loop3A_207 : i1 to vector<16xi1>
      %parallel_loop3A_209 = arith.constant -2147483648 : i32
      %parallel_loop3A_210 = vector.broadcast %parallel_loop3A_209 : i32 to vector<16xi32>
      %parallel_loop3A_211 = arith.xori %parallel_loop3A_206, %parallel_loop3A_210 : vector<16xi32>
      %parallel_loop3A_212 = tpu.scan <max>, %parallel_loop3A_211 masked %parallel_loop3A_208 : vector<16xi32>, vector<16xi1> -> vector<16xi32>
      %parallel_loop3A_213 = arith.xori %parallel_loop3A_212, %parallel_loop3A_210 : vector<16xi32>
      %parallel_loop3A_214 = arith.constant 28 : i32
      %parallel_loop3A_215 = vector.broadcast %parallel_loop3A_214 : i32 to vector<16xi32>
      %parallel_loop3A_216 = arith.shli %parallel_loop3A_213, %parallel_loop3A_215 : vector<16xi32>
      %parallel_loop3A_217 = arith.ori %parallel_loop3A_176, %parallel_loop3A_216 : vector<16xi32>
      %parallel_loop3A_218 = arith.index_cast %parallel_loop3A_174 : i32 to index
      %parallel_loop3A_219 = tpu.vector_load %arg8[%parallel_loop3A_218] {strides = array<i32>} : memref<12416xi32, #tpu.memory_space<vmem>>, vector<16xi32>,
      tpu.vector_store %arg8[%parallel_loop3A_218], %parallel_loop3A_217 {strides = array<i32>} : memref<12416xi32, #tpu.memory_space<vmem>>, vector<16xi32>,
    } {sc.loop_unroll_factor = 8 : i64, sc.parallel_access}
    %broadcast_in_dim3A = arith.constant 0.000000e+00 : f32
    %broadcast_in_dim3A_19 = vector.broadcast %broadcast_in_dim3A : f32 to vector<16xf32>
    %scan3A = arith.constant 0 : i32
    %scan3A_20 = arith.constant 1024 : i32
    %scan3A_21 = arith.addi %scan3A, %scan3A_20 : i32
    %scan3A_22 = arith.constant 1 : i32
    %scan3A_23 = scf.for %scan3A_172 = %scan3A to %scan3A_21 step %scan3A_22 iter_args(%scan3A_173 = %broadcast_in_dim3A_19) -> (vector<16xf32>)  : i32 {
      %mul3A_174 = arith.constant 16 : i32
      %mul3A_175 = arith.muli %scan3A_172, %mul3A_174 : i32
      %get3A = arith.index_cast %mul3A_175 : i32 to index
      %get3A_176 = tpu.vector_load %arg10[%get3A] {strides = array<i32>} : memref<16384xf32, #tpu.memory_space<vmem>>, vector<16xf32>,
      %abs3A = math.absf %get3A_176 : vector<16xf32>
      %max3A_177 = arith.maximumf %scan3A_173, %abs3A : vector<16xf32>
      scf.yield %max3A_177 : vector<16xf32>
    }
    %scan3A_24 = arith.constant 1024 : i32
    %ne3A = arith.constant 0.000000e+00 : f32
    %ne3A_25 = vector.broadcast %ne3A : f32 to vector<16xf32>
    %ne3A_26 = arith.cmpf one, %scan3A_23, %ne3A_25 : vector<16xf32>
    %reduce_or3A = arith.constant 1.000000e+00 : f32
    %reduce_or3A_27 = arith.constant 0.000000e+00 : f32
    %reduce_or3A_28 = vector.broadcast %reduce_or3A : f32 to vector<16xf32>
    %reduce_or3A_29 = vector.broadcast %reduce_or3A_27 : f32 to vector<16xf32>
    %reduce_or3A_30 = arith.select %ne3A_26, %reduce_or3A_28, %reduce_or3A_29 : vector<16xi1>, vector<16xf32>
    %reduce_or3A_31 = arith.constant true
    %reduce_or3A_32 = vector.broadcast %reduce_or3A_31 : i1 to vector<16xi1>
    %reduce_or3A_33 = tpu.scan <max>, %reduce_or3A_30 masked %reduce_or3A_32 : vector<16xf32>, vector<16xi1> -> vector<16xf32>
    %reduce_or3A_34 = vector.extract %reduce_or3A_33[15] : f32 from vector<16xf32>
    %reduce_or3A_35 = arith.constant 0.000000e+00 : f32
    %reduce_or3A_36 = arith.cmpf ogt, %reduce_or3A_34, %reduce_or3A_35 : f32
    %add3A_37 = arith.constant 0 : i32
    %add3A_38 = arith.addi %mul3A_2, %add3A_37 : i32
    %dma_start3A = arith.constant 0 : i32
    %dma_start3A_39 = arith.constant 0 : i32
    %dma_start3A_40 = tpu.memref_slice %arg2[%add3A_38, %dma_start3A_39] : memref<4096x16384xf32, #tpu.memory_space<hbm>> -> memref<1x16384xf32, #tpu.memory_space<hbm>>
    %dma_start3A_41 = tpu.memref_squeeze %dma_start3A_40 : memref<1x16384xf32, #tpu.memory_space<hbm>> -> memref<16384xf32, #tpu.memory_space<hbm>>
    %dma_start3A_42 = tpu.memref_slice %arg16[%dma_start3A] : memref<2x!tpu.dma_semaphore, #tpu.memory_space<semaphore_mem>> -> memref<1x!tpu.dma_semaphore, #tpu.memory_space<semaphore_mem>>
    %dma_start3A_43 = tpu.memref_squeeze %dma_start3A_42 : memref<1x!tpu.dma_semaphore, #tpu.memory_space<semaphore_mem>> -> memref<!tpu.dma_semaphore, #tpu.memory_space<semaphore_mem>>
    %dma_start3A_44 = arith.constant 0 : i32
    %dma_start3A_45 = tpu.memref_slice %arg2[%add3A_38, %dma_start3A_44] : memref<4096x16384xf32, #tpu.memory_space<hbm>> -> memref<1x16384xf32, #tpu.memory_space<hbm>>
    %dma_start3A_46 = tpu.memref_squeeze %dma_start3A_45 : memref<1x16384xf32, #tpu.memory_space<hbm>> -> memref<16384xf32, #tpu.memory_space<hbm>>
    tpu.enqueue_dma source(%dma_start3A_46 : memref<16384xf32, #tpu.memory_space<hbm>>) target(%arg11 : memref<16384xf32, #tpu.memory_space<vmem>>) target_semaphore(%dma_start3A_43 : memref<!tpu.dma_semaphore, #tpu.memory_space<semaphore_mem>>)
    %add3A_47 = arith.constant 1 : i32
    %add3A_48 = arith.addi %mul3A_2, %add3A_47 : i32
    %dma_start3A_49 = arith.constant 1 : i32
    %dma_start3A_50 = arith.constant 0 : i32
    %dma_start3A_51 = tpu.memref_slice %arg2[%add3A_48, %dma_start3A_50] : memref<4096x16384xf32, #tpu.memory_space<hbm>> -> memref<1x16384xf32, #tpu.memory_space<hbm>>
    %dma_start3A_52 = tpu.memref_squeeze %dma_start3A_51 : memref<1x16384xf32, #tpu.memory_space<hbm>> -> memref<16384xf32, #tpu.memory_space<hbm>>
    %dma_start3A_53 = tpu.memref_slice %arg16[%dma_start3A_49] : memref<2x!tpu.dma_semaphore, #tpu.memory_space<semaphore_mem>> -> memref<1x!tpu.dma_semaphore, #tpu.memory_space<semaphore_mem>>
    %dma_start3A_54 = tpu.memref_squeeze %dma_start3A_53 : memref<1x!tpu.dma_semaphore, #tpu.memory_space<semaphore_mem>> -> memref<!tpu.dma_semaphore, #tpu.memory_space<semaphore_mem>>
    %dma_start3A_55 = arith.constant 0 : i32
    %dma_start3A_56 = tpu.memref_slice %arg2[%add3A_48, %dma_start3A_55] : memref<4096x16384xf32, #tpu.memory_space<hbm>> -> memref<1x16384xf32, #tpu.memory_space<hbm>>
    %dma_start3A_57 = tpu.memref_squeeze %dma_start3A_56 : memref<1x16384xf32, #tpu.memory_space<hbm>> -> memref<16384xf32, #tpu.memory_space<hbm>>
    tpu.enqueue_dma source(%dma_start3A_57 : memref<16384xf32, #tpu.memory_space<hbm>>) target(%arg12 : memref<16384xf32, #tpu.memory_space<vmem>>) target_semaphore(%dma_start3A_54 : memref<!tpu.dma_semaphore, #tpu.memory_space<semaphore_mem>>)
    %parallel_loop3A_58 = arith.constant 0 : i32
    %parallel_loop3A_59 = arith.constant 1024 : i32
    %parallel_loop3A_60 = arith.constant 1 : i32
    scf.for %parallel_loop3A_172 = %parallel_loop3A_58 to %parallel_loop3A_59 step %parallel_loop3A_60  : i32 {
      %parallel_loop3A_173 = arith.constant 16 : i32
      %parallel_loop3A_174 = arith.muli %parallel_loop3A_172, %parallel_loop3A_173 : i32
      %parallel_loop3A_175 = arith.constant 0.000000e+00 : f32
      %parallel_loop3A_176 = vector.broadcast %parallel_loop3A_175 : f32 to vector<16xf32>
      %parallel_loop3A_177 = arith.index_cast %parallel_loop3A_174 : i32 to index
      %parallel_loop3A_178 = tpu.vector_load %arg13[%parallel_loop3A_177] {strides = array<i32>} : memref<16384xf32, #tpu.memory_space<vmem>>, vector<16xf32>,
      tpu.vector_store %arg13[%parallel_loop3A_177], %parallel_loop3A_176 {strides = array<i32>} : memref<16384xf32, #tpu.memory_space<vmem>>, vector<16xf32>,
    } {sc.loop_unroll_factor = 8 : i64, sc.parallel_access}
    %convert_element_type3A = arith.extui %reduce_or3A_36 : i1 to i32
    %cond3A = arith.constant 0 : i32
    %cond3A_61 = arith.cmpi ne, %convert_element_type3A, %cond3A : i32
    scf.if %cond3A_61 {
      %parallel_loop3A_172 = arith.constant 0 : i32
      %parallel_loop3A_173 = arith.constant 1024 : i32
      %parallel_loop3A_174 = arith.constant 1 : i32
      scf.for %parallel_loop3A_175 = %parallel_loop3A_172 to %parallel_loop3A_173 step %parallel_loop3A_174  : i32 {
        %parallel_loop3A_176 = arith.constant 16 : i32
        %parallel_loop3A_177 = arith.muli %parallel_loop3A_175, %parallel_loop3A_176 : i32
        %parallel_loop3A_178 = arith.index_cast %parallel_loop3A_177 : i32 to index
        %parallel_loop3A_179 = tpu.vector_load %arg13[%parallel_loop3A_178] {strides = array<i32>} : memref<16384xf32, #tpu.memory_space<vmem>>, vector<16xf32>,
        %parallel_loop3A_180 = arith.index_cast %parallel_loop3A_177 : i32 to index
        %parallel_loop3A_181 = tpu.vector_load %arg10[%parallel_loop3A_180] {strides = array<i32>} : memref<16384xf32, #tpu.memory_space<vmem>>, vector<16xf32>,
        %parallel_loop3A_182 = arith.addf %parallel_loop3A_179, %parallel_loop3A_181 : vector<16xf32>
        %parallel_loop3A_183 = arith.index_cast %parallel_loop3A_177 : i32 to index
        %parallel_loop3A_184 = tpu.vector_load %arg13[%parallel_loop3A_183] {strides = array<i32>} : memref<16384xf32, #tpu.memory_space<vmem>>, vector<16xf32>,
        tpu.vector_store %arg13[%parallel_loop3A_183], %parallel_loop3A_182 {strides = array<i32>} : memref<16384xf32, #tpu.memory_space<vmem>>, vector<16xf32>,
      } {sc.loop_unroll_factor = 8 : i64, sc.parallel_access}
    } else {
    }
    %scan3A_62 = arith.constant 0 : i32
    %scan3A_63 = arith.constant 21 : i32
    %scan3A_64 = arith.addi %scan3A_62, %scan3A_63 : i32
    %scan3A_65 = arith.constant 1 : i32
    scf.for %scan3A_172 = %scan3A_62 to %scan3A_64 step %scan3A_65  : i32 {
      %mul3A_173 = arith.constant 6 : i32
      %mul3A_174 = arith.muli %scan3A_172, %mul3A_173 : i32
      %add3A_175 = arith.constant 0 : i32
      %add3A_176 = arith.addi %mul3A_174, %add3A_175 : i32
      %ge3A = arith.constant 2 : i32
      %ge3A_177 = arith.cmpi sge, %add3A_176, %ge3A : i32
      %convert_element_type3A_178 = arith.extui %ge3A_177 : i1 to i32
      %cond3A_179 = arith.constant 0 : i32
      %cond3A_180 = arith.cmpi ne, %convert_element_type3A_178, %cond3A_179 : i32
      scf.if %cond3A_180 {
        %sub3A_429 = arith.constant 2 : i32
        %sub3A_430 = arith.subi %add3A_176, %sub3A_429 : i32
        %add3A_431 = arith.addi %mul3A_2, %sub3A_430 : i32
        %dma_wait3A_432 = arith.constant 1 : i32
        %dma_wait3A_433 = arith.constant 0 : i32
        %dma_wait3A_434 = tpu.memref_slice %arg7[%add3A_431, %dma_wait3A_433] : memref<4096x16384xf32, #tpu.memory_space<hbm>> -> memref<1x16384xf32, #tpu.memory_space<hbm>>
        %dma_wait3A_435 = tpu.memref_squeeze %dma_wait3A_434 : memref<1x16384xf32, #tpu.memory_space<hbm>> -> memref<16384xf32, #tpu.memory_space<hbm>>
        %dma_wait3A_436 = tpu.memref_slice %arg17[%dma_wait3A_432] : memref<3x!tpu.dma_semaphore, #tpu.memory_space<semaphore_mem>> -> memref<1x!tpu.dma_semaphore, #tpu.memory_space<semaphore_mem>>
        %dma_wait3A_437 = tpu.memref_squeeze %dma_wait3A_436 : memref<1x!tpu.dma_semaphore, #tpu.memory_space<semaphore_mem>> -> memref<!tpu.dma_semaphore, #tpu.memory_space<semaphore_mem>>
        %dma_wait3A_438 = arith.constant 0 : i32
        %dma_wait3A_439 = tpu.memref_slice %arg7[%add3A_431, %dma_wait3A_438] : memref<4096x16384xf32, #tpu.memory_space<hbm>> -> memref<1x16384xf32, #tpu.memory_space<hbm>>
        %dma_wait3A_440 = tpu.memref_squeeze %dma_wait3A_439 : memref<1x16384xf32, #tpu.memory_space<hbm>> -> memref<16384xf32, #tpu.memory_space<hbm>>
        tpu.wait_dma2 semaphore(%dma_wait3A_437 : memref<!tpu.dma_semaphore, #tpu.memory_space<semaphore_mem>>) src(%arg14 : memref<16384xf32, #tpu.memory_space<vmem>>) dst(%dma_wait3A_440 : memref<16384xf32, #tpu.memory_space<hbm>>)
      } else {
      }
      %add3A_181 = arith.addi %mul3A_2, %add3A_176 : i32
      %dma_wait3A_182 = arith.constant 0 : i32
      %dma_wait3A_183 = arith.constant 0 : i32
      %dma_wait3A_184 = tpu.memref_slice %arg2[%add3A_181, %dma_wait3A_183] : memref<4096x16384xf32, #tpu.memory_space<hbm>> -> memref<1x16384xf32, #tpu.memory_space<hbm>>
      %dma_wait3A_185 = tpu.memref_squeeze %dma_wait3A_184 : memref<1x16384xf32, #tpu.memory_space<hbm>> -> memref<16384xf32, #tpu.memory_space<hbm>>
      %dma_wait3A_186 = tpu.memref_slice %arg16[%dma_wait3A_182] : memref<2x!tpu.dma_semaphore, #tpu.memory_space<semaphore_mem>> -> memref<1x!tpu.dma_semaphore, #tpu.memory_space<semaphore_mem>>
      %dma_wait3A_187 = tpu.memref_squeeze %dma_wait3A_186 : memref<1x!tpu.dma_semaphore, #tpu.memory_space<semaphore_mem>> -> memref<!tpu.dma_semaphore, #tpu.memory_space<semaphore_mem>>
      %dma_wait3A_188 = arith.constant 0 : i32
      %dma_wait3A_189 = tpu.memref_slice %arg2[%add3A_181, %dma_wait3A_188] : memref<4096x16384xf32, #tpu.memory_space<hbm>> -> memref<1x16384xf32, #tpu.memory_space<hbm>>
      %dma_wait3A_190 = tpu.memref_squeeze %dma_wait3A_189 : memref<1x16384xf32, #tpu.memory_space<hbm>> -> memref<16384xf32, #tpu.memory_space<hbm>>
      tpu.wait_dma2 semaphore(%dma_wait3A_187 : memref<!tpu.dma_semaphore, #tpu.memory_space<semaphore_mem>>) src(%dma_wait3A_190 : memref<16384xf32, #tpu.memory_space<hbm>>) dst(%arg11 : memref<16384xf32, #tpu.memory_space<vmem>>)
      %parallel_loop3A_191 = arith.constant 0 : i32
      %parallel_loop3A_192 = arith.constant 776 : i32
      %parallel_loop3A_193 = arith.constant 1 : i32
      scf.for %parallel_loop3A_429 = %parallel_loop3A_191 to %parallel_loop3A_192 step %parallel_loop3A_193  : i32 {
        %parallel_loop3A_430 = arith.constant 16 : i32
        %parallel_loop3A_431 = arith.muli %parallel_loop3A_429, %parallel_loop3A_430 : i32
        %parallel_loop3A_432 = arith.constant 0.000000e+00 : f32
        %parallel_loop3A_433 = vector.broadcast %parallel_loop3A_432 : f32 to vector<16xf32>
        %parallel_loop3A_434 = arith.index_cast %parallel_loop3A_431 : i32 to index
        %parallel_loop3A_435 = tpu.vector_load %arg14[%parallel_loop3A_434] {strides = array<i32>} : memref<16384xf32, #tpu.memory_space<vmem>>, vector<16xf32>,
        tpu.vector_store %arg14[%parallel_loop3A_434], %parallel_loop3A_433 {strides = array<i32>} : memref<16384xf32, #tpu.memory_space<vmem>>, vector<16xf32>,
        %parallel_loop3A_436 = arith.index_cast %parallel_loop3A_431 : i32 to index
        %parallel_loop3A_437 = tpu.vector_load %arg8[%parallel_loop3A_436] {strides = array<i32>} : memref<12416xi32, #tpu.memory_space<vmem>>, vector<16xi32>,
        %parallel_loop3A_438 = arith.index_cast %parallel_loop3A_431 : i32 to index
        %parallel_loop3A_439 = tpu.vector_load %arg9[%parallel_loop3A_438] {strides = array<i32>} : memref<12416xf32, #tpu.memory_space<vmem>>, vector<16xf32>,
        %parallel_loop3A_440 = arith.constant 16383 : i32
        %parallel_loop3A_441 = vector.broadcast %parallel_loop3A_440 : i32 to vector<16xi32>
        %parallel_loop3A_442 = arith.andi %parallel_loop3A_437, %parallel_loop3A_441 : vector<16xi32>
        %parallel_loop3A_443 = arith.constant 14 : i32
        %parallel_loop3A_444 = vector.broadcast %parallel_loop3A_443 : i32 to vector<16xi32>
        %parallel_loop3A_445 = arith.shrui %parallel_loop3A_437, %parallel_loop3A_444 : vector<16xi32>
        %parallel_loop3A_446 = arith.constant 16383 : i32
        %parallel_loop3A_447 = vector.broadcast %parallel_loop3A_446 : i32 to vector<16xi32>
        %parallel_loop3A_448 = arith.andi %parallel_loop3A_445, %parallel_loop3A_447 : vector<16xi32>
        %parallel_loop3A_449 = arith.constant 28 : i32
        %parallel_loop3A_450 = vector.broadcast %parallel_loop3A_449 : i32 to vector<16xi32>
        %parallel_loop3A_451 = arith.shrui %parallel_loop3A_437, %parallel_loop3A_450 : vector<16xi32>
        %parallel_loop3A_452 = tpu.vector_load_idx %arg11[%parallel_loop3A_442] : memref<16384xf32, #tpu.memory_space<vmem>>[vector<16xi32>], vector<16xf32>,
        %parallel_loop3A_453 = arith.mulf %parallel_loop3A_439, %parallel_loop3A_452 : vector<16xf32>
        %parallel_loop3A_454 = arith.constant true
        %parallel_loop3A_455 = vector.broadcast %parallel_loop3A_454 : i1 to vector<16xi1>
        %parallel_loop3A_456 = tpu.scan <sum>, %parallel_loop3A_453 masked %parallel_loop3A_455 : vector<16xf32>, vector<16xi1> -> vector<16xf32>
        %parallel_loop3A_457 = arith.subf %parallel_loop3A_456, %parallel_loop3A_453 : vector<16xf32>
        %parallel_loop3A_458 = arith.constant 0 : i32
        %parallel_loop3A_459 = vector.broadcast %parallel_loop3A_458 : i32 to vector<16xi32>
        %parallel_loop3A_460 = arith.cmpi slt, %parallel_loop3A_451, %parallel_loop3A_459 : vector<16xi32>
        %parallel_loop3A_461 = arith.constant 16 : i32
        %parallel_loop3A_462 = vector.broadcast %parallel_loop3A_461 : i32 to vector<16xi32>
        %parallel_loop3A_463 = arith.addi %parallel_loop3A_451, %parallel_loop3A_462 : vector<16xi32>
        %parallel_loop3A_464 = arith.select %parallel_loop3A_460, %parallel_loop3A_463, %parallel_loop3A_451 : vector<16xi1>, vector<16xi32>
        %parallel_loop3A_465 = vector.shape_cast %parallel_loop3A_464 : vector<16xi32> to vector<16x1xi32>
        %parallel_loop3A_466 = vector.shape_cast %parallel_loop3A_465 : vector<16x1xi32> to vector<16xi32>
        %parallel_loop3A_467 = tpu.dynamic_gather %parallel_loop3A_457[%parallel_loop3A_466] in [0] : vector<16xf32>, vector<16xi32> -> vector<16xf32>
        %parallel_loop3A_468 = arith.subf %parallel_loop3A_456, %parallel_loop3A_467 : vector<16xf32>
        %parallel_loop3A_469 = arith.constant 0 : i32
        %parallel_loop3A_470 = vector.broadcast %parallel_loop3A_469 : i32 to vector<16xi32>
        %parallel_loop3A_471 = arith.cmpi slt, %min3A_11, %parallel_loop3A_470 : vector<16xi32>
        %parallel_loop3A_472 = arith.constant 16 : i32
        %parallel_loop3A_473 = vector.broadcast %parallel_loop3A_472 : i32 to vector<16xi32>
        %parallel_loop3A_474 = arith.addi %min3A_11, %parallel_loop3A_473 : vector<16xi32>
        %parallel_loop3A_475 = arith.select %parallel_loop3A_471, %parallel_loop3A_474, %min3A_11 : vector<16xi1>, vector<16xi32>
        %parallel_loop3A_476 = vector.shape_cast %parallel_loop3A_475 : vector<16xi32> to vector<16x1xi32>
        %parallel_loop3A_477 = vector.shape_cast %parallel_loop3A_476 : vector<16x1xi32> to vector<16xi32>
        %parallel_loop3A_478 = tpu.dynamic_gather %parallel_loop3A_451[%parallel_loop3A_477] in [0] : vector<16xi32>, vector<16xi32> -> vector<16xi32>
        %parallel_loop3A_479 = arith.cmpi eq, %parallel_loop3A_478, %add3A_9 : vector<16xi32>
        %parallel_loop3A_480 = arith.ori %parallel_loop3A_479, %eq3A_16 : vector<16xi1>
        tpu.vector_store_idx %arg13[%parallel_loop3A_448], %parallel_loop3A_468 masked %parallel_loop3A_480 {add = true} : memref<16384xf32, #tpu.memory_space<vmem>>[vector<16xi32>], vector<16xf32>, vector<16xi1>
      } {sc.loop_unroll_factor = 8 : i64, sc.parallel_access}
      %parallel_loop3A_194 = arith.constant 776 : i32
      %parallel_loop3A_195 = arith.constant 1024 : i32
      %parallel_loop3A_196 = arith.constant 1 : i32
      scf.for %parallel_loop3A_429 = %parallel_loop3A_194 to %parallel_loop3A_195 step %parallel_loop3A_196  : i32 {
        %parallel_loop3A_430 = arith.constant 16 : i32
        %parallel_loop3A_431 = arith.muli %parallel_loop3A_429, %parallel_loop3A_430 : i32
        %parallel_loop3A_432 = arith.constant 0.000000e+00 : f32
        %parallel_loop3A_433 = vector.broadcast %parallel_loop3A_432 : f32 to vector<16xf32>
        %parallel_loop3A_434 = arith.index_cast %parallel_loop3A_431 : i32 to index
        %parallel_loop3A_435 = tpu.vector_load %arg14[%parallel_loop3A_434] {strides = array<i32>} : memref<16384xf32, #tpu.memory_space<vmem>>, vector<16xf32>,
        tpu.vector_store %arg14[%parallel_loop3A_434], %parallel_loop3A_433 {strides = array<i32>} : memref<16384xf32, #tpu.memory_space<vmem>>, vector<16xf32>,
      } {sc.loop_unroll_factor = 8 : i64, sc.parallel_access}
      %convert_element_type3A_197 = arith.extui %reduce_or3A_36 : i1 to i32
      %cond3A_198 = arith.constant 0 : i32
      %cond3A_199 = arith.cmpi ne, %convert_element_type3A_197, %cond3A_198 : i32
      scf.if %cond3A_199 {
        %parallel_loop3A_429 = arith.constant 0 : i32
        %parallel_loop3A_430 = arith.constant 1024 : i32
        %parallel_loop3A_431 = arith.constant 1 : i32
        scf.for %parallel_loop3A_432 = %parallel_loop3A_429 to %parallel_loop3A_430 step %parallel_loop3A_431  : i32 {
          %parallel_loop3A_433 = arith.constant 16 : i32
          %parallel_loop3A_434 = arith.muli %parallel_loop3A_432, %parallel_loop3A_433 : i32
          %parallel_loop3A_435 = arith.index_cast %parallel_loop3A_434 : i32 to index
          %parallel_loop3A_436 = tpu.vector_load %arg14[%parallel_loop3A_435] {strides = array<i32>} : memref<16384xf32, #tpu.memory_space<vmem>>, vector<16xf32>,
          %parallel_loop3A_437 = arith.index_cast %parallel_loop3A_434 : i32 to index
          %parallel_loop3A_438 = tpu.vector_load %arg10[%parallel_loop3A_437] {strides = array<i32>} : memref<16384xf32, #tpu.memory_space<vmem>>, vector<16xf32>,
          %parallel_loop3A_439 = arith.addf %parallel_loop3A_436, %parallel_loop3A_438 : vector<16xf32>
          %parallel_loop3A_440 = arith.index_cast %parallel_loop3A_434 : i32 to index
          %parallel_loop3A_441 = tpu.vector_load %arg14[%parallel_loop3A_440] {strides = array<i32>} : memref<16384xf32, #tpu.memory_space<vmem>>, vector<16xf32>,
          tpu.vector_store %arg14[%parallel_loop3A_440], %parallel_loop3A_439 {strides = array<i32>} : memref<16384xf32, #tpu.memory_space<vmem>>, vector<16xf32>,
        } {sc.loop_unroll_factor = 8 : i64, sc.parallel_access}
      } else {
      }
      %add3A_200 = arith.addi %mul3A_2, %add3A_176 : i32
      %dma_start3A_201 = arith.constant 0 : i32
      %dma_start3A_202 = arith.constant 0 : i32
      %dma_start3A_203 = tpu.memref_slice %arg7[%add3A_200, %dma_start3A_202] : memref<4096x16384xf32, #tpu.memory_space<hbm>> -> memref<1x16384xf32, #tpu.memory_space<hbm>>
      %dma_start3A_204 = tpu.memref_squeeze %dma_start3A_203 : memref<1x16384xf32, #tpu.memory_space<hbm>> -> memref<16384xf32, #tpu.memory_space<hbm>>
      %dma_start3A_205 = tpu.memref_slice %arg17[%dma_start3A_201] : memref<3x!tpu.dma_semaphore, #tpu.memory_space<semaphore_mem>> -> memref<1x!tpu.dma_semaphore, #tpu.memory_space<semaphore_mem>>
      %dma_start3A_206 = tpu.memref_squeeze %dma_start3A_205 : memref<1x!tpu.dma_semaphore, #tpu.memory_space<semaphore_mem>> -> memref<!tpu.dma_semaphore, #tpu.memory_space<semaphore_mem>>
      %dma_start3A_207 = arith.constant 0 : i32
      %dma_start3A_208 = tpu.memref_slice %arg7[%add3A_200, %dma_start3A_207] : memref<4096x16384xf32, #tpu.memory_space<hbm>> -> memref<1x16384xf32, #tpu.memory_space<hbm>>
      %dma_start3A_209 = tpu.memref_squeeze %dma_start3A_208 : memref<1x16384xf32, #tpu.memory_space<hbm>> -> memref<16384xf32, #tpu.memory_space<hbm>>
      tpu.enqueue_dma source(%arg13 : memref<16384xf32, #tpu.memory_space<vmem>>) target(%dma_start3A_209 : memref<16384xf32, #tpu.memory_space<hbm>>) target_semaphore(%dma_start3A_206 : memref<!tpu.dma_semaphore, #tpu.memory_space<semaphore_mem>>)
      %le3A = arith.constant 125 : i32
      %le3A_210 = arith.cmpi sle, %add3A_176, %le3A : i32
      %convert_element_type3A_211 = arith.extui %le3A_210 : i1 to i32
      %cond3A_212 = arith.constant 0 : i32
      %cond3A_213 = arith.cmpi ne, %convert_element_type3A_211, %cond3A_212 : i32
      scf.if %cond3A_213 {
        %add3A_429 = arith.constant 2 : i32
        %add3A_430 = arith.addi %add3A_176, %add3A_429 : i32
        %add3A_431 = arith.addi %mul3A_2, %add3A_430 : i32
        %dma_start3A_432 = arith.constant 0 : i32
        %dma_start3A_433 = arith.constant 0 : i32
        %dma_start3A_434 = tpu.memref_slice %arg2[%add3A_431, %dma_start3A_433] : memref<4096x16384xf32, #tpu.memory_space<hbm>> -> memref<1x16384xf32, #tpu.memory_space<hbm>>
        %dma_start3A_435 = tpu.memref_squeeze %dma_start3A_434 : memref<1x16384xf32, #tpu.memory_space<hbm>> -> memref<16384xf32, #tpu.memory_space<hbm>>
        %dma_start3A_436 = tpu.memref_slice %arg16[%dma_start3A_432] : memref<2x!tpu.dma_semaphore, #tpu.memory_space<semaphore_mem>> -> memref<1x!tpu.dma_semaphore, #tpu.memory_space<semaphore_mem>>
        %dma_start3A_437 = tpu.memref_squeeze %dma_start3A_436 : memref<1x!tpu.dma_semaphore, #tpu.memory_space<semaphore_mem>> -> memref<!tpu.dma_semaphore, #tpu.memory_space<semaphore_mem>>
        %dma_start3A_438 = arith.constant 0 : i32
        %dma_start3A_439 = tpu.memref_slice %arg2[%add3A_431, %dma_start3A_438] : memref<4096x16384xf32, #tpu.memory_space<hbm>> -> memref<1x16384xf32, #tpu.memory_space<hbm>>
        %dma_start3A_440 = tpu.memref_squeeze %dma_start3A_439 : memref<1x16384xf32, #tpu.memory_space<hbm>> -> memref<16384xf32, #tpu.memory_space<hbm>>
        tpu.enqueue_dma source(%dma_start3A_440 : memref<16384xf32, #tpu.memory_space<hbm>>) target(%arg11 : memref<16384xf32, #tpu.memory_space<vmem>>) target_semaphore(%dma_start3A_437 : memref<!tpu.dma_semaphore, #tpu.memory_space<semaphore_mem>>)
      } else {
      }
      %mul3A_214 = arith.constant 6 : i32
      %mul3A_215 = arith.muli %scan3A_172, %mul3A_214 : i32
      %add3A_216 = arith.constant 1 : i32
      %add3A_217 = arith.addi %mul3A_215, %add3A_216 : i32
      %ge3A_218 = arith.constant 2 : i32
      %ge3A_219 = arith.cmpi sge, %add3A_217, %ge3A_218 : i32
      %convert_element_type3A_220 = arith.extui %ge3A_219 : i1 to i32
      %cond3A_221 = arith.constant 0 : i32
      %cond3A_222 = arith.cmpi ne, %convert_element_type3A_220, %cond3A_221 : i32
      scf.if %cond3A_222 {
        %sub3A_429 = arith.constant 2 : i32
        %sub3A_430 = arith.subi %add3A_217, %sub3A_429 : i32
        %add3A_431 = arith.addi %mul3A_2, %sub3A_430 : i32
        %dma_wait3A_432 = arith.constant 2 : i32
        %dma_wait3A_433 = arith.constant 0 : i32
        %dma_wait3A_434 = tpu.memref_slice %arg7[%add3A_431, %dma_wait3A_433] : memref<4096x16384xf32, #tpu.memory_space<hbm>> -> memref<1x16384xf32, #tpu.memory_space<hbm>>
        %dma_wait3A_435 = tpu.memref_squeeze %dma_wait3A_434 : memref<1x16384xf32, #tpu.memory_space<hbm>> -> memref<16384xf32, #tpu.memory_space<hbm>>
        %dma_wait3A_436 = tpu.memref_slice %arg17[%dma_wait3A_432] : memref<3x!tpu.dma_semaphore, #tpu.memory_space<semaphore_mem>> -> memref<1x!tpu.dma_semaphore, #tpu.memory_space<semaphore_mem>>
        %dma_wait3A_437 = tpu.memref_squeeze %dma_wait3A_436 : memref<1x!tpu.dma_semaphore, #tpu.memory_space<semaphore_mem>> -> memref<!tpu.dma_semaphore, #tpu.memory_space<semaphore_mem>>
        %dma_wait3A_438 = arith.constant 0 : i32
        %dma_wait3A_439 = tpu.memref_slice %arg7[%add3A_431, %dma_wait3A_438] : memref<4096x16384xf32, #tpu.memory_space<hbm>> -> memref<1x16384xf32, #tpu.memory_space<hbm>>
        %dma_wait3A_440 = tpu.memref_squeeze %dma_wait3A_439 : memref<1x16384xf32, #tpu.memory_space<hbm>> -> memref<16384xf32, #tpu.memory_space<hbm>>
        tpu.wait_dma2 semaphore(%dma_wait3A_437 : memref<!tpu.dma_semaphore, #tpu.memory_space<semaphore_mem>>) src(%arg15 : memref<16384xf32, #tpu.memory_space<vmem>>) dst(%dma_wait3A_440 : memref<16384xf32, #tpu.memory_space<hbm>>)
      } else {
      }
      %add3A_223 = arith.addi %mul3A_2, %add3A_217 : i32
      %dma_wait3A_224 = arith.constant 1 : i32
      %dma_wait3A_225 = arith.constant 0 : i32
      %dma_wait3A_226 = tpu.memref_slice %arg2[%add3A_223, %dma_wait3A_225] : memref<4096x16384xf32, #tpu.memory_space<hbm>> -> memref<1x16384xf32, #tpu.memory_space<hbm>>
      %dma_wait3A_227 = tpu.memref_squeeze %dma_wait3A_226 : memref<1x16384xf32, #tpu.memory_space<hbm>> -> memref<16384xf32, #tpu.memory_space<hbm>>
      %dma_wait3A_228 = tpu.memref_slice %arg16[%dma_wait3A_224] : memref<2x!tpu.dma_semaphore, #tpu.memory_space<semaphore_mem>> -> memref<1x!tpu.dma_semaphore, #tpu.memory_space<semaphore_mem>>
      %dma_wait3A_229 = tpu.memref_squeeze %dma_wait3A_228 : memref<1x!tpu.dma_semaphore, #tpu.memory_space<semaphore_mem>> -> memref<!tpu.dma_semaphore, #tpu.memory_space<semaphore_mem>>
      %dma_wait3A_230 = arith.constant 0 : i32
      %dma_wait3A_231 = tpu.memref_slice %arg2[%add3A_223, %dma_wait3A_230] : memref<4096x16384xf32, #tpu.memory_space<hbm>> -> memref<1x16384xf32, #tpu.memory_space<hbm>>
      %dma_wait3A_232 = tpu.memref_squeeze %dma_wait3A_231 : memref<1x16384xf32, #tpu.memory_space<hbm>> -> memref<16384xf32, #tpu.memory_space<hbm>>
      tpu.wait_dma2 semaphore(%dma_wait3A_229 : memref<!tpu.dma_semaphore, #tpu.memory_space<semaphore_mem>>) src(%dma_wait3A_232 : memref<16384xf32, #tpu.memory_space<hbm>>) dst(%arg12 : memref<16384xf32, #tpu.memory_space<vmem>>)
      %parallel_loop3A_233 = arith.constant 0 : i32
      %parallel_loop3A_234 = arith.constant 776 : i32
      %parallel_loop3A_235 = arith.constant 1 : i32
      scf.for %parallel_loop3A_429 = %parallel_loop3A_233 to %parallel_loop3A_234 step %parallel_loop3A_235  : i32 {
        %parallel_loop3A_430 = arith.constant 16 : i32
        %parallel_loop3A_431 = arith.muli %parallel_loop3A_429, %parallel_loop3A_430 : i32
        %parallel_loop3A_432 = arith.constant 0.000000e+00 : f32
        %parallel_loop3A_433 = vector.broadcast %parallel_loop3A_432 : f32 to vector<16xf32>
        %parallel_loop3A_434 = arith.index_cast %parallel_loop3A_431 : i32 to index
        %parallel_loop3A_435 = tpu.vector_load %arg15[%parallel_loop3A_434] {strides = array<i32>} : memref<16384xf32, #tpu.memory_space<vmem>>, vector<16xf32>,
        tpu.vector_store %arg15[%parallel_loop3A_434], %parallel_loop3A_433 {strides = array<i32>} : memref<16384xf32, #tpu.memory_space<vmem>>, vector<16xf32>,
        %parallel_loop3A_436 = arith.index_cast %parallel_loop3A_431 : i32 to index
        %parallel_loop3A_437 = tpu.vector_load %arg8[%parallel_loop3A_436] {strides = array<i32>} : memref<12416xi32, #tpu.memory_space<vmem>>, vector<16xi32>,
        %parallel_loop3A_438 = arith.index_cast %parallel_loop3A_431 : i32 to index
        %parallel_loop3A_439 = tpu.vector_load %arg9[%parallel_loop3A_438] {strides = array<i32>} : memref<12416xf32, #tpu.memory_space<vmem>>, vector<16xf32>,
        %parallel_loop3A_440 = arith.constant 16383 : i32
        %parallel_loop3A_441 = vector.broadcast %parallel_loop3A_440 : i32 to vector<16xi32>
        %parallel_loop3A_442 = arith.andi %parallel_loop3A_437, %parallel_loop3A_441 : vector<16xi32>
        %parallel_loop3A_443 = arith.constant 14 : i32
        %parallel_loop3A_444 = vector.broadcast %parallel_loop3A_443 : i32 to vector<16xi32>
        %parallel_loop3A_445 = arith.shrui %parallel_loop3A_437, %parallel_loop3A_444 : vector<16xi32>
        %parallel_loop3A_446 = arith.constant 16383 : i32
        %parallel_loop3A_447 = vector.broadcast %parallel_loop3A_446 : i32 to vector<16xi32>
        %parallel_loop3A_448 = arith.andi %parallel_loop3A_445, %parallel_loop3A_447 : vector<16xi32>
        %parallel_loop3A_449 = arith.constant 28 : i32
        %parallel_loop3A_450 = vector.broadcast %parallel_loop3A_449 : i32 to vector<16xi32>
        %parallel_loop3A_451 = arith.shrui %parallel_loop3A_437, %parallel_loop3A_450 : vector<16xi32>
        %parallel_loop3A_452 = tpu.vector_load_idx %arg12[%parallel_loop3A_442] : memref<16384xf32, #tpu.memory_space<vmem>>[vector<16xi32>], vector<16xf32>,
        %parallel_loop3A_453 = arith.mulf %parallel_loop3A_439, %parallel_loop3A_452 : vector<16xf32>
        %parallel_loop3A_454 = arith.constant true
        %parallel_loop3A_455 = vector.broadcast %parallel_loop3A_454 : i1 to vector<16xi1>
        %parallel_loop3A_456 = tpu.scan <sum>, %parallel_loop3A_453 masked %parallel_loop3A_455 : vector<16xf32>, vector<16xi1> -> vector<16xf32>
        %parallel_loop3A_457 = arith.subf %parallel_loop3A_456, %parallel_loop3A_453 : vector<16xf32>
        %parallel_loop3A_458 = arith.constant 0 : i32
        %parallel_loop3A_459 = vector.broadcast %parallel_loop3A_458 : i32 to vector<16xi32>
        %parallel_loop3A_460 = arith.cmpi slt, %parallel_loop3A_451, %parallel_loop3A_459 : vector<16xi32>
        %parallel_loop3A_461 = arith.constant 16 : i32
        %parallel_loop3A_462 = vector.broadcast %parallel_loop3A_461 : i32 to vector<16xi32>
        %parallel_loop3A_463 = arith.addi %parallel_loop3A_451, %parallel_loop3A_462 : vector<16xi32>
        %parallel_loop3A_464 = arith.select %parallel_loop3A_460, %parallel_loop3A_463, %parallel_loop3A_451 : vector<16xi1>, vector<16xi32>
        %parallel_loop3A_465 = vector.shape_cast %parallel_loop3A_464 : vector<16xi32> to vector<16x1xi32>
        %parallel_loop3A_466 = vector.shape_cast %parallel_loop3A_465 : vector<16x1xi32> to vector<16xi32>
        %parallel_loop3A_467 = tpu.dynamic_gather %parallel_loop3A_457[%parallel_loop3A_466] in [0] : vector<16xf32>, vector<16xi32> -> vector<16xf32>
        %parallel_loop3A_468 = arith.subf %parallel_loop3A_456, %parallel_loop3A_467 : vector<16xf32>
        %parallel_loop3A_469 = arith.constant 0 : i32
        %parallel_loop3A_470 = vector.broadcast %parallel_loop3A_469 : i32 to vector<16xi32>
        %parallel_loop3A_471 = arith.cmpi slt, %min3A_11, %parallel_loop3A_470 : vector<16xi32>
        %parallel_loop3A_472 = arith.constant 16 : i32
        %parallel_loop3A_473 = vector.broadcast %parallel_loop3A_472 : i32 to vector<16xi32>
        %parallel_loop3A_474 = arith.addi %min3A_11, %parallel_loop3A_473 : vector<16xi32>
        %parallel_loop3A_475 = arith.select %parallel_loop3A_471, %parallel_loop3A_474, %min3A_11 : vector<16xi1>, vector<16xi32>
        %parallel_loop3A_476 = vector.shape_cast %parallel_loop3A_475 : vector<16xi32> to vector<16x1xi32>
        %parallel_loop3A_477 = vector.shape_cast %parallel_loop3A_476 : vector<16x1xi32> to vector<16xi32>
        %parallel_loop3A_478 = tpu.dynamic_gather %parallel_loop3A_451[%parallel_loop3A_477] in [0] : vector<16xi32>, vector<16xi32> -> vector<16xi32>
        %parallel_loop3A_479 = arith.cmpi eq, %parallel_loop3A_478, %add3A_9 : vector<16xi32>
        %parallel_loop3A_480 = arith.ori %parallel_loop3A_479, %eq3A_16 : vector<16xi1>
        tpu.vector_store_idx %arg14[%parallel_loop3A_448], %parallel_loop3A_468 masked %parallel_loop3A_480 {add = true} : memref<16384xf32, #tpu.memory_space<vmem>>[vector<16xi32>], vector<16xf32>, vector<16xi1>
      } {sc.loop_unroll_factor = 8 : i64, sc.parallel_access}
      %parallel_loop3A_236 = arith.constant 776 : i32
      %parallel_loop3A_237 = arith.constant 1024 : i32
      %parallel_loop3A_238 = arith.constant 1 : i32
      scf.for %parallel_loop3A_429 = %parallel_loop3A_236 to %parallel_loop3A_237 step %parallel_loop3A_238  : i32 {
        %parallel_loop3A_430 = arith.constant 16 : i32
        %parallel_loop3A_431 = arith.muli %parallel_loop3A_429, %parallel_loop3A_430 : i32
        %parallel_loop3A_432 = arith.constant 0.000000e+00 : f32
        %parallel_loop3A_433 = vector.broadcast %parallel_loop3A_432 : f32 to vector<16xf32>
        %parallel_loop3A_434 = arith.index_cast %parallel_loop3A_431 : i32 to index
        %parallel_loop3A_435 = tpu.vector_load %arg15[%parallel_loop3A_434] {strides = array<i32>} : memref<16384xf32, #tpu.memory_space<vmem>>, vector<16xf32>,
        tpu.vector_store %arg15[%parallel_loop3A_434], %parallel_loop3A_433 {strides = array<i32>} : memref<16384xf32, #tpu.memory_space<vmem>>, vector<16xf32>,
      } {sc.loop_unroll_factor = 8 : i64, sc.parallel_access}
      %convert_element_type3A_239 = arith.extui %reduce_or3A_36 : i1 to i32
      %cond3A_240 = arith.constant 0 : i32
      %cond3A_241 = arith.cmpi ne, %convert_element_type3A_239, %cond3A_240 : i32
      scf.if %cond3A_241 {
        %parallel_loop3A_429 = arith.constant 0 : i32
        %parallel_loop3A_430 = arith.constant 1024 : i32
        %parallel_loop3A_431 = arith.constant 1 : i32
        scf.for %parallel_loop3A_432 = %parallel_loop3A_429 to %parallel_loop3A_430 step %parallel_loop3A_431  : i32 {
          %parallel_loop3A_433 = arith.constant 16 : i32
          %parallel_loop3A_434 = arith.muli %parallel_loop3A_432, %parallel_loop3A_433 : i32
          %parallel_loop3A_435 = arith.index_cast %parallel_loop3A_434 : i32 to index
          %parallel_loop3A_436 = tpu.vector_load %arg15[%parallel_loop3A_435] {strides = array<i32>} : memref<16384xf32, #tpu.memory_space<vmem>>, vector<16xf32>,
          %parallel_loop3A_437 = arith.index_cast %parallel_loop3A_434 : i32 to index
          %parallel_loop3A_438 = tpu.vector_load %arg10[%parallel_loop3A_437] {strides = array<i32>} : memref<16384xf32, #tpu.memory_space<vmem>>, vector<16xf32>,
          %parallel_loop3A_439 = arith.addf %parallel_loop3A_436, %parallel_loop3A_438 : vector<16xf32>
          %parallel_loop3A_440 = arith.index_cast %parallel_loop3A_434 : i32 to index
          %parallel_loop3A_441 = tpu.vector_load %arg15[%parallel_loop3A_440] {strides = array<i32>} : memref<16384xf32, #tpu.memory_space<vmem>>, vector<16xf32>,
          tpu.vector_store %arg15[%parallel_loop3A_440], %parallel_loop3A_439 {strides = array<i32>} : memref<16384xf32, #tpu.memory_space<vmem>>, vector<16xf32>,
        } {sc.loop_unroll_factor = 8 : i64, sc.parallel_access}
      } else {
      }
      %add3A_242 = arith.addi %mul3A_2, %add3A_217 : i32
      %dma_start3A_243 = arith.constant 1 : i32
      %dma_start3A_244 = arith.constant 0 : i32
      %dma_start3A_245 = tpu.memref_slice %arg7[%add3A_242, %dma_start3A_244] : memref<4096x16384xf32, #tpu.memory_space<hbm>> -> memref<1x16384xf32, #tpu.memory_space<hbm>>
      %dma_start3A_246 = tpu.memref_squeeze %dma_start3A_245 : memref<1x16384xf32, #tpu.memory_space<hbm>> -> memref<16384xf32, #tpu.memory_space<hbm>>
      %dma_start3A_247 = tpu.memref_slice %arg17[%dma_start3A_243] : memref<3x!tpu.dma_semaphore, #tpu.memory_space<semaphore_mem>> -> memref<1x!tpu.dma_semaphore, #tpu.memory_space<semaphore_mem>>
      %dma_start3A_248 = tpu.memref_squeeze %dma_start3A_247 : memref<1x!tpu.dma_semaphore, #tpu.memory_space<semaphore_mem>> -> memref<!tpu.dma_semaphore, #tpu.memory_space<semaphore_mem>>
      %dma_start3A_249 = arith.constant 0 : i32
      %dma_start3A_250 = tpu.memref_slice %arg7[%add3A_242, %dma_start3A_249] : memref<4096x16384xf32, #tpu.memory_space<hbm>> -> memref<1x16384xf32, #tpu.memory_space<hbm>>
      %dma_start3A_251 = tpu.memref_squeeze %dma_start3A_250 : memref<1x16384xf32, #tpu.memory_space<hbm>> -> memref<16384xf32, #tpu.memory_space<hbm>>
      tpu.enqueue_dma source(%arg14 : memref<16384xf32, #tpu.memory_space<vmem>>) target(%dma_start3A_251 : memref<16384xf32, #tpu.memory_space<hbm>>) target_semaphore(%dma_start3A_248 : memref<!tpu.dma_semaphore, #tpu.memory_space<semaphore_mem>>)
      %le3A_252 = arith.constant 125 : i32
      %le3A_253 = arith.cmpi sle, %add3A_217, %le3A_252 : i32
      %convert_element_type3A_254 = arith.extui %le3A_253 : i1 to i32
      %cond3A_255 = arith.constant 0 : i32
      %cond3A_256 = arith.cmpi ne, %convert_element_type3A_254, %cond3A_255 : i32
      scf.if %cond3A_256 {
        %add3A_429 = arith.constant 2 : i32
        %add3A_430 = arith.addi %add3A_217, %add3A_429 : i32
        %add3A_431 = arith.addi %mul3A_2, %add3A_430 : i32
        %dma_start3A_432 = arith.constant 1 : i32
        %dma_start3A_433 = arith.constant 0 : i32
        %dma_start3A_434 = tpu.memref_slice %arg2[%add3A_431, %dma_start3A_433] : memref<4096x16384xf32, #tpu.memory_space<hbm>> -> memref<1x16384xf32, #tpu.memory_space<hbm>>
        %dma_start3A_435 = tpu.memref_squeeze %dma_start3A_434 : memref<1x16384xf32, #tpu.memory_space<hbm>> -> memref<16384xf32, #tpu.memory_space<hbm>>
        %dma_start3A_436 = tpu.memref_slice %arg16[%dma_start3A_432] : memref<2x!tpu.dma_semaphore, #tpu.memory_space<semaphore_mem>> -> memref<1x!tpu.dma_semaphore, #tpu.memory_space<semaphore_mem>>
        %dma_start3A_437 = tpu.memref_squeeze %dma_start3A_436 : memref<1x!tpu.dma_semaphore, #tpu.memory_space<semaphore_mem>> -> memref<!tpu.dma_semaphore, #tpu.memory_space<semaphore_mem>>
        %dma_start3A_438 = arith.constant 0 : i32
        %dma_start3A_439 = tpu.memref_slice %arg2[%add3A_431, %dma_start3A_438] : memref<4096x16384xf32, #tpu.memory_space<hbm>> -> memref<1x16384xf32, #tpu.memory_space<hbm>>
        %dma_start3A_440 = tpu.memref_squeeze %dma_start3A_439 : memref<1x16384xf32, #tpu.memory_space<hbm>> -> memref<16384xf32, #tpu.memory_space<hbm>>
        tpu.enqueue_dma source(%dma_start3A_440 : memref<16384xf32, #tpu.memory_space<hbm>>) target(%arg12 : memref<16384xf32, #tpu.memory_space<vmem>>) target_semaphore(%dma_start3A_437 : memref<!tpu.dma_semaphore, #tpu.memory_space<semaphore_mem>>)
      } else {
      }
      %mul3A_257 = arith.constant 6 : i32
      %mul3A_258 = arith.muli %scan3A_172, %mul3A_257 : i32
      %add3A_259 = arith.constant 2 : i32
      %add3A_260 = arith.addi %mul3A_258, %add3A_259 : i32
      %ge3A_261 = arith.constant 2 : i32
      %ge3A_262 = arith.cmpi sge, %add3A_260, %ge3A_261 : i32
      %convert_element_type3A_263 = arith.extui %ge3A_262 : i1 to i32
      %cond3A_264 = arith.constant 0 : i32
      %cond3A_265 = arith.cmpi ne, %convert_element_type3A_263, %cond3A_264 : i32
      scf.if %cond3A_265 {
        %sub3A_429 = arith.constant 2 : i32
        %sub3A_430 = arith.subi %add3A_260, %sub3A_429 : i32
        %add3A_431 = arith.addi %mul3A_2, %sub3A_430 : i32
        %dma_wait3A_432 = arith.constant 0 : i32
        %dma_wait3A_433 = arith.constant 0 : i32
        %dma_wait3A_434 = tpu.memref_slice %arg7[%add3A_431, %dma_wait3A_433] : memref<4096x16384xf32, #tpu.memory_space<hbm>> -> memref<1x16384xf32, #tpu.memory_space<hbm>>
        %dma_wait3A_435 = tpu.memref_squeeze %dma_wait3A_434 : memref<1x16384xf32, #tpu.memory_space<hbm>> -> memref<16384xf32, #tpu.memory_space<hbm>>
        %dma_wait3A_436 = tpu.memref_slice %arg17[%dma_wait3A_432] : memref<3x!tpu.dma_semaphore, #tpu.memory_space<semaphore_mem>> -> memref<1x!tpu.dma_semaphore, #tpu.memory_space<semaphore_mem>>
        %dma_wait3A_437 = tpu.memref_squeeze %dma_wait3A_436 : memref<1x!tpu.dma_semaphore, #tpu.memory_space<semaphore_mem>> -> memref<!tpu.dma_semaphore, #tpu.memory_space<semaphore_mem>>
        %dma_wait3A_438 = arith.constant 0 : i32
        %dma_wait3A_439 = tpu.memref_slice %arg7[%add3A_431, %dma_wait3A_438] : memref<4096x16384xf32, #tpu.memory_space<hbm>> -> memref<1x16384xf32, #tpu.memory_space<hbm>>
        %dma_wait3A_440 = tpu.memref_squeeze %dma_wait3A_439 : memref<1x16384xf32, #tpu.memory_space<hbm>> -> memref<16384xf32, #tpu.memory_space<hbm>>
        tpu.wait_dma2 semaphore(%dma_wait3A_437 : memref<!tpu.dma_semaphore, #tpu.memory_space<semaphore_mem>>) src(%arg13 : memref<16384xf32, #tpu.memory_space<vmem>>) dst(%dma_wait3A_440 : memref<16384xf32, #tpu.memory_space<hbm>>)
      } else {
      }
      %add3A_266 = arith.addi %mul3A_2, %add3A_260 : i32
      %dma_wait3A_267 = arith.constant 0 : i32
      %dma_wait3A_268 = arith.constant 0 : i32
      %dma_wait3A_269 = tpu.memref_slice %arg2[%add3A_266, %dma_wait3A_268] : memref<4096x16384xf32, #tpu.memory_space<hbm>> -> memref<1x16384xf32, #tpu.memory_space<hbm>>
      %dma_wait3A_270 = tpu.memref_squeeze %dma_wait3A_269 : memref<1x16384xf32, #tpu.memory_space<hbm>> -> memref<16384xf32, #tpu.memory_space<hbm>>
      %dma_wait3A_271 = tpu.memref_slice %arg16[%dma_wait3A_267] : memref<2x!tpu.dma_semaphore, #tpu.memory_space<semaphore_mem>> -> memref<1x!tpu.dma_semaphore, #tpu.memory_space<semaphore_mem>>
      %dma_wait3A_272 = tpu.memref_squeeze %dma_wait3A_271 : memref<1x!tpu.dma_semaphore, #tpu.memory_space<semaphore_mem>> -> memref<!tpu.dma_semaphore, #tpu.memory_space<semaphore_mem>>
      %dma_wait3A_273 = arith.constant 0 : i32
      %dma_wait3A_274 = tpu.memref_slice %arg2[%add3A_266, %dma_wait3A_273] : memref<4096x16384xf32, #tpu.memory_space<hbm>> -> memref<1x16384xf32, #tpu.memory_space<hbm>>
      %dma_wait3A_275 = tpu.memref_squeeze %dma_wait3A_274 : memref<1x16384xf32, #tpu.memory_space<hbm>> -> memref<16384xf32, #tpu.memory_space<hbm>>
      tpu.wait_dma2 semaphore(%dma_wait3A_272 : memref<!tpu.dma_semaphore, #tpu.memory_space<semaphore_mem>>) src(%dma_wait3A_275 : memref<16384xf32, #tpu.memory_space<hbm>>) dst(%arg11 : memref<16384xf32, #tpu.memory_space<vmem>>)
      %parallel_loop3A_276 = arith.constant 0 : i32
      %parallel_loop3A_277 = arith.constant 776 : i32
      %parallel_loop3A_278 = arith.constant 1 : i32
      scf.for %parallel_loop3A_429 = %parallel_loop3A_276 to %parallel_loop3A_277 step %parallel_loop3A_278  : i32 {
        %parallel_loop3A_430 = arith.constant 16 : i32
        %parallel_loop3A_431 = arith.muli %parallel_loop3A_429, %parallel_loop3A_430 : i32
        %parallel_loop3A_432 = arith.constant 0.000000e+00 : f32
        %parallel_loop3A_433 = vector.broadcast %parallel_loop3A_432 : f32 to vector<16xf32>
        %parallel_loop3A_434 = arith.index_cast %parallel_loop3A_431 : i32 to index
        %parallel_loop3A_435 = tpu.vector_load %arg13[%parallel_loop3A_434] {strides = array<i32>} : memref<16384xf32, #tpu.memory_space<vmem>>, vector<16xf32>,
        tpu.vector_store %arg13[%parallel_loop3A_434], %parallel_loop3A_433 {strides = array<i32>} : memref<16384xf32, #tpu.memory_space<vmem>>, vector<16xf32>,
        %parallel_loop3A_436 = arith.index_cast %parallel_loop3A_431 : i32 to index
        %parallel_loop3A_437 = tpu.vector_load %arg8[%parallel_loop3A_436] {strides = array<i32>} : memref<12416xi32, #tpu.memory_space<vmem>>, vector<16xi32>,
        %parallel_loop3A_438 = arith.index_cast %parallel_loop3A_431 : i32 to index
        %parallel_loop3A_439 = tpu.vector_load %arg9[%parallel_loop3A_438] {strides = array<i32>} : memref<12416xf32, #tpu.memory_space<vmem>>, vector<16xf32>,
        %parallel_loop3A_440 = arith.constant 16383 : i32
        %parallel_loop3A_441 = vector.broadcast %parallel_loop3A_440 : i32 to vector<16xi32>
        %parallel_loop3A_442 = arith.andi %parallel_loop3A_437, %parallel_loop3A_441 : vector<16xi32>
        %parallel_loop3A_443 = arith.constant 14 : i32
        %parallel_loop3A_444 = vector.broadcast %parallel_loop3A_443 : i32 to vector<16xi32>
        %parallel_loop3A_445 = arith.shrui %parallel_loop3A_437, %parallel_loop3A_444 : vector<16xi32>
        %parallel_loop3A_446 = arith.constant 16383 : i32
        %parallel_loop3A_447 = vector.broadcast %parallel_loop3A_446 : i32 to vector<16xi32>
        %parallel_loop3A_448 = arith.andi %parallel_loop3A_445, %parallel_loop3A_447 : vector<16xi32>
        %parallel_loop3A_449 = arith.constant 28 : i32
        %parallel_loop3A_450 = vector.broadcast %parallel_loop3A_449 : i32 to vector<16xi32>
        %parallel_loop3A_451 = arith.shrui %parallel_loop3A_437, %parallel_loop3A_450 : vector<16xi32>
        %parallel_loop3A_452 = tpu.vector_load_idx %arg11[%parallel_loop3A_442] : memref<16384xf32, #tpu.memory_space<vmem>>[vector<16xi32>], vector<16xf32>,
        %parallel_loop3A_453 = arith.mulf %parallel_loop3A_439, %parallel_loop3A_452 : vector<16xf32>
        %parallel_loop3A_454 = arith.constant true
        %parallel_loop3A_455 = vector.broadcast %parallel_loop3A_454 : i1 to vector<16xi1>
        %parallel_loop3A_456 = tpu.scan <sum>, %parallel_loop3A_453 masked %parallel_loop3A_455 : vector<16xf32>, vector<16xi1> -> vector<16xf32>
        %parallel_loop3A_457 = arith.subf %parallel_loop3A_456, %parallel_loop3A_453 : vector<16xf32>
        %parallel_loop3A_458 = arith.constant 0 : i32
        %parallel_loop3A_459 = vector.broadcast %parallel_loop3A_458 : i32 to vector<16xi32>
        %parallel_loop3A_460 = arith.cmpi slt, %parallel_loop3A_451, %parallel_loop3A_459 : vector<16xi32>
        %parallel_loop3A_461 = arith.constant 16 : i32
        %parallel_loop3A_462 = vector.broadcast %parallel_loop3A_461 : i32 to vector<16xi32>
        %parallel_loop3A_463 = arith.addi %parallel_loop3A_451, %parallel_loop3A_462 : vector<16xi32>
        %parallel_loop3A_464 = arith.select %parallel_loop3A_460, %parallel_loop3A_463, %parallel_loop3A_451 : vector<16xi1>, vector<16xi32>
        %parallel_loop3A_465 = vector.shape_cast %parallel_loop3A_464 : vector<16xi32> to vector<16x1xi32>
        %parallel_loop3A_466 = vector.shape_cast %parallel_loop3A_465 : vector<16x1xi32> to vector<16xi32>
        %parallel_loop3A_467 = tpu.dynamic_gather %parallel_loop3A_457[%parallel_loop3A_466] in [0] : vector<16xf32>, vector<16xi32> -> vector<16xf32>
        %parallel_loop3A_468 = arith.subf %parallel_loop3A_456, %parallel_loop3A_467 : vector<16xf32>
        %parallel_loop3A_469 = arith.constant 0 : i32
        %parallel_loop3A_470 = vector.broadcast %parallel_loop3A_469 : i32 to vector<16xi32>
        %parallel_loop3A_471 = arith.cmpi slt, %min3A_11, %parallel_loop3A_470 : vector<16xi32>
        %parallel_loop3A_472 = arith.constant 16 : i32
        %parallel_loop3A_473 = vector.broadcast %parallel_loop3A_472 : i32 to vector<16xi32>
        %parallel_loop3A_474 = arith.addi %min3A_11, %parallel_loop3A_473 : vector<16xi32>
        %parallel_loop3A_475 = arith.select %parallel_loop3A_471, %parallel_loop3A_474, %min3A_11 : vector<16xi1>, vector<16xi32>
        %parallel_loop3A_476 = vector.shape_cast %parallel_loop3A_475 : vector<16xi32> to vector<16x1xi32>
        %parallel_loop3A_477 = vector.shape_cast %parallel_loop3A_476 : vector<16x1xi32> to vector<16xi32>
        %parallel_loop3A_478 = tpu.dynamic_gather %parallel_loop3A_451[%parallel_loop3A_477] in [0] : vector<16xi32>, vector<16xi32> -> vector<16xi32>
        %parallel_loop3A_479 = arith.cmpi eq, %parallel_loop3A_478, %add3A_9 : vector<16xi32>
        %parallel_loop3A_480 = arith.ori %parallel_loop3A_479, %eq3A_16 : vector<16xi1>
        tpu.vector_store_idx %arg15[%parallel_loop3A_448], %parallel_loop3A_468 masked %parallel_loop3A_480 {add = true} : memref<16384xf32, #tpu.memory_space<vmem>>[vector<16xi32>], vector<16xf32>, vector<16xi1>
      } {sc.loop_unroll_factor = 8 : i64, sc.parallel_access}
      %parallel_loop3A_279 = arith.constant 776 : i32
      %parallel_loop3A_280 = arith.constant 1024 : i32
      %parallel_loop3A_281 = arith.constant 1 : i32
      scf.for %parallel_loop3A_429 = %parallel_loop3A_279 to %parallel_loop3A_280 step %parallel_loop3A_281  : i32 {
        %parallel_loop3A_430 = arith.constant 16 : i32
        %parallel_loop3A_431 = arith.muli %parallel_loop3A_429, %parallel_loop3A_430 : i32
        %parallel_loop3A_432 = arith.constant 0.000000e+00 : f32
        %parallel_loop3A_433 = vector.broadcast %parallel_loop3A_432 : f32 to vector<16xf32>
        %parallel_loop3A_434 = arith.index_cast %parallel_loop3A_431 : i32 to index
        %parallel_loop3A_435 = tpu.vector_load %arg13[%parallel_loop3A_434] {strides = array<i32>} : memref<16384xf32, #tpu.memory_space<vmem>>, vector<16xf32>,
        tpu.vector_store %arg13[%parallel_loop3A_434], %parallel_loop3A_433 {strides = array<i32>} : memref<16384xf32, #tpu.memory_space<vmem>>, vector<16xf32>,
      } {sc.loop_unroll_factor = 8 : i64, sc.parallel_access}
      %convert_element_type3A_282 = arith.extui %reduce_or3A_36 : i1 to i32
      %cond3A_283 = arith.constant 0 : i32
      %cond3A_284 = arith.cmpi ne, %convert_element_type3A_282, %cond3A_283 : i32
      scf.if %cond3A_284 {
        %parallel_loop3A_429 = arith.constant 0 : i32
        %parallel_loop3A_430 = arith.constant 1024 : i32
        %parallel_loop3A_431 = arith.constant 1 : i32
        scf.for %parallel_loop3A_432 = %parallel_loop3A_429 to %parallel_loop3A_430 step %parallel_loop3A_431  : i32 {
          %parallel_loop3A_433 = arith.constant 16 : i32
          %parallel_loop3A_434 = arith.muli %parallel_loop3A_432, %parallel_loop3A_433 : i32
          %parallel_loop3A_435 = arith.index_cast %parallel_loop3A_434 : i32 to index
          %parallel_loop3A_436 = tpu.vector_load %arg13[%parallel_loop3A_435] {strides = array<i32>} : memref<16384xf32, #tpu.memory_space<vmem>>, vector<16xf32>,
          %parallel_loop3A_437 = arith.index_cast %parallel_loop3A_434 : i32 to index
          %parallel_loop3A_438 = tpu.vector_load %arg10[%parallel_loop3A_437] {strides = array<i32>} : memref<16384xf32, #tpu.memory_space<vmem>>, vector<16xf32>,
          %parallel_loop3A_439 = arith.addf %parallel_loop3A_436, %parallel_loop3A_438 : vector<16xf32>
          %parallel_loop3A_440 = arith.index_cast %parallel_loop3A_434 : i32 to index
          %parallel_loop3A_441 = tpu.vector_load %arg13[%parallel_loop3A_440] {strides = array<i32>} : memref<16384xf32, #tpu.memory_space<vmem>>, vector<16xf32>,
          tpu.vector_store %arg13[%parallel_loop3A_440], %parallel_loop3A_439 {strides = array<i32>} : memref<16384xf32, #tpu.memory_space<vmem>>, vector<16xf32>,
        } {sc.loop_unroll_factor = 8 : i64, sc.parallel_access}
      } else {
      }
      %add3A_285 = arith.addi %mul3A_2, %add3A_260 : i32
      %dma_start3A_286 = arith.constant 2 : i32
      %dma_start3A_287 = arith.constant 0 : i32
      %dma_start3A_288 = tpu.memref_slice %arg7[%add3A_285, %dma_start3A_287] : memref<4096x16384xf32, #tpu.memory_space<hbm>> -> memref<1x16384xf32, #tpu.memory_space<hbm>>
      %dma_start3A_289 = tpu.memref_squeeze %dma_start3A_288 : memref<1x16384xf32, #tpu.memory_space<hbm>> -> memref<16384xf32, #tpu.memory_space<hbm>>
      %dma_start3A_290 = tpu.memref_slice %arg17[%dma_start3A_286] : memref<3x!tpu.dma_semaphore, #tpu.memory_space<semaphore_mem>> -> memref<1x!tpu.dma_semaphore, #tpu.memory_space<semaphore_mem>>
      %dma_start3A_291 = tpu.memref_squeeze %dma_start3A_290 : memref<1x!tpu.dma_semaphore, #tpu.memory_space<semaphore_mem>> -> memref<!tpu.dma_semaphore, #tpu.memory_space<semaphore_mem>>
      %dma_start3A_292 = arith.constant 0 : i32
      %dma_start3A_293 = tpu.memref_slice %arg7[%add3A_285, %dma_start3A_292] : memref<4096x16384xf32, #tpu.memory_space<hbm>> -> memref<1x16384xf32, #tpu.memory_space<hbm>>
      %dma_start3A_294 = tpu.memref_squeeze %dma_start3A_293 : memref<1x16384xf32, #tpu.memory_space<hbm>> -> memref<16384xf32, #tpu.memory_space<hbm>>
      tpu.enqueue_dma source(%arg15 : memref<16384xf32, #tpu.memory_space<vmem>>) target(%dma_start3A_294 : memref<16384xf32, #tpu.memory_space<hbm>>) target_semaphore(%dma_start3A_291 : memref<!tpu.dma_semaphore, #tpu.memory_space<semaphore_mem>>)
      %le3A_295 = arith.constant 125 : i32
      %le3A_296 = arith.cmpi sle, %add3A_260, %le3A_295 : i32
      %convert_element_type3A_297 = arith.extui %le3A_296 : i1 to i32
      %cond3A_298 = arith.constant 0 : i32
      %cond3A_299 = arith.cmpi ne, %convert_element_type3A_297, %cond3A_298 : i32
      scf.if %cond3A_299 {
        %add3A_429 = arith.constant 2 : i32
        %add3A_430 = arith.addi %add3A_260, %add3A_429 : i32
        %add3A_431 = arith.addi %mul3A_2, %add3A_430 : i32
        %dma_start3A_432 = arith.constant 0 : i32
        %dma_start3A_433 = arith.constant 0 : i32
        %dma_start3A_434 = tpu.memref_slice %arg2[%add3A_431, %dma_start3A_433] : memref<4096x16384xf32, #tpu.memory_space<hbm>> -> memref<1x16384xf32, #tpu.memory_space<hbm>>
        %dma_start3A_435 = tpu.memref_squeeze %dma_start3A_434 : memref<1x16384xf32, #tpu.memory_space<hbm>> -> memref<16384xf32, #tpu.memory_space<hbm>>
        %dma_start3A_436 = tpu.memref_slice %arg16[%dma_start3A_432] : memref<2x!tpu.dma_semaphore, #tpu.memory_space<semaphore_mem>> -> memref<1x!tpu.dma_semaphore, #tpu.memory_space<semaphore_mem>>
        %dma_start3A_437 = tpu.memref_squeeze %dma_start3A_436 : memref<1x!tpu.dma_semaphore, #tpu.memory_space<semaphore_mem>> -> memref<!tpu.dma_semaphore, #tpu.memory_space<semaphore_mem>>
        %dma_start3A_438 = arith.constant 0 : i32
        %dma_start3A_439 = tpu.memref_slice %arg2[%add3A_431, %dma_start3A_438] : memref<4096x16384xf32, #tpu.memory_space<hbm>> -> memref<1x16384xf32, #tpu.memory_space<hbm>>
        %dma_start3A_440 = tpu.memref_squeeze %dma_start3A_439 : memref<1x16384xf32, #tpu.memory_space<hbm>> -> memref<16384xf32, #tpu.memory_space<hbm>>
        tpu.enqueue_dma source(%dma_start3A_440 : memref<16384xf32, #tpu.memory_space<hbm>>) target(%arg11 : memref<16384xf32, #tpu.memory_space<vmem>>) target_semaphore(%dma_start3A_437 : memref<!tpu.dma_semaphore, #tpu.memory_space<semaphore_mem>>)
      } else {
      }
      %mul3A_300 = arith.constant 6 : i32
      %mul3A_301 = arith.muli %scan3A_172, %mul3A_300 : i32
      %add3A_302 = arith.constant 3 : i32
      %add3A_303 = arith.addi %mul3A_301, %add3A_302 : i32
      %ge3A_304 = arith.constant 2 : i32
      %ge3A_305 = arith.cmpi sge, %add3A_303, %ge3A_304 : i32
      %convert_element_type3A_306 = arith.extui %ge3A_305 : i1 to i32
      %cond3A_307 = arith.constant 0 : i32
      %cond3A_308 = arith.cmpi ne, %convert_element_type3A_306, %cond3A_307 : i32
      scf.if %cond3A_308 {
        %sub3A_429 = arith.constant 2 : i32
        %sub3A_430 = arith.subi %add3A_303, %sub3A_429 : i32
        %add3A_431 = arith.addi %mul3A_2, %sub3A_430 : i32
        %dma_wait3A_432 = arith.constant 1 : i32
        %dma_wait3A_433 = arith.constant 0 : i32
        %dma_wait3A_434 = tpu.memref_slice %arg7[%add3A_431, %dma_wait3A_433] : memref<4096x16384xf32, #tpu.memory_space<hbm>> -> memref<1x16384xf32, #tpu.memory_space<hbm>>
        %dma_wait3A_435 = tpu.memref_squeeze %dma_wait3A_434 : memref<1x16384xf32, #tpu.memory_space<hbm>> -> memref<16384xf32, #tpu.memory_space<hbm>>
        %dma_wait3A_436 = tpu.memref_slice %arg17[%dma_wait3A_432] : memref<3x!tpu.dma_semaphore, #tpu.memory_space<semaphore_mem>> -> memref<1x!tpu.dma_semaphore, #tpu.memory_space<semaphore_mem>>
        %dma_wait3A_437 = tpu.memref_squeeze %dma_wait3A_436 : memref<1x!tpu.dma_semaphore, #tpu.memory_space<semaphore_mem>> -> memref<!tpu.dma_semaphore, #tpu.memory_space<semaphore_mem>>
        %dma_wait3A_438 = arith.constant 0 : i32
        %dma_wait3A_439 = tpu.memref_slice %arg7[%add3A_431, %dma_wait3A_438] : memref<4096x16384xf32, #tpu.memory_space<hbm>> -> memref<1x16384xf32, #tpu.memory_space<hbm>>
        %dma_wait3A_440 = tpu.memref_squeeze %dma_wait3A_439 : memref<1x16384xf32, #tpu.memory_space<hbm>> -> memref<16384xf32, #tpu.memory_space<hbm>>
        tpu.wait_dma2 semaphore(%dma_wait3A_437 : memref<!tpu.dma_semaphore, #tpu.memory_space<semaphore_mem>>) src(%arg14 : memref<16384xf32, #tpu.memory_space<vmem>>) dst(%dma_wait3A_440 : memref<16384xf32, #tpu.memory_space<hbm>>)
      } else {
      }
      %add3A_309 = arith.addi %mul3A_2, %add3A_303 : i32
      %dma_wait3A_310 = arith.constant 1 : i32
      %dma_wait3A_311 = arith.constant 0 : i32
      %dma_wait3A_312 = tpu.memref_slice %arg2[%add3A_309, %dma_wait3A_311] : memref<4096x16384xf32, #tpu.memory_space<hbm>> -> memref<1x16384xf32, #tpu.memory_space<hbm>>
      %dma_wait3A_313 = tpu.memref_squeeze %dma_wait3A_312 : memref<1x16384xf32, #tpu.memory_space<hbm>> -> memref<16384xf32, #tpu.memory_space<hbm>>
      %dma_wait3A_314 = tpu.memref_slice %arg16[%dma_wait3A_310] : memref<2x!tpu.dma_semaphore, #tpu.memory_space<semaphore_mem>> -> memref<1x!tpu.dma_semaphore, #tpu.memory_space<semaphore_mem>>
      %dma_wait3A_315 = tpu.memref_squeeze %dma_wait3A_314 : memref<1x!tpu.dma_semaphore, #tpu.memory_space<semaphore_mem>> -> memref<!tpu.dma_semaphore, #tpu.memory_space<semaphore_mem>>
      %dma_wait3A_316 = arith.constant 0 : i32
      %dma_wait3A_317 = tpu.memref_slice %arg2[%add3A_309, %dma_wait3A_316] : memref<4096x16384xf32, #tpu.memory_space<hbm>> -> memref<1x16384xf32, #tpu.memory_space<hbm>>
      %dma_wait3A_318 = tpu.memref_squeeze %dma_wait3A_317 : memref<1x16384xf32, #tpu.memory_space<hbm>> -> memref<16384xf32, #tpu.memory_space<hbm>>
      tpu.wait_dma2 semaphore(%dma_wait3A_315 : memref<!tpu.dma_semaphore, #tpu.memory_space<semaphore_mem>>) src(%dma_wait3A_318 : memref<16384xf32, #tpu.memory_space<hbm>>) dst(%arg12 : memref<16384xf32, #tpu.memory_space<vmem>>)
      %parallel_loop3A_319 = arith.constant 0 : i32
      %parallel_loop3A_320 = arith.constant 776 : i32
      %parallel_loop3A_321 = arith.constant 1 : i32
      scf.for %parallel_loop3A_429 = %parallel_loop3A_319 to %parallel_loop3A_320 step %parallel_loop3A_321  : i32 {
        %parallel_loop3A_430 = arith.constant 16 : i32
        %parallel_loop3A_431 = arith.muli %parallel_loop3A_429, %parallel_loop3A_430 : i32
        %parallel_loop3A_432 = arith.constant 0.000000e+00 : f32
        %parallel_loop3A_433 = vector.broadcast %parallel_loop3A_432 : f32 to vector<16xf32>
        %parallel_loop3A_434 = arith.index_cast %parallel_loop3A_431 : i32 to index
        %parallel_loop3A_435 = tpu.vector_load %arg14[%parallel_loop3A_434] {strides = array<i32>} : memref<16384xf32, #tpu.memory_space<vmem>>, vector<16xf32>,
        tpu.vector_store %arg14[%parallel_loop3A_434], %parallel_loop3A_433 {strides = array<i32>} : memref<16384xf32, #tpu.memory_space<vmem>>, vector<16xf32>,
        %parallel_loop3A_436 = arith.index_cast %parallel_loop3A_431 : i32 to index
        %parallel_loop3A_437 = tpu.vector_load %arg8[%parallel_loop3A_436] {strides = array<i32>} : memref<12416xi32, #tpu.memory_space<vmem>>, vector<16xi32>,
        %parallel_loop3A_438 = arith.index_cast %parallel_loop3A_431 : i32 to index
        %parallel_loop3A_439 = tpu.vector_load %arg9[%parallel_loop3A_438] {strides = array<i32>} : memref<12416xf32, #tpu.memory_space<vmem>>, vector<16xf32>,
        %parallel_loop3A_440 = arith.constant 16383 : i32
        %parallel_loop3A_441 = vector.broadcast %parallel_loop3A_440 : i32 to vector<16xi32>
        %parallel_loop3A_442 = arith.andi %parallel_loop3A_437, %parallel_loop3A_441 : vector<16xi32>
        %parallel_loop3A_443 = arith.constant 14 : i32
        %parallel_loop3A_444 = vector.broadcast %parallel_loop3A_443 : i32 to vector<16xi32>
        %parallel_loop3A_445 = arith.shrui %parallel_loop3A_437, %parallel_loop3A_444 : vector<16xi32>
        %parallel_loop3A_446 = arith.constant 16383 : i32
        %parallel_loop3A_447 = vector.broadcast %parallel_loop3A_446 : i32 to vector<16xi32>
        %parallel_loop3A_448 = arith.andi %parallel_loop3A_445, %parallel_loop3A_447 : vector<16xi32>
        %parallel_loop3A_449 = arith.constant 28 : i32
        %parallel_loop3A_450 = vector.broadcast %parallel_loop3A_449 : i32 to vector<16xi32>
        %parallel_loop3A_451 = arith.shrui %parallel_loop3A_437, %parallel_loop3A_450 : vector<16xi32>
        %parallel_loop3A_452 = tpu.vector_load_idx %arg12[%parallel_loop3A_442] : memref<16384xf32, #tpu.memory_space<vmem>>[vector<16xi32>], vector<16xf32>,
        %parallel_loop3A_453 = arith.mulf %parallel_loop3A_439, %parallel_loop3A_452 : vector<16xf32>
        %parallel_loop3A_454 = arith.constant true
        %parallel_loop3A_455 = vector.broadcast %parallel_loop3A_454 : i1 to vector<16xi1>
        %parallel_loop3A_456 = tpu.scan <sum>, %parallel_loop3A_453 masked %parallel_loop3A_455 : vector<16xf32>, vector<16xi1> -> vector<16xf32>
        %parallel_loop3A_457 = arith.subf %parallel_loop3A_456, %parallel_loop3A_453 : vector<16xf32>
        %parallel_loop3A_458 = arith.constant 0 : i32
        %parallel_loop3A_459 = vector.broadcast %parallel_loop3A_458 : i32 to vector<16xi32>
        %parallel_loop3A_460 = arith.cmpi slt, %parallel_loop3A_451, %parallel_loop3A_459 : vector<16xi32>
        %parallel_loop3A_461 = arith.constant 16 : i32
        %parallel_loop3A_462 = vector.broadcast %parallel_loop3A_461 : i32 to vector<16xi32>
        %parallel_loop3A_463 = arith.addi %parallel_loop3A_451, %parallel_loop3A_462 : vector<16xi32>
        %parallel_loop3A_464 = arith.select %parallel_loop3A_460, %parallel_loop3A_463, %parallel_loop3A_451 : vector<16xi1>, vector<16xi32>
        %parallel_loop3A_465 = vector.shape_cast %parallel_loop3A_464 : vector<16xi32> to vector<16x1xi32>
        %parallel_loop3A_466 = vector.shape_cast %parallel_loop3A_465 : vector<16x1xi32> to vector<16xi32>
        %parallel_loop3A_467 = tpu.dynamic_gather %parallel_loop3A_457[%parallel_loop3A_466] in [0] : vector<16xf32>, vector<16xi32> -> vector<16xf32>
        %parallel_loop3A_468 = arith.subf %parallel_loop3A_456, %parallel_loop3A_467 : vector<16xf32>
        %parallel_loop3A_469 = arith.constant 0 : i32
        %parallel_loop3A_470 = vector.broadcast %parallel_loop3A_469 : i32 to vector<16xi32>
        %parallel_loop3A_471 = arith.cmpi slt, %min3A_11, %parallel_loop3A_470 : vector<16xi32>
        %parallel_loop3A_472 = arith.constant 16 : i32
        %parallel_loop3A_473 = vector.broadcast %parallel_loop3A_472 : i32 to vector<16xi32>
        %parallel_loop3A_474 = arith.addi %min3A_11, %parallel_loop3A_473 : vector<16xi32>
        %parallel_loop3A_475 = arith.select %parallel_loop3A_471, %parallel_loop3A_474, %min3A_11 : vector<16xi1>, vector<16xi32>
        %parallel_loop3A_476 = vector.shape_cast %parallel_loop3A_475 : vector<16xi32> to vector<16x1xi32>
        %parallel_loop3A_477 = vector.shape_cast %parallel_loop3A_476 : vector<16x1xi32> to vector<16xi32>
        %parallel_loop3A_478 = tpu.dynamic_gather %parallel_loop3A_451[%parallel_loop3A_477] in [0] : vector<16xi32>, vector<16xi32> -> vector<16xi32>
        %parallel_loop3A_479 = arith.cmpi eq, %parallel_loop3A_478, %add3A_9 : vector<16xi32>
        %parallel_loop3A_480 = arith.ori %parallel_loop3A_479, %eq3A_16 : vector<16xi1>
        tpu.vector_store_idx %arg13[%parallel_loop3A_448], %parallel_loop3A_468 masked %parallel_loop3A_480 {add = true} : memref<16384xf32, #tpu.memory_space<vmem>>[vector<16xi32>], vector<16xf32>, vector<16xi1>
      } {sc.loop_unroll_factor = 8 : i64, sc.parallel_access}
      %parallel_loop3A_322 = arith.constant 776 : i32
      %parallel_loop3A_323 = arith.constant 1024 : i32
      %parallel_loop3A_324 = arith.constant 1 : i32
      scf.for %parallel_loop3A_429 = %parallel_loop3A_322 to %parallel_loop3A_323 step %parallel_loop3A_324  : i32 {
        %parallel_loop3A_430 = arith.constant 16 : i32
        %parallel_loop3A_431 = arith.muli %parallel_loop3A_429, %parallel_loop3A_430 : i32
        %parallel_loop3A_432 = arith.constant 0.000000e+00 : f32
        %parallel_loop3A_433 = vector.broadcast %parallel_loop3A_432 : f32 to vector<16xf32>
        %parallel_loop3A_434 = arith.index_cast %parallel_loop3A_431 : i32 to index
        %parallel_loop3A_435 = tpu.vector_load %arg14[%parallel_loop3A_434] {strides = array<i32>} : memref<16384xf32, #tpu.memory_space<vmem>>, vector<16xf32>,
        tpu.vector_store %arg14[%parallel_loop3A_434], %parallel_loop3A_433 {strides = array<i32>} : memref<16384xf32, #tpu.memory_space<vmem>>, vector<16xf32>,
      } {sc.loop_unroll_factor = 8 : i64, sc.parallel_access}
      %convert_element_type3A_325 = arith.extui %reduce_or3A_36 : i1 to i32
      %cond3A_326 = arith.constant 0 : i32
      %cond3A_327 = arith.cmpi ne, %convert_element_type3A_325, %cond3A_326 : i32
      scf.if %cond3A_327 {
        %parallel_loop3A_429 = arith.constant 0 : i32
        %parallel_loop3A_430 = arith.constant 1024 : i32
        %parallel_loop3A_431 = arith.constant 1 : i32
        scf.for %parallel_loop3A_432 = %parallel_loop3A_429 to %parallel_loop3A_430 step %parallel_loop3A_431  : i32 {
          %parallel_loop3A_433 = arith.constant 16 : i32
          %parallel_loop3A_434 = arith.muli %parallel_loop3A_432, %parallel_loop3A_433 : i32
          %parallel_loop3A_435 = arith.index_cast %parallel_loop3A_434 : i32 to index
          %parallel_loop3A_436 = tpu.vector_load %arg14[%parallel_loop3A_435] {strides = array<i32>} : memref<16384xf32, #tpu.memory_space<vmem>>, vector<16xf32>,
          %parallel_loop3A_437 = arith.index_cast %parallel_loop3A_434 : i32 to index
          %parallel_loop3A_438 = tpu.vector_load %arg10[%parallel_loop3A_437] {strides = array<i32>} : memref<16384xf32, #tpu.memory_space<vmem>>, vector<16xf32>,
          %parallel_loop3A_439 = arith.addf %parallel_loop3A_436, %parallel_loop3A_438 : vector<16xf32>
          %parallel_loop3A_440 = arith.index_cast %parallel_loop3A_434 : i32 to index
          %parallel_loop3A_441 = tpu.vector_load %arg14[%parallel_loop3A_440] {strides = array<i32>} : memref<16384xf32, #tpu.memory_space<vmem>>, vector<16xf32>,
          tpu.vector_store %arg14[%parallel_loop3A_440], %parallel_loop3A_439 {strides = array<i32>} : memref<16384xf32, #tpu.memory_space<vmem>>, vector<16xf32>,
        } {sc.loop_unroll_factor = 8 : i64, sc.parallel_access}
      } else {
      }
      %add3A_328 = arith.addi %mul3A_2, %add3A_303 : i32
      %dma_start3A_329 = arith.constant 0 : i32
      %dma_start3A_330 = arith.constant 0 : i32
      %dma_start3A_331 = tpu.memref_slice %arg7[%add3A_328, %dma_start3A_330] : memref<4096x16384xf32, #tpu.memory_space<hbm>> -> memref<1x16384xf32, #tpu.memory_space<hbm>>
      %dma_start3A_332 = tpu.memref_squeeze %dma_start3A_331 : memref<1x16384xf32, #tpu.memory_space<hbm>> -> memref<16384xf32, #tpu.memory_space<hbm>>
      %dma_start3A_333 = tpu.memref_slice %arg17[%dma_start3A_329] : memref<3x!tpu.dma_semaphore, #tpu.memory_space<semaphore_mem>> -> memref<1x!tpu.dma_semaphore, #tpu.memory_space<semaphore_mem>>
      %dma_start3A_334 = tpu.memref_squeeze %dma_start3A_333 : memref<1x!tpu.dma_semaphore, #tpu.memory_space<semaphore_mem>> -> memref<!tpu.dma_semaphore, #tpu.memory_space<semaphore_mem>>
      %dma_start3A_335 = arith.constant 0 : i32
      %dma_start3A_336 = tpu.memref_slice %arg7[%add3A_328, %dma_start3A_335] : memref<4096x16384xf32, #tpu.memory_space<hbm>> -> memref<1x16384xf32, #tpu.memory_space<hbm>>
      %dma_start3A_337 = tpu.memref_squeeze %dma_start3A_336 : memref<1x16384xf32, #tpu.memory_space<hbm>> -> memref<16384xf32, #tpu.memory_space<hbm>>
      tpu.enqueue_dma source(%arg13 : memref<16384xf32, #tpu.memory_space<vmem>>) target(%dma_start3A_337 : memref<16384xf32, #tpu.memory_space<hbm>>) target_semaphore(%dma_start3A_334 : memref<!tpu.dma_semaphore, #tpu.memory_space<semaphore_mem>>)
      %le3A_338 = arith.constant 125 : i32
      %le3A_339 = arith.cmpi sle, %add3A_303, %le3A_338 : i32
      %convert_element_type3A_340 = arith.extui %le3A_339 : i1 to i32
      %cond3A_341 = arith.constant 0 : i32
      %cond3A_342 = arith.cmpi ne, %convert_element_type3A_340, %cond3A_341 : i32
      scf.if %cond3A_342 {
        %add3A_429 = arith.constant 2 : i32
        %add3A_430 = arith.addi %add3A_303, %add3A_429 : i32
        %add3A_431 = arith.addi %mul3A_2, %add3A_430 : i32
        %dma_start3A_432 = arith.constant 1 : i32
        %dma_start3A_433 = arith.constant 0 : i32
        %dma_start3A_434 = tpu.memref_slice %arg2[%add3A_431, %dma_start3A_433] : memref<4096x16384xf32, #tpu.memory_space<hbm>> -> memref<1x16384xf32, #tpu.memory_space<hbm>>
        %dma_start3A_435 = tpu.memref_squeeze %dma_start3A_434 : memref<1x16384xf32, #tpu.memory_space<hbm>> -> memref<16384xf32, #tpu.memory_space<hbm>>
        %dma_start3A_436 = tpu.memref_slice %arg16[%dma_start3A_432] : memref<2x!tpu.dma_semaphore, #tpu.memory_space<semaphore_mem>> -> memref<1x!tpu.dma_semaphore, #tpu.memory_space<semaphore_mem>>
        %dma_start3A_437 = tpu.memref_squeeze %dma_start3A_436 : memref<1x!tpu.dma_semaphore, #tpu.memory_space<semaphore_mem>> -> memref<!tpu.dma_semaphore, #tpu.memory_space<semaphore_mem>>
        %dma_start3A_438 = arith.constant 0 : i32
        %dma_start3A_439 = tpu.memref_slice %arg2[%add3A_431, %dma_start3A_438] : memref<4096x16384xf32, #tpu.memory_space<hbm>> -> memref<1x16384xf32, #tpu.memory_space<hbm>>
        %dma_start3A_440 = tpu.memref_squeeze %dma_start3A_439 : memref<1x16384xf32, #tpu.memory_space<hbm>> -> memref<16384xf32, #tpu.memory_space<hbm>>
        tpu.enqueue_dma source(%dma_start3A_440 : memref<16384xf32, #tpu.memory_space<hbm>>) target(%arg12 : memref<16384xf32, #tpu.memory_space<vmem>>) target_semaphore(%dma_start3A_437 : memref<!tpu.dma_semaphore, #tpu.memory_space<semaphore_mem>>)
      } else {
      }
      %mul3A_343 = arith.constant 6 : i32
      %mul3A_344 = arith.muli %scan3A_172, %mul3A_343 : i32
      %add3A_345 = arith.constant 4 : i32
      %add3A_346 = arith.addi %mul3A_344, %add3A_345 : i32
      %ge3A_347 = arith.constant 2 : i32
      %ge3A_348 = arith.cmpi sge, %add3A_346, %ge3A_347 : i32
      %convert_element_type3A_349 = arith.extui %ge3A_348 : i1 to i32
      %cond3A_350 = arith.constant 0 : i32
      %cond3A_351 = arith.cmpi ne, %convert_element_type3A_349, %cond3A_350 : i32
      scf.if %cond3A_351 {
        %sub3A_429 = arith.constant 2 : i32
        %sub3A_430 = arith.subi %add3A_346, %sub3A_429 : i32
        %add3A_431 = arith.addi %mul3A_2, %sub3A_430 : i32
        %dma_wait3A_432 = arith.constant 2 : i32
        %dma_wait3A_433 = arith.constant 0 : i32
        %dma_wait3A_434 = tpu.memref_slice %arg7[%add3A_431, %dma_wait3A_433] : memref<4096x16384xf32, #tpu.memory_space<hbm>> -> memref<1x16384xf32, #tpu.memory_space<hbm>>
        %dma_wait3A_435 = tpu.memref_squeeze %dma_wait3A_434 : memref<1x16384xf32, #tpu.memory_space<hbm>> -> memref<16384xf32, #tpu.memory_space<hbm>>
        %dma_wait3A_436 = tpu.memref_slice %arg17[%dma_wait3A_432] : memref<3x!tpu.dma_semaphore, #tpu.memory_space<semaphore_mem>> -> memref<1x!tpu.dma_semaphore, #tpu.memory_space<semaphore_mem>>
        %dma_wait3A_437 = tpu.memref_squeeze %dma_wait3A_436 : memref<1x!tpu.dma_semaphore, #tpu.memory_space<semaphore_mem>> -> memref<!tpu.dma_semaphore, #tpu.memory_space<semaphore_mem>>
        %dma_wait3A_438 = arith.constant 0 : i32
        %dma_wait3A_439 = tpu.memref_slice %arg7[%add3A_431, %dma_wait3A_438] : memref<4096x16384xf32, #tpu.memory_space<hbm>> -> memref<1x16384xf32, #tpu.memory_space<hbm>>
        %dma_wait3A_440 = tpu.memref_squeeze %dma_wait3A_439 : memref<1x16384xf32, #tpu.memory_space<hbm>> -> memref<16384xf32, #tpu.memory_space<hbm>>
        tpu.wait_dma2 semaphore(%dma_wait3A_437 : memref<!tpu.dma_semaphore, #tpu.memory_space<semaphore_mem>>) src(%arg15 : memref<16384xf32, #tpu.memory_space<vmem>>) dst(%dma_wait3A_440 : memref<16384xf32, #tpu.memory_space<hbm>>)
      } else {
      }
      %add3A_352 = arith.addi %mul3A_2, %add3A_346 : i32
      %dma_wait3A_353 = arith.constant 0 : i32
      %dma_wait3A_354 = arith.constant 0 : i32
      %dma_wait3A_355 = tpu.memref_slice %arg2[%add3A_352, %dma_wait3A_354] : memref<4096x16384xf32, #tpu.memory_space<hbm>> -> memref<1x16384xf32, #tpu.memory_space<hbm>>
      %dma_wait3A_356 = tpu.memref_squeeze %dma_wait3A_355 : memref<1x16384xf32, #tpu.memory_space<hbm>> -> memref<16384xf32, #tpu.memory_space<hbm>>
      %dma_wait3A_357 = tpu.memref_slice %arg16[%dma_wait3A_353] : memref<2x!tpu.dma_semaphore, #tpu.memory_space<semaphore_mem>> -> memref<1x!tpu.dma_semaphore, #tpu.memory_space<semaphore_mem>>
      %dma_wait3A_358 = tpu.memref_squeeze %dma_wait3A_357 : memref<1x!tpu.dma_semaphore, #tpu.memory_space<semaphore_mem>> -> memref<!tpu.dma_semaphore, #tpu.memory_space<semaphore_mem>>
      %dma_wait3A_359 = arith.constant 0 : i32
      %dma_wait3A_360 = tpu.memref_slice %arg2[%add3A_352, %dma_wait3A_359] : memref<4096x16384xf32, #tpu.memory_space<hbm>> -> memref<1x16384xf32, #tpu.memory_space<hbm>>
      %dma_wait3A_361 = tpu.memref_squeeze %dma_wait3A_360 : memref<1x16384xf32, #tpu.memory_space<hbm>> -> memref<16384xf32, #tpu.memory_space<hbm>>
      tpu.wait_dma2 semaphore(%dma_wait3A_358 : memref<!tpu.dma_semaphore, #tpu.memory_space<semaphore_mem>>) src(%dma_wait3A_361 : memref<16384xf32, #tpu.memory_space<hbm>>) dst(%arg11 : memref<16384xf32, #tpu.memory_space<vmem>>)
      %parallel_loop3A_362 = arith.constant 0 : i32
      %parallel_loop3A_363 = arith.constant 776 : i32
      %parallel_loop3A_364 = arith.constant 1 : i32
      scf.for %parallel_loop3A_429 = %parallel_loop3A_362 to %parallel_loop3A_363 step %parallel_loop3A_364  : i32 {
        %parallel_loop3A_430 = arith.constant 16 : i32
        %parallel_loop3A_431 = arith.muli %parallel_loop3A_429, %parallel_loop3A_430 : i32
        %parallel_loop3A_432 = arith.constant 0.000000e+00 : f32
        %parallel_loop3A_433 = vector.broadcast %parallel_loop3A_432 : f32 to vector<16xf32>
        %parallel_loop3A_434 = arith.index_cast %parallel_loop3A_431 : i32 to index
        %parallel_loop3A_435 = tpu.vector_load %arg15[%parallel_loop3A_434] {strides = array<i32>} : memref<16384xf32, #tpu.memory_space<vmem>>, vector<16xf32>,
        tpu.vector_store %arg15[%parallel_loop3A_434], %parallel_loop3A_433 {strides = array<i32>} : memref<16384xf32, #tpu.memory_space<vmem>>, vector<16xf32>,
        %parallel_loop3A_436 = arith.index_cast %parallel_loop3A_431 : i32 to index
        %parallel_loop3A_437 = tpu.vector_load %arg8[%parallel_loop3A_436] {strides = array<i32>} : memref<12416xi32, #tpu.memory_space<vmem>>, vector<16xi32>,
        %parallel_loop3A_438 = arith.index_cast %parallel_loop3A_431 : i32 to index
        %parallel_loop3A_439 = tpu.vector_load %arg9[%parallel_loop3A_438] {strides = array<i32>} : memref<12416xf32, #tpu.memory_space<vmem>>, vector<16xf32>,
        %parallel_loop3A_440 = arith.constant 16383 : i32
        %parallel_loop3A_441 = vector.broadcast %parallel_loop3A_440 : i32 to vector<16xi32>
        %parallel_loop3A_442 = arith.andi %parallel_loop3A_437, %parallel_loop3A_441 : vector<16xi32>
        %parallel_loop3A_443 = arith.constant 14 : i32
        %parallel_loop3A_444 = vector.broadcast %parallel_loop3A_443 : i32 to vector<16xi32>
        %parallel_loop3A_445 = arith.shrui %parallel_loop3A_437, %parallel_loop3A_444 : vector<16xi32>
        %parallel_loop3A_446 = arith.constant 16383 : i32
        %parallel_loop3A_447 = vector.broadcast %parallel_loop3A_446 : i32 to vector<16xi32>
        %parallel_loop3A_448 = arith.andi %parallel_loop3A_445, %parallel_loop3A_447 : vector<16xi32>
        %parallel_loop3A_449 = arith.constant 28 : i32
        %parallel_loop3A_450 = vector.broadcast %parallel_loop3A_449 : i32 to vector<16xi32>
        %parallel_loop3A_451 = arith.shrui %parallel_loop3A_437, %parallel_loop3A_450 : vector<16xi32>
        %parallel_loop3A_452 = tpu.vector_load_idx %arg11[%parallel_loop3A_442] : memref<16384xf32, #tpu.memory_space<vmem>>[vector<16xi32>], vector<16xf32>,
        %parallel_loop3A_453 = arith.mulf %parallel_loop3A_439, %parallel_loop3A_452 : vector<16xf32>
        %parallel_loop3A_454 = arith.constant true
        %parallel_loop3A_455 = vector.broadcast %parallel_loop3A_454 : i1 to vector<16xi1>
        %parallel_loop3A_456 = tpu.scan <sum>, %parallel_loop3A_453 masked %parallel_loop3A_455 : vector<16xf32>, vector<16xi1> -> vector<16xf32>
        %parallel_loop3A_457 = arith.subf %parallel_loop3A_456, %parallel_loop3A_453 : vector<16xf32>
        %parallel_loop3A_458 = arith.constant 0 : i32
        %parallel_loop3A_459 = vector.broadcast %parallel_loop3A_458 : i32 to vector<16xi32>
        %parallel_loop3A_460 = arith.cmpi slt, %parallel_loop3A_451, %parallel_loop3A_459 : vector<16xi32>
        %parallel_loop3A_461 = arith.constant 16 : i32
        %parallel_loop3A_462 = vector.broadcast %parallel_loop3A_461 : i32 to vector<16xi32>
        %parallel_loop3A_463 = arith.addi %parallel_loop3A_451, %parallel_loop3A_462 : vector<16xi32>
        %parallel_loop3A_464 = arith.select %parallel_loop3A_460, %parallel_loop3A_463, %parallel_loop3A_451 : vector<16xi1>, vector<16xi32>
        %parallel_loop3A_465 = vector.shape_cast %parallel_loop3A_464 : vector<16xi32> to vector<16x1xi32>
        %parallel_loop3A_466 = vector.shape_cast %parallel_loop3A_465 : vector<16x1xi32> to vector<16xi32>
        %parallel_loop3A_467 = tpu.dynamic_gather %parallel_loop3A_457[%parallel_loop3A_466] in [0] : vector<16xf32>, vector<16xi32> -> vector<16xf32>
        %parallel_loop3A_468 = arith.subf %parallel_loop3A_456, %parallel_loop3A_467 : vector<16xf32>
        %parallel_loop3A_469 = arith.constant 0 : i32
        %parallel_loop3A_470 = vector.broadcast %parallel_loop3A_469 : i32 to vector<16xi32>
        %parallel_loop3A_471 = arith.cmpi slt, %min3A_11, %parallel_loop3A_470 : vector<16xi32>
        %parallel_loop3A_472 = arith.constant 16 : i32
        %parallel_loop3A_473 = vector.broadcast %parallel_loop3A_472 : i32 to vector<16xi32>
        %parallel_loop3A_474 = arith.addi %min3A_11, %parallel_loop3A_473 : vector<16xi32>
        %parallel_loop3A_475 = arith.select %parallel_loop3A_471, %parallel_loop3A_474, %min3A_11 : vector<16xi1>, vector<16xi32>
        %parallel_loop3A_476 = vector.shape_cast %parallel_loop3A_475 : vector<16xi32> to vector<16x1xi32>
        %parallel_loop3A_477 = vector.shape_cast %parallel_loop3A_476 : vector<16x1xi32> to vector<16xi32>
        %parallel_loop3A_478 = tpu.dynamic_gather %parallel_loop3A_451[%parallel_loop3A_477] in [0] : vector<16xi32>, vector<16xi32> -> vector<16xi32>
        %parallel_loop3A_479 = arith.cmpi eq, %parallel_loop3A_478, %add3A_9 : vector<16xi32>
        %parallel_loop3A_480 = arith.ori %parallel_loop3A_479, %eq3A_16 : vector<16xi1>
        tpu.vector_store_idx %arg14[%parallel_loop3A_448], %parallel_loop3A_468 masked %parallel_loop3A_480 {add = true} : memref<16384xf32, #tpu.memory_space<vmem>>[vector<16xi32>], vector<16xf32>, vector<16xi1>
      } {sc.loop_unroll_factor = 8 : i64, sc.parallel_access}
      %parallel_loop3A_365 = arith.constant 776 : i32
      %parallel_loop3A_366 = arith.constant 1024 : i32
      %parallel_loop3A_367 = arith.constant 1 : i32
      scf.for %parallel_loop3A_429 = %parallel_loop3A_365 to %parallel_loop3A_366 step %parallel_loop3A_367  : i32 {
        %parallel_loop3A_430 = arith.constant 16 : i32
        %parallel_loop3A_431 = arith.muli %parallel_loop3A_429, %parallel_loop3A_430 : i32
        %parallel_loop3A_432 = arith.constant 0.000000e+00 : f32
        %parallel_loop3A_433 = vector.broadcast %parallel_loop3A_432 : f32 to vector<16xf32>
        %parallel_loop3A_434 = arith.index_cast %parallel_loop3A_431 : i32 to index
        %parallel_loop3A_435 = tpu.vector_load %arg15[%parallel_loop3A_434] {strides = array<i32>} : memref<16384xf32, #tpu.memory_space<vmem>>, vector<16xf32>,
        tpu.vector_store %arg15[%parallel_loop3A_434], %parallel_loop3A_433 {strides = array<i32>} : memref<16384xf32, #tpu.memory_space<vmem>>, vector<16xf32>,
      } {sc.loop_unroll_factor = 8 : i64, sc.parallel_access}
      %convert_element_type3A_368 = arith.extui %reduce_or3A_36 : i1 to i32
      %cond3A_369 = arith.constant 0 : i32
      %cond3A_370 = arith.cmpi ne, %convert_element_type3A_368, %cond3A_369 : i32
      scf.if %cond3A_370 {
        %parallel_loop3A_429 = arith.constant 0 : i32
        %parallel_loop3A_430 = arith.constant 1024 : i32
        %parallel_loop3A_431 = arith.constant 1 : i32
        scf.for %parallel_loop3A_432 = %parallel_loop3A_429 to %parallel_loop3A_430 step %parallel_loop3A_431  : i32 {
          %parallel_loop3A_433 = arith.constant 16 : i32
          %parallel_loop3A_434 = arith.muli %parallel_loop3A_432, %parallel_loop3A_433 : i32
          %parallel_loop3A_435 = arith.index_cast %parallel_loop3A_434 : i32 to index
          %parallel_loop3A_436 = tpu.vector_load %arg15[%parallel_loop3A_435] {strides = array<i32>} : memref<16384xf32, #tpu.memory_space<vmem>>, vector<16xf32>,
          %parallel_loop3A_437 = arith.index_cast %parallel_loop3A_434 : i32 to index
          %parallel_loop3A_438 = tpu.vector_load %arg10[%parallel_loop3A_437] {strides = array<i32>} : memref<16384xf32, #tpu.memory_space<vmem>>, vector<16xf32>,
          %parallel_loop3A_439 = arith.addf %parallel_loop3A_436, %parallel_loop3A_438 : vector<16xf32>
          %parallel_loop3A_440 = arith.index_cast %parallel_loop3A_434 : i32 to index
          %parallel_loop3A_441 = tpu.vector_load %arg15[%parallel_loop3A_440] {strides = array<i32>} : memref<16384xf32, #tpu.memory_space<vmem>>, vector<16xf32>,
          tpu.vector_store %arg15[%parallel_loop3A_440], %parallel_loop3A_439 {strides = array<i32>} : memref<16384xf32, #tpu.memory_space<vmem>>, vector<16xf32>,
        } {sc.loop_unroll_factor = 8 : i64, sc.parallel_access}
      } else {
      }
      %add3A_371 = arith.addi %mul3A_2, %add3A_346 : i32
      %dma_start3A_372 = arith.constant 1 : i32
      %dma_start3A_373 = arith.constant 0 : i32
      %dma_start3A_374 = tpu.memref_slice %arg7[%add3A_371, %dma_start3A_373] : memref<4096x16384xf32, #tpu.memory_space<hbm>> -> memref<1x16384xf32, #tpu.memory_space<hbm>>
      %dma_start3A_375 = tpu.memref_squeeze %dma_start3A_374 : memref<1x16384xf32, #tpu.memory_space<hbm>> -> memref<16384xf32, #tpu.memory_space<hbm>>
      %dma_start3A_376 = tpu.memref_slice %arg17[%dma_start3A_372] : memref<3x!tpu.dma_semaphore, #tpu.memory_space<semaphore_mem>> -> memref<1x!tpu.dma_semaphore, #tpu.memory_space<semaphore_mem>>
      %dma_start3A_377 = tpu.memref_squeeze %dma_start3A_376 : memref<1x!tpu.dma_semaphore, #tpu.memory_space<semaphore_mem>> -> memref<!tpu.dma_semaphore, #tpu.memory_space<semaphore_mem>>
      %dma_start3A_378 = arith.constant 0 : i32
      %dma_start3A_379 = tpu.memref_slice %arg7[%add3A_371, %dma_start3A_378] : memref<4096x16384xf32, #tpu.memory_space<hbm>> -> memref<1x16384xf32, #tpu.memory_space<hbm>>
      %dma_start3A_380 = tpu.memref_squeeze %dma_start3A_379 : memref<1x16384xf32, #tpu.memory_space<hbm>> -> memref<16384xf32, #tpu.memory_space<hbm>>
      tpu.enqueue_dma source(%arg14 : memref<16384xf32, #tpu.memory_space<vmem>>) target(%dma_start3A_380 : memref<16384xf32, #tpu.memory_space<hbm>>) target_semaphore(%dma_start3A_377 : memref<!tpu.dma_semaphore, #tpu.memory_space<semaphore_mem>>)
      %le3A_381 = arith.constant 125 : i32
      %le3A_382 = arith.cmpi sle, %add3A_346, %le3A_381 : i32
      %convert_element_type3A_383 = arith.extui %le3A_382 : i1 to i32
      %cond3A_384 = arith.constant 0 : i32
      %cond3A_385 = arith.cmpi ne, %convert_element_type3A_383, %cond3A_384 : i32
      scf.if %cond3A_385 {
        %add3A_429 = arith.constant 2 : i32
        %add3A_430 = arith.addi %add3A_346, %add3A_429 : i32
        %add3A_431 = arith.addi %mul3A_2, %add3A_430 : i32
        %dma_start3A_432 = arith.constant 0 : i32
        %dma_start3A_433 = arith.constant 0 : i32
        %dma_start3A_434 = tpu.memref_slice %arg2[%add3A_431, %dma_start3A_433] : memref<4096x16384xf32, #tpu.memory_space<hbm>> -> memref<1x16384xf32, #tpu.memory_space<hbm>>
        %dma_start3A_435 = tpu.memref_squeeze %dma_start3A_434 : memref<1x16384xf32, #tpu.memory_space<hbm>> -> memref<16384xf32, #tpu.memory_space<hbm>>
        %dma_start3A_436 = tpu.memref_slice %arg16[%dma_start3A_432] : memref<2x!tpu.dma_semaphore, #tpu.memory_space<semaphore_mem>> -> memref<1x!tpu.dma_semaphore, #tpu.memory_space<semaphore_mem>>
        %dma_start3A_437 = tpu.memref_squeeze %dma_start3A_436 : memref<1x!tpu.dma_semaphore, #tpu.memory_space<semaphore_mem>> -> memref<!tpu.dma_semaphore, #tpu.memory_space<semaphore_mem>>
        %dma_start3A_438 = arith.constant 0 : i32
        %dma_start3A_439 = tpu.memref_slice %arg2[%add3A_431, %dma_start3A_438] : memref<4096x16384xf32, #tpu.memory_space<hbm>> -> memref<1x16384xf32, #tpu.memory_space<hbm>>
        %dma_start3A_440 = tpu.memref_squeeze %dma_start3A_439 : memref<1x16384xf32, #tpu.memory_space<hbm>> -> memref<16384xf32, #tpu.memory_space<hbm>>
        tpu.enqueue_dma source(%dma_start3A_440 : memref<16384xf32, #tpu.memory_space<hbm>>) target(%arg11 : memref<16384xf32, #tpu.memory_space<vmem>>) target_semaphore(%dma_start3A_437 : memref<!tpu.dma_semaphore, #tpu.memory_space<semaphore_mem>>)
      } else {
      }
      %mul3A_386 = arith.constant 6 : i32
      %mul3A_387 = arith.muli %scan3A_172, %mul3A_386 : i32
      %add3A_388 = arith.constant 5 : i32
      %add3A_389 = arith.addi %mul3A_387, %add3A_388 : i32
      %ge3A_390 = arith.constant 2 : i32
      %ge3A_391 = arith.cmpi sge, %add3A_389, %ge3A_390 : i32
      %convert_element_type3A_392 = arith.extui %ge3A_391 : i1 to i32
      %cond3A_393 = arith.constant 0 : i32
      %cond3A_394 = arith.cmpi ne, %convert_element_type3A_392, %cond3A_393 : i32
      scf.if %cond3A_394 {
        %sub3A_429 = arith.constant 2 : i32
        %sub3A_430 = arith.subi %add3A_389, %sub3A_429 : i32
        %add3A_431 = arith.addi %mul3A_2, %sub3A_430 : i32
        %dma_wait3A_432 = arith.constant 0 : i32
        %dma_wait3A_433 = arith.constant 0 : i32
        %dma_wait3A_434 = tpu.memref_slice %arg7[%add3A_431, %dma_wait3A_433] : memref<4096x16384xf32, #tpu.memory_space<hbm>> -> memref<1x16384xf32, #tpu.memory_space<hbm>>
        %dma_wait3A_435 = tpu.memref_squeeze %dma_wait3A_434 : memref<1x16384xf32, #tpu.memory_space<hbm>> -> memref<16384xf32, #tpu.memory_space<hbm>>
        %dma_wait3A_436 = tpu.memref_slice %arg17[%dma_wait3A_432] : memref<3x!tpu.dma_semaphore, #tpu.memory_space<semaphore_mem>> -> memref<1x!tpu.dma_semaphore, #tpu.memory_space<semaphore_mem>>
        %dma_wait3A_437 = tpu.memref_squeeze %dma_wait3A_436 : memref<1x!tpu.dma_semaphore, #tpu.memory_space<semaphore_mem>> -> memref<!tpu.dma_semaphore, #tpu.memory_space<semaphore_mem>>
        %dma_wait3A_438 = arith.constant 0 : i32
        %dma_wait3A_439 = tpu.memref_slice %arg7[%add3A_431, %dma_wait3A_438] : memref<4096x16384xf32, #tpu.memory_space<hbm>> -> memref<1x16384xf32, #tpu.memory_space<hbm>>
        %dma_wait3A_440 = tpu.memref_squeeze %dma_wait3A_439 : memref<1x16384xf32, #tpu.memory_space<hbm>> -> memref<16384xf32, #tpu.memory_space<hbm>>
        tpu.wait_dma2 semaphore(%dma_wait3A_437 : memref<!tpu.dma_semaphore, #tpu.memory_space<semaphore_mem>>) src(%arg13 : memref<16384xf32, #tpu.memory_space<vmem>>) dst(%dma_wait3A_440 : memref<16384xf32, #tpu.memory_space<hbm>>)
      } else {
      }
      %add3A_395 = arith.addi %mul3A_2, %add3A_389 : i32
      %dma_wait3A_396 = arith.constant 1 : i32
      %dma_wait3A_397 = arith.constant 0 : i32
      %dma_wait3A_398 = tpu.memref_slice %arg2[%add3A_395, %dma_wait3A_397] : memref<4096x16384xf32, #tpu.memory_space<hbm>> -> memref<1x16384xf32, #tpu.memory_space<hbm>>
      %dma_wait3A_399 = tpu.memref_squeeze %dma_wait3A_398 : memref<1x16384xf32, #tpu.memory_space<hbm>> -> memref<16384xf32, #tpu.memory_space<hbm>>
      %dma_wait3A_400 = tpu.memref_slice %arg16[%dma_wait3A_396] : memref<2x!tpu.dma_semaphore, #tpu.memory_space<semaphore_mem>> -> memref<1x!tpu.dma_semaphore, #tpu.memory_space<semaphore_mem>>
      %dma_wait3A_401 = tpu.memref_squeeze %dma_wait3A_400 : memref<1x!tpu.dma_semaphore, #tpu.memory_space<semaphore_mem>> -> memref<!tpu.dma_semaphore, #tpu.memory_space<semaphore_mem>>
      %dma_wait3A_402 = arith.constant 0 : i32
      %dma_wait3A_403 = tpu.memref_slice %arg2[%add3A_395, %dma_wait3A_402] : memref<4096x16384xf32, #tpu.memory_space<hbm>> -> memref<1x16384xf32, #tpu.memory_space<hbm>>
      %dma_wait3A_404 = tpu.memref_squeeze %dma_wait3A_403 : memref<1x16384xf32, #tpu.memory_space<hbm>> -> memref<16384xf32, #tpu.memory_space<hbm>>
      tpu.wait_dma2 semaphore(%dma_wait3A_401 : memref<!tpu.dma_semaphore, #tpu.memory_space<semaphore_mem>>) src(%dma_wait3A_404 : memref<16384xf32, #tpu.memory_space<hbm>>) dst(%arg12 : memref<16384xf32, #tpu.memory_space<vmem>>)
      %parallel_loop3A_405 = arith.constant 0 : i32
      %parallel_loop3A_406 = arith.constant 776 : i32
      %parallel_loop3A_407 = arith.constant 1 : i32
      scf.for %parallel_loop3A_429 = %parallel_loop3A_405 to %parallel_loop3A_406 step %parallel_loop3A_407  : i32 {
        %parallel_loop3A_430 = arith.constant 16 : i32
        %parallel_loop3A_431 = arith.muli %parallel_loop3A_429, %parallel_loop3A_430 : i32
        %parallel_loop3A_432 = arith.constant 0.000000e+00 : f32
        %parallel_loop3A_433 = vector.broadcast %parallel_loop3A_432 : f32 to vector<16xf32>
        %parallel_loop3A_434 = arith.index_cast %parallel_loop3A_431 : i32 to index
        %parallel_loop3A_435 = tpu.vector_load %arg13[%parallel_loop3A_434] {strides = array<i32>} : memref<16384xf32, #tpu.memory_space<vmem>>, vector<16xf32>,
        tpu.vector_store %arg13[%parallel_loop3A_434], %parallel_loop3A_433 {strides = array<i32>} : memref<16384xf32, #tpu.memory_space<vmem>>, vector<16xf32>,
        %parallel_loop3A_436 = arith.index_cast %parallel_loop3A_431 : i32 to index
        %parallel_loop3A_437 = tpu.vector_load %arg8[%parallel_loop3A_436] {strides = array<i32>} : memref<12416xi32, #tpu.memory_space<vmem>>, vector<16xi32>,
        %parallel_loop3A_438 = arith.index_cast %parallel_loop3A_431 : i32 to index
        %parallel_loop3A_439 = tpu.vector_load %arg9[%parallel_loop3A_438] {strides = array<i32>} : memref<12416xf32, #tpu.memory_space<vmem>>, vector<16xf32>,
        %parallel_loop3A_440 = arith.constant 16383 : i32
        %parallel_loop3A_441 = vector.broadcast %parallel_loop3A_440 : i32 to vector<16xi32>
        %parallel_loop3A_442 = arith.andi %parallel_loop3A_437, %parallel_loop3A_441 : vector<16xi32>
        %parallel_loop3A_443 = arith.constant 14 : i32
        %parallel_loop3A_444 = vector.broadcast %parallel_loop3A_443 : i32 to vector<16xi32>
        %parallel_loop3A_445 = arith.shrui %parallel_loop3A_437, %parallel_loop3A_444 : vector<16xi32>
        %parallel_loop3A_446 = arith.constant 16383 : i32
        %parallel_loop3A_447 = vector.broadcast %parallel_loop3A_446 : i32 to vector<16xi32>
        %parallel_loop3A_448 = arith.andi %parallel_loop3A_445, %parallel_loop3A_447 : vector<16xi32>
        %parallel_loop3A_449 = arith.constant 28 : i32
        %parallel_loop3A_450 = vector.broadcast %parallel_loop3A_449 : i32 to vector<16xi32>
        %parallel_loop3A_451 = arith.shrui %parallel_loop3A_437, %parallel_loop3A_450 : vector<16xi32>
        %parallel_loop3A_452 = tpu.vector_load_idx %arg12[%parallel_loop3A_442] : memref<16384xf32, #tpu.memory_space<vmem>>[vector<16xi32>], vector<16xf32>,
        %parallel_loop3A_453 = arith.mulf %parallel_loop3A_439, %parallel_loop3A_452 : vector<16xf32>
        %parallel_loop3A_454 = arith.constant true
        %parallel_loop3A_455 = vector.broadcast %parallel_loop3A_454 : i1 to vector<16xi1>
        %parallel_loop3A_456 = tpu.scan <sum>, %parallel_loop3A_453 masked %parallel_loop3A_455 : vector<16xf32>, vector<16xi1> -> vector<16xf32>
        %parallel_loop3A_457 = arith.subf %parallel_loop3A_456, %parallel_loop3A_453 : vector<16xf32>
        %parallel_loop3A_458 = arith.constant 0 : i32
        %parallel_loop3A_459 = vector.broadcast %parallel_loop3A_458 : i32 to vector<16xi32>
        %parallel_loop3A_460 = arith.cmpi slt, %parallel_loop3A_451, %parallel_loop3A_459 : vector<16xi32>
        %parallel_loop3A_461 = arith.constant 16 : i32
        %parallel_loop3A_462 = vector.broadcast %parallel_loop3A_461 : i32 to vector<16xi32>
        %parallel_loop3A_463 = arith.addi %parallel_loop3A_451, %parallel_loop3A_462 : vector<16xi32>
        %parallel_loop3A_464 = arith.select %parallel_loop3A_460, %parallel_loop3A_463, %parallel_loop3A_451 : vector<16xi1>, vector<16xi32>
        %parallel_loop3A_465 = vector.shape_cast %parallel_loop3A_464 : vector<16xi32> to vector<16x1xi32>
        %parallel_loop3A_466 = vector.shape_cast %parallel_loop3A_465 : vector<16x1xi32> to vector<16xi32>
        %parallel_loop3A_467 = tpu.dynamic_gather %parallel_loop3A_457[%parallel_loop3A_466] in [0] : vector<16xf32>, vector<16xi32> -> vector<16xf32>
        %parallel_loop3A_468 = arith.subf %parallel_loop3A_456, %parallel_loop3A_467 : vector<16xf32>
        %parallel_loop3A_469 = arith.constant 0 : i32
        %parallel_loop3A_470 = vector.broadcast %parallel_loop3A_469 : i32 to vector<16xi32>
        %parallel_loop3A_471 = arith.cmpi slt, %min3A_11, %parallel_loop3A_470 : vector<16xi32>
        %parallel_loop3A_472 = arith.constant 16 : i32
        %parallel_loop3A_473 = vector.broadcast %parallel_loop3A_472 : i32 to vector<16xi32>
        %parallel_loop3A_474 = arith.addi %min3A_11, %parallel_loop3A_473 : vector<16xi32>
        %parallel_loop3A_475 = arith.select %parallel_loop3A_471, %parallel_loop3A_474, %min3A_11 : vector<16xi1>, vector<16xi32>
        %parallel_loop3A_476 = vector.shape_cast %parallel_loop3A_475 : vector<16xi32> to vector<16x1xi32>
        %parallel_loop3A_477 = vector.shape_cast %parallel_loop3A_476 : vector<16x1xi32> to vector<16xi32>
        %parallel_loop3A_478 = tpu.dynamic_gather %parallel_loop3A_451[%parallel_loop3A_477] in [0] : vector<16xi32>, vector<16xi32> -> vector<16xi32>
        %parallel_loop3A_479 = arith.cmpi eq, %parallel_loop3A_478, %add3A_9 : vector<16xi32>
        %parallel_loop3A_480 = arith.ori %parallel_loop3A_479, %eq3A_16 : vector<16xi1>
        tpu.vector_store_idx %arg15[%parallel_loop3A_448], %parallel_loop3A_468 masked %parallel_loop3A_480 {add = true} : memref<16384xf32, #tpu.memory_space<vmem>>[vector<16xi32>], vector<16xf32>, vector<16xi1>
      } {sc.loop_unroll_factor = 8 : i64, sc.parallel_access}
      %parallel_loop3A_408 = arith.constant 776 : i32
      %parallel_loop3A_409 = arith.constant 1024 : i32
      %parallel_loop3A_410 = arith.constant 1 : i32
      scf.for %parallel_loop3A_429 = %parallel_loop3A_408 to %parallel_loop3A_409 step %parallel_loop3A_410  : i32 {
        %parallel_loop3A_430 = arith.constant 16 : i32
        %parallel_loop3A_431 = arith.muli %parallel_loop3A_429, %parallel_loop3A_430 : i32
        %parallel_loop3A_432 = arith.constant 0.000000e+00 : f32
        %parallel_loop3A_433 = vector.broadcast %parallel_loop3A_432 : f32 to vector<16xf32>
        %parallel_loop3A_434 = arith.index_cast %parallel_loop3A_431 : i32 to index
        %parallel_loop3A_435 = tpu.vector_load %arg13[%parallel_loop3A_434] {strides = array<i32>} : memref<16384xf32, #tpu.memory_space<vmem>>, vector<16xf32>,
        tpu.vector_store %arg13[%parallel_loop3A_434], %parallel_loop3A_433 {strides = array<i32>} : memref<16384xf32, #tpu.memory_space<vmem>>, vector<16xf32>,
      } {sc.loop_unroll_factor = 8 : i64, sc.parallel_access}
      %convert_element_type3A_411 = arith.extui %reduce_or3A_36 : i1 to i32
      %cond3A_412 = arith.constant 0 : i32
      %cond3A_413 = arith.cmpi ne, %convert_element_type3A_411, %cond3A_412 : i32
      scf.if %cond3A_413 {
        %parallel_loop3A_429 = arith.constant 0 : i32
        %parallel_loop3A_430 = arith.constant 1024 : i32
        %parallel_loop3A_431 = arith.constant 1 : i32
        scf.for %parallel_loop3A_432 = %parallel_loop3A_429 to %parallel_loop3A_430 step %parallel_loop3A_431  : i32 {
          %parallel_loop3A_433 = arith.constant 16 : i32
          %parallel_loop3A_434 = arith.muli %parallel_loop3A_432, %parallel_loop3A_433 : i32
          %parallel_loop3A_435 = arith.index_cast %parallel_loop3A_434 : i32 to index
          %parallel_loop3A_436 = tpu.vector_load %arg13[%parallel_loop3A_435] {strides = array<i32>} : memref<16384xf32, #tpu.memory_space<vmem>>, vector<16xf32>,
          %parallel_loop3A_437 = arith.index_cast %parallel_loop3A_434 : i32 to index
          %parallel_loop3A_438 = tpu.vector_load %arg10[%parallel_loop3A_437] {strides = array<i32>} : memref<16384xf32, #tpu.memory_space<vmem>>, vector<16xf32>,
          %parallel_loop3A_439 = arith.addf %parallel_loop3A_436, %parallel_loop3A_438 : vector<16xf32>
          %parallel_loop3A_440 = arith.index_cast %parallel_loop3A_434 : i32 to index
          %parallel_loop3A_441 = tpu.vector_load %arg13[%parallel_loop3A_440] {strides = array<i32>} : memref<16384xf32, #tpu.memory_space<vmem>>, vector<16xf32>,
          tpu.vector_store %arg13[%parallel_loop3A_440], %parallel_loop3A_439 {strides = array<i32>} : memref<16384xf32, #tpu.memory_space<vmem>>, vector<16xf32>,
        } {sc.loop_unroll_factor = 8 : i64, sc.parallel_access}
      } else {
      }
      %add3A_414 = arith.addi %mul3A_2, %add3A_389 : i32
      %dma_start3A_415 = arith.constant 2 : i32
      %dma_start3A_416 = arith.constant 0 : i32
      %dma_start3A_417 = tpu.memref_slice %arg7[%add3A_414, %dma_start3A_416] : memref<4096x16384xf32, #tpu.memory_space<hbm>> -> memref<1x16384xf32, #tpu.memory_space<hbm>>
      %dma_start3A_418 = tpu.memref_squeeze %dma_start3A_417 : memref<1x16384xf32, #tpu.memory_space<hbm>> -> memref<16384xf32, #tpu.memory_space<hbm>>
      %dma_start3A_419 = tpu.memref_slice %arg17[%dma_start3A_415] : memref<3x!tpu.dma_semaphore, #tpu.memory_space<semaphore_mem>> -> memref<1x!tpu.dma_semaphore, #tpu.memory_space<semaphore_mem>>
      %dma_start3A_420 = tpu.memref_squeeze %dma_start3A_419 : memref<1x!tpu.dma_semaphore, #tpu.memory_space<semaphore_mem>> -> memref<!tpu.dma_semaphore, #tpu.memory_space<semaphore_mem>>
      %dma_start3A_421 = arith.constant 0 : i32
      %dma_start3A_422 = tpu.memref_slice %arg7[%add3A_414, %dma_start3A_421] : memref<4096x16384xf32, #tpu.memory_space<hbm>> -> memref<1x16384xf32, #tpu.memory_space<hbm>>
      %dma_start3A_423 = tpu.memref_squeeze %dma_start3A_422 : memref<1x16384xf32, #tpu.memory_space<hbm>> -> memref<16384xf32, #tpu.memory_space<hbm>>
      tpu.enqueue_dma source(%arg15 : memref<16384xf32, #tpu.memory_space<vmem>>) target(%dma_start3A_423 : memref<16384xf32, #tpu.memory_space<hbm>>) target_semaphore(%dma_start3A_420 : memref<!tpu.dma_semaphore, #tpu.memory_space<semaphore_mem>>)
      %le3A_424 = arith.constant 125 : i32
      %le3A_425 = arith.cmpi sle, %add3A_389, %le3A_424 : i32
      %convert_element_type3A_426 = arith.extui %le3A_425 : i1 to i32
      %cond3A_427 = arith.constant 0 : i32
      %cond3A_428 = arith.cmpi ne, %convert_element_type3A_426, %cond3A_427 : i32
      scf.if %cond3A_428 {
        %add3A_429 = arith.constant 2 : i32
        %add3A_430 = arith.addi %add3A_389, %add3A_429 : i32
        %add3A_431 = arith.addi %mul3A_2, %add3A_430 : i32
        %dma_start3A_432 = arith.constant 1 : i32
        %dma_start3A_433 = arith.constant 0 : i32
        %dma_start3A_434 = tpu.memref_slice %arg2[%add3A_431, %dma_start3A_433] : memref<4096x16384xf32, #tpu.memory_space<hbm>> -> memref<1x16384xf32, #tpu.memory_space<hbm>>
        %dma_start3A_435 = tpu.memref_squeeze %dma_start3A_434 : memref<1x16384xf32, #tpu.memory_space<hbm>> -> memref<16384xf32, #tpu.memory_space<hbm>>
        %dma_start3A_436 = tpu.memref_slice %arg16[%dma_start3A_432] : memref<2x!tpu.dma_semaphore, #tpu.memory_space<semaphore_mem>> -> memref<1x!tpu.dma_semaphore, #tpu.memory_space<semaphore_mem>>
        %dma_start3A_437 = tpu.memref_squeeze %dma_start3A_436 : memref<1x!tpu.dma_semaphore, #tpu.memory_space<semaphore_mem>> -> memref<!tpu.dma_semaphore, #tpu.memory_space<semaphore_mem>>
        %dma_start3A_438 = arith.constant 0 : i32
        %dma_start3A_439 = tpu.memref_slice %arg2[%add3A_431, %dma_start3A_438] : memref<4096x16384xf32, #tpu.memory_space<hbm>> -> memref<1x16384xf32, #tpu.memory_space<hbm>>
        %dma_start3A_440 = tpu.memref_squeeze %dma_start3A_439 : memref<1x16384xf32, #tpu.memory_space<hbm>> -> memref<16384xf32, #tpu.memory_space<hbm>>
        tpu.enqueue_dma source(%dma_start3A_440 : memref<16384xf32, #tpu.memory_space<hbm>>) target(%arg12 : memref<16384xf32, #tpu.memory_space<vmem>>) target_semaphore(%dma_start3A_437 : memref<!tpu.dma_semaphore, #tpu.memory_space<semaphore_mem>>)
      } else {
      }
    }
    %scan3A_66 = arith.constant 21 : i32
    %add3A_67 = arith.constant 124 : i32
    %add3A_68 = arith.addi %mul3A_2, %add3A_67 : i32
    %dma_wait3A = arith.constant 1 : i32
    %dma_wait3A_69 = arith.constant 0 : i32
    %dma_wait3A_70 = tpu.memref_slice %arg7[%add3A_68, %dma_wait3A_69] : memref<4096x16384xf32, #tpu.memory_space<hbm>> -> memref<1x16384xf32, #tpu.memory_space<hbm>>
    %dma_wait3A_71 = tpu.memref_squeeze %dma_wait3A_70 : memref<1x16384xf32, #tpu.memory_space<hbm>> -> memref<16384xf32, #tpu.memory_space<hbm>>
    %dma_wait3A_72 = tpu.memref_slice %arg17[%dma_wait3A] : memref<3x!tpu.dma_semaphore, #tpu.memory_space<semaphore_mem>> -> memref<1x!tpu.dma_semaphore, #tpu.memory_space<semaphore_mem>>
    %dma_wait3A_73 = tpu.memref_squeeze %dma_wait3A_72 : memref<1x!tpu.dma_semaphore, #tpu.memory_space<semaphore_mem>> -> memref<!tpu.dma_semaphore, #tpu.memory_space<semaphore_mem>>
    %dma_wait3A_74 = arith.constant 0 : i32
    %dma_wait3A_75 = tpu.memref_slice %arg7[%add3A_68, %dma_wait3A_74] : memref<4096x16384xf32, #tpu.memory_space<hbm>> -> memref<1x16384xf32, #tpu.memory_space<hbm>>
    %dma_wait3A_76 = tpu.memref_squeeze %dma_wait3A_75 : memref<1x16384xf32, #tpu.memory_space<hbm>> -> memref<16384xf32, #tpu.memory_space<hbm>>
    tpu.wait_dma2 semaphore(%dma_wait3A_73 : memref<!tpu.dma_semaphore, #tpu.memory_space<semaphore_mem>>) src(%arg14 : memref<16384xf32, #tpu.memory_space<vmem>>) dst(%dma_wait3A_76 : memref<16384xf32, #tpu.memory_space<hbm>>)
    %add3A_77 = arith.constant 126 : i32
    %add3A_78 = arith.addi %mul3A_2, %add3A_77 : i32
    %dma_wait3A_79 = arith.constant 0 : i32
    %dma_wait3A_80 = arith.constant 0 : i32
    %dma_wait3A_81 = tpu.memref_slice %arg2[%add3A_78, %dma_wait3A_80] : memref<4096x16384xf32, #tpu.memory_space<hbm>> -> memref<1x16384xf32, #tpu.memory_space<hbm>>
    %dma_wait3A_82 = tpu.memref_squeeze %dma_wait3A_81 : memref<1x16384xf32, #tpu.memory_space<hbm>> -> memref<16384xf32, #tpu.memory_space<hbm>>
    %dma_wait3A_83 = tpu.memref_slice %arg16[%dma_wait3A_79] : memref<2x!tpu.dma_semaphore, #tpu.memory_space<semaphore_mem>> -> memref<1x!tpu.dma_semaphore, #tpu.memory_space<semaphore_mem>>
    %dma_wait3A_84 = tpu.memref_squeeze %dma_wait3A_83 : memref<1x!tpu.dma_semaphore, #tpu.memory_space<semaphore_mem>> -> memref<!tpu.dma_semaphore, #tpu.memory_space<semaphore_mem>>
    %dma_wait3A_85 = arith.constant 0 : i32
    %dma_wait3A_86 = tpu.memref_slice %arg2[%add3A_78, %dma_wait3A_85] : memref<4096x16384xf32, #tpu.memory_space<hbm>> -> memref<1x16384xf32, #tpu.memory_space<hbm>>
    %dma_wait3A_87 = tpu.memref_squeeze %dma_wait3A_86 : memref<1x16384xf32, #tpu.memory_space<hbm>> -> memref<16384xf32, #tpu.memory_space<hbm>>
    tpu.wait_dma2 semaphore(%dma_wait3A_84 : memref<!tpu.dma_semaphore, #tpu.memory_space<semaphore_mem>>) src(%dma_wait3A_87 : memref<16384xf32, #tpu.memory_space<hbm>>) dst(%arg11 : memref<16384xf32, #tpu.memory_space<vmem>>)
    %parallel_loop3A_88 = arith.constant 0 : i32
    %parallel_loop3A_89 = arith.constant 776 : i32
    %parallel_loop3A_90 = arith.constant 1 : i32
    scf.for %parallel_loop3A_172 = %parallel_loop3A_88 to %parallel_loop3A_89 step %parallel_loop3A_90  : i32 {
      %parallel_loop3A_173 = arith.constant 16 : i32
      %parallel_loop3A_174 = arith.muli %parallel_loop3A_172, %parallel_loop3A_173 : i32
      %parallel_loop3A_175 = arith.constant 0.000000e+00 : f32
      %parallel_loop3A_176 = vector.broadcast %parallel_loop3A_175 : f32 to vector<16xf32>
      %parallel_loop3A_177 = arith.index_cast %parallel_loop3A_174 : i32 to index
      %parallel_loop3A_178 = tpu.vector_load %arg14[%parallel_loop3A_177] {strides = array<i32>} : memref<16384xf32, #tpu.memory_space<vmem>>, vector<16xf32>,
      tpu.vector_store %arg14[%parallel_loop3A_177], %parallel_loop3A_176 {strides = array<i32>} : memref<16384xf32, #tpu.memory_space<vmem>>, vector<16xf32>,
      %parallel_loop3A_179 = arith.index_cast %parallel_loop3A_174 : i32 to index
      %parallel_loop3A_180 = tpu.vector_load %arg8[%parallel_loop3A_179] {strides = array<i32>} : memref<12416xi32, #tpu.memory_space<vmem>>, vector<16xi32>,
      %parallel_loop3A_181 = arith.index_cast %parallel_loop3A_174 : i32 to index
      %parallel_loop3A_182 = tpu.vector_load %arg9[%parallel_loop3A_181] {strides = array<i32>} : memref<12416xf32, #tpu.memory_space<vmem>>, vector<16xf32>,
      %parallel_loop3A_183 = arith.constant 16383 : i32
      %parallel_loop3A_184 = vector.broadcast %parallel_loop3A_183 : i32 to vector<16xi32>
      %parallel_loop3A_185 = arith.andi %parallel_loop3A_180, %parallel_loop3A_184 : vector<16xi32>
      %parallel_loop3A_186 = arith.constant 14 : i32
      %parallel_loop3A_187 = vector.broadcast %parallel_loop3A_186 : i32 to vector<16xi32>
      %parallel_loop3A_188 = arith.shrui %parallel_loop3A_180, %parallel_loop3A_187 : vector<16xi32>
      %parallel_loop3A_189 = arith.constant 16383 : i32
      %parallel_loop3A_190 = vector.broadcast %parallel_loop3A_189 : i32 to vector<16xi32>
      %parallel_loop3A_191 = arith.andi %parallel_loop3A_188, %parallel_loop3A_190 : vector<16xi32>
      %parallel_loop3A_192 = arith.constant 28 : i32
      %parallel_loop3A_193 = vector.broadcast %parallel_loop3A_192 : i32 to vector<16xi32>
      %parallel_loop3A_194 = arith.shrui %parallel_loop3A_180, %parallel_loop3A_193 : vector<16xi32>
      %parallel_loop3A_195 = tpu.vector_load_idx %arg11[%parallel_loop3A_185] : memref<16384xf32, #tpu.memory_space<vmem>>[vector<16xi32>], vector<16xf32>,
      %parallel_loop3A_196 = arith.mulf %parallel_loop3A_182, %parallel_loop3A_195 : vector<16xf32>
      %parallel_loop3A_197 = arith.constant true
      %parallel_loop3A_198 = vector.broadcast %parallel_loop3A_197 : i1 to vector<16xi1>
      %parallel_loop3A_199 = tpu.scan <sum>, %parallel_loop3A_196 masked %parallel_loop3A_198 : vector<16xf32>, vector<16xi1> -> vector<16xf32>
      %parallel_loop3A_200 = arith.subf %parallel_loop3A_199, %parallel_loop3A_196 : vector<16xf32>
      %parallel_loop3A_201 = arith.constant 0 : i32
      %parallel_loop3A_202 = vector.broadcast %parallel_loop3A_201 : i32 to vector<16xi32>
      %parallel_loop3A_203 = arith.cmpi slt, %parallel_loop3A_194, %parallel_loop3A_202 : vector<16xi32>
      %parallel_loop3A_204 = arith.constant 16 : i32
      %parallel_loop3A_205 = vector.broadcast %parallel_loop3A_204 : i32 to vector<16xi32>
      %parallel_loop3A_206 = arith.addi %parallel_loop3A_194, %parallel_loop3A_205 : vector<16xi32>
      %parallel_loop3A_207 = arith.select %parallel_loop3A_203, %parallel_loop3A_206, %parallel_loop3A_194 : vector<16xi1>, vector<16xi32>
      %parallel_loop3A_208 = vector.shape_cast %parallel_loop3A_207 : vector<16xi32> to vector<16x1xi32>
      %parallel_loop3A_209 = vector.shape_cast %parallel_loop3A_208 : vector<16x1xi32> to vector<16xi32>
      %parallel_loop3A_210 = tpu.dynamic_gather %parallel_loop3A_200[%parallel_loop3A_209] in [0] : vector<16xf32>, vector<16xi32> -> vector<16xf32>
      %parallel_loop3A_211 = arith.subf %parallel_loop3A_199, %parallel_loop3A_210 : vector<16xf32>
      %parallel_loop3A_212 = arith.constant 0 : i32
      %parallel_loop3A_213 = vector.broadcast %parallel_loop3A_212 : i32 to vector<16xi32>
      %parallel_loop3A_214 = arith.cmpi slt, %min3A_11, %parallel_loop3A_213 : vector<16xi32>
      %parallel_loop3A_215 = arith.constant 16 : i32
      %parallel_loop3A_216 = vector.broadcast %parallel_loop3A_215 : i32 to vector<16xi32>
      %parallel_loop3A_217 = arith.addi %min3A_11, %parallel_loop3A_216 : vector<16xi32>
      %parallel_loop3A_218 = arith.select %parallel_loop3A_214, %parallel_loop3A_217, %min3A_11 : vector<16xi1>, vector<16xi32>
      %parallel_loop3A_219 = vector.shape_cast %parallel_loop3A_218 : vector<16xi32> to vector<16x1xi32>
      %parallel_loop3A_220 = vector.shape_cast %parallel_loop3A_219 : vector<16x1xi32> to vector<16xi32>
      %parallel_loop3A_221 = tpu.dynamic_gather %parallel_loop3A_194[%parallel_loop3A_220] in [0] : vector<16xi32>, vector<16xi32> -> vector<16xi32>
      %parallel_loop3A_222 = arith.cmpi eq, %parallel_loop3A_221, %add3A_9 : vector<16xi32>
      %parallel_loop3A_223 = arith.ori %parallel_loop3A_222, %eq3A_16 : vector<16xi1>
      tpu.vector_store_idx %arg13[%parallel_loop3A_191], %parallel_loop3A_211 masked %parallel_loop3A_223 {add = true} : memref<16384xf32, #tpu.memory_space<vmem>>[vector<16xi32>], vector<16xf32>, vector<16xi1>
    } {sc.loop_unroll_factor = 8 : i64, sc.parallel_access}
    %parallel_loop3A_91 = arith.constant 776 : i32
    %parallel_loop3A_92 = arith.constant 1024 : i32
    %parallel_loop3A_93 = arith.constant 1 : i32
    scf.for %parallel_loop3A_172 = %parallel_loop3A_91 to %parallel_loop3A_92 step %parallel_loop3A_93  : i32 {
      %parallel_loop3A_173 = arith.constant 16 : i32
      %parallel_loop3A_174 = arith.muli %parallel_loop3A_172, %parallel_loop3A_173 : i32
      %parallel_loop3A_175 = arith.constant 0.000000e+00 : f32
      %parallel_loop3A_176 = vector.broadcast %parallel_loop3A_175 : f32 to vector<16xf32>
      %parallel_loop3A_177 = arith.index_cast %parallel_loop3A_174 : i32 to index
      %parallel_loop3A_178 = tpu.vector_load %arg14[%parallel_loop3A_177] {strides = array<i32>} : memref<16384xf32, #tpu.memory_space<vmem>>, vector<16xf32>,
      tpu.vector_store %arg14[%parallel_loop3A_177], %parallel_loop3A_176 {strides = array<i32>} : memref<16384xf32, #tpu.memory_space<vmem>>, vector<16xf32>,
    } {sc.loop_unroll_factor = 8 : i64, sc.parallel_access}
    %convert_element_type3A_94 = arith.extui %reduce_or3A_36 : i1 to i32
    %cond3A_95 = arith.constant 0 : i32
    %cond3A_96 = arith.cmpi ne, %convert_element_type3A_94, %cond3A_95 : i32
    scf.if %cond3A_96 {
      %parallel_loop3A_172 = arith.constant 0 : i32
      %parallel_loop3A_173 = arith.constant 1024 : i32
      %parallel_loop3A_174 = arith.constant 1 : i32
      scf.for %parallel_loop3A_175 = %parallel_loop3A_172 to %parallel_loop3A_173 step %parallel_loop3A_174  : i32 {
        %parallel_loop3A_176 = arith.constant 16 : i32
        %parallel_loop3A_177 = arith.muli %parallel_loop3A_175, %parallel_loop3A_176 : i32
        %parallel_loop3A_178 = arith.index_cast %parallel_loop3A_177 : i32 to index
        %parallel_loop3A_179 = tpu.vector_load %arg14[%parallel_loop3A_178] {strides = array<i32>} : memref<16384xf32, #tpu.memory_space<vmem>>, vector<16xf32>,
        %parallel_loop3A_180 = arith.index_cast %parallel_loop3A_177 : i32 to index
        %parallel_loop3A_181 = tpu.vector_load %arg10[%parallel_loop3A_180] {strides = array<i32>} : memref<16384xf32, #tpu.memory_space<vmem>>, vector<16xf32>,
        %parallel_loop3A_182 = arith.addf %parallel_loop3A_179, %parallel_loop3A_181 : vector<16xf32>
        %parallel_loop3A_183 = arith.index_cast %parallel_loop3A_177 : i32 to index
        %parallel_loop3A_184 = tpu.vector_load %arg14[%parallel_loop3A_183] {strides = array<i32>} : memref<16384xf32, #tpu.memory_space<vmem>>, vector<16xf32>,
        tpu.vector_store %arg14[%parallel_loop3A_183], %parallel_loop3A_182 {strides = array<i32>} : memref<16384xf32, #tpu.memory_space<vmem>>, vector<16xf32>,
      } {sc.loop_unroll_factor = 8 : i64, sc.parallel_access}
    } else {
    }
    %add3A_97 = arith.constant 126 : i32
    %add3A_98 = arith.addi %mul3A_2, %add3A_97 : i32
    %dma_start3A_99 = arith.constant 0 : i32
    %dma_start3A_100 = arith.constant 0 : i32
    %dma_start3A_101 = tpu.memref_slice %arg7[%add3A_98, %dma_start3A_100] : memref<4096x16384xf32, #tpu.memory_space<hbm>> -> memref<1x16384xf32, #tpu.memory_space<hbm>>
    %dma_start3A_102 = tpu.memref_squeeze %dma_start3A_101 : memref<1x16384xf32, #tpu.memory_space<hbm>> -> memref<16384xf32, #tpu.memory_space<hbm>>
    %dma_start3A_103 = tpu.memref_slice %arg17[%dma_start3A_99] : memref<3x!tpu.dma_semaphore, #tpu.memory_space<semaphore_mem>> -> memref<1x!tpu.dma_semaphore, #tpu.memory_space<semaphore_mem>>
    %dma_start3A_104 = tpu.memref_squeeze %dma_start3A_103 : memref<1x!tpu.dma_semaphore, #tpu.memory_space<semaphore_mem>> -> memref<!tpu.dma_semaphore, #tpu.memory_space<semaphore_mem>>
    %dma_start3A_105 = arith.constant 0 : i32
    %dma_start3A_106 = tpu.memref_slice %arg7[%add3A_98, %dma_start3A_105] : memref<4096x16384xf32, #tpu.memory_space<hbm>> -> memref<1x16384xf32, #tpu.memory_space<hbm>>
    %dma_start3A_107 = tpu.memref_squeeze %dma_start3A_106 : memref<1x16384xf32, #tpu.memory_space<hbm>> -> memref<16384xf32, #tpu.memory_space<hbm>>
    tpu.enqueue_dma source(%arg13 : memref<16384xf32, #tpu.memory_space<vmem>>) target(%dma_start3A_107 : memref<16384xf32, #tpu.memory_space<hbm>>) target_semaphore(%dma_start3A_104 : memref<!tpu.dma_semaphore, #tpu.memory_space<semaphore_mem>>)
    %add3A_108 = arith.constant 125 : i32
    %add3A_109 = arith.addi %mul3A_2, %add3A_108 : i32
    %dma_wait3A_110 = arith.constant 2 : i32
    %dma_wait3A_111 = arith.constant 0 : i32
    %dma_wait3A_112 = tpu.memref_slice %arg7[%add3A_109, %dma_wait3A_111] : memref<4096x16384xf32, #tpu.memory_space<hbm>> -> memref<1x16384xf32, #tpu.memory_space<hbm>>
    %dma_wait3A_113 = tpu.memref_squeeze %dma_wait3A_112 : memref<1x16384xf32, #tpu.memory_space<hbm>> -> memref<16384xf32, #tpu.memory_space<hbm>>
    %dma_wait3A_114 = tpu.memref_slice %arg17[%dma_wait3A_110] : memref<3x!tpu.dma_semaphore, #tpu.memory_space<semaphore_mem>> -> memref<1x!tpu.dma_semaphore, #tpu.memory_space<semaphore_mem>>
    %dma_wait3A_115 = tpu.memref_squeeze %dma_wait3A_114 : memref<1x!tpu.dma_semaphore, #tpu.memory_space<semaphore_mem>> -> memref<!tpu.dma_semaphore, #tpu.memory_space<semaphore_mem>>
    %dma_wait3A_116 = arith.constant 0 : i32
    %dma_wait3A_117 = tpu.memref_slice %arg7[%add3A_109, %dma_wait3A_116] : memref<4096x16384xf32, #tpu.memory_space<hbm>> -> memref<1x16384xf32, #tpu.memory_space<hbm>>
    %dma_wait3A_118 = tpu.memref_squeeze %dma_wait3A_117 : memref<1x16384xf32, #tpu.memory_space<hbm>> -> memref<16384xf32, #tpu.memory_space<hbm>>
    tpu.wait_dma2 semaphore(%dma_wait3A_115 : memref<!tpu.dma_semaphore, #tpu.memory_space<semaphore_mem>>) src(%arg15 : memref<16384xf32, #tpu.memory_space<vmem>>) dst(%dma_wait3A_118 : memref<16384xf32, #tpu.memory_space<hbm>>)
    %add3A_119 = arith.constant 127 : i32
    %add3A_120 = arith.addi %mul3A_2, %add3A_119 : i32
    %dma_wait3A_121 = arith.constant 1 : i32
    %dma_wait3A_122 = arith.constant 0 : i32
    %dma_wait3A_123 = tpu.memref_slice %arg2[%add3A_120, %dma_wait3A_122] : memref<4096x16384xf32, #tpu.memory_space<hbm>> -> memref<1x16384xf32, #tpu.memory_space<hbm>>
    %dma_wait3A_124 = tpu.memref_squeeze %dma_wait3A_123 : memref<1x16384xf32, #tpu.memory_space<hbm>> -> memref<16384xf32, #tpu.memory_space<hbm>>
    %dma_wait3A_125 = tpu.memref_slice %arg16[%dma_wait3A_121] : memref<2x!tpu.dma_semaphore, #tpu.memory_space<semaphore_mem>> -> memref<1x!tpu.dma_semaphore, #tpu.memory_space<semaphore_mem>>
    %dma_wait3A_126 = tpu.memref_squeeze %dma_wait3A_125 : memref<1x!tpu.dma_semaphore, #tpu.memory_space<semaphore_mem>> -> memref<!tpu.dma_semaphore, #tpu.memory_space<semaphore_mem>>
    %dma_wait3A_127 = arith.constant 0 : i32
    %dma_wait3A_128 = tpu.memref_slice %arg2[%add3A_120, %dma_wait3A_127] : memref<4096x16384xf32, #tpu.memory_space<hbm>> -> memref<1x16384xf32, #tpu.memory_space<hbm>>
    %dma_wait3A_129 = tpu.memref_squeeze %dma_wait3A_128 : memref<1x16384xf32, #tpu.memory_space<hbm>> -> memref<16384xf32, #tpu.memory_space<hbm>>
    tpu.wait_dma2 semaphore(%dma_wait3A_126 : memref<!tpu.dma_semaphore, #tpu.memory_space<semaphore_mem>>) src(%dma_wait3A_129 : memref<16384xf32, #tpu.memory_space<hbm>>) dst(%arg12 : memref<16384xf32, #tpu.memory_space<vmem>>)
    %parallel_loop3A_130 = arith.constant 0 : i32
    %parallel_loop3A_131 = arith.constant 776 : i32
    %parallel_loop3A_132 = arith.constant 1 : i32
    scf.for %parallel_loop3A_172 = %parallel_loop3A_130 to %parallel_loop3A_131 step %parallel_loop3A_132  : i32 {
      %parallel_loop3A_173 = arith.constant 16 : i32
      %parallel_loop3A_174 = arith.muli %parallel_loop3A_172, %parallel_loop3A_173 : i32
      %parallel_loop3A_175 = arith.constant 0.000000e+00 : f32
      %parallel_loop3A_176 = vector.broadcast %parallel_loop3A_175 : f32 to vector<16xf32>
      %parallel_loop3A_177 = arith.index_cast %parallel_loop3A_174 : i32 to index
      %parallel_loop3A_178 = tpu.vector_load %arg15[%parallel_loop3A_177] {strides = array<i32>} : memref<16384xf32, #tpu.memory_space<vmem>>, vector<16xf32>,
      tpu.vector_store %arg15[%parallel_loop3A_177], %parallel_loop3A_176 {strides = array<i32>} : memref<16384xf32, #tpu.memory_space<vmem>>, vector<16xf32>,
      %parallel_loop3A_179 = arith.index_cast %parallel_loop3A_174 : i32 to index
      %parallel_loop3A_180 = tpu.vector_load %arg8[%parallel_loop3A_179] {strides = array<i32>} : memref<12416xi32, #tpu.memory_space<vmem>>, vector<16xi32>,
      %parallel_loop3A_181 = arith.index_cast %parallel_loop3A_174 : i32 to index
      %parallel_loop3A_182 = tpu.vector_load %arg9[%parallel_loop3A_181] {strides = array<i32>} : memref<12416xf32, #tpu.memory_space<vmem>>, vector<16xf32>,
      %parallel_loop3A_183 = arith.constant 16383 : i32
      %parallel_loop3A_184 = vector.broadcast %parallel_loop3A_183 : i32 to vector<16xi32>
      %parallel_loop3A_185 = arith.andi %parallel_loop3A_180, %parallel_loop3A_184 : vector<16xi32>
      %parallel_loop3A_186 = arith.constant 14 : i32
      %parallel_loop3A_187 = vector.broadcast %parallel_loop3A_186 : i32 to vector<16xi32>
      %parallel_loop3A_188 = arith.shrui %parallel_loop3A_180, %parallel_loop3A_187 : vector<16xi32>
      %parallel_loop3A_189 = arith.constant 16383 : i32
      %parallel_loop3A_190 = vector.broadcast %parallel_loop3A_189 : i32 to vector<16xi32>
      %parallel_loop3A_191 = arith.andi %parallel_loop3A_188, %parallel_loop3A_190 : vector<16xi32>
      %parallel_loop3A_192 = arith.constant 28 : i32
      %parallel_loop3A_193 = vector.broadcast %parallel_loop3A_192 : i32 to vector<16xi32>
      %parallel_loop3A_194 = arith.shrui %parallel_loop3A_180, %parallel_loop3A_193 : vector<16xi32>
      %parallel_loop3A_195 = tpu.vector_load_idx %arg12[%parallel_loop3A_185] : memref<16384xf32, #tpu.memory_space<vmem>>[vector<16xi32>], vector<16xf32>,
      %parallel_loop3A_196 = arith.mulf %parallel_loop3A_182, %parallel_loop3A_195 : vector<16xf32>
      %parallel_loop3A_197 = arith.constant true
      %parallel_loop3A_198 = vector.broadcast %parallel_loop3A_197 : i1 to vector<16xi1>
      %parallel_loop3A_199 = tpu.scan <sum>, %parallel_loop3A_196 masked %parallel_loop3A_198 : vector<16xf32>, vector<16xi1> -> vector<16xf32>
      %parallel_loop3A_200 = arith.subf %parallel_loop3A_199, %parallel_loop3A_196 : vector<16xf32>
      %parallel_loop3A_201 = arith.constant 0 : i32
      %parallel_loop3A_202 = vector.broadcast %parallel_loop3A_201 : i32 to vector<16xi32>
      %parallel_loop3A_203 = arith.cmpi slt, %parallel_loop3A_194, %parallel_loop3A_202 : vector<16xi32>
      %parallel_loop3A_204 = arith.constant 16 : i32
      %parallel_loop3A_205 = vector.broadcast %parallel_loop3A_204 : i32 to vector<16xi32>
      %parallel_loop3A_206 = arith.addi %parallel_loop3A_194, %parallel_loop3A_205 : vector<16xi32>
      %parallel_loop3A_207 = arith.select %parallel_loop3A_203, %parallel_loop3A_206, %parallel_loop3A_194 : vector<16xi1>, vector<16xi32>
      %parallel_loop3A_208 = vector.shape_cast %parallel_loop3A_207 : vector<16xi32> to vector<16x1xi32>
      %parallel_loop3A_209 = vector.shape_cast %parallel_loop3A_208 : vector<16x1xi32> to vector<16xi32>
      %parallel_loop3A_210 = tpu.dynamic_gather %parallel_loop3A_200[%parallel_loop3A_209] in [0] : vector<16xf32>, vector<16xi32> -> vector<16xf32>
      %parallel_loop3A_211 = arith.subf %parallel_loop3A_199, %parallel_loop3A_210 : vector<16xf32>
      %parallel_loop3A_212 = arith.constant 0 : i32
      %parallel_loop3A_213 = vector.broadcast %parallel_loop3A_212 : i32 to vector<16xi32>
      %parallel_loop3A_214 = arith.cmpi slt, %min3A_11, %parallel_loop3A_213 : vector<16xi32>
      %parallel_loop3A_215 = arith.constant 16 : i32
      %parallel_loop3A_216 = vector.broadcast %parallel_loop3A_215 : i32 to vector<16xi32>
      %parallel_loop3A_217 = arith.addi %min3A_11, %parallel_loop3A_216 : vector<16xi32>
      %parallel_loop3A_218 = arith.select %parallel_loop3A_214, %parallel_loop3A_217, %min3A_11 : vector<16xi1>, vector<16xi32>
      %parallel_loop3A_219 = vector.shape_cast %parallel_loop3A_218 : vector<16xi32> to vector<16x1xi32>
      %parallel_loop3A_220 = vector.shape_cast %parallel_loop3A_219 : vector<16x1xi32> to vector<16xi32>
      %parallel_loop3A_221 = tpu.dynamic_gather %parallel_loop3A_194[%parallel_loop3A_220] in [0] : vector<16xi32>, vector<16xi32> -> vector<16xi32>
      %parallel_loop3A_222 = arith.cmpi eq, %parallel_loop3A_221, %add3A_9 : vector<16xi32>
      %parallel_loop3A_223 = arith.ori %parallel_loop3A_222, %eq3A_16 : vector<16xi1>
      tpu.vector_store_idx %arg14[%parallel_loop3A_191], %parallel_loop3A_211 masked %parallel_loop3A_223 {add = true} : memref<16384xf32, #tpu.memory_space<vmem>>[vector<16xi32>], vector<16xf32>, vector<16xi1>
    } {sc.loop_unroll_factor = 8 : i64, sc.parallel_access}
    %parallel_loop3A_133 = arith.constant 776 : i32
    %parallel_loop3A_134 = arith.constant 1024 : i32
    %parallel_loop3A_135 = arith.constant 1 : i32
    scf.for %parallel_loop3A_172 = %parallel_loop3A_133 to %parallel_loop3A_134 step %parallel_loop3A_135  : i32 {
      %parallel_loop3A_173 = arith.constant 16 : i32
      %parallel_loop3A_174 = arith.muli %parallel_loop3A_172, %parallel_loop3A_173 : i32
      %parallel_loop3A_175 = arith.constant 0.000000e+00 : f32
      %parallel_loop3A_176 = vector.broadcast %parallel_loop3A_175 : f32 to vector<16xf32>
      %parallel_loop3A_177 = arith.index_cast %parallel_loop3A_174 : i32 to index
      %parallel_loop3A_178 = tpu.vector_load %arg15[%parallel_loop3A_177] {strides = array<i32>} : memref<16384xf32, #tpu.memory_space<vmem>>, vector<16xf32>,
      tpu.vector_store %arg15[%parallel_loop3A_177], %parallel_loop3A_176 {strides = array<i32>} : memref<16384xf32, #tpu.memory_space<vmem>>, vector<16xf32>,
    } {sc.loop_unroll_factor = 8 : i64, sc.parallel_access}
    %convert_element_type3A_136 = arith.extui %reduce_or3A_36 : i1 to i32
    %cond3A_137 = arith.constant 0 : i32
    %cond3A_138 = arith.cmpi ne, %convert_element_type3A_136, %cond3A_137 : i32
    scf.if %cond3A_138 {
      %parallel_loop3A_172 = arith.constant 0 : i32
      %parallel_loop3A_173 = arith.constant 1024 : i32
      %parallel_loop3A_174 = arith.constant 1 : i32
      scf.for %parallel_loop3A_175 = %parallel_loop3A_172 to %parallel_loop3A_173 step %parallel_loop3A_174  : i32 {
        %parallel_loop3A_176 = arith.constant 16 : i32
        %parallel_loop3A_177 = arith.muli %parallel_loop3A_175, %parallel_loop3A_176 : i32
        %parallel_loop3A_178 = arith.index_cast %parallel_loop3A_177 : i32 to index
        %parallel_loop3A_179 = tpu.vector_load %arg15[%parallel_loop3A_178] {strides = array<i32>} : memref<16384xf32, #tpu.memory_space<vmem>>, vector<16xf32>,
        %parallel_loop3A_180 = arith.index_cast %parallel_loop3A_177 : i32 to index
        %parallel_loop3A_181 = tpu.vector_load %arg10[%parallel_loop3A_180] {strides = array<i32>} : memref<16384xf32, #tpu.memory_space<vmem>>, vector<16xf32>,
        %parallel_loop3A_182 = arith.addf %parallel_loop3A_179, %parallel_loop3A_181 : vector<16xf32>
        %parallel_loop3A_183 = arith.index_cast %parallel_loop3A_177 : i32 to index
        %parallel_loop3A_184 = tpu.vector_load %arg15[%parallel_loop3A_183] {strides = array<i32>} : memref<16384xf32, #tpu.memory_space<vmem>>, vector<16xf32>,
        tpu.vector_store %arg15[%parallel_loop3A_183], %parallel_loop3A_182 {strides = array<i32>} : memref<16384xf32, #tpu.memory_space<vmem>>, vector<16xf32>,
      } {sc.loop_unroll_factor = 8 : i64, sc.parallel_access}
    } else {
    }
    %add3A_139 = arith.constant 127 : i32
    %add3A_140 = arith.addi %mul3A_2, %add3A_139 : i32
    %dma_start3A_141 = arith.constant 1 : i32
    %dma_start3A_142 = arith.constant 0 : i32
    %dma_start3A_143 = tpu.memref_slice %arg7[%add3A_140, %dma_start3A_142] : memref<4096x16384xf32, #tpu.memory_space<hbm>> -> memref<1x16384xf32, #tpu.memory_space<hbm>>
    %dma_start3A_144 = tpu.memref_squeeze %dma_start3A_143 : memref<1x16384xf32, #tpu.memory_space<hbm>> -> memref<16384xf32, #tpu.memory_space<hbm>>
    %dma_start3A_145 = tpu.memref_slice %arg17[%dma_start3A_141] : memref<3x!tpu.dma_semaphore, #tpu.memory_space<semaphore_mem>> -> memref<1x!tpu.dma_semaphore, #tpu.memory_space<semaphore_mem>>
    %dma_start3A_146 = tpu.memref_squeeze %dma_start3A_145 : memref<1x!tpu.dma_semaphore, #tpu.memory_space<semaphore_mem>> -> memref<!tpu.dma_semaphore, #tpu.memory_space<semaphore_mem>>
    %dma_start3A_147 = arith.constant 0 : i32
    %dma_start3A_148 = tpu.memref_slice %arg7[%add3A_140, %dma_start3A_147] : memref<4096x16384xf32, #tpu.memory_space<hbm>> -> memref<1x16384xf32, #tpu.memory_space<hbm>>
    %dma_start3A_149 = tpu.memref_squeeze %dma_start3A_148 : memref<1x16384xf32, #tpu.memory_space<hbm>> -> memref<16384xf32, #tpu.memory_space<hbm>>
    tpu.enqueue_dma source(%arg14 : memref<16384xf32, #tpu.memory_space<vmem>>) target(%dma_start3A_149 : memref<16384xf32, #tpu.memory_space<hbm>>) target_semaphore(%dma_start3A_146 : memref<!tpu.dma_semaphore, #tpu.memory_space<semaphore_mem>>)
    %add3A_150 = arith.constant 126 : i32
    %add3A_151 = arith.addi %mul3A_2, %add3A_150 : i32
    %dma_wait3A_152 = arith.constant 0 : i32
    %dma_wait3A_153 = arith.constant 0 : i32
    %dma_wait3A_154 = tpu.memref_slice %arg7[%add3A_151, %dma_wait3A_153] : memref<4096x16384xf32, #tpu.memory_space<hbm>> -> memref<1x16384xf32, #tpu.memory_space<hbm>>
    %dma_wait3A_155 = tpu.memref_squeeze %dma_wait3A_154 : memref<1x16384xf32, #tpu.memory_space<hbm>> -> memref<16384xf32, #tpu.memory_space<hbm>>
    %dma_wait3A_156 = tpu.memref_slice %arg17[%dma_wait3A_152] : memref<3x!tpu.dma_semaphore, #tpu.memory_space<semaphore_mem>> -> memref<1x!tpu.dma_semaphore, #tpu.memory_space<semaphore_mem>>
    %dma_wait3A_157 = tpu.memref_squeeze %dma_wait3A_156 : memref<1x!tpu.dma_semaphore, #tpu.memory_space<semaphore_mem>> -> memref<!tpu.dma_semaphore, #tpu.memory_space<semaphore_mem>>
    %dma_wait3A_158 = arith.constant 0 : i32
    %dma_wait3A_159 = tpu.memref_slice %arg7[%add3A_151, %dma_wait3A_158] : memref<4096x16384xf32, #tpu.memory_space<hbm>> -> memref<1x16384xf32, #tpu.memory_space<hbm>>
    %dma_wait3A_160 = tpu.memref_squeeze %dma_wait3A_159 : memref<1x16384xf32, #tpu.memory_space<hbm>> -> memref<16384xf32, #tpu.memory_space<hbm>>
    tpu.wait_dma2 semaphore(%dma_wait3A_157 : memref<!tpu.dma_semaphore, #tpu.memory_space<semaphore_mem>>) src(%arg13 : memref<16384xf32, #tpu.memory_space<vmem>>) dst(%dma_wait3A_160 : memref<16384xf32, #tpu.memory_space<hbm>>)
    %add3A_161 = arith.constant 127 : i32
    %add3A_162 = arith.addi %mul3A_2, %add3A_161 : i32
    %dma_wait3A_163 = arith.constant 1 : i32
    %dma_wait3A_164 = arith.constant 0 : i32
    %dma_wait3A_165 = tpu.memref_slice %arg7[%add3A_162, %dma_wait3A_164] : memref<4096x16384xf32, #tpu.memory_space<hbm>> -> memref<1x16384xf32, #tpu.memory_space<hbm>>
    %dma_wait3A_166 = tpu.memref_squeeze %dma_wait3A_165 : memref<1x16384xf32, #tpu.memory_space<hbm>> -> memref<16384xf32, #tpu.memory_space<hbm>>
    %dma_wait3A_167 = tpu.memref_slice %arg17[%dma_wait3A_163] : memref<3x!tpu.dma_semaphore, #tpu.memory_space<semaphore_mem>> -> memref<1x!tpu.dma_semaphore, #tpu.memory_space<semaphore_mem>>
    %dma_wait3A_168 = tpu.memref_squeeze %dma_wait3A_167 : memref<1x!tpu.dma_semaphore, #tpu.memory_space<semaphore_mem>> -> memref<!tpu.dma_semaphore, #tpu.memory_space<semaphore_mem>>
    %dma_wait3A_169 = arith.constant 0 : i32
    %dma_wait3A_170 = tpu.memref_slice %arg7[%add3A_162, %dma_wait3A_169] : memref<4096x16384xf32, #tpu.memory_space<hbm>> -> memref<1x16384xf32, #tpu.memory_space<hbm>>
    %dma_wait3A_171 = tpu.memref_squeeze %dma_wait3A_170 : memref<1x16384xf32, #tpu.memory_space<hbm>> -> memref<16384xf32, #tpu.memory_space<hbm>>
    tpu.wait_dma2 semaphore(%dma_wait3A_168 : memref<!tpu.dma_semaphore, #tpu.memory_space<semaphore_mem>>) src(%arg14 : memref<16384xf32, #tpu.memory_space<vmem>>) dst(%dma_wait3A_171 : memref<16384xf32, #tpu.memory_space<hbm>>)
    return
  }
}

</mosaic_0001>

<sc_bundles>
// kernel: kernel.3.cloned.1.call-start
scs
__scs_entry_jumppad:
0x0: {  	(pc) =	sbr.rel $0x88, $3  }
0x1: {  	(tag) =	ssettag $0x0;
	lr =	simm.s32 $0x1  }
0x2: {  	[smem:$0x3F9B] =	sst lr;
	_ =	strace $0xD0000000  }
0x3: {  	_ = 	snop  }
0x4: {  	_ = 	snop  }
0x5: {  	_ = 	snop  }
0x6: {  	_ = 	snop  }
0x7: {  	_ = 	snop  }
__scs_overlays_trampoline_lowered:
0x8: {  	[smem:$0x3FAA] =	sst s0  }
0x9: {  	[smem:$0x3FAB] =	sst s1  }
0xa: {  	[smem:$0x3FAC] =	sst s2  }
0xb: {  	[smem:$0x3FAD] =	sst s3  }
0xc: {  	[smem:$0x3FAE] =	sst s4  }
0xd: {  	[smem:$0x3FAF] =	sst s5  }
0xe: {  	[smem:$0x3FB0] =	sst s6  }
0xf: {  	[smem:$0x3FB1] =	sst s7  }
0x10: {  	[smem:$0x3FB2] =	sst s8  }
0x11: {  	[smem:$0x3FB3] =	sst s9;
	s0 =	simm.s32 @!p0 $0x0  }
0x12: {  	s1 =	sld [smem:$0x3F99];
	s0 =	simm.s32 @p0 $0x1  }
0x13: {  	[smem:$0x3FB4] =	sst s0;
	s0 =	simm.s32 @!p1 $0x0  }
0x14: {  	s2 =	sld [smem:$0x3F98];
	s0 =	simm.s32 @p1 $0x1  }
0x15: {  	[smem:$0x3FB5] =	sst s0;
	s0 =	simm.s32 @!p2 $0x0  }
0x16: {  	s3 =	sld [smem:$0x3FDB];
	s0 =	simm.s32 @p2 $0x1  }
0x17: {  	s4 =	simm.s32 $0x1BF5;
	[smem:$0x3FB7] =	sst s0  }
0x18: {  	s0 =	sld [smem:$0x3F9A];
	_ =	swait.ge [sflag:s4], $0x0  }
0x19: {  	s7 =	sld [smem:$0x3F9B]  }
0x1a: {  	s8 =	sadd.s32 $0xFFFFE003, lr  }
0x1b: {  	s9 =	sadd.s32 $0xFFFFFEF7, lr;
	s5 =	simm.s32 $0xFFFFFFFF;
	p2 =	slt.u32 s8, $0xFFFFF086  }
0x1c: {  	p1 =	slt.u32 s9, $0xF7A;
	s5 =	simm.s32 @!p2 $0x0  }
0x1d: {  	s5 =	simm.s32 @p1 $0x1;
	p0 =	seq.s32 s7, s2  }
0x1e: {  	s7 =	smul.u32 @!p0 $0xF7A, s2;
	p2 =	seq.s32 @!p0 s5, $0x0  }
0x1f: {  	s9 =	smul.u32 $0xF7A, s1;
	s8 =	simm.s32 @!p0 $0x1BF5;
	p2 =	por !p2, p0  }
0x20: {  	[sflag:s8] =	ssyncset.s32 @!p0 $0xFFFFF086;
	s6 =	sadd.s32 @!p0 s3, s7;
	s7 =	simm.s32 @!p0 $0x108  }
0x21: {  	s3 =	sadd.s32 s3, s9;
	s6 =	sadd.s32 @!p0 $0x88, s6;
	s7 =	simm.s32 @p2 $0x1082  }
0x22: {  	[simem:s7], [sflag:s8] =	dma.local @!p0 [hbm:s6], $0xF7A  }
0x23: {  	s9 =	sor.u32 $0xD0000000, s2;
	s6 =	simm.s32 $0x108;
	_ =	swait.ge @!p0 [sflag:s8], $0x0  }
0x24: {  	s3 =	sadd.s32 $0x88, s3;
	s6 =	simm.s32 @!p1 $0x1082;
	[sflag:s4] =	ssyncset.s32 $0xFFFFF086  }
0x25: {  	[simem:s6], [sflag:s4] =	dma.local [hbm:s3], $0xF7A  }
0x26: {  	[smem:$0x3F9B] =	sst s1;
	(tag) =	ssettag s2;
	_ =	strace s9  }
0x27: {  	s1 =	sld [smem:$0x3FAB]  }
0x28: {  	s2 =	sld [smem:$0x3FAC]  }
0x29: {  	s4 =	sld [smem:$0x3FAE]  }
0x2a: {  	p0 =	seq.s32 s5, $0x0;
	s5 =	sld [smem:$0x3FAF]  }
0x2b: {  	s6 =	sld [smem:$0x3FB0]  }
0x2c: {  	s7 =	sld [smem:$0x3FB1]  }
0x2d: {  	s3 =	simm.s32 $0x108;
	s8 =	sld [smem:$0x3FB2]  }
0x2e: {  	s3 =	simm.s32 @!p0 $0x1082;
	s9 =	sld [smem:$0x3FB3]  }
0x2f: {  	lr =	sadd.s32 s0, s3;
	s0 =	sld [smem:$0x3FAA]  }
0x30: {  	s3 =	sld [smem:$0x3FAD]  }
0x31: {  	[smem:$0x3FB6] =	sst s10  }
0x32: {  	s10 =	sld [smem:$0x3FB4];
	_ =	sdelay $0x3  }
0x33: {  	p0 =	seq.s32 s10, $0x1;
	s10 =	sld [smem:$0x3FB6];
	_ =	sdelay $0x3  }
0x34: {  	[smem:$0x3FB6] =	sst s10  }
0x35: {  	s10 =	sld [smem:$0x3FB5];
	_ =	sdelay $0x3  }
0x36: {  	p1 =	seq.s32 s10, $0x1;
	s10 =	sld [smem:$0x3FB6];
	_ =	sdelay $0x3  }
0x37: {  	[smem:$0x3FB6] =	sst s10  }
0x38: {  	s10 =	sld [smem:$0x3FB7]  }
0x39: {  	_ = 	snop;
	(pc) =	sbr.ind lr, $3  }
0x3a: {  	_ = 	snop  }
0x3b: {  	_ = 	snop  }
0x3c: {  	p2 =	seq.s32 s10, $0x1;
	s10 =	sld [smem:$0x3FB6]  }
0x3d: {  	_ =	shalt  }
0x3e: {  	_ =	shalt  }
0x3f: {  	_ =	shalt  }
0x40: {  	_ =	shalt  }
0x41: {  	_ =	shalt  }
0x42: {  	_ =	shalt  }
0x43: {  	_ =	shalt  }
0x44: {  	_ =	shalt  }
0x45: {  	_ =	shalt  }
0x46: {  	_ =	shalt  }
0x47: {  	_ =	shalt  }
0x48: {  	_ =	shalt  }
0x49: {  	_ =	shalt  }
0x4a: {  	_ =	shalt  }
0x4b: {  	_ =	shalt  }
0x4c: {  	_ =	shalt  }
0x4d: {  	_ =	shalt  }
0x4e: {  	_ =	shalt  }
0x4f: {  	_ =	shalt  }
0x50: {  	_ =	shalt  }
0x51: {  	_ =	shalt  }
0x52: {  	_ =	shalt  }
0x53: {  	_ =	shalt  }
0x54: {  	_ =	shalt  }
0x55: {  	_ =	shalt  }
0x56: {  	_ =	shalt  }
0x57: {  	_ =	shalt  }
0x58: {  	_ =	shalt  }
0x59: {  	_ =	shalt  }
0x5a: {  	_ =	shalt  }
0x5b: {  	_ =	shalt  }
0x5c: {  	_ =	shalt  }
0x5d: {  	_ =	shalt  }
0x5e: {  	_ =	shalt  }
0x5f: {  	_ =	shalt  }
0x60: {  	_ =	shalt  }
0x61: {  	_ =	shalt  }
0x62: {  	_ =	shalt  }
0x63: {  	_ =	shalt  }
0x64: {  	_ =	shalt  }
0x65: {  	_ =	shalt  }
0x66: {  	_ =	shalt  }
0x67: {  	_ =	shalt  }
0x68: {  	_ =	shalt  }
0x69: {  	_ =	shalt  }
0x6a: {  	_ =	shalt  }
0x6b: {  	_ =	shalt  }
0x6c: {  	_ =	shalt  }
0x6d: {  	_ =	shalt  }
0x6e: {  	_ =	shalt  }
0x6f: {  	_ =	shalt  }
0x70: {  	_ =	shalt  }
0x71: {  	_ =	shalt  }
0x72: {  	_ =	shalt  }
0x73: {  	_ =	shalt  }
0x74: {  	_ =	shalt  }
0x75: {  	_ =	shalt  }
0x76: {  	_ =	shalt  }
0x77: {  	_ =	shalt  }
0x78: {  	_ =	shalt  }
0x79: {  	_ =	shalt  }
0x7a: {  	_ =	shalt  }
0x7b: {  	_ =	shalt  }
0x7c: {  	_ =	shalt  }
0x7d: {  	_ =	shalt  }
0x7e: {  	_ =	shalt  }
0x7f: {  	_ =	shalt  }
0x80: {  	_ =	shalt  }
0x81: {  	_ =	shalt  }
0x82: {  	_ =	shalt  }
0x83: {  	_ =	shalt  }
0x84: {  	_ =	shalt  }
0x85: {  	_ =	shalt  }
0x86: {  	_ =	shalt  }
0x87: {  	_ =	shalt  }
.Lfunc_end0:
.L_simem_size_0:
called_computation_lowered:
.L_overlay_start_0:
0x88: {  	s2 =	sld [smem:$0x3FD9]  }
0x89: {  	s3 =	sld [smem:$0x3FFE];
	_ =	sdelay $0x1  }
0x8a: {  	s1 =	srdreg.scid  }
0x8b: {  	s0 =	sand.u32 $0x1, s1  }
0x8c: {  	s17 =	sshll.u32 s0, $0xA;
	s2 =	sadd.s32 s3, s2  }
0x8d: {  	s2 =	sadd.s32 s2, s17  }
0x8e: {  	[smem:$0x3FC2] =	sst s2  }
0x8f: {  	_ = 	snop  }
0x90: {  	s2 =	sld [smem:$0x3FC9]  }
0x91: {  	s18 =	sld [smem:$0x3FC7]  }
0x92: {  	s4 =	sld [smem:$0x3FC6]  }
0x93: {  	s5 =	sld [smem:$0x3FD0];
	(tm) =	ssettm $0x1  }
0x94: {  	s6 =	sld [smem:$0x3FFB];
	_ =	sdelay $0x3  }
0x95: {  	_ =	strace s6  }
0x96: {  	s6 =	sld [smem:$0x3FFC];
	_ =	sdelay $0x3  }
0x97: {  	_ =	strace s6  }
0x98: {  	s6 =	sld [smem:$0x3FFD];
	_ =	sdelay $0x3  }
0x99: {  	_ =	strace s6  }
0x9a: {  	_ =	strace $0x8FFFFFFF  }
0x9b: {  	s19 =	sld [smem:$0x3FDB];
	_ =	sdelay $0x1  }
0x9c: {  	s7 =	simm.s32 $_scs_section_size  }
0x9d: {  	s8 =	simm.s32 $_size__tile_overlayer_lowered;
	s9 =	simm.s32 $_tile_overlayer_lowered  }
0x9e: {  	s22 =	simm.s32 $0x1BFF;
	s21 =	sshll.u32 s9, $0x1;
	s6 =	sadd.s32 s7, s19  }
0x9f: {  	s10 =	simm.s32 $0x0;
	s20 =	sshll.u32 s8, $0x1;
	s8 =	sadd.s32 s21, s6  }
0xa0: {  	[timem:s10], [sflag:s22] =	dma.local [hbm:s8], s20  }
0xa1: {  	_ =	swait.ge [sflag:s22], s20  }
0xa2: {  	s7 =	ssub.s32 $0x0, s20;
	[sflag:s22] =	ssyncset.done $0x0  }
0xa3: {  	[sflag:s22] =	ssyncadd.s32 s7;
	_ =	sdelay $0x1  }
0xa4: {  	s23 =	simm.s32 $0x1B8B  }
0xa5: {  	_ =	swait.ge [sflag:s23], $0x1  }
0xa6: {  	[sflag:s23] =	ssyncset.done $0x0  }
0xa7: {  	s25 =	simm.s32 $0x1B8E;
	s24 =	sld [smem:$0x3FFE];
	[sflag:s23] =	ssyncadd.s32 $0xFFFFFFFF  }
0xa8: {  	s26 =	simm.s32 $execute0_lowered;
	[smem:$0x3FD2] =	sst s25  }
0xa9: {  	s8 =	sshll.u32 s26, $0x1;
	_ =	strace $0x80000046;
	[dreg:$0x1] =	wrdreg $0xFFFFFFFF  }
0xaa: {  	s28 =	simm.s32 $_size_execute0_lowered;
	s6 =	sadd.s32 s6, s8;
	[dreg:$0x0] =	wrdreg $0x0  }
0xab: {  	s8 =	sshll.u32 s28, $0x1;
	[dreg:$0x2] =	wrdreg s6  }
0xac: {  	[dreg:$0x3] =	wrdreg s8  }
0xad: {  	[dreg:$0x4] =	wrdreg $0xC0  }
0xae: {  	_ =	task [dreg:s10], $0x5FFFF  }
0xaf: {  	[dreg:$0x1] =	wrdreg $0xFFFFFFFF  }
0xb0: {  	[dreg:$0x0] =	wrdreg $0x60  }
0xb1: {  	[dreg:$0x2] =	wrdreg s2  }
0xb2: {  	[dreg:$0x3] =	wrdreg s18  }
0xb3: {  	[dreg:$0x4] =	wrdreg s4  }
0xb4: {  	[dreg:$0x5] =	wrdreg s24  }
0xb5: {  	[dreg:$0x6] =	wrdreg s5  }
0xb6: {  	[dreg:$0x7] =	wrdreg $0x9  }
0xb7: {  	_ =	task.clear_ibuf [dreg:s10], $0x8FFFF;
	_ =	strace $0x90000046  }
0xb8: {  	s29 =	simm.s32 $0x9;
	_ =	strace $0x80000048  }
0xb9: {  	_ =	swait.ge [sflag:s29], $0x1  }
0xba: {  	[sflag:s29] =	ssyncadd.s32 $0xFFFFFFFF  }
0xbb: {  	_ =	strace $0x90000048  }
0xbc: {  	_ =	sfence  }
0xbd: {  	s30 =	sld [smem:$0x0];
	_ =	sdelay $0x2  }
0xbe: {  	s31 =	sshll.u32 s1, $0xD;
	s1 =	sshrl.u32 s1, $0x2  }
0xbf: {  	s3 =	sand.u32 $0x4000, s31;
	s1 =	sadd.s32 s1, s30  }
0xc0: {  	s0 =	sor.u32 s3, s0;
	s1 =	sshll.u32 s1, $0x11  }
0xc1: {  	s0 =	sor.u32 s1, s0  }
0xc2: {  	s0 =	sadd.s32 $0x8F2B, s0  }
0xc3: {  	[sflag:s0] =	ssyncadd.remote.s32 $0x1  }
0xc4: {  	_ =	sfence.sel $0xFFFF  }
0xc5: {  	[dreg:$0x0] =	wrdreg $0xFFFFFFFF;
	(pc) =	sbr.abs _section_cstart, $3  }
0xc6: {  	[dreg:$0x1] =	wrdreg $0xFFFFFFFF  }
0xc7: {  	_ =	task.clear_ibuf [dreg:s10], $0x2FFFF;
	_ =	strace $0x9FFFFFFF  }
0xc8: {  	(tm) =	ssettm $0x7FFFFFFF  }
0xc9: {  	_ =	shalt  }
tec
execute0_lowered:
.L_overlay_start_1:
0x0: {  	(tag) =	ssettag $0x1  }
0x1: {  	s1 =	rddreg [dreg:$0x0]  }
0x2: {  	s0 =	rddreg [dreg:$0x3]  }
0x3: {  	s5 =	rddreg [dreg:$0x4]  }
0x4: {  	s2 =	srdreg.scid;
	s6 =	simm.s32 $0x0;
	s3 =	stileid.u32  }
0x5: {  	s15 =	simm.s32 $0x6;
	s16 =	simm.s32 $0x12100;
	s17 =	simm.s32 $0xA100  }
0x6: {  	s19 =	simm.s32 $0x80;
	s20 =	simm.s32 $0x400;
	s21 =	simm.s32 $0xE100  }
0x7: {  	s22 =	simm.s32 $0x1;
	s23 =	simm.s32 $0x2;
	s28 =	simm.s32 $0x4  }
0x8: {  	v0 =	vimm.s32 $0x65432100;
	v1 =	vimm.s32 $0xEDCBA987;
	s29 =	simm.s32 $0x5;
	s30 =	simm.s32 $0x0;
	s2 =	sand.u32 $0x1, s2  }
0x9: {  	v2 =	vimm.s32 $0xFFEDCBA9;
	v3 =	vimm.s32 $0x87654321;
	[smem:$0x7FF] =	sst s6;
	s3 =	sshll.u32 s3, $0x8;
	s7 =	sadd.s32 $0xC00, s0  }
0xa: {  	s0 =	sadd.s32 $0x400, s0;
	v1 =	vunpack.c.l.s4.s8 v1;
	v2 =	vunpack.c.l.s4.s8 v2;
	v3 =	vunpack.c.l.s4.s8 v3;
	_ =	strace $0x80000047;
	[dreg:$0x6] =	wrdreg s7  }
0xb: {  	v0 =	vunpack.c.l.s4.s8 v0;
	s4 =	sshll.u32 s2, $0x7;
	[dreg:$0x7] =	wrdreg s0;
	s24 =	ssub.s32 $0x2, s2  }
.Ltmp0:
0xc: {  	s8 =	sor.u32 s4, s3;
	s26 =	sshrl.u32 s24, $0x1;
	v1 =	vunpack.c.0.s8.s32 v1;
	v2 =	vunpack.c.0.s8.s32 v2;
	v3 =	vunpack.c.0.s8.s32 v3;
	(pc) =	sbr.rel .LBB2_1-.Ltmp0, $4  }
0xd: {  	v0 =	vunpack.c.0.s8.s32 v0;
	s25 =	sshll.u32 s8, $0xB;
	s0 =	ssub.s32 s24, s26;
	s24 =	simm.s32 $0x16100  }
0xe: {  	v4 =	vlaneseq.u32;
	s26 =	simm.s32 $0x1A100;
	s10 =	sadd.s32 s1, s25;
	s2 =	sadd.s32 s25, s5;
	v1 =	vand.u32 $0xF, v1;
	v3 =	vcombine.low v3, v2  }
0xf: {  	vm0 =	vcmask $0x3F3C;
	s14 =	smax.u32 s0, $0x1;
	v2 =	vimm.f32 $0.0e+00;
	s25 =	simm.s32 $0x3;
	s31 =	sadd.s32 $0x10, s10;
	v0 =	vcombine.low v0, v1  }
0x10: {  	s12 =	sadd.s32 $0x3C060, s2;
	s13 =	sadd.s32 $0x3C070, s2;
	v1 =	vor.u32 $0x80000000, v4;
	v4 =	vadd.s32 $0x1, v4;
	[dreg:$0x8] =	wrdreg s31;
	v3 =	vand.u32 $0xF, v3  }
.LBB2_77:
0x11: {  	[hbm4b:s13+s19] =	stream.strided.scatter [tilespmem:s24], [sflag:$0x4], $0x4000, s20, s19, $0x38;
	[tilespmem:$0x1E100] =	vst v63  }
0x12: {  	s30 =	sadd.s32 $0x1, s30  }
0x13: {  	_ =	swait.ge [sflag:s25], $0x4000;
	p0 =	sne.s32 s30, s14  }
.Ltmp1:
0x14: {  	[sflag:s25] =	ssyncset.done $0x0;
	(pc) =	sbr.rel @!p0 .LBB2_78-.Ltmp1, $4  }
0x15: {  	[sflag:s25] =	ssyncadd.s32 $0xFFFFC000  }
0x16: {  	_ =	swait.ge [sflag:s28], $0x4000  }
0x17: {  	[sflag:s28] =	ssyncset.done $0x0  }
0x18: {  	[sflag:s28] =	ssyncadd.s32 $0xFFFFC000  }
.LBB2_1:
0x19: {  	s0 =	rddreg [dreg:$0x7]  }
0x1a: {  	[tilespmem:s6], [sflag:$0x6] =	stream.linear.gather [hbm4b:s0+s6], $0x3080, $0x38;
	[tilespmem:$0x1E100] =	vst v63  }
0x1b: {  	_ =	swait.ge [sflag:s15], $0x3080  }
0x1c: {  	[sflag:s15] =	ssyncset.done $0x0  }
0x1d: {  	s9 =	rddreg [dreg:$0x6];
	[sflag:s15] =	ssyncadd.s32 $0xFFFFCF80  }
0x1e: {  	[tilespmem:s16], [sflag:$0x6] =	stream.linear.gather [hbm4b:s9+s6], $0x3080, $0x38;
	[tilespmem:$0x1E100] =	vst v63  }
0x1f: {  	_ =	swait.ge [sflag:s15], $0x3080  }
0x20: {  	[sflag:s15] =	ssyncset.done $0x0  }
0x21: {  	[sflag:s15] =	ssyncadd.s32 $0xFFFFCF80  }
0x22: {  	s11 =	rddreg [dreg:$0x2]  }
0x23: {  	[tilespmem:s17], [sflag:$0x6] =	stream.linear.gather [hbm4b:s11+s6], $0x4000, $0x38;
	[tilespmem:$0x1E100] =	vst v63  }
0x24: {  	_ =	swait.ge [sflag:s15], $0x4000  }
0x25: {  	[sflag:s15] =	ssyncset.done $0x0  }
0x26: {  	[sflag:s15] =	ssyncadd.s32 $0xFFFFC000  }
0x27: {  	s2 =	simm.s32 $0x6100;
	s18 =	rddreg [dreg:$0x1]  }
0x28: {  	[tilespmem:s2], [sflag:$0x6] =	stream.linear.gather [hbm4b:s18+s6], $0x4000, $0x38;
	[tilespmem:$0x1E100] =	vst v63  }
0x29: {  	_ =	swait.ge [sflag:s15], $0x4000  }
0x2a: {  	[sflag:s15] =	ssyncset.done $0x0  }
0x2b: {  	s0 =	simm.s32 $0x40;
	[sflag:s15] =	ssyncadd.s32 $0xFFFFC000  }
0x2c: {  	v26 =	vld [tilespmem:s0+$0x20]  }
0x2d: {  	v7 =	vld [tilespmem:s0+$0xFFFFFFD0]  }
0x2e: {  	v8 =	vld [tilespmem:s0+$0xFFFFFFE0]  }
0x2f: {  	v24 =	vld [tilespmem:s0+$0xFFFFFFF0]  }
0x30: {  	s31 =	simm.s32 $0x12140;
	v15 =	vld [tilespmem:s0+$0x10]  }
0x31: {  	v9 =	vld [tilespmem:s31+$0xFFFFFFC0]  }
0x32: {  	v5 =	vld [tilespmem:s0+$0x0]  }
0x33: {  	v25 =	vld [tilespmem:s0+$0xFFFFFFC0]  }
0x34: {  	v23 =	vld [tilespmem:s0+$0x30];
	v6 =	vand.u32 $0x3FFF, v26;
	v11 =	vshrl.u32 v7, $0xE  }
0x35: {  	v12 =	vld [tilespmem:s31+$0xFFFFFFF0];
	v10 =	vand.u32 $0x3FFF, v7;
	v11 =	vand.u32 $0x3FFF, v11  }
0x36: {  	v16 =	vld [tilespmem:s31+$0x30];
	v17 =	vperm.xlane v11, v0  }
0x37: {  	v18 =	vld [tilespmem:s31+$0x20];
	v13 =	vshrl.u32 v8, $0xE;
	v14 =	vand.u32 $0x3FFF, v8  }
0x38: {  	v13 =	vand.u32 $0x3FFF, v13;
	vm1 =	veq.s32 v11, v17;
	v17 =	vld [tilespmem:s31+$0xFFFFFFD0]  }
0x39: {  	v19 =	vperm.xlane v13, v0;
	v20 =	vld.idx.msk [tilespmem:v6+s17+$0x0], $0xffff;
	v6 =	vand.u32 $0x3FFF, v5  }
0x3a: {  	v21 =	vand.u32 $0x3FFF, v23;
	v27 =	vshrl.u32 v23, $0xE;
	v10 =	vld.idx.msk [tilespmem:v10+s17+$0x0], $0xffff  }
0x3b: {  	v22 =	vld [tilespmem:s31+$0xFFFFFFE0];
	v28 =	vshrl.u32 v25, $0xE;
	v11 =	vsel vm1, $0x80000000, v1;
	vm1 =	veq.s32 v13, v19  }
0x3c: {  	v30 =	vshrl.u32 v24, $0xE;
	v19 =	vand.u32 $0x3FFF, v15;
	(xrf0) =	vmax.scan.msk.u32 $0xffff, v11;
	v11 =	vld.idx.msk [tilespmem:v14+s17+$0x0], $0xffff;
	v14 =	vsel vm1, $0x80000000, v1  }
0x3d: {  	v29 =	vld [tilespmem:s31+$0x10];
	v27 =	vand.u32 $0x3FFF, v27;
	v28 =	vand.u32 $0x3FFF, v28;
	(xrf0) =	vmax.scan.msk.u32 $0xffff, v14;
	v14 =	vand.u32 $0x3FFF, v25  }
0x3e: {  	v33 =	vand.u32 $0x3FFF, v24;
	v32 =	vperm.xlane v28, v0;
	v31 =	vld.idx.msk [tilespmem:v6+s17+$0x0], $0xffff;
	v6 =	vperm.xlane v27, v0  }
0x3f: {  	v36 =	vshrl.u32 v5, $0xE;
	v37 =	vshrl.u32 v15, $0xE;
	v10 =	vmul.f32 v17, v10;
	v17 =	vld.idx.msk [tilespmem:v21+s17+$0x0], $0xffff  }
0x40: {  	v34 =	vld [tilespmem:s31+$0x0];
	vm2 =	veq.s32 v28, v32;
	v28 =	vand.u32 $0x3FFF, v30;
	v13 =	vshrl.u32 v26, $0xE  }
0x41: {  	v30 =	vperm.xlane v28, v0;
	v13 =	vand.u32 $0x3FFF, v13;
	v19 =	vld.idx.msk [tilespmem:v19+s17+$0x0], $0xffff;
	vm1 =	veq.s32 v27, v6  }
0x42: {  	s3 =	simm.s32 $0x30C0;
	s2 =	simm.s32 $0xC0;
	v35 =	vperm.xlane v13, v0;
	v11 =	vmul.f32 v22, v11;
	v14 =	vld.idx.msk [tilespmem:v14+s17+$0x0], $0xffff;
	v21 =	vsel vm1, $0x80000000, v1;
	v6, _, _ =	vpop (xrf0)  }
0x43: {  	[tilespmem:s3+$0xFFFFFFD0] =	vst v10;
	v10 =	vld [tilespmem:s2+$0xFFFFFFE0];
	vm1 =	veq.s32 v28, v30;
	v28 =	vand.u32 $0x3FFF, v37;
	v27 =	vshll.u32 v6, $0x1C;
	v6, _, _ =	vpop (xrf0)  }
0x44: {  	v38 =	vld [tilespmem:s2+$0xFFFFFFD0];
	v16 =	vmul.f32 v16, v17;
	v17 =	vand.u32 $0x3FFF, v36;
	v22 =	vshll.u32 v6, $0x1C  }
0x45: {  	s4 =	simm.s32 $0x121C0;
	(xrf0) =	vmax.scan.msk.u32 $0xffff, v21;
	v21 =	vld.idx.msk [tilespmem:v33+s17+$0x0], $0xffff;
	v51 =	vor.u32 v7, v27;
	v7 =	vsel vm2, $0x80000000, v1;
	v27 =	vmul.f32 v34, v31  }
0x46: {  	v42 =	vld [tilespmem:s4+$0xFFFFFFD0];
	[tilespmem:s3+$0xFFFFFFE0] =	vst v11;
	vm2 =	veq.s32 v13, v35;
	v13 =	vmul.f32 v29, v19;
	v30 =	vperm.xlane v17, v0  }
0x47: {  	v6 =	vld [tilespmem:s2+$0x20];
	v22 =	vor.u32 v8, v22;
	(xrf0) =	vmax.scan.msk.u32 $0xffff, v7;
	v7 =	vsel vm1, $0x80000000, v1;
	v19 =	vsel vm2, $0x80000000, v1  }
0x48: {  	v8 =	vld [tilespmem:s2+$0xFFFFFFF0];
	v14 =	vmul.f32 v9, v14;
	[tilespmem:s3+$0x30] =	vst v16;
	v16 =	vmul.f32 v18, v20;
	v18 =	vshrl.u32 v10, $0xE  }
0x49: {  	v9 =	vld [tilespmem:s2+$0x10];
	v52 =	vand.u32 $0x3FFF, v10;
	(xrf0) =	vmax.scan.msk.u32 $0xffff, v7;
	[tilespmem:s3+$0x10] =	vst v13;
	vm1 =	veq.s32 v17, v30  }
0x4a: {  	v7 =	vld [tilespmem:s2+$0x0];
	v39 =	vand.u32 $0x3FFF, v18;
	v21 =	vmul.f32 v12, v21;
	[tilespmem:s3+$0xFFFFFFC0] =	vst v14;
	v14 =	vshrl.u32 v38, $0xE  }
0x4b: {  	v44 =	vld [tilespmem:s4+$0xFFFFFFE0];
	[tilespmem:s0+$0xFFFFFFE0] =	vst v22;
	v12 =	vperm.xlane v28, v0;
	v40 =	vsel vm1, $0x80000000, v1;
	v13, _, _ =	vpop (xrf0);
	v22 =	vand.u32 $0x3FFF, v14  }
0x4c: {  	v11 =	vld [tilespmem:s4+$0xFFFFFFC0];
	(xrf0) =	vmax.scan.msk.u32 $0xffff, v19;
	v29 =	vand.u32 $0x3FFF, v6;
	v31 =	vshrl.u32 v6, $0xE;
	v30 =	vshll.u32 v13, $0x1C  }
0x4d: {  	v13 =	vld [tilespmem:s2+$0xFFFFFFC0];
	vm2 =	veq.s32 v28, v12;
	v28 =	vand.u32 $0x3FFF, v38;
	v54 =	vperm.xlane v22, v0  }
0x4e: {  	[tilespmem:s3+$0x20] =	vst v16;
	v12 =	vld [tilespmem:s2+$0x30];
	v17 =	vand.u32 $0x3FFF, v31;
	v31 =	vsel vm2, $0x80000000, v1;
	v53 =	vshrl.u32 v8, $0xE  }
0x4f: {  	v20 =	vld [tilespmem:s4+$0x30];
	[tilespmem:s3+$0xFFFFFFF0] =	vst v21;
	v59 =	vand.u32 $0x3FFF, v9;
	v23 =	vor.u32 v23, v30;
	v55 =	vand.u32 $0x3FFF, v7;
	v56, _, _ =	vpop (xrf0)  }
0x50: {  	v16 =	vld [tilespmem:s4+$0x20];
	v21 =	vperm.xlane v17, v0;
	vm1 =	veq.s32 v22, v54;
	v41, _, _ =	vpop (xrf0);
	(xrf0) =	vmax.scan.msk.u32 $0xffff, v31;
	v31 =	vperm.xlane v39, v0  }
0x51: {  	v58 =	vld.idx.msk [tilespmem:v52+s17+$0x0], $0xffff;
	v19 =	vshrl.u32 v7, $0xE;
	v22 =	vshrl.u32 v9, $0xE;
	v34 =	vsel vm1, $0x80000000, v1;
	(xrf0) =	vmax.scan.msk.u32 $0xffff, v40  }
0x52: {  	v37 =	vshll.u32 v56, $0x1C;
	v41 =	vshll.u32 v41, $0x1C;
	v18 =	vld.idx.msk [tilespmem:v29+s17+$0x0], $0xffff;
	v29, _, _ =	vpop (xrf0);
	vm1 =	veq.s32 v39, v31;
	(xrf0) =	vmax.scan.msk.u32 $0xffff, v34  }
0x53: {  	[tilespmem:s3+$0x0] =	vst v27;
	v57 =	vand.u32 $0x3FFF, v13;
	v28 =	vld.idx.msk [tilespmem:v28+s17+$0x0], $0xffff;
	v31 =	vshrl.u32 v12, $0xE;
	v27 =	vsel vm1, $0x80000000, v1  }
0x54: {  	v14 =	vld [tilespmem:s4+$0xFFFFFFF0];
	v43 =	vand.u32 $0x3FFF, v12;
	v60 =	vshrl.u32 v13, $0xE;
	v24 =	vor.u32 v24, v41;
	(xrf0) =	vmax.scan.msk.u32 $0xffff, v27  }
0x55: {  	[tilespmem:s0+$0xFFFFFFD0] =	vst v51;
	v29 =	vshll.u32 v29, $0x1C;
	v45 =	vand.u32 $0x3FFF, v31;
	v46 =	vand.u32 $0x3FFF, v60;
	v27 =	vld [tilespmem:s4+$0x10]  }
0x56: {  	[tilespmem:s0+$0x30] =	vst v23;
	v31 =	vand.u32 $0x3FFF, v8;
	v47 =	vperm.xlane v45, v0;
	v29 =	vor.u32 v26, v29;
	v26 =	vld.idx.msk [tilespmem:v55+s17+$0x0], $0xffff;
	v48, _, _ =	vpop (xrf0)  }
0x57: {  	v36 =	vand.u32 $0x3FFF, v53;
	v25 =	vor.u32 v25, v37;
	v61 =	vperm.xlane v46, v0;
	[tilespmem:s0+$0x20] =	vst v29;
	v29 =	vld.idx.msk [tilespmem:v59+s17+$0x0], $0xffff;
	v33, _, _ =	vpop (xrf0)  }
0x58: {  	[tilespmem:s0+$0xFFFFFFF0] =	vst v24;
	v34 =	vmul.f32 v44, v58;
	vm2 =	veq.s32 v45, v47;
	v62 =	vmul.f32 v42, v28;
	v28 =	vld [tilespmem:s4+$0x0];
	v24, _, _ =	vpop (xrf0)  }
0x59: {  	s7 =	simm.s32 $0x3140;
	[tilespmem:s0+$0xFFFFFFC0] =	vst v25;
	vm1 =	veq.s32 v46, v61;
	v32 =	vld.idx.msk [tilespmem:v43+s17+$0x0], $0xffff;
	v63 =	vshll.u32 v48, $0x1C;
	v24 =	vshll.u32 v24, $0x1C  }
0x5a: {  	s9 =	simm.s32 $0x8;
	s18 =	simm.s32 $0x140;
	s3 =	simm.s32 $0x3140;
	v35 =	vsel vm2, $0x80000000, v1;
	v30 =	vld.idx.msk [tilespmem:v57+s17+$0x0], $0xffff;
	[tilespmem:s7+$0xFFFFFFD0] =	vst v62;
	v23 =	vor.u32 v38, v24;
	v25, _, _ =	vpop (xrf0);
	v24 =	vor.u32 v15, v63  }
.LBB2_2:
0x5b: {  	s9 =	sadd.s32 $0x8, s9;
	v25 =	vshll.u32 v25, $0x1C;
	v31 =	vld.idx.msk [tilespmem:v31+s17+$0x0], $0xffff;
	v37 =	vperm.xlane v36, v0;
	s4 =	sadd.s32 $0x80, s4;
	s7 =	sadd.s32 $0x80, s7;
	v33 =	vshll.u32 v33, $0x1C;
	[tilespmem:s0+$0x10] =	vst v24;
	v24 =	vmovc v9  }
0x5c: {  	v15 =	vimm.f32 $0.0e+00;
	v9 =	vsel vm1, $0x80000000, v1;
	v38 =	vld [tilespmem:s18+$0x20];
	p0 =	slt.u32 s9, $0x300;
	v39 =	vor.u32 v10, v25;
	(xrf0) =	vmax.scan.msk.u32 $0xffff, v35;
	v35 =	vmovc v13  }
0x5d: {  	v26 =	vmul.f32 v28, v26;
	v25 =	vld [tilespmem:s18+$0xFFFFFFD0];
	vm1 =	veq.s32 v36, v37;
	(xrf0) =	vmax.scan.msk.u32 $0xffff, v9;
	v9 =	vor.u32 v5, v33  }
0x5e: {  	v27 =	vmul.f32 v27, v29;
	v5 =	vmovc v7;
	v10 =	vld [tilespmem:s18+$0xFFFFFFE0];
	[tilespmem:s3+$0xFFFFFFE0] =	vst v34;
	v13 =	vsel vm1, $0x80000000, v1;
	vm1 =	veq.s32 v17, v21  }
0x5f: {  	v7 =	vmul.f32 v20, v32;
	v32 =	vmovc v12;
	v36 =	vld [tilespmem:s18+$0xFFFFFFF0];
	v17 =	vsel vm1, $0x80000000, v1;
	(xrf0) =	vmax.scan.msk.u32 $0xffff, v13;
	[tilespmem:s0+$0x0] =	vst v9;
	s0 =	smov.u32 s2;
	s2 =	smov.u32 s18  }
0x60: {  	v19 =	vand.u32 $0x3FFF, v19;
	v20 =	vand.u32 $0x3FFF, v22;
	v13 =	vmul.f32 v11, v30;
	v9 =	vld [tilespmem:s18+$0x10];
	[tilespmem:s3+$0x10] =	vst v27  }
0x61: {  	v22 =	vperm.xlane v19, v0;
	v11 =	vld [tilespmem:s4+$0xFFFFFFC0];
	v27 =	vand.u32 $0x3FFF, v38;
	v21 =	vshrl.u32 v38, $0xE;
	[tilespmem:s3+$0x30] =	vst v7  }
0x62: {  	v28 =	vperm.xlane v20, v0;
	v14 =	vmul.f32 v14, v31;
	v7 =	vld [tilespmem:s18+$0x0];
	[tilespmem:s3+$0xFFFFFFC0] =	vst v13;
	(xrf0) =	vmax.scan.msk.u32 $0xffff, v17;
	v12, _, _ =	vpop (xrf0)  }
0x63: {  	v16 =	vmul.f32 v16, v18;
	vm1 =	veq.s32 v19, v22;
	v13 =	vld [tilespmem:s18+$0xFFFFFFC0];
	[tilespmem:s0+$0xFFFFFFE0] =	vst v39;
	v30 =	vshll.u32 v12, $0x1C;
	v29, _, _ =	vpop (xrf0)  }
0x64: {  	vm2 =	veq.s32 v20, v28;
	v17 =	vand.u32 $0x3FFF, v21;
	v18 =	vshrl.u32 v10, $0xE;
	v12 =	vld [tilespmem:s18+$0x30];
	[tilespmem:s3+$0xFFFFFFF0] =	vst v14  }
0x65: {  	v28 =	vand.u32 $0x3FFF, v25;
	v19 =	vsel vm2, $0x80000000, v1;
	v14 =	vshrl.u32 v25, $0xE;
	[tilespmem:s3+$0x20] =	vst v16;
	v31, _, _ =	vpop (xrf0)  }
0x66: {  	v33 =	vand.u32 $0x3FFF, v10;
	v37 =	vshrl.u32 v36, $0xE;
	v22 =	vand.u32 $0x3FFF, v14;
	v14 =	vld [tilespmem:s4+$0xFFFFFFF0];
	(xrf0) =	vmax.scan.msk.u32 $0xffff, v19  }
0x67: {  	v21 =	vperm.xlane v17, v0;
	v34 =	vperm.xlane v22, v0;
	v39 =	vand.u32 $0x3FFF, v7;
	v20 =	vld [tilespmem:s4+$0x30];
	[tilespmem:s3+$0x0] =	vst v26;
	s3 =	smov.u32 s7  }
0x68: {  	v40 =	vsel vm1, $0x80000000, v1;
	v26 =	vand.u32 $0x3FFF, v18;
	v19 =	vshrl.u32 v7, $0xE;
	v16 =	vld [tilespmem:s4+$0x20];
	v41, _, _ =	vpop (xrf0)  }
0x69: {  	vm1 =	veq.s32 v22, v34;
	v34 =	vperm.xlane v26, v0;
	v22 =	vshrl.u32 v9, $0xE;
	v18 =	vld.idx.msk [tilespmem:v27+s17+$0x0], $0xffff;
	(xrf0) =	vmax.scan.msk.u32 $0xffff, v40  }
0x6a: {  	v42 =	vshll.u32 v31, $0x1C;
	v40 =	vand.u32 $0x3FFF, v13;
	v27 =	vsel vm1, $0x80000000, v1;
	v28 =	vld.idx.msk [tilespmem:v28+s17+$0x0], $0xffff  }
0x6b: {  	v31 =	vshll.u32 v41, $0x1C;
	vm1 =	veq.s32 v26, v34;
	v26 =	vshrl.u32 v12, $0xE;
	v43 =	vld [tilespmem:s4+$0xFFFFFFD0];
	(xrf0) =	vmax.scan.msk.u32 $0xffff, v27  }
0x6c: {  	v41 =	vand.u32 $0x3FFF, v9;
	v44 =	vand.u32 $0x3FFF, v12;
	v27 =	vsel vm1, $0x80000000, v1;
	v34 =	vld.idx.msk [tilespmem:v33+s17+$0x0], $0xffff;
	v45, _, _ =	vpop (xrf0)  }
0x6d: {  	v29 =	vshll.u32 v29, $0x1C;
	v50 =	vshrl.u32 v13, $0xE;
	v47 =	vand.u32 $0x3FFF, v26;
	v46 =	vld [tilespmem:s4+$0xFFFFFFE0];
	(xrf0) =	vmax.scan.msk.u32 $0xffff, v27  }
0x6e: {  	v48 =	vand.u32 $0x3FFF, v50;
	v49 =	vperm.xlane v47, v0;
	v27 =	vld [tilespmem:s4+$0x10];
	[tilespmem:s0+$0xFFFFFFD0] =	vst v23;
	v23 =	vor.u32 v6, v31;
	v6 =	vmovc v38  }
.Ltmp2:
0x6f: {  	v42 =	vor.u32 v8, v42;
	v38 =	vperm.xlane v48, v0;
	v31 =	vand.u32 $0x3FFF, v36;
	v26 =	vld.idx.msk [tilespmem:v39+s17+$0x0], $0xffff;
	[tilespmem:s0+$0x20] =	vst v23;
	v33, _, _ =	vpop (xrf0);
	(pc) =	sbr.rel @p0 .LBB2_2-.Ltmp2, $4  }
0x70: {  	vm2 =	veq.s32 v47, v49;
	v39 =	vor.u32 v35, v29;
	v23 =	vmul.f32 v43, v28;
	v28 =	vld [tilespmem:s4+$0x0];
	[tilespmem:s0+$0xFFFFFFF0] =	vst v42  }
0x71: {  	v30 =	vor.u32 v32, v30;
	v35 =	vsel vm2, $0x80000000, v1;
	vm1 =	veq.s32 v48, v38;
	v29 =	vld.idx.msk [tilespmem:v41+s17+$0x0], $0xffff;
	v8, _, _ =	vpop (xrf0);
	[tilespmem:s0+$0xFFFFFFC0] =	vst v39  }
0x72: {  	v39 =	vshll.u32 v45, $0x1C;
	v38 =	vshll.u32 v8, $0x1C;
	v34 =	vmul.f32 v46, v34;
	v32 =	vld.idx.msk [tilespmem:v44+s17+$0x0], $0xffff;
	[tilespmem:s0+$0x30] =	vst v30;
	v8 =	vmovc v36  }
0x73: {  	s18 =	sadd.s32 $0x80, s18;
	v36 =	vand.u32 $0x3FFF, v37;
	v24 =	vor.u32 v24, v39;
	v30 =	vld.idx.msk [tilespmem:v40+s17+$0x0], $0xffff;
	[tilespmem:s7+$0xFFFFFFD0] =	vst v23;
	v23 =	vor.u32 v25, v38;
	v25, _, _ =	vpop (xrf0)  }
0x74: {  	_ = 	snop  }
0x75: {  	v37 =	vperm.xlane v36, v0;
	v33 =	vshll.u32 v33, $0x1C  }
0x76: {  	(xrf0) =	vmax.scan.msk.u32 $0xffff, v35;
	v52 =	vsel vm1, $0x80000000, v1;
	[tilespmem:s0+$0x10] =	vst v24;
	v55 =	vand.u32 $0x3FFF, v22  }
0x77: {  	[tilespmem:s3+$0xFFFFFFE0] =	vst v34;
	v59 =	vmul.f32 v16, v18;
	v5 =	vor.u32 v5, v33;
	vm1 =	veq.s32 v36, v37  }
0x78: {  	v53 =	vld.idx.msk [tilespmem:v31+s17+$0x0], $0xffff;
	(xrf0) =	vmax.scan.msk.u32 $0xffff, v52;
	v56 =	vperm.xlane v55, v0;
	v54 =	vsel vm1, $0x80000000, v1;
	vm1 =	veq.s32 v17, v21  }
0x79: {  	[tilespmem:s0+$0x0] =	vst v5;
	v5 =	vand.u32 $0x3FFF, v19;
	v17 =	vsel vm1, $0x80000000, v1;
	(xrf0) =	vmax.scan.msk.u32 $0xffff, v54  }
0x7a: {  	[tilespmem:s2+$0xFFFFFFD0] =	vst v23;
	v27 =	vmul.f32 v27, v29;
	v57 =	vperm.xlane v5, v0;
	(xrf0) =	vmax.scan.msk.u32 $0xffff, v17  }
0x7b: {  	[tilespmem:s3+$0x20] =	vst v59;
	v20 =	vmul.f32 v20, v32;
	v11 =	vmul.f32 v11, v30;
	vm1 =	veq.s32 v55, v56  }
0x7c: {  	[tilespmem:s3+$0x10] =	vst v27;
	v17 =	vshll.u32 v25, $0x1C;
	vm2 =	veq.s32 v5, v57;
	v5 =	vsel vm1, $0x80000000, v1  }
0x7d: {  	[tilespmem:s3+$0x30] =	vst v20;
	v58 =	vmul.f32 v14, v53;
	v14, _, _ =	vpop (xrf0);
	(xrf0) =	vmax.scan.msk.u32 $0xffff, v5;
	v5 =	vsel vm2, $0x80000000, v1  }
0x7e: {  	v10 =	vor.u32 v10, v17;
	[tilespmem:s3+$0xFFFFFFC0] =	vst v11;
	v16, _, _ =	vpop (xrf0);
	(xrf0) =	vmax.scan.msk.u32 $0xffff, v5  }
0x7f: {  	v17 =	vmul.f32 v28, v26;
	[tilespmem:s2+$0xFFFFFFE0] =	vst v10;
	v60, _, _ =	vpop (xrf0)  }
0x80: {  	[tilespmem:s3+$0xFFFFFFF0] =	vst v58;
	v5, _, _ =	vpop (xrf0);
	v61 =	vshll.u32 v60, $0x1C  }
0x81: {  	[tilespmem:s3+$0x0] =	vst v17;
	v5 =	vshll.u32 v5, $0x1C;
	v8 =	vor.u32 v8, v61  }
0x82: {  	v5 =	vor.u32 v6, v5;
	v6 =	vshll.u32 v16, $0x1C;
	[tilespmem:s2+$0xFFFFFFF0] =	vst v8  }
0x83: {  	v62, _, _ =	vpop (xrf0);
	[tilespmem:s2+$0x20] =	vst v5;
	v5 =	vshll.u32 v14, $0x1C;
	v6 =	vor.u32 v13, v6  }
0x84: {  	v63, _, _ =	vpop (xrf0);
	[tilespmem:s2+$0xFFFFFFC0] =	vst v6;
	v5 =	vor.u32 v12, v5;
	v6 =	vshll.u32 v62, $0x1C  }
0x85: {  	[tilespmem:s2+$0x30] =	vst v5;
	v5 =	vor.u32 v9, v6;
	v6 =	vshll.u32 v63, $0x1C  }
0x86: {  	[tilespmem:s2+$0x10] =	vst v5;
	v5 =	vor.u32 v7, v6  }
0x87: {  	s31 =	simm.s32 $0x0;
	[tilespmem:s2+$0x0] =	vst v5  }
0x88: {  	s0 =	simm.s32 $0x40;
	v5 =	vld [tilespmem:s31+$0x6100]  }
.LBB2_4:
0x89: {  	p0 =	sne.s32 s0, $0xFFC0  }
.Ltmp3:
0x8a: {  	_ = 	snop;
	(pc) =	sbr.rel @p0 .LBB2_4-.Ltmp3, $3  }
0x8b: {  	_ =	sdelay $0x1  }
0x8c: {  	s2 =	sshra.s32 s0, $0x2;
	s0 =	sadd.s32 $0x40, s0;
	v6 =	vand.u32 $0x7FFFFFFF, v5  }
0x8d: {  	v5 =	vld [tilespmem:s2+$0x6100];
	v15 =	vmax.f32 v15, v6  }
0x8e: {  	[tilespmem:s17], [sflag:$0x1] =	stream.strided.gather [hbm4b:s10+s19], $0x4000, s20, s19, $0x38;
	[tilespmem:$0x1E100] =	vst v63  }
0x8f: {  	s0 =	rddreg [dreg:$0x8]  }
0x90: {  	[tilespmem:s21], [sflag:$0x2] =	stream.strided.gather [hbm4b:s0+s19], $0x4000, s20, s19, $0x38;
	[tilespmem:$0x1E100] =	vst v63  }
0x91: {  	s0 =	simm.s32 $0x12140  }
0x92: {  	[tilespmem:s0+$0xFFFFFFC0] =	vst v2  }
0x93: {  	[tilespmem:s0+$0x30] =	vst v2  }
0x94: {  	[tilespmem:s0+$0x20] =	vst v2  }
0x95: {  	[tilespmem:s0+$0x10] =	vst v2  }
0x96: {  	[tilespmem:s0+$0x0] =	vst v2  }
0x97: {  	[tilespmem:s0+$0xFFFFFFF0] =	vst v2;
	v5 =	vand.u32 $0x7FFFFFFF, v5  }
0x98: {  	s2 =	simm.s32 $0x0;
	[tilespmem:s0+$0xFFFFFFE0] =	vst v2;
	v5 =	vmax.f32 v15, v5  }
.LBB2_6:
0x99: {  	s2 =	sadd.s32 $0x8, s2;
	[tilespmem:s0+$0xFFFFFFD0] =	vst v2;
	s0 =	sadd.s32 $0x80, s0  }
0x9a: {  	[tilespmem:s0+$0xFFFFFFC0] =	vst v2;
	p0 =	slt.u32 s2, $0x3F8  }
0x9b: {  	[tilespmem:s0+$0x30] =	vst v2  }
.Ltmp4:
0x9c: {  	[tilespmem:s0+$0x20] =	vst v2;
	(pc) =	sbr.rel @p0 .LBB2_6-.Ltmp4, $4  }
0x9d: {  	[tilespmem:s0+$0x10] =	vst v2  }
0x9e: {  	[tilespmem:s0+$0x0] =	vst v2  }
0x9f: {  	[tilespmem:s0+$0xFFFFFFF0] =	vst v2  }
0xa0: {  	[tilespmem:s0+$0xFFFFFFE0] =	vst v2  }
0xa1: {  	vm1 =	vlt.f32 v5, $0.0e+00;
	vm2 =	vgt.f32 v5, $0.0e+00  }
0xa2: {  	vm1 =	vmor vm2, vm1  }
0xa3: {  	v5 =	vsel vm1, $0x3F800000, v2  }
0xa4: {  	(xrf0) =	vmax.scan.msk.f32 $0xffff, v5;
	_ =	sdelay $0x5  }
0xa5: {  	v5, _, _ =	vpop (xrf0)  }
0xa6: {  	(v2sf) =	vpush v5, $0xF;
	_ =	sdelay $0xe  }
0xa7: {  	s2 =	spop (v2sf)  }
0xa8: {  	p0 =	sgt.f32 s2, $0.0e+00  }
.Ltmp5:
0xa9: {  	_ = 	snop;
	(pc) =	sbr.rel @!p0 .LBB2_11-.Ltmp5, $2  }
0xaa: {  	_ =	sdelay $0x2  }
0xab: {  	[tilespmem:s0+$0xFFFFFFD0] =	vst v2  }
0xac: {  	s0 =	simm.s32 $0x12140  }
0xad: {  	s2 =	simm.s32 $0x6140;
	v6 =	vld [tilespmem:s0+$0x30]  }
0xae: {  	v7 =	vld [tilespmem:s2+$0x30]  }
0xaf: {  	v5 =	vld [tilespmem:s2+$0xFFFFFFC0]  }
0xb0: {  	v8 =	vld [tilespmem:s0+$0xFFFFFFD0]  }
0xb1: {  	v9 =	vld [tilespmem:s2+$0xFFFFFFD0]  }
0xb2: {  	v10 =	vld [tilespmem:s0+$0xFFFFFFE0]  }
0xb3: {  	v11 =	vld [tilespmem:s2+$0xFFFFFFE0]  }
0xb4: {  	v12 =	vld [tilespmem:s0+$0xFFFFFFF0]  }
0xb5: {  	v13 =	vld [tilespmem:s2+$0xFFFFFFF0]  }
0xb6: {  	v14 =	vld [tilespmem:s0+$0x0]  }
0xb7: {  	v15 =	vld [tilespmem:s2+$0x0];
	v7 =	vadd.f32 v7, v6  }
0xb8: {  	v9 =	vadd.f32 v9, v8;
	v6 =	vld [tilespmem:s0+$0x10]  }
0xb9: {  	v10 =	vadd.f32 v11, v10;
	v8 =	vld [tilespmem:s2+$0x10];
	[tilespmem:s0+$0x30] =	vst v7  }
0xba: {  	v11 =	vadd.f32 v13, v12;
	[tilespmem:s0+$0xFFFFFFD0] =	vst v9;
	v7 =	vld [tilespmem:s0+$0x20]  }
0xbb: {  	[tilespmem:s0+$0xFFFFFFE0] =	vst v10;
	v10 =	vld [tilespmem:s2+$0x20]  }
0xbc: {  	s3 =	simm.s32 $0x0;
	s4 =	simm.s32 $0x121C0;
	v9 =	vld [tilespmem:s0+$0xFFFFFFC0];
	[tilespmem:s0+$0xFFFFFFF0] =	vst v11;
	v11 =	vadd.f32 v15, v14  }
.LBB2_9:
0xbd: {  	v12 =	vld [tilespmem:s4+$0x30];
	s2 =	sadd.s32 $0x80, s2  }
0xbe: {  	s3 =	sadd.s32 $0x8, s3;
	v13 =	vld [tilespmem:s2+$0x30];
	[tilespmem:s0+$0x0] =	vst v11;
	v6 =	vadd.f32 v8, v6  }
0xbf: {  	p1 =	slt.u32 s3, $0x3F8;
	v8 =	vld [tilespmem:s2+$0xFFFFFFC0]  }
0xc0: {  	v11 =	vld [tilespmem:s4+$0xFFFFFFD0];
	[tilespmem:s0+$0x10] =	vst v6;
	v6 =	vadd.f32 v10, v7  }
0xc1: {  	v7 =	vld [tilespmem:s2+$0xFFFFFFD0];
	v14 =	vadd.f32 v5, v9  }
0xc2: {  	v9 =	vld [tilespmem:s4+$0xFFFFFFE0];
	[tilespmem:s0+$0x20] =	vst v6  }
0xc3: {  	v6 =	vld [tilespmem:s2+$0xFFFFFFE0];
	v10 =	vadd.f32 v13, v12;
	[tilespmem:s0+$0xFFFFFFC0] =	vst v14;
	s0 =	smov.u32 s4  }
0xc4: {  	v12 =	vld [tilespmem:s4+$0xFFFFFFF0];
	v5 =	vmov v8  }
0xc5: {  	v13 =	vld [tilespmem:s2+$0xFFFFFFF0];
	[tilespmem:s4+$0x30] =	vst v10  }
0xc6: {  	v7 =	vadd.f32 v7, v11;
	v11 =	vld [tilespmem:s4+$0x0]  }
0xc7: {  	v14 =	vld [tilespmem:s2+$0x0]  }
.Ltmp6:
0xc8: {  	[tilespmem:s4+$0xFFFFFFD0] =	vst v7;
	v7 =	vadd.f32 v6, v9;
	v6 =	vld [tilespmem:s4+$0x10];
	(pc) =	sbr.rel @p1 .LBB2_9-.Ltmp6, $4  }
0xc9: {  	v8 =	vld [tilespmem:s2+$0x10]  }
0xca: {  	[tilespmem:s4+$0xFFFFFFE0] =	vst v7;
	v12 =	vadd.f32 v13, v12;
	v7 =	vld [tilespmem:s4+$0x20]  }
0xcb: {  	v10 =	vld [tilespmem:s2+$0x20]  }
0xcc: {  	s4 =	sadd.s32 $0x80, s4;
	v9 =	vld [tilespmem:s0+$0xFFFFFFC0];
	[tilespmem:s0+$0xFFFFFFF0] =	vst v12;
	v11 =	vadd.f32 v14, v11  }
0xcd: {  	_ =	sdelay $0x1  }
0xce: {  	v6 =	vadd.f32 v8, v6  }
0xcf: {  	[tilespmem:s0+$0x0] =	vst v11;
	v7 =	vadd.f32 v10, v7  }
0xd0: {  	[tilespmem:s0+$0x10] =	vst v6;
	v5 =	vadd.f32 v5, v9  }
0xd1: {  	[tilespmem:s0+$0x20] =	vst v7  }
0xd2: {  	[tilespmem:s0+$0xFFFFFFC0] =	vst v5  }
.LBB2_11:
.Ltmp7:
0xd3: {  	(pc) =	sbr.rel .LBB2_12-.Ltmp7, $2  }
0xd4: {  	_ =	sdelay $0x2  }
0xd5: {  	s31 =	simm.s32 $0x0  }
.LBB2_60:
0xd6: {  	s2 =	sadd.s32 s5, s2;
	s31 =	sadd.s32 $0x1, s31  }
0xd7: {  	[hbm4b:s2+s19] =	stream.strided.scatter [tilespmem:s26], [sflag:$0x5], $0x4000, s20, s19, $0x38;
	[tilespmem:$0x1E100] =	vst v63  }
0xd8: {  	s0 =	sadd.s32 $0x7, s0;
	p1 =	sne.s32 s31, $0x15  }
.Ltmp8:
0xd9: {  	s18 =	sadd.s32 s8, s0;
	s0 =	sshll.u32 s0, $0x4;
	(pc) =	sbr.rel @!p1 .LBB2_61-.Ltmp8, $4  }
0xda: {  	s2 =	sshll.u32 s18, $0xB;
	s0 =	sand.u32 $0x70, s0  }
0xdb: {  	s2 =	sand.u32 $0xFFC000, s2;
	s0 =	sadd.s32 s1, s0  }
0xdc: {  	s0 =	sadd.s32 s2, s0  }
0xdd: {  	[tilespmem:s21], [sflag:$0x2] =	stream.strided.gather [hbm4b:s0+s19], $0x4000, s20, s19, $0x38;
	[tilespmem:$0x1E100] =	vst v63  }
.LBB2_12:
0xde: {  	p1 =	seq.s32 s31, $0x0  }
0xdf: {  	s0 =	simm.s32 @!p1 $0x4  }
0xe0: {  	_ =	swait.ge @!p1 [sflag:s0], $0x4000  }
0xe1: {  	[sflag:s0] =	ssyncset.done @!p1 $0x0  }
0xe2: {  	[sflag:s0] =	ssyncadd.s32 @!p1 $0xFFFFC000  }
0xe3: {  	_ =	swait.ge [sflag:s22], $0x4000  }
0xe4: {  	[sflag:s22] =	ssyncset.done $0x0  }
0xe5: {  	s18 =	simm.s32 $0x16140;
	[sflag:s22] =	ssyncadd.s32 $0xFFFFC000  }
0xe6: {  	s2 =	simm.s32 $0x40;
	[tilespmem:s18+$0xFFFFFFD0] =	vst v2  }
0xe7: {  	v5 =	vld [tilespmem:s2+$0xFFFFFFD0];
	_ =	sdelay $0x3  }
0xe8: {  	[tilespmem:s18+$0x0] =	vst v2  }
0xe9: {  	[tilespmem:s18+$0xFFFFFFE0] =	vst v2;
	v10 =	vld [tilespmem:s2+$0x0];
	v6 =	vand.u32 $0x3FFF, v5  }
0xea: {  	v21 =	vld [tilespmem:s2+$0xFFFFFFE0]  }
0xeb: {  	[tilespmem:s18+$0xFFFFFFC0] =	vst v2  }
0xec: {  	s3 =	simm.s32 $0x30C0;
	v12 =	vld [tilespmem:s2+$0xFFFFFFC0]  }
0xed: {  	v7 =	vld [tilespmem:s3+$0xFFFFFFD0]  }
0xee: {  	[tilespmem:s18+$0x30] =	vst v2;
	v11 =	vand.u32 $0x3FFF, v10;
	v9 =	vld.idx.msk [tilespmem:v6+s17+$0x0], $0xffff  }
0xef: {  	[tilespmem:s18+$0xFFFFFFF0] =	vst v2;
	v14 =	vld [tilespmem:s2+$0x30];
	v8 =	vand.u32 $0x3FFF, v21  }
0xf0: {  	[tilespmem:s18+$0x10] =	vst v2;
	v6 =	vld [tilespmem:s2+$0xFFFFFFF0]  }
0xf1: {  	v13 =	vld [tilespmem:s2+$0x10]  }
0xf2: {  	v20 =	vld [tilespmem:s3+$0x0]  }
0xf3: {  	v22 =	vld.idx.msk [tilespmem:v11+s17+$0x0], $0xffff;
	v23 =	vmul.f32 v9, v7  }
0xf4: {  	v16 =	vld.idx.msk [tilespmem:v8+s17+$0x0], $0xffff;
	v8 =	vand.u32 $0x3FFF, v14  }
0xf5: {  	v15 =	vld [tilespmem:s3+$0xFFFFFFE0];
	v7 =	vand.u32 $0x3FFF, v6;
	(xrf2) =	vadd.scan.msk.f32 $0xffff, v23  }
0xf6: {  	v19 =	vld [tilespmem:s3+$0x30]  }
0xf7: {  	[tilespmem:s18+$0x20] =	vst v2;
	v25 =	vld [tilespmem:s3+$0xFFFFFFF0];
	v27 =	vand.u32 $0x3FFF, v12  }
0xf8: {  	v28 =	vand.u32 $0x3FFF, v13;
	v11 =	vld [tilespmem:s2+$0x20];
	v30 =	vmul.f32 v22, v20  }
0xf9: {  	v24 =	vld.idx.msk [tilespmem:v8+s17+$0x0], $0xffff  }
0xfa: {  	v17 =	vshrl.u32 v5, $0x1C;
	(xrf2) =	vadd.scan.msk.f32 $0xffff, v30;
	v7 =	vld.idx.msk [tilespmem:v7+s17+$0x0], $0xffff  }
0xfb: {  	v26 =	vshrl.u32 v10, $0xE;
	v29 =	vshrl.u32 v13, $0xE;
	v32 =	vshrl.u32 v5, $0xE  }
0xfc: {  	v5 =	vshrl.u32 v12, $0xE;
	v12 =	vshrl.u32 v12, $0x1C;
	v31 =	vperm.xlane v17, v3;
	v27 =	vld.idx.msk [tilespmem:v27+s17+$0x0], $0xffff  }
0xfd: {  	v18 =	vmul.f32 v16, v15;
	v15 =	vshrl.u32 v11, $0x1C;
	v22 =	vld.idx.msk [tilespmem:v28+s17+$0x0], $0xffff;
	v28 =	vand.u32 $0x3FFF, v11  }
0xfe: {  	v5 =	vand.u32 $0x3FFF, v5;
	vm4 =	veq.s32 v31, v4;
	v16 =	vld [tilespmem:s3+$0xFFFFFFC0];
	v34 =	vperm.xlane v15, v3  }
0xff: {  	v24 =	vmul.f32 v24, v19;
	v19 =	vmul.f32 v7, v25;
	v7 =	vand.u32 $0x3FFF, v29;
	v29, _, _ =	vpop (xrf2);
	(xrf2) =	vadd.scan.msk.f32 $0xffff, v18  }
0x100: {  	v31 =	vshrl.u32 v21, $0x1C;
	v9 =	vshrl.u32 v14, $0xE;
	v8 =	vshrl.u32 v21, $0xE;
	v20 =	vld [tilespmem:s3+$0x10]  }
0x101: {  	s4 =	simm.s32 $0x0;
	s7 =	simm.s32 $0x161C0;
	s0 =	smul.u32 $0x6, s31;
	v33 =	vshrl.u32 v6, $0xE;
	vm1 =	veq.s32 v34, v4;
	v34 =	vld [tilespmem:s3+$0x20];
	v35 =	vsub.f32 v29, v23  }
.LBB2_13:
0x102: {  	[tilespmem:s7+$0xFFFFFFC0] =	vst v2;
	s4 =	sadd.s32 $0x8, s4;
	v36 =	vperm.xlane v31, v3;
	v23 =	vand.u32 $0x3FFF, v33;
	v33 =	vld.idx.msk [tilespmem:v28+s17+$0x0], $0xffff;
	s2 =	sadd.s32 $0x80, s2;
	s3 =	sadd.s32 $0x80, s3;
	(xrf2) =	vadd.scan.msk.f32 $0xffff, v24  }
0x103: {  	v28 =	vmul.f32 v27, v16;
	v27 =	vand.u32 $0x3FFF, v32;
	v21 =	vld [tilespmem:s2+$0xFFFFFFC0];
	[tilespmem:s7+$0xFFFFFFD0] =	vst v2;
	p2 =	slt.u32 s4, $0x300;
	v16 =	vperm.xlane v35, v17  }
0x104: {  	vm3 =	vmor vm4, vm0;
	v17 =	vperm.xlane v12, v3;
	v35 =	vand.u32 $0x3FFF, v26;
	v32 =	vld [tilespmem:s2+$0xFFFFFFD0];
	[tilespmem:s7+$0xFFFFFFE0] =	vst v2;
	v26, _, _ =	vpop (xrf2)  }
0x105: {  	v25 =	vld [tilespmem:s2+$0xFFFFFFE0];
	[tilespmem:s7+$0xFFFFFFF0] =	vst v2;
	v29 =	vsub.f32 v29, v16;
	v30 =	vsub.f32 v26, v30;
	(xrf2) =	vadd.scan.msk.f32 $0xffff, v19  }
0x106: {  	v37 =	vshrl.u32 v13, $0x1C;
	vm2 =	veq.s32 v17, v4;
	v17 =	vshrl.u32 v10, $0x1C;
	v16 =	vld [tilespmem:s3+$0xFFFFFFC0];
	[tilespmem:s7+$0x0] =	vst v2  }
0x107: {  	v38 =	vshrl.u32 v6, $0x1C;
	vm2 =	vmor vm2, vm0;
	[tilespmem:s7+$0x10] =	vst v2;
	v6 =	vld [tilespmem:s2+$0xFFFFFFF0];
	v30 =	vperm.xlane v30, v17  }
0x108: {  	v40 =	vperm.xlane v17, v3;
	v33 =	vmul.f32 v33, v34;
	v39 =	vand.u32 $0x3FFF, v21;
	v10 =	vld [tilespmem:s2+$0x0];
	[tilespmem:s7+$0x20] =	vst v2  }
0x109: {  	v17 =	vshrl.u32 v32, $0x1C;
	v34 =	vand.u32 $0x3FFF, v32;
	v13 =	vld [tilespmem:s2+$0x10];
	v41 =	vsub.f32 v26, v30;
	v26, _, _ =	vpop (xrf2)  }
0x10a: {  	v30 =	vld [tilespmem:s3+$0xFFFFFFE0];
	v42 =	vand.u32 $0x3FFF, v25;
	[tilespmem:s7+$0x30] =	vst v2;
	v18 =	vsub.f32 v26, v18;
	(xrf2) =	vadd.scan.msk.f32 $0xffff, v33  }
0x10b: {  	v44 =	vperm.xlane v37, v3;
	vm4 =	veq.s32 v40, v4;
	v40 =	vmul.f32 v22, v20;
	v43 =	vld [tilespmem:s2+$0x30]  }
0x10c: {  	v14 =	vshrl.u32 v14, $0x1C;
	v45 =	vand.u32 $0x3FFF, v6;
	v46 =	vld [tilespmem:s3+$0x30];
	v18 =	vperm.xlane v18, v31;
	v20, _, _ =	vpop (xrf2)  }
0x10d: {  	v47 =	vperm.xlane v14, v3;
	v22 =	vld [tilespmem:s3+$0xFFFFFFD0];
	v31 =	vand.u32 $0x3FFF, v10;
	v24 =	vsub.f32 v20, v24;
	(xrf2) =	vadd.scan.msk.f32 $0xffff, v40  }
0x10e: {  	vm5 =	veq.s32 v36, v4;
	v34 =	vld.idx.msk [tilespmem:v34+s17+$0x0], $0xffff;
	v48 =	vand.u32 $0x3FFF, v13;
	v49 =	vsub.f32 v26, v18  }
0x10f: {  	vm5 =	vmor vm5, vm0;
	vm6 =	veq.s32 v47, v4;
	v18 =	vld.idx.msk [tilespmem:v42+s17+$0x0], $0xffff;
	v24 =	vperm.xlane v24, v14;
	v36, _, _ =	vpop (xrf2)  }
0x110: {  	vm6 =	vmor vm6, vm0;
	v42 =	vld [tilespmem:s3+$0x0];
	v47 =	vand.u32 $0x3FFF, v43;
	v19 =	vsub.f32 v36, v19;
	(xrf2) =	vadd.scan.msk.f32 $0xffff, v28;
	v14 =	vmovc v43  }
0x111: {  	v50 =	vand.u32 $0x3FFF, v9;
	v43 =	vld [tilespmem:s3+$0xFFFFFFF0];
	v24 =	vsub.f32 v20, v24;
	v9 =	vshrl.u32 v14, $0xE  }
0x112: {  	v51 =	vand.u32 $0x3FFF, v8;
	v8 =	vshrl.u32 v25, $0xE;
	v31 =	vld.idx.msk [tilespmem:v31+s17+$0x0], $0xffff;
	v53 =	vperm.xlane v19, v38  }
0x113: {  	vm4 =	vmor vm4, vm0;
	v26 =	vshrl.u32 v10, $0xE;
	v38 =	vperm.xlane v38, v3;
	v20 =	vld [tilespmem:s3+$0x10]  }
0x114: {  	v11 =	vshrl.u32 v11, $0xE;
	v52 =	vmul.f32 v34, v22;
	v22 =	vld.idx.msk [tilespmem:v48+s17+$0x0], $0xffff;
	v34 =	vsub.f32 v36, v53;
	v19, _, _ =	vpop (xrf2)  }
0x115: {  	vm1 =	vmor vm1, vm0;
	v18 =	vmul.f32 v18, v30;
	v36 =	vld.idx.msk [tilespmem:v47+s17+$0x0], $0xffff;
	v30 =	vsub.f32 v19, v33  }
0x116: {  	vm7 =	veq.s32 v38, v4;
	v38 =	vand.u32 $0x3FFF, v11;
	(xrf2) =	vadd.scan.msk.f32 $0xffff, v52;
	[tilespmem:v50+s16+$0x0] =	vst.idx.add.f32.msk vm6, v24  }
0x117: {  	v47 =	vshrl.u32 v13, $0xE;
	[tilespmem:v51+s16+$0x0] =	vst.idx.add.f32.msk vm5, v49;
	vm5 =	veq.s32 v44, v4;
	v15 =	vperm.xlane v30, v15;
	v44, _, _ =	vpop (xrf2)  }
0x118: {  	v30 =	vmul.f32 v31, v42;
	v11 =	vld [tilespmem:s2+$0x20];
	v24 =	vsub.f32 v44, v40;
	vm5 =	vmor vm5, vm0  }
0x119: {  	vm6 =	vmor vm7, vm0;
	v31 =	vperm.xlane v17, v3;
	v40 =	vld.idx.msk [tilespmem:v45+s17+$0x0], $0xffff;
	v15 =	vsub.f32 v19, v15  }
0x11a: {  	v32 =	vshrl.u32 v32, $0xE;
	(xrf2) =	vadd.scan.msk.f32 $0xffff, v30;
	[tilespmem:v35+s16+$0x0] =	vst.idx.add.f32.msk vm4, v41;
	v19 =	vperm.xlane v24, v37;
	v35, _, _ =	vpop (xrf2)  }
0x11b: {  	v33 =	vshrl.u32 v6, $0xE;
	v24 =	vmul.f32 v36, v46;
	v36 =	vsub.f32 v35, v28;
	[tilespmem:v38+s16+$0x0] =	vst.idx.add.f32.msk vm1, v15  }
0x11c: {  	v37 =	vshrl.u32 v21, $0xE;
	vm4 =	veq.s32 v31, v4;
	[tilespmem:v27+s16+$0x0] =	vst.idx.add.f32.msk vm3, v29;
	v19 =	vsub.f32 v44, v19  }
.Ltmp9:
0x11d: {  	v27 =	vld.idx.msk [tilespmem:v39+s17+$0x0], $0xffff;
	v15 =	vshrl.u32 v11, $0x1C;
	v28 =	vand.u32 $0x3FFF, v11;
	v12 =	vperm.xlane v36, v12;
	(pc) =	sbr.rel @p2 .LBB2_13-.Ltmp9, $4  }
0x11e: {  	v31 =	vperm.xlane v15, v3;
	[tilespmem:v7+s16+$0x0] =	vst.idx.add.f32.msk vm5, v19  }
0x11f: {  	v19 =	vmul.f32 v40, v43;
	(xrf2) =	vadd.scan.msk.f32 $0xffff, v18;
	v36 =	vsub.f32 v35, v12;
	[tilespmem:v23+s16+$0x0] =	vst.idx.add.f32.msk vm6, v34  }
0x120: {  	v7 =	vand.u32 $0x3FFF, v47;
	v23 =	vand.u32 $0x3FFF, v37;
	v34 =	vld [tilespmem:s3+$0x20];
	vm1 =	veq.s32 v31, v4;
	v29, _, _ =	vpop (xrf2)  }
0x121: {  	s9 =	simm.s32 $0x191F0;
	s7 =	sadd.s32 $0x80, s7;
	v12 =	vshrl.u32 v21, $0x1C;
	v31 =	vshrl.u32 v25, $0x1C;
	v35 =	vsub.f32 v29, v52;
	[tilespmem:v5+s16+$0x0] =	vst.idx.add.f32.msk vm2, v36;
	v5 =	vmovc v23  }
0x122: {  	_ =	sdelay $0x3  }
0x123: {  	v21 =	vld.idx.msk [tilespmem:v28+s17+$0x0], $0xffff;
	_ =	sdelay $0x3  }
0x124: {  	(xrf2) =	vadd.scan.msk.f32 $0xffff, v24;
	v23 =	vperm.xlane v31, v3  }
0x125: {  	v16 =	vmul.f32 v27, v16;
	v21 =	vmul.f32 v21, v34  }
0x126: {  	v25 =	vand.u32 $0x3FFF, v33;
	v20 =	vmul.f32 v22, v20;
	v43 =	vand.u32 $0x3FFF, v32;
	(xrf2) =	vadd.scan.msk.f32 $0xffff, v19  }
0x127: {  	v44 =	vperm.xlane v12, v3;
	vm2 =	vmor vm4, vm0;
	v26 =	vand.u32 $0x3FFF, v26;
	v42, _, _ =	vpop (xrf2);
	(xrf2) =	vadd.scan.msk.f32 $0xffff, v21  }
0x128: {  	v10 =	vshrl.u32 v10, $0x1C;
	v14 =	vshrl.u32 v14, $0x1C;
	v13 =	vshrl.u32 v13, $0x1C;
	(xrf2) =	vadd.scan.msk.f32 $0xffff, v20  }
0x129: {  	v6 =	vshrl.u32 v6, $0x1C;
	v9 =	vand.u32 $0x3FFF, v9;
	v8 =	vand.u32 $0x3FFF, v8  }
0x12a: {  	v11 =	vshrl.u32 v11, $0xE;
	v17 =	vperm.xlane v35, v17;
	v47 =	vperm.xlane v14, v3;
	v46, _, _ =	vpop (xrf2);
	(xrf2) =	vadd.scan.msk.f32 $0xffff, v16  }
0x12b: {  	vm1 =	vmor vm1, vm0;
	v51 =	vperm.xlane v13, v3;
	v52 =	vperm.xlane v6, v3  }
0x12c: {  	v11 =	vand.u32 $0x3FFF, v11;
	vm6 =	veq.s32 v23, v4;
	v30 =	vsub.f32 v42, v30  }
0x12d: {  	vm3 =	veq.s32 v44, v4;
	vm5 =	veq.s32 v47, v4;
	vm6 =	vmor vm6, vm0  }
0x12e: {  	vm7 =	veq.s32 v52, v4;
	v45 =	vperm.xlane v30, v10;
	v10 =	vperm.xlane v10, v3;
	v48, _, _ =	vpop (xrf2)  }
0x12f: {  	vm8 =	veq.s32 v51, v4;
	vm5 =	vmor vm5, vm0;
	v49 =	vsub.f32 v48, v24  }
0x130: {  	v61 =	vsub.f32 v29, v17;
	vm13 =	veq.s32 v10, v4;
	v18 =	vsub.f32 v46, v18;
	v50, _, _ =	vpop (xrf2)  }
0x131: {  	vm15 =	vmor vm7, vm0;
	vm4 =	vmor vm13, vm0;
	v10 =	vperm.xlane v49, v14;
	v53, _, _ =	vpop (xrf2)  }
0x132: {  	v57 =	vsub.f32 v42, v45;
	v18 =	vperm.xlane v18, v31;
	v58 =	vsub.f32 v50, v19;
	v54, _, _ =	vpop (xrf2)  }
0x133: {  	vm14 =	vmor vm8, vm0;
	[tilespmem:v43+s16+$0x0] =	vst.idx.add.f32.msk vm2, v61;
	v10 =	vsub.f32 v48, v10;
	v56 =	vsub.f32 v54, v20  }
0x134: {  	v18 =	vsub.f32 v46, v18;
	v6 =	vperm.xlane v58, v6;
	v21 =	vsub.f32 v53, v21;
	v59, _, _ =	vpop (xrf2)  }
0x135: {  	vm3 =	vmor vm3, vm0;
	[tilespmem:v9+s16+$0x0] =	vst.idx.add.f32.msk vm5, v10;
	v60 =	vsub.f32 v59, v16;
	v10 =	vperm.xlane v56, v13  }
0x136: {  	[tilespmem:v8+s16+$0x0] =	vst.idx.add.f32.msk vm6, v18;
	v6 =	vsub.f32 v50, v6;
	v55 =	vperm.xlane v21, v15  }
0x137: {  	[tilespmem:v26+s16+$0x0] =	vst.idx.add.f32.msk vm4, v57;
	v63 =	vperm.xlane v60, v12;
	v62 =	vsub.f32 v54, v10  }
0x138: {  	[tilespmem:v25+s16+$0x0] =	vst.idx.add.f32.msk vm15, v6;
	v9 =	vsub.f32 v53, v55  }
0x139: {  	[tilespmem:v7+s16+$0x0] =	vst.idx.add.f32.msk vm14, v62;
	v7 =	vsub.f32 v59, v63  }
0x13a: {  	[tilespmem:v11+s16+$0x0] =	vst.idx.add.f32.msk vm1, v9  }
0x13b: {  	[tilespmem:v5+s16+$0x0] =	vst.idx.add.f32.msk vm3, v7  }
0x13c: {  	[tilespmem:s9+$0xFFFFFF90] =	vst v2  }
0x13d: {  	[tilespmem:s9+$0x0] =	vst v2  }
0x13e: {  	[tilespmem:s9+$0xFFFFFFF0] =	vst v2  }
0x13f: {  	[tilespmem:s9+$0xFFFFFFE0] =	vst v2  }
0x140: {  	[tilespmem:s9+$0xFFFFFFD0] =	vst v2  }
0x141: {  	[tilespmem:s9+$0xFFFFFFC0] =	vst v2  }
0x142: {  	s2 =	simm.s32 $0x308;
	[tilespmem:s9+$0xFFFFFFB0] =	vst v2  }
.LBB2_15:
0x143: {  	s2 =	sadd.s32 $0x8, s2;
	[tilespmem:s9+$0xFFFFFFA0] =	vst v2;
	s9 =	sadd.s32 $0x80, s9  }
0x144: {  	[tilespmem:s9+$0xFFFFFF90] =	vst v2;
	p2 =	slt.u32 s2, $0x3F8  }
0x145: {  	[tilespmem:s9+$0x0] =	vst v2  }
.Ltmp10:
0x146: {  	[tilespmem:s9+$0xFFFFFFF0] =	vst v2;
	(pc) =	sbr.rel @p2 .LBB2_15-.Ltmp10, $4  }
0x147: {  	[tilespmem:s9+$0xFFFFFFE0] =	vst v2  }
0x148: {  	[tilespmem:s9+$0xFFFFFFD0] =	vst v2  }
0x149: {  	[tilespmem:s9+$0xFFFFFFC0] =	vst v2  }
0x14a: {  	[tilespmem:s9+$0xFFFFFFB0] =	vst v2  }
.Ltmp11:
0x14b: {  	(pc) =	sbr.rel @!p0 .LBB2_20-.Ltmp11, $2  }
0x14c: {  	_ =	sdelay $0x2  }
0x14d: {  	[tilespmem:s9+$0xFFFFFFA0] =	vst v2  }
0x14e: {  	s2 =	simm.s32 $0x16140  }
0x14f: {  	s3 =	simm.s32 $0x6140;
	v6 =	vld [tilespmem:s2+$0x30]  }
0x150: {  	v7 =	vld [tilespmem:s3+$0x30]  }
0x151: {  	v5 =	vld [tilespmem:s3+$0xFFFFFFC0]  }
0x152: {  	v8 =	vld [tilespmem:s2+$0xFFFFFFD0]  }
0x153: {  	v9 =	vld [tilespmem:s3+$0xFFFFFFD0]  }
0x154: {  	v10 =	vld [tilespmem:s2+$0xFFFFFFE0]  }
0x155: {  	v11 =	vld [tilespmem:s3+$0xFFFFFFE0]  }
0x156: {  	v12 =	vld [tilespmem:s2+$0xFFFFFFF0]  }
0x157: {  	v13 =	vld [tilespmem:s3+$0xFFFFFFF0]  }
0x158: {  	v14 =	vld [tilespmem:s2+$0x0]  }
0x159: {  	v15 =	vld [tilespmem:s3+$0x0];
	v7 =	vadd.f32 v7, v6  }
0x15a: {  	v9 =	vadd.f32 v9, v8;
	v6 =	vld [tilespmem:s2+$0x10]  }
0x15b: {  	v10 =	vadd.f32 v11, v10;
	v8 =	vld [tilespmem:s3+$0x10];
	[tilespmem:s2+$0x30] =	vst v7  }
0x15c: {  	v11 =	vadd.f32 v13, v12;
	[tilespmem:s2+$0xFFFFFFD0] =	vst v9;
	v7 =	vld [tilespmem:s2+$0x20]  }
0x15d: {  	[tilespmem:s2+$0xFFFFFFE0] =	vst v10;
	v10 =	vld [tilespmem:s3+$0x20]  }
0x15e: {  	s4 =	simm.s32 $0x0;
	s7 =	simm.s32 $0x161C0;
	v9 =	vld [tilespmem:s2+$0xFFFFFFC0];
	[tilespmem:s2+$0xFFFFFFF0] =	vst v11;
	v11 =	vadd.f32 v15, v14  }
.LBB2_18:
0x15f: {  	v12 =	vld [tilespmem:s7+$0x30];
	s3 =	sadd.s32 $0x80, s3  }
0x160: {  	s4 =	sadd.s32 $0x8, s4;
	v13 =	vld [tilespmem:s3+$0x30];
	[tilespmem:s2+$0x0] =	vst v11;
	v6 =	vadd.f32 v8, v6  }
0x161: {  	p2 =	slt.u32 s4, $0x3F8;
	v8 =	vld [tilespmem:s3+$0xFFFFFFC0]  }
0x162: {  	v11 =	vld [tilespmem:s7+$0xFFFFFFD0];
	[tilespmem:s2+$0x10] =	vst v6;
	v6 =	vadd.f32 v10, v7  }
0x163: {  	v7 =	vld [tilespmem:s3+$0xFFFFFFD0];
	v14 =	vadd.f32 v5, v9  }
0x164: {  	v9 =	vld [tilespmem:s7+$0xFFFFFFE0];
	[tilespmem:s2+$0x20] =	vst v6  }
0x165: {  	v6 =	vld [tilespmem:s3+$0xFFFFFFE0];
	v10 =	vadd.f32 v13, v12;
	[tilespmem:s2+$0xFFFFFFC0] =	vst v14;
	s2 =	smov.u32 s7  }
0x166: {  	v12 =	vld [tilespmem:s7+$0xFFFFFFF0];
	v5 =	vmov v8  }
0x167: {  	v13 =	vld [tilespmem:s3+$0xFFFFFFF0];
	[tilespmem:s7+$0x30] =	vst v10  }
0x168: {  	v7 =	vadd.f32 v7, v11;
	v11 =	vld [tilespmem:s7+$0x0]  }
0x169: {  	v14 =	vld [tilespmem:s3+$0x0]  }
.Ltmp12:
0x16a: {  	[tilespmem:s7+$0xFFFFFFD0] =	vst v7;
	v7 =	vadd.f32 v6, v9;
	v6 =	vld [tilespmem:s7+$0x10];
	(pc) =	sbr.rel @p2 .LBB2_18-.Ltmp12, $4  }
0x16b: {  	v8 =	vld [tilespmem:s3+$0x10]  }
0x16c: {  	[tilespmem:s7+$0xFFFFFFE0] =	vst v7;
	v12 =	vadd.f32 v13, v12;
	v7 =	vld [tilespmem:s7+$0x20]  }
0x16d: {  	v10 =	vld [tilespmem:s3+$0x20]  }
0x16e: {  	s7 =	sadd.s32 $0x80, s7;
	v9 =	vld [tilespmem:s2+$0xFFFFFFC0];
	[tilespmem:s2+$0xFFFFFFF0] =	vst v12;
	v11 =	vadd.f32 v14, v11  }
0x16f: {  	_ =	sdelay $0x1  }
0x170: {  	v6 =	vadd.f32 v8, v6  }
0x171: {  	[tilespmem:s2+$0x0] =	vst v11;
	v7 =	vadd.f32 v10, v7  }
0x172: {  	[tilespmem:s2+$0x10] =	vst v6;
	v5 =	vadd.f32 v5, v9  }
0x173: {  	[tilespmem:s2+$0x20] =	vst v7  }
0x174: {  	[tilespmem:s2+$0xFFFFFFC0] =	vst v5  }
.LBB2_20:
0x175: {  	s2 =	sadd.s32 s8, s0;
	s3 =	smul.u32 $0x300, s31  }
0x176: {  	s4 =	sshll.u32 s2, $0xE  }
0x177: {  	s4 =	sand.u32 $0x7FE0000, s4;
	s3 =	sand.u32 $0x300, s3  }
0x178: {  	s3 =	sor.u32 s3, s4  }
0x179: {  	s11 =	sadd.s32 $0x2, s0;
	s3 =	sshrl.u32 s3, $0x3  }
0x17a: {  	s18 =	sadd.s32 s8, s11;
	s3 =	sadd.s32 s5, s3  }
0x17b: {  	[hbm4b:s3+s19] =	stream.strided.scatter [tilespmem:s16], [sflag:$0x3], $0x4000, s20, s19, $0x38;
	[tilespmem:$0x1E100] =	vst v63  }
0x17c: {  	s4 =	sshll.u32 s18, $0xB;
	s3 =	sshll.u32 s11, $0x4  }
0x17d: {  	s4 =	sand.u32 $0xFFC000, s4;
	s3 =	sand.u32 $0x60, s3  }
0x17e: {  	s4 =	sor.u32 s3, s4  }
0x17f: {  	s3 =	sadd.s32 s1, s4  }
0x180: {  	[tilespmem:s17], [sflag:$0x1] =	stream.strided.gather [hbm4b:s3+s19], $0x4000, s20, s19, $0x38;
	[tilespmem:$0x1E100] =	vst v63  }
0x181: {  	s3 =	simm.s32 @!p1 $0x5  }
0x182: {  	_ =	swait.ge @!p1 [sflag:s3], $0x4000  }
0x183: {  	[sflag:s3] =	ssyncset.done @!p1 $0x0  }
0x184: {  	[sflag:s3] =	ssyncadd.s32 @!p1 $0xFFFFC000  }
0x185: {  	_ =	swait.ge [sflag:s23], $0x4000  }
0x186: {  	[sflag:s23] =	ssyncset.done $0x0  }
0x187: {  	s7 =	simm.s32 $0x1A140;
	[sflag:s23] =	ssyncadd.s32 $0xFFFFC000  }
0x188: {  	s3 =	simm.s32 $0x40;
	[tilespmem:s7+$0xFFFFFFD0] =	vst v2  }
0x189: {  	v5 =	vld [tilespmem:s3+$0xFFFFFFD0];
	_ =	sdelay $0x3  }
0x18a: {  	[tilespmem:s7+$0x0] =	vst v2  }
0x18b: {  	[tilespmem:s7+$0xFFFFFFE0] =	vst v2;
	v10 =	vld [tilespmem:s3+$0x0];
	v6 =	vand.u32 $0x3FFF, v5  }
0x18c: {  	v21 =	vld [tilespmem:s3+$0xFFFFFFE0]  }
0x18d: {  	[tilespmem:s7+$0xFFFFFFC0] =	vst v2  }
0x18e: {  	s18 =	simm.s32 $0x30C0;
	v12 =	vld [tilespmem:s3+$0xFFFFFFC0]  }
0x18f: {  	v7 =	vld [tilespmem:s18+$0xFFFFFFD0]  }
0x190: {  	[tilespmem:s7+$0x30] =	vst v2;
	v11 =	vand.u32 $0x3FFF, v10;
	v9 =	vld.idx.msk [tilespmem:v6+s21+$0x0], $0xffff  }
0x191: {  	[tilespmem:s7+$0xFFFFFFF0] =	vst v2;
	v14 =	vld [tilespmem:s3+$0x30];
	v8 =	vand.u32 $0x3FFF, v21  }
0x192: {  	[tilespmem:s7+$0x10] =	vst v2;
	v6 =	vld [tilespmem:s3+$0xFFFFFFF0]  }
0x193: {  	v13 =	vld [tilespmem:s3+$0x10]  }
0x194: {  	v20 =	vld [tilespmem:s18+$0x0]  }
0x195: {  	v22 =	vld.idx.msk [tilespmem:v11+s21+$0x0], $0xffff;
	v23 =	vmul.f32 v9, v7  }
0x196: {  	v16 =	vld.idx.msk [tilespmem:v8+s21+$0x0], $0xffff;
	v8 =	vand.u32 $0x3FFF, v14  }
0x197: {  	v15 =	vld [tilespmem:s18+$0xFFFFFFE0];
	v7 =	vand.u32 $0x3FFF, v6;
	(xrf2) =	vadd.scan.msk.f32 $0xffff, v23  }
0x198: {  	v19 =	vld [tilespmem:s18+$0x30]  }
0x199: {  	[tilespmem:s7+$0x20] =	vst v2;
	v25 =	vld [tilespmem:s18+$0xFFFFFFF0];
	v27 =	vand.u32 $0x3FFF, v12  }
0x19a: {  	v28 =	vand.u32 $0x3FFF, v13;
	v11 =	vld [tilespmem:s3+$0x20];
	v30 =	vmul.f32 v22, v20  }
0x19b: {  	v24 =	vld.idx.msk [tilespmem:v8+s21+$0x0], $0xffff  }
0x19c: {  	v17 =	vshrl.u32 v5, $0x1C;
	(xrf2) =	vadd.scan.msk.f32 $0xffff, v30;
	v7 =	vld.idx.msk [tilespmem:v7+s21+$0x0], $0xffff  }
0x19d: {  	v26 =	vshrl.u32 v10, $0xE;
	v29 =	vshrl.u32 v13, $0xE;
	v32 =	vshrl.u32 v5, $0xE  }
0x19e: {  	v5 =	vshrl.u32 v12, $0xE;
	v12 =	vshrl.u32 v12, $0x1C;
	v31 =	vperm.xlane v17, v3;
	v27 =	vld.idx.msk [tilespmem:v27+s21+$0x0], $0xffff  }
0x19f: {  	v18 =	vmul.f32 v16, v15;
	v15 =	vshrl.u32 v11, $0x1C;
	v22 =	vld.idx.msk [tilespmem:v28+s21+$0x0], $0xffff;
	v28 =	vand.u32 $0x3FFF, v11  }
0x1a0: {  	v5 =	vand.u32 $0x3FFF, v5;
	vm4 =	veq.s32 v31, v4;
	v16 =	vld [tilespmem:s18+$0xFFFFFFC0];
	v34 =	vperm.xlane v15, v3  }
0x1a1: {  	v24 =	vmul.f32 v24, v19;
	v19 =	vmul.f32 v7, v25;
	v7 =	vand.u32 $0x3FFF, v29;
	v29, _, _ =	vpop (xrf2);
	(xrf2) =	vadd.scan.msk.f32 $0xffff, v18  }
0x1a2: {  	v31 =	vshrl.u32 v21, $0x1C;
	v9 =	vshrl.u32 v14, $0xE;
	v8 =	vshrl.u32 v21, $0xE;
	v20 =	vld [tilespmem:s18+$0x10]  }
0x1a3: {  	s9 =	simm.s32 $0x1A1C0;
	s7 =	simm.s32 $0x0;
	v33 =	vshrl.u32 v6, $0xE;
	vm1 =	veq.s32 v34, v4;
	v34 =	vld [tilespmem:s18+$0x20];
	v35 =	vsub.f32 v29, v23  }
.LBB2_21:
0x1a4: {  	[tilespmem:s9+$0xFFFFFFC0] =	vst v2;
	s7 =	sadd.s32 $0x8, s7;
	v36 =	vperm.xlane v31, v3;
	v23 =	vand.u32 $0x3FFF, v33;
	v33 =	vld.idx.msk [tilespmem:v28+s21+$0x0], $0xffff;
	s3 =	sadd.s32 $0x80, s3;
	s18 =	sadd.s32 $0x80, s18;
	(xrf2) =	vadd.scan.msk.f32 $0xffff, v24  }
0x1a5: {  	v28 =	vmul.f32 v27, v16;
	v27 =	vand.u32 $0x3FFF, v32;
	v21 =	vld [tilespmem:s3+$0xFFFFFFC0];
	[tilespmem:s9+$0xFFFFFFD0] =	vst v2;
	p1 =	slt.u32 s7, $0x300;
	v16 =	vperm.xlane v35, v17  }
0x1a6: {  	vm3 =	vmor vm4, vm0;
	v17 =	vperm.xlane v12, v3;
	v35 =	vand.u32 $0x3FFF, v26;
	v32 =	vld [tilespmem:s3+$0xFFFFFFD0];
	[tilespmem:s9+$0xFFFFFFE0] =	vst v2;
	v26, _, _ =	vpop (xrf2)  }
0x1a7: {  	v25 =	vld [tilespmem:s3+$0xFFFFFFE0];
	[tilespmem:s9+$0xFFFFFFF0] =	vst v2;
	v29 =	vsub.f32 v29, v16;
	v30 =	vsub.f32 v26, v30;
	(xrf2) =	vadd.scan.msk.f32 $0xffff, v19  }
0x1a8: {  	v37 =	vshrl.u32 v13, $0x1C;
	vm2 =	veq.s32 v17, v4;
	v17 =	vshrl.u32 v10, $0x1C;
	v16 =	vld [tilespmem:s18+$0xFFFFFFC0];
	[tilespmem:s9+$0x0] =	vst v2  }
0x1a9: {  	v38 =	vshrl.u32 v6, $0x1C;
	vm2 =	vmor vm2, vm0;
	[tilespmem:s9+$0x10] =	vst v2;
	v6 =	vld [tilespmem:s3+$0xFFFFFFF0];
	v30 =	vperm.xlane v30, v17  }
0x1aa: {  	v40 =	vperm.xlane v17, v3;
	v33 =	vmul.f32 v33, v34;
	v39 =	vand.u32 $0x3FFF, v21;
	v10 =	vld [tilespmem:s3+$0x0];
	[tilespmem:s9+$0x20] =	vst v2  }
0x1ab: {  	v17 =	vshrl.u32 v32, $0x1C;
	v34 =	vand.u32 $0x3FFF, v32;
	v13 =	vld [tilespmem:s3+$0x10];
	v41 =	vsub.f32 v26, v30;
	v26, _, _ =	vpop (xrf2)  }
0x1ac: {  	v30 =	vld [tilespmem:s18+$0xFFFFFFE0];
	v42 =	vand.u32 $0x3FFF, v25;
	[tilespmem:s9+$0x30] =	vst v2;
	v18 =	vsub.f32 v26, v18;
	(xrf2) =	vadd.scan.msk.f32 $0xffff, v33  }
0x1ad: {  	v44 =	vperm.xlane v37, v3;
	vm4 =	veq.s32 v40, v4;
	v40 =	vmul.f32 v22, v20;
	v43 =	vld [tilespmem:s3+$0x30]  }
0x1ae: {  	v14 =	vshrl.u32 v14, $0x1C;
	v45 =	vand.u32 $0x3FFF, v6;
	v46 =	vld [tilespmem:s18+$0x30];
	v18 =	vperm.xlane v18, v31;
	v20, _, _ =	vpop (xrf2)  }
0x1af: {  	v47 =	vperm.xlane v14, v3;
	v22 =	vld [tilespmem:s18+$0xFFFFFFD0];
	v31 =	vand.u32 $0x3FFF, v10;
	v24 =	vsub.f32 v20, v24;
	(xrf2) =	vadd.scan.msk.f32 $0xffff, v40  }
0x1b0: {  	vm5 =	veq.s32 v36, v4;
	v34 =	vld.idx.msk [tilespmem:v34+s21+$0x0], $0xffff;
	v48 =	vand.u32 $0x3FFF, v13;
	v49 =	vsub.f32 v26, v18  }
0x1b1: {  	vm5 =	vmor vm5, vm0;
	vm6 =	veq.s32 v47, v4;
	v18 =	vld.idx.msk [tilespmem:v42+s21+$0x0], $0xffff;
	v24 =	vperm.xlane v24, v14;
	v36, _, _ =	vpop (xrf2)  }
0x1b2: {  	vm6 =	vmor vm6, vm0;
	v42 =	vld [tilespmem:s18+$0x0];
	v47 =	vand.u32 $0x3FFF, v43;
	v19 =	vsub.f32 v36, v19;
	(xrf2) =	vadd.scan.msk.f32 $0xffff, v28;
	v14 =	vmovc v43  }
0x1b3: {  	v50 =	vand.u32 $0x3FFF, v9;
	v43 =	vld [tilespmem:s18+$0xFFFFFFF0];
	v24 =	vsub.f32 v20, v24;
	v9 =	vshrl.u32 v14, $0xE  }
0x1b4: {  	v51 =	vand.u32 $0x3FFF, v8;
	v8 =	vshrl.u32 v25, $0xE;
	v31 =	vld.idx.msk [tilespmem:v31+s21+$0x0], $0xffff;
	v53 =	vperm.xlane v19, v38  }
0x1b5: {  	vm4 =	vmor vm4, vm0;
	v26 =	vshrl.u32 v10, $0xE;
	v38 =	vperm.xlane v38, v3;
	v20 =	vld [tilespmem:s18+$0x10]  }
0x1b6: {  	v11 =	vshrl.u32 v11, $0xE;
	v52 =	vmul.f32 v34, v22;
	v22 =	vld.idx.msk [tilespmem:v48+s21+$0x0], $0xffff;
	v34 =	vsub.f32 v36, v53;
	v19, _, _ =	vpop (xrf2)  }
0x1b7: {  	vm1 =	vmor vm1, vm0;
	v18 =	vmul.f32 v18, v30;
	v36 =	vld.idx.msk [tilespmem:v47+s21+$0x0], $0xffff;
	v30 =	vsub.f32 v19, v33  }
0x1b8: {  	vm7 =	veq.s32 v38, v4;
	v38 =	vand.u32 $0x3FFF, v11;
	(xrf2) =	vadd.scan.msk.f32 $0xffff, v52;
	[tilespmem:v50+s24+$0x0] =	vst.idx.add.f32.msk vm6, v24  }
0x1b9: {  	v47 =	vshrl.u32 v13, $0xE;
	[tilespmem:v51+s24+$0x0] =	vst.idx.add.f32.msk vm5, v49;
	vm5 =	veq.s32 v44, v4;
	v15 =	vperm.xlane v30, v15;
	v44, _, _ =	vpop (xrf2)  }
0x1ba: {  	v30 =	vmul.f32 v31, v42;
	v11 =	vld [tilespmem:s3+$0x20];
	v24 =	vsub.f32 v44, v40;
	vm5 =	vmor vm5, vm0  }
0x1bb: {  	vm6 =	vmor vm7, vm0;
	v31 =	vperm.xlane v17, v3;
	v40 =	vld.idx.msk [tilespmem:v45+s21+$0x0], $0xffff;
	v15 =	vsub.f32 v19, v15  }
0x1bc: {  	v32 =	vshrl.u32 v32, $0xE;
	(xrf2) =	vadd.scan.msk.f32 $0xffff, v30;
	[tilespmem:v35+s24+$0x0] =	vst.idx.add.f32.msk vm4, v41;
	v19 =	vperm.xlane v24, v37;
	v35, _, _ =	vpop (xrf2)  }
0x1bd: {  	v33 =	vshrl.u32 v6, $0xE;
	v24 =	vmul.f32 v36, v46;
	v36 =	vsub.f32 v35, v28;
	[tilespmem:v38+s24+$0x0] =	vst.idx.add.f32.msk vm1, v15  }
0x1be: {  	v37 =	vshrl.u32 v21, $0xE;
	vm4 =	veq.s32 v31, v4;
	[tilespmem:v27+s24+$0x0] =	vst.idx.add.f32.msk vm3, v29;
	v19 =	vsub.f32 v44, v19  }
.Ltmp13:
0x1bf: {  	v27 =	vld.idx.msk [tilespmem:v39+s21+$0x0], $0xffff;
	v15 =	vshrl.u32 v11, $0x1C;
	v28 =	vand.u32 $0x3FFF, v11;
	v12 =	vperm.xlane v36, v12;
	(pc) =	sbr.rel @p1 .LBB2_21-.Ltmp13, $4  }
0x1c0: {  	v31 =	vperm.xlane v15, v3;
	[tilespmem:v7+s24+$0x0] =	vst.idx.add.f32.msk vm5, v19  }
0x1c1: {  	v19 =	vmul.f32 v40, v43;
	(xrf2) =	vadd.scan.msk.f32 $0xffff, v18;
	v36 =	vsub.f32 v35, v12;
	[tilespmem:v23+s24+$0x0] =	vst.idx.add.f32.msk vm6, v34  }
0x1c2: {  	v7 =	vand.u32 $0x3FFF, v47;
	v23 =	vand.u32 $0x3FFF, v37;
	v34 =	vld [tilespmem:s18+$0x20];
	vm1 =	veq.s32 v31, v4;
	v29, _, _ =	vpop (xrf2)  }
0x1c3: {  	s11 =	simm.s32 $0x1D1F0;
	s9 =	sadd.s32 $0x80, s9;
	v12 =	vshrl.u32 v21, $0x1C;
	v31 =	vshrl.u32 v25, $0x1C;
	v35 =	vsub.f32 v29, v52;
	[tilespmem:v5+s24+$0x0] =	vst.idx.add.f32.msk vm2, v36;
	v5 =	vmovc v23  }
0x1c4: {  	_ =	sdelay $0x3  }
0x1c5: {  	v21 =	vld.idx.msk [tilespmem:v28+s21+$0x0], $0xffff;
	_ =	sdelay $0x3  }
0x1c6: {  	(xrf2) =	vadd.scan.msk.f32 $0xffff, v24;
	v23 =	vperm.xlane v31, v3  }
0x1c7: {  	v16 =	vmul.f32 v27, v16;
	v21 =	vmul.f32 v21, v34  }
0x1c8: {  	v25 =	vand.u32 $0x3FFF, v33;
	v20 =	vmul.f32 v22, v20;
	v43 =	vand.u32 $0x3FFF, v32;
	(xrf2) =	vadd.scan.msk.f32 $0xffff, v19  }
0x1c9: {  	v44 =	vperm.xlane v12, v3;
	vm2 =	vmor vm4, vm0;
	v26 =	vand.u32 $0x3FFF, v26;
	v42, _, _ =	vpop (xrf2);
	(xrf2) =	vadd.scan.msk.f32 $0xffff, v21  }
0x1ca: {  	v10 =	vshrl.u32 v10, $0x1C;
	v14 =	vshrl.u32 v14, $0x1C;
	v13 =	vshrl.u32 v13, $0x1C;
	(xrf2) =	vadd.scan.msk.f32 $0xffff, v20  }
0x1cb: {  	v6 =	vshrl.u32 v6, $0x1C;
	v9 =	vand.u32 $0x3FFF, v9;
	v8 =	vand.u32 $0x3FFF, v8  }
0x1cc: {  	v11 =	vshrl.u32 v11, $0xE;
	v17 =	vperm.xlane v35, v17;
	v47 =	vperm.xlane v14, v3;
	v46, _, _ =	vpop (xrf2);
	(xrf2) =	vadd.scan.msk.f32 $0xffff, v16  }
0x1cd: {  	vm1 =	vmor vm1, vm0;
	v51 =	vperm.xlane v13, v3;
	v52 =	vperm.xlane v6, v3  }
0x1ce: {  	v11 =	vand.u32 $0x3FFF, v11;
	vm6 =	veq.s32 v23, v4;
	v30 =	vsub.f32 v42, v30  }
0x1cf: {  	vm3 =	veq.s32 v44, v4;
	vm5 =	veq.s32 v47, v4;
	vm6 =	vmor vm6, vm0  }
0x1d0: {  	vm7 =	veq.s32 v52, v4;
	v45 =	vperm.xlane v30, v10;
	v10 =	vperm.xlane v10, v3;
	v48, _, _ =	vpop (xrf2)  }
0x1d1: {  	vm8 =	veq.s32 v51, v4;
	vm5 =	vmor vm5, vm0;
	v49 =	vsub.f32 v48, v24  }
0x1d2: {  	v61 =	vsub.f32 v29, v17;
	vm13 =	veq.s32 v10, v4;
	v18 =	vsub.f32 v46, v18;
	v50, _, _ =	vpop (xrf2)  }
0x1d3: {  	vm15 =	vmor vm7, vm0;
	vm4 =	vmor vm13, vm0;
	v10 =	vperm.xlane v49, v14;
	v53, _, _ =	vpop (xrf2)  }
0x1d4: {  	v57 =	vsub.f32 v42, v45;
	v18 =	vperm.xlane v18, v31;
	v58 =	vsub.f32 v50, v19;
	v54, _, _ =	vpop (xrf2)  }
0x1d5: {  	vm14 =	vmor vm8, vm0;
	[tilespmem:v43+s24+$0x0] =	vst.idx.add.f32.msk vm2, v61;
	v10 =	vsub.f32 v48, v10;
	v56 =	vsub.f32 v54, v20  }
0x1d6: {  	v18 =	vsub.f32 v46, v18;
	v6 =	vperm.xlane v58, v6;
	v21 =	vsub.f32 v53, v21;
	v59, _, _ =	vpop (xrf2)  }
0x1d7: {  	vm3 =	vmor vm3, vm0;
	[tilespmem:v9+s24+$0x0] =	vst.idx.add.f32.msk vm5, v10;
	v60 =	vsub.f32 v59, v16;
	v10 =	vperm.xlane v56, v13  }
0x1d8: {  	[tilespmem:v8+s24+$0x0] =	vst.idx.add.f32.msk vm6, v18;
	v6 =	vsub.f32 v50, v6;
	v55 =	vperm.xlane v21, v15  }
0x1d9: {  	[tilespmem:v26+s24+$0x0] =	vst.idx.add.f32.msk vm4, v57;
	v63 =	vperm.xlane v60, v12;
	v62 =	vsub.f32 v54, v10  }
0x1da: {  	[tilespmem:v25+s24+$0x0] =	vst.idx.add.f32.msk vm15, v6;
	v9 =	vsub.f32 v53, v55  }
0x1db: {  	[tilespmem:v7+s24+$0x0] =	vst.idx.add.f32.msk vm14, v62;
	v7 =	vsub.f32 v59, v63  }
0x1dc: {  	[tilespmem:v11+s24+$0x0] =	vst.idx.add.f32.msk vm1, v9  }
0x1dd: {  	[tilespmem:v5+s24+$0x0] =	vst.idx.add.f32.msk vm3, v7  }
0x1de: {  	[tilespmem:s11+$0xFFFFFF90] =	vst v2  }
0x1df: {  	[tilespmem:s11+$0x0] =	vst v2  }
0x1e0: {  	[tilespmem:s11+$0xFFFFFFF0] =	vst v2  }
0x1e1: {  	[tilespmem:s11+$0xFFFFFFE0] =	vst v2  }
0x1e2: {  	[tilespmem:s11+$0xFFFFFFD0] =	vst v2  }
0x1e3: {  	[tilespmem:s11+$0xFFFFFFC0] =	vst v2  }
0x1e4: {  	s3 =	simm.s32 $0x308;
	[tilespmem:s11+$0xFFFFFFB0] =	vst v2  }
.LBB2_23:
0x1e5: {  	s3 =	sadd.s32 $0x8, s3;
	[tilespmem:s11+$0xFFFFFFA0] =	vst v2;
	s11 =	sadd.s32 $0x80, s11  }
0x1e6: {  	[tilespmem:s11+$0xFFFFFF90] =	vst v2;
	p1 =	slt.u32 s3, $0x3F8  }
0x1e7: {  	[tilespmem:s11+$0x0] =	vst v2  }
.Ltmp14:
0x1e8: {  	[tilespmem:s11+$0xFFFFFFF0] =	vst v2;
	(pc) =	sbr.rel @p1 .LBB2_23-.Ltmp14, $4  }
0x1e9: {  	[tilespmem:s11+$0xFFFFFFE0] =	vst v2  }
0x1ea: {  	[tilespmem:s11+$0xFFFFFFD0] =	vst v2  }
0x1eb: {  	[tilespmem:s11+$0xFFFFFFC0] =	vst v2  }
0x1ec: {  	[tilespmem:s11+$0xFFFFFFB0] =	vst v2  }
.Ltmp15:
0x1ed: {  	(pc) =	sbr.rel @!p0 .LBB2_28-.Ltmp15, $2  }
0x1ee: {  	_ =	sdelay $0x2  }
0x1ef: {  	[tilespmem:s11+$0xFFFFFFA0] =	vst v2  }
0x1f0: {  	s3 =	simm.s32 $0x1A140  }
0x1f1: {  	s7 =	simm.s32 $0x6140;
	v6 =	vld [tilespmem:s3+$0x30]  }
0x1f2: {  	v7 =	vld [tilespmem:s7+$0x30]  }
0x1f3: {  	v5 =	vld [tilespmem:s7+$0xFFFFFFC0]  }
0x1f4: {  	v8 =	vld [tilespmem:s3+$0xFFFFFFD0]  }
0x1f5: {  	v9 =	vld [tilespmem:s7+$0xFFFFFFD0]  }
0x1f6: {  	v10 =	vld [tilespmem:s3+$0xFFFFFFE0]  }
0x1f7: {  	v11 =	vld [tilespmem:s7+$0xFFFFFFE0]  }
0x1f8: {  	v12 =	vld [tilespmem:s3+$0xFFFFFFF0]  }
0x1f9: {  	v13 =	vld [tilespmem:s7+$0xFFFFFFF0]  }
0x1fa: {  	v14 =	vld [tilespmem:s3+$0x0]  }
0x1fb: {  	v15 =	vld [tilespmem:s7+$0x0];
	v7 =	vadd.f32 v7, v6  }
0x1fc: {  	v9 =	vadd.f32 v9, v8;
	v6 =	vld [tilespmem:s3+$0x10]  }
0x1fd: {  	v10 =	vadd.f32 v11, v10;
	v8 =	vld [tilespmem:s7+$0x10];
	[tilespmem:s3+$0x30] =	vst v7  }
0x1fe: {  	v11 =	vadd.f32 v13, v12;
	[tilespmem:s3+$0xFFFFFFD0] =	vst v9;
	v7 =	vld [tilespmem:s3+$0x20]  }
0x1ff: {  	[tilespmem:s3+$0xFFFFFFE0] =	vst v10;
	v10 =	vld [tilespmem:s7+$0x20]  }
0x200: {  	s9 =	simm.s32 $0x0;
	s11 =	simm.s32 $0x1A1C0;
	v9 =	vld [tilespmem:s3+$0xFFFFFFC0];
	[tilespmem:s3+$0xFFFFFFF0] =	vst v11;
	v11 =	vadd.f32 v15, v14  }
.LBB2_26:
0x201: {  	v12 =	vld [tilespmem:s11+$0x30];
	s7 =	sadd.s32 $0x80, s7  }
0x202: {  	s9 =	sadd.s32 $0x8, s9;
	v13 =	vld [tilespmem:s7+$0x30];
	[tilespmem:s3+$0x0] =	vst v11;
	v6 =	vadd.f32 v8, v6  }
0x203: {  	p1 =	slt.u32 s9, $0x3F8;
	v8 =	vld [tilespmem:s7+$0xFFFFFFC0]  }
0x204: {  	v11 =	vld [tilespmem:s11+$0xFFFFFFD0];
	[tilespmem:s3+$0x10] =	vst v6;
	v6 =	vadd.f32 v10, v7  }
0x205: {  	v7 =	vld [tilespmem:s7+$0xFFFFFFD0];
	v14 =	vadd.f32 v5, v9  }
0x206: {  	v9 =	vld [tilespmem:s11+$0xFFFFFFE0];
	[tilespmem:s3+$0x20] =	vst v6  }
0x207: {  	v6 =	vld [tilespmem:s7+$0xFFFFFFE0];
	v10 =	vadd.f32 v13, v12;
	[tilespmem:s3+$0xFFFFFFC0] =	vst v14;
	s3 =	smov.u32 s11  }
0x208: {  	v12 =	vld [tilespmem:s11+$0xFFFFFFF0];
	v5 =	vmov v8  }
0x209: {  	v13 =	vld [tilespmem:s7+$0xFFFFFFF0];
	[tilespmem:s11+$0x30] =	vst v10  }
0x20a: {  	v7 =	vadd.f32 v7, v11;
	v11 =	vld [tilespmem:s11+$0x0]  }
0x20b: {  	v14 =	vld [tilespmem:s7+$0x0]  }
.Ltmp16:
0x20c: {  	[tilespmem:s11+$0xFFFFFFD0] =	vst v7;
	v7 =	vadd.f32 v6, v9;
	v6 =	vld [tilespmem:s11+$0x10];
	(pc) =	sbr.rel @p1 .LBB2_26-.Ltmp16, $4  }
0x20d: {  	v8 =	vld [tilespmem:s7+$0x10]  }
0x20e: {  	[tilespmem:s11+$0xFFFFFFE0] =	vst v7;
	v12 =	vadd.f32 v13, v12;
	v7 =	vld [tilespmem:s11+$0x20]  }
0x20f: {  	v10 =	vld [tilespmem:s7+$0x20]  }
0x210: {  	s11 =	sadd.s32 $0x80, s11;
	v9 =	vld [tilespmem:s3+$0xFFFFFFC0];
	[tilespmem:s3+$0xFFFFFFF0] =	vst v12;
	v11 =	vadd.f32 v14, v11  }
0x211: {  	_ =	sdelay $0x1  }
0x212: {  	v6 =	vadd.f32 v8, v6  }
0x213: {  	[tilespmem:s3+$0x0] =	vst v11;
	v7 =	vadd.f32 v10, v7  }
0x214: {  	[tilespmem:s3+$0x10] =	vst v6;
	v5 =	vadd.f32 v5, v9  }
0x215: {  	[tilespmem:s3+$0x20] =	vst v7  }
0x216: {  	[tilespmem:s3+$0xFFFFFFC0] =	vst v5  }
.LBB2_28:
0x217: {  	s3 =	smul.u32 $0x60, s31;
	_ =	sdelay $0x1  }
0x218: {  	s3 =	sand.u32 $0x60, s3  }
0x219: {  	s2 =	sshll.u32 s2, $0xB;
	s3 =	sor.u32 $0x10, s3  }
0x21a: {  	s11 =	sadd.s32 $0x3, s0;
	s2 =	sand.u32 $0xFFC000, s2;
	s3 =	sadd.s32 s5, s3  }
0x21b: {  	s18 =	sadd.s32 s8, s11;
	s2 =	sadd.s32 s2, s3  }
0x21c: {  	[hbm4b:s2+s19] =	stream.strided.scatter [tilespmem:s24], [sflag:$0x4], $0x4000, s20, s19, $0x38;
	[tilespmem:$0x1E100] =	vst v63  }
0x21d: {  	s3 =	sshll.u32 s18, $0xB;
	s2 =	sshll.u32 s11, $0x4  }
0x21e: {  	s3 =	sand.u32 $0xFFC000, s3;
	s2 =	sand.u32 $0x70, s2  }
0x21f: {  	s2 =	sor.u32 s2, s3  }
0x220: {  	s3 =	sadd.s32 s1, s2  }
0x221: {  	[tilespmem:s21], [sflag:$0x2] =	stream.strided.gather [hbm4b:s3+s19], $0x4000, s20, s19, $0x38;
	[tilespmem:$0x1E100] =	vst v63  }
0x222: {  	_ =	swait.ge [sflag:s25], $0x4000  }
0x223: {  	[sflag:s25] =	ssyncset.done $0x0  }
0x224: {  	[sflag:s25] =	ssyncadd.s32 $0xFFFFC000  }
0x225: {  	_ =	swait.ge [sflag:s22], $0x4000  }
0x226: {  	[sflag:s22] =	ssyncset.done $0x0  }
0x227: {  	s7 =	simm.s32 $0x12140;
	[sflag:s22] =	ssyncadd.s32 $0xFFFFC000  }
0x228: {  	s3 =	simm.s32 $0x40;
	[tilespmem:s7+$0xFFFFFFD0] =	vst v2  }
0x229: {  	v5 =	vld [tilespmem:s3+$0xFFFFFFD0];
	_ =	sdelay $0x3  }
0x22a: {  	[tilespmem:s7+$0x0] =	vst v2  }
0x22b: {  	[tilespmem:s7+$0xFFFFFFE0] =	vst v2;
	v10 =	vld [tilespmem:s3+$0x0];
	v6 =	vand.u32 $0x3FFF, v5  }
0x22c: {  	v21 =	vld [tilespmem:s3+$0xFFFFFFE0]  }
0x22d: {  	[tilespmem:s7+$0xFFFFFFC0] =	vst v2  }
0x22e: {  	s18 =	simm.s32 $0x30C0;
	v12 =	vld [tilespmem:s3+$0xFFFFFFC0]  }
0x22f: {  	v7 =	vld [tilespmem:s18+$0xFFFFFFD0]  }
0x230: {  	[tilespmem:s7+$0x30] =	vst v2;
	v11 =	vand.u32 $0x3FFF, v10;
	v9 =	vld.idx.msk [tilespmem:v6+s17+$0x0], $0xffff  }
0x231: {  	[tilespmem:s7+$0xFFFFFFF0] =	vst v2;
	v14 =	vld [tilespmem:s3+$0x30];
	v8 =	vand.u32 $0x3FFF, v21  }
0x232: {  	[tilespmem:s7+$0x10] =	vst v2;
	v6 =	vld [tilespmem:s3+$0xFFFFFFF0]  }
0x233: {  	v13 =	vld [tilespmem:s3+$0x10]  }
0x234: {  	v20 =	vld [tilespmem:s18+$0x0]  }
0x235: {  	v22 =	vld.idx.msk [tilespmem:v11+s17+$0x0], $0xffff;
	v23 =	vmul.f32 v9, v7  }
0x236: {  	v16 =	vld.idx.msk [tilespmem:v8+s17+$0x0], $0xffff;
	v8 =	vand.u32 $0x3FFF, v14  }
0x237: {  	v15 =	vld [tilespmem:s18+$0xFFFFFFE0];
	v7 =	vand.u32 $0x3FFF, v6;
	(xrf2) =	vadd.scan.msk.f32 $0xffff, v23  }
0x238: {  	v19 =	vld [tilespmem:s18+$0x30]  }
0x239: {  	[tilespmem:s7+$0x20] =	vst v2;
	v25 =	vld [tilespmem:s18+$0xFFFFFFF0];
	v27 =	vand.u32 $0x3FFF, v12  }
0x23a: {  	v28 =	vand.u32 $0x3FFF, v13;
	v11 =	vld [tilespmem:s3+$0x20];
	v30 =	vmul.f32 v22, v20  }
0x23b: {  	v24 =	vld.idx.msk [tilespmem:v8+s17+$0x0], $0xffff  }
0x23c: {  	v17 =	vshrl.u32 v5, $0x1C;
	(xrf2) =	vadd.scan.msk.f32 $0xffff, v30;
	v7 =	vld.idx.msk [tilespmem:v7+s17+$0x0], $0xffff  }
0x23d: {  	v26 =	vshrl.u32 v10, $0xE;
	v29 =	vshrl.u32 v13, $0xE;
	v32 =	vshrl.u32 v5, $0xE  }
0x23e: {  	v5 =	vshrl.u32 v12, $0xE;
	v12 =	vshrl.u32 v12, $0x1C;
	v31 =	vperm.xlane v17, v3;
	v27 =	vld.idx.msk [tilespmem:v27+s17+$0x0], $0xffff  }
0x23f: {  	v18 =	vmul.f32 v16, v15;
	v15 =	vshrl.u32 v11, $0x1C;
	v22 =	vld.idx.msk [tilespmem:v28+s17+$0x0], $0xffff;
	v28 =	vand.u32 $0x3FFF, v11  }
0x240: {  	v5 =	vand.u32 $0x3FFF, v5;
	vm4 =	veq.s32 v31, v4;
	v16 =	vld [tilespmem:s18+$0xFFFFFFC0];
	v34 =	vperm.xlane v15, v3  }
0x241: {  	v24 =	vmul.f32 v24, v19;
	v19 =	vmul.f32 v7, v25;
	v7 =	vand.u32 $0x3FFF, v29;
	v29, _, _ =	vpop (xrf2);
	(xrf2) =	vadd.scan.msk.f32 $0xffff, v18  }
0x242: {  	v31 =	vshrl.u32 v21, $0x1C;
	v9 =	vshrl.u32 v14, $0xE;
	v8 =	vshrl.u32 v21, $0xE;
	v20 =	vld [tilespmem:s18+$0x10]  }
0x243: {  	s9 =	simm.s32 $0x121C0;
	s7 =	simm.s32 $0x0;
	v33 =	vshrl.u32 v6, $0xE;
	vm1 =	veq.s32 v34, v4;
	v34 =	vld [tilespmem:s18+$0x20];
	v35 =	vsub.f32 v29, v23  }
.LBB2_29:
0x244: {  	[tilespmem:s9+$0xFFFFFFC0] =	vst v2;
	s7 =	sadd.s32 $0x8, s7;
	v36 =	vperm.xlane v31, v3;
	v23 =	vand.u32 $0x3FFF, v33;
	v33 =	vld.idx.msk [tilespmem:v28+s17+$0x0], $0xffff;
	s3 =	sadd.s32 $0x80, s3;
	s18 =	sadd.s32 $0x80, s18;
	(xrf2) =	vadd.scan.msk.f32 $0xffff, v24  }
0x245: {  	v28 =	vmul.f32 v27, v16;
	v27 =	vand.u32 $0x3FFF, v32;
	v21 =	vld [tilespmem:s3+$0xFFFFFFC0];
	[tilespmem:s9+$0xFFFFFFD0] =	vst v2;
	p1 =	slt.u32 s7, $0x300;
	v16 =	vperm.xlane v35, v17  }
0x246: {  	vm3 =	vmor vm4, vm0;
	v17 =	vperm.xlane v12, v3;
	v35 =	vand.u32 $0x3FFF, v26;
	v32 =	vld [tilespmem:s3+$0xFFFFFFD0];
	[tilespmem:s9+$0xFFFFFFE0] =	vst v2;
	v26, _, _ =	vpop (xrf2)  }
0x247: {  	v25 =	vld [tilespmem:s3+$0xFFFFFFE0];
	[tilespmem:s9+$0xFFFFFFF0] =	vst v2;
	v29 =	vsub.f32 v29, v16;
	v30 =	vsub.f32 v26, v30;
	(xrf2) =	vadd.scan.msk.f32 $0xffff, v19  }
0x248: {  	v37 =	vshrl.u32 v13, $0x1C;
	vm2 =	veq.s32 v17, v4;
	v17 =	vshrl.u32 v10, $0x1C;
	v16 =	vld [tilespmem:s18+$0xFFFFFFC0];
	[tilespmem:s9+$0x0] =	vst v2  }
0x249: {  	v38 =	vshrl.u32 v6, $0x1C;
	vm2 =	vmor vm2, vm0;
	[tilespmem:s9+$0x10] =	vst v2;
	v6 =	vld [tilespmem:s3+$0xFFFFFFF0];
	v30 =	vperm.xlane v30, v17  }
0x24a: {  	v40 =	vperm.xlane v17, v3;
	v33 =	vmul.f32 v33, v34;
	v39 =	vand.u32 $0x3FFF, v21;
	v10 =	vld [tilespmem:s3+$0x0];
	[tilespmem:s9+$0x20] =	vst v2  }
0x24b: {  	v17 =	vshrl.u32 v32, $0x1C;
	v34 =	vand.u32 $0x3FFF, v32;
	v13 =	vld [tilespmem:s3+$0x10];
	v41 =	vsub.f32 v26, v30;
	v26, _, _ =	vpop (xrf2)  }
0x24c: {  	v30 =	vld [tilespmem:s18+$0xFFFFFFE0];
	v42 =	vand.u32 $0x3FFF, v25;
	[tilespmem:s9+$0x30] =	vst v2;
	v18 =	vsub.f32 v26, v18;
	(xrf2) =	vadd.scan.msk.f32 $0xffff, v33  }
0x24d: {  	v44 =	vperm.xlane v37, v3;
	vm4 =	veq.s32 v40, v4;
	v40 =	vmul.f32 v22, v20;
	v43 =	vld [tilespmem:s3+$0x30]  }
0x24e: {  	v14 =	vshrl.u32 v14, $0x1C;
	v45 =	vand.u32 $0x3FFF, v6;
	v46 =	vld [tilespmem:s18+$0x30];
	v18 =	vperm.xlane v18, v31;
	v20, _, _ =	vpop (xrf2)  }
0x24f: {  	v47 =	vperm.xlane v14, v3;
	v22 =	vld [tilespmem:s18+$0xFFFFFFD0];
	v31 =	vand.u32 $0x3FFF, v10;
	v24 =	vsub.f32 v20, v24;
	(xrf2) =	vadd.scan.msk.f32 $0xffff, v40  }
0x250: {  	vm5 =	veq.s32 v36, v4;
	v34 =	vld.idx.msk [tilespmem:v34+s17+$0x0], $0xffff;
	v48 =	vand.u32 $0x3FFF, v13;
	v49 =	vsub.f32 v26, v18  }
0x251: {  	vm5 =	vmor vm5, vm0;
	vm6 =	veq.s32 v47, v4;
	v18 =	vld.idx.msk [tilespmem:v42+s17+$0x0], $0xffff;
	v24 =	vperm.xlane v24, v14;
	v36, _, _ =	vpop (xrf2)  }
0x252: {  	vm6 =	vmor vm6, vm0;
	v42 =	vld [tilespmem:s18+$0x0];
	v47 =	vand.u32 $0x3FFF, v43;
	v19 =	vsub.f32 v36, v19;
	(xrf2) =	vadd.scan.msk.f32 $0xffff, v28;
	v14 =	vmovc v43  }
0x253: {  	v50 =	vand.u32 $0x3FFF, v9;
	v43 =	vld [tilespmem:s18+$0xFFFFFFF0];
	v24 =	vsub.f32 v20, v24;
	v9 =	vshrl.u32 v14, $0xE  }
0x254: {  	v51 =	vand.u32 $0x3FFF, v8;
	v8 =	vshrl.u32 v25, $0xE;
	v31 =	vld.idx.msk [tilespmem:v31+s17+$0x0], $0xffff;
	v53 =	vperm.xlane v19, v38  }
0x255: {  	vm4 =	vmor vm4, vm0;
	v26 =	vshrl.u32 v10, $0xE;
	v38 =	vperm.xlane v38, v3;
	v20 =	vld [tilespmem:s18+$0x10]  }
0x256: {  	v11 =	vshrl.u32 v11, $0xE;
	v52 =	vmul.f32 v34, v22;
	v22 =	vld.idx.msk [tilespmem:v48+s17+$0x0], $0xffff;
	v34 =	vsub.f32 v36, v53;
	v19, _, _ =	vpop (xrf2)  }
0x257: {  	vm1 =	vmor vm1, vm0;
	v18 =	vmul.f32 v18, v30;
	v36 =	vld.idx.msk [tilespmem:v47+s17+$0x0], $0xffff;
	v30 =	vsub.f32 v19, v33  }
0x258: {  	vm7 =	veq.s32 v38, v4;
	v38 =	vand.u32 $0x3FFF, v11;
	(xrf2) =	vadd.scan.msk.f32 $0xffff, v52;
	[tilespmem:v50+s26+$0x0] =	vst.idx.add.f32.msk vm6, v24  }
0x259: {  	v47 =	vshrl.u32 v13, $0xE;
	[tilespmem:v51+s26+$0x0] =	vst.idx.add.f32.msk vm5, v49;
	vm5 =	veq.s32 v44, v4;
	v15 =	vperm.xlane v30, v15;
	v44, _, _ =	vpop (xrf2)  }
0x25a: {  	v30 =	vmul.f32 v31, v42;
	v11 =	vld [tilespmem:s3+$0x20];
	v24 =	vsub.f32 v44, v40;
	vm5 =	vmor vm5, vm0  }
0x25b: {  	vm6 =	vmor vm7, vm0;
	v31 =	vperm.xlane v17, v3;
	v40 =	vld.idx.msk [tilespmem:v45+s17+$0x0], $0xffff;
	v15 =	vsub.f32 v19, v15  }
0x25c: {  	v32 =	vshrl.u32 v32, $0xE;
	(xrf2) =	vadd.scan.msk.f32 $0xffff, v30;
	[tilespmem:v35+s26+$0x0] =	vst.idx.add.f32.msk vm4, v41;
	v19 =	vperm.xlane v24, v37;
	v35, _, _ =	vpop (xrf2)  }
0x25d: {  	v33 =	vshrl.u32 v6, $0xE;
	v24 =	vmul.f32 v36, v46;
	v36 =	vsub.f32 v35, v28;
	[tilespmem:v38+s26+$0x0] =	vst.idx.add.f32.msk vm1, v15  }
0x25e: {  	v37 =	vshrl.u32 v21, $0xE;
	vm4 =	veq.s32 v31, v4;
	[tilespmem:v27+s26+$0x0] =	vst.idx.add.f32.msk vm3, v29;
	v19 =	vsub.f32 v44, v19  }
.Ltmp17:
0x25f: {  	v27 =	vld.idx.msk [tilespmem:v39+s17+$0x0], $0xffff;
	v15 =	vshrl.u32 v11, $0x1C;
	v28 =	vand.u32 $0x3FFF, v11;
	v12 =	vperm.xlane v36, v12;
	(pc) =	sbr.rel @p1 .LBB2_29-.Ltmp17, $4  }
0x260: {  	v31 =	vperm.xlane v15, v3;
	[tilespmem:v7+s26+$0x0] =	vst.idx.add.f32.msk vm5, v19  }
0x261: {  	v19 =	vmul.f32 v40, v43;
	(xrf2) =	vadd.scan.msk.f32 $0xffff, v18;
	v36 =	vsub.f32 v35, v12;
	[tilespmem:v23+s26+$0x0] =	vst.idx.add.f32.msk vm6, v34  }
0x262: {  	v7 =	vand.u32 $0x3FFF, v47;
	v23 =	vand.u32 $0x3FFF, v37;
	v34 =	vld [tilespmem:s18+$0x20];
	vm1 =	veq.s32 v31, v4;
	v29, _, _ =	vpop (xrf2)  }
0x263: {  	s11 =	simm.s32 $0x151F0;
	s9 =	sadd.s32 $0x80, s9;
	v12 =	vshrl.u32 v21, $0x1C;
	v31 =	vshrl.u32 v25, $0x1C;
	v35 =	vsub.f32 v29, v52;
	[tilespmem:v5+s26+$0x0] =	vst.idx.add.f32.msk vm2, v36;
	v5 =	vmovc v23  }
0x264: {  	_ =	sdelay $0x3  }
0x265: {  	v21 =	vld.idx.msk [tilespmem:v28+s17+$0x0], $0xffff;
	_ =	sdelay $0x3  }
0x266: {  	(xrf2) =	vadd.scan.msk.f32 $0xffff, v24;
	v23 =	vperm.xlane v31, v3  }
0x267: {  	v16 =	vmul.f32 v27, v16;
	v21 =	vmul.f32 v21, v34  }
0x268: {  	v25 =	vand.u32 $0x3FFF, v33;
	v20 =	vmul.f32 v22, v20;
	v43 =	vand.u32 $0x3FFF, v32;
	(xrf2) =	vadd.scan.msk.f32 $0xffff, v19  }
0x269: {  	v44 =	vperm.xlane v12, v3;
	vm2 =	vmor vm4, vm0;
	v26 =	vand.u32 $0x3FFF, v26;
	v42, _, _ =	vpop (xrf2);
	(xrf2) =	vadd.scan.msk.f32 $0xffff, v21  }
0x26a: {  	v10 =	vshrl.u32 v10, $0x1C;
	v14 =	vshrl.u32 v14, $0x1C;
	v13 =	vshrl.u32 v13, $0x1C;
	(xrf2) =	vadd.scan.msk.f32 $0xffff, v20  }
0x26b: {  	v6 =	vshrl.u32 v6, $0x1C;
	v9 =	vand.u32 $0x3FFF, v9;
	v8 =	vand.u32 $0x3FFF, v8  }
0x26c: {  	v11 =	vshrl.u32 v11, $0xE;
	v17 =	vperm.xlane v35, v17;
	v47 =	vperm.xlane v14, v3;
	v46, _, _ =	vpop (xrf2);
	(xrf2) =	vadd.scan.msk.f32 $0xffff, v16  }
0x26d: {  	vm1 =	vmor vm1, vm0;
	v51 =	vperm.xlane v13, v3;
	v52 =	vperm.xlane v6, v3  }
0x26e: {  	v11 =	vand.u32 $0x3FFF, v11;
	vm6 =	veq.s32 v23, v4;
	v30 =	vsub.f32 v42, v30  }
0x26f: {  	vm3 =	veq.s32 v44, v4;
	vm5 =	veq.s32 v47, v4;
	vm6 =	vmor vm6, vm0  }
0x270: {  	vm7 =	veq.s32 v52, v4;
	v45 =	vperm.xlane v30, v10;
	v10 =	vperm.xlane v10, v3;
	v48, _, _ =	vpop (xrf2)  }
0x271: {  	vm8 =	veq.s32 v51, v4;
	vm5 =	vmor vm5, vm0;
	v49 =	vsub.f32 v48, v24  }
0x272: {  	v61 =	vsub.f32 v29, v17;
	vm13 =	veq.s32 v10, v4;
	v18 =	vsub.f32 v46, v18;
	v50, _, _ =	vpop (xrf2)  }
0x273: {  	vm15 =	vmor vm7, vm0;
	vm4 =	vmor vm13, vm0;
	v10 =	vperm.xlane v49, v14;
	v53, _, _ =	vpop (xrf2)  }
0x274: {  	v57 =	vsub.f32 v42, v45;
	v18 =	vperm.xlane v18, v31;
	v58 =	vsub.f32 v50, v19;
	v54, _, _ =	vpop (xrf2)  }
0x275: {  	vm14 =	vmor vm8, vm0;
	[tilespmem:v43+s26+$0x0] =	vst.idx.add.f32.msk vm2, v61;
	v10 =	vsub.f32 v48, v10;
	v56 =	vsub.f32 v54, v20  }
0x276: {  	v18 =	vsub.f32 v46, v18;
	v6 =	vperm.xlane v58, v6;
	v21 =	vsub.f32 v53, v21;
	v59, _, _ =	vpop (xrf2)  }
0x277: {  	vm3 =	vmor vm3, vm0;
	[tilespmem:v9+s26+$0x0] =	vst.idx.add.f32.msk vm5, v10;
	v60 =	vsub.f32 v59, v16;
	v10 =	vperm.xlane v56, v13  }
0x278: {  	[tilespmem:v8+s26+$0x0] =	vst.idx.add.f32.msk vm6, v18;
	v6 =	vsub.f32 v50, v6;
	v55 =	vperm.xlane v21, v15  }
0x279: {  	[tilespmem:v26+s26+$0x0] =	vst.idx.add.f32.msk vm4, v57;
	v63 =	vperm.xlane v60, v12;
	v62 =	vsub.f32 v54, v10  }
0x27a: {  	[tilespmem:v25+s26+$0x0] =	vst.idx.add.f32.msk vm15, v6;
	v9 =	vsub.f32 v53, v55  }
0x27b: {  	[tilespmem:v7+s26+$0x0] =	vst.idx.add.f32.msk vm14, v62;
	v7 =	vsub.f32 v59, v63  }
0x27c: {  	[tilespmem:v11+s26+$0x0] =	vst.idx.add.f32.msk vm1, v9  }
0x27d: {  	[tilespmem:v5+s26+$0x0] =	vst.idx.add.f32.msk vm3, v7  }
0x27e: {  	[tilespmem:s11+$0xFFFFFF90] =	vst v2  }
0x27f: {  	[tilespmem:s11+$0x0] =	vst v2  }
0x280: {  	[tilespmem:s11+$0xFFFFFFF0] =	vst v2  }
0x281: {  	[tilespmem:s11+$0xFFFFFFE0] =	vst v2  }
0x282: {  	[tilespmem:s11+$0xFFFFFFD0] =	vst v2  }
0x283: {  	[tilespmem:s11+$0xFFFFFFC0] =	vst v2  }
0x284: {  	s3 =	simm.s32 $0x308;
	[tilespmem:s11+$0xFFFFFFB0] =	vst v2  }
.LBB2_31:
0x285: {  	s3 =	sadd.s32 $0x8, s3;
	[tilespmem:s11+$0xFFFFFFA0] =	vst v2;
	s11 =	sadd.s32 $0x80, s11  }
0x286: {  	[tilespmem:s11+$0xFFFFFF90] =	vst v2;
	p1 =	slt.u32 s3, $0x3F8  }
0x287: {  	[tilespmem:s11+$0x0] =	vst v2  }
.Ltmp18:
0x288: {  	[tilespmem:s11+$0xFFFFFFF0] =	vst v2;
	(pc) =	sbr.rel @p1 .LBB2_31-.Ltmp18, $4  }
0x289: {  	[tilespmem:s11+$0xFFFFFFE0] =	vst v2  }
0x28a: {  	[tilespmem:s11+$0xFFFFFFD0] =	vst v2  }
0x28b: {  	[tilespmem:s11+$0xFFFFFFC0] =	vst v2  }
0x28c: {  	[tilespmem:s11+$0xFFFFFFB0] =	vst v2  }
.Ltmp19:
0x28d: {  	(pc) =	sbr.rel @!p0 .LBB2_36-.Ltmp19, $2  }
0x28e: {  	_ =	sdelay $0x2  }
0x28f: {  	[tilespmem:s11+$0xFFFFFFA0] =	vst v2  }
0x290: {  	s3 =	simm.s32 $0x12140  }
0x291: {  	s7 =	simm.s32 $0x6140;
	v6 =	vld [tilespmem:s3+$0x30]  }
0x292: {  	v7 =	vld [tilespmem:s7+$0x30]  }
0x293: {  	v5 =	vld [tilespmem:s7+$0xFFFFFFC0]  }
0x294: {  	v8 =	vld [tilespmem:s3+$0xFFFFFFD0]  }
0x295: {  	v9 =	vld [tilespmem:s7+$0xFFFFFFD0]  }
0x296: {  	v10 =	vld [tilespmem:s3+$0xFFFFFFE0]  }
0x297: {  	v11 =	vld [tilespmem:s7+$0xFFFFFFE0]  }
0x298: {  	v12 =	vld [tilespmem:s3+$0xFFFFFFF0]  }
0x299: {  	v13 =	vld [tilespmem:s7+$0xFFFFFFF0]  }
0x29a: {  	v14 =	vld [tilespmem:s3+$0x0]  }
0x29b: {  	v15 =	vld [tilespmem:s7+$0x0];
	v7 =	vadd.f32 v7, v6  }
0x29c: {  	v9 =	vadd.f32 v9, v8;
	v6 =	vld [tilespmem:s3+$0x10]  }
0x29d: {  	v10 =	vadd.f32 v11, v10;
	v8 =	vld [tilespmem:s7+$0x10];
	[tilespmem:s3+$0x30] =	vst v7  }
0x29e: {  	v11 =	vadd.f32 v13, v12;
	[tilespmem:s3+$0xFFFFFFD0] =	vst v9;
	v7 =	vld [tilespmem:s3+$0x20]  }
0x29f: {  	[tilespmem:s3+$0xFFFFFFE0] =	vst v10;
	v10 =	vld [tilespmem:s7+$0x20]  }
0x2a0: {  	s9 =	simm.s32 $0x0;
	s11 =	simm.s32 $0x121C0;
	v9 =	vld [tilespmem:s3+$0xFFFFFFC0];
	[tilespmem:s3+$0xFFFFFFF0] =	vst v11;
	v11 =	vadd.f32 v15, v14  }
.LBB2_34:
0x2a1: {  	v12 =	vld [tilespmem:s11+$0x30];
	s7 =	sadd.s32 $0x80, s7  }
0x2a2: {  	s9 =	sadd.s32 $0x8, s9;
	v13 =	vld [tilespmem:s7+$0x30];
	[tilespmem:s3+$0x0] =	vst v11;
	v6 =	vadd.f32 v8, v6  }
0x2a3: {  	p1 =	slt.u32 s9, $0x3F8;
	v8 =	vld [tilespmem:s7+$0xFFFFFFC0]  }
0x2a4: {  	v11 =	vld [tilespmem:s11+$0xFFFFFFD0];
	[tilespmem:s3+$0x10] =	vst v6;
	v6 =	vadd.f32 v10, v7  }
0x2a5: {  	v7 =	vld [tilespmem:s7+$0xFFFFFFD0];
	v14 =	vadd.f32 v5, v9  }
0x2a6: {  	v9 =	vld [tilespmem:s11+$0xFFFFFFE0];
	[tilespmem:s3+$0x20] =	vst v6  }
0x2a7: {  	v6 =	vld [tilespmem:s7+$0xFFFFFFE0];
	v10 =	vadd.f32 v13, v12;
	[tilespmem:s3+$0xFFFFFFC0] =	vst v14;
	s3 =	smov.u32 s11  }
0x2a8: {  	v12 =	vld [tilespmem:s11+$0xFFFFFFF0];
	v5 =	vmov v8  }
0x2a9: {  	v13 =	vld [tilespmem:s7+$0xFFFFFFF0];
	[tilespmem:s11+$0x30] =	vst v10  }
0x2aa: {  	v7 =	vadd.f32 v7, v11;
	v11 =	vld [tilespmem:s11+$0x0]  }
0x2ab: {  	v14 =	vld [tilespmem:s7+$0x0]  }
.Ltmp20:
0x2ac: {  	[tilespmem:s11+$0xFFFFFFD0] =	vst v7;
	v7 =	vadd.f32 v6, v9;
	v6 =	vld [tilespmem:s11+$0x10];
	(pc) =	sbr.rel @p1 .LBB2_34-.Ltmp20, $4  }
0x2ad: {  	v8 =	vld [tilespmem:s7+$0x10]  }
0x2ae: {  	[tilespmem:s11+$0xFFFFFFE0] =	vst v7;
	v12 =	vadd.f32 v13, v12;
	v7 =	vld [tilespmem:s11+$0x20]  }
0x2af: {  	v10 =	vld [tilespmem:s7+$0x20]  }
0x2b0: {  	s11 =	sadd.s32 $0x80, s11;
	v9 =	vld [tilespmem:s3+$0xFFFFFFC0];
	[tilespmem:s3+$0xFFFFFFF0] =	vst v12;
	v11 =	vadd.f32 v14, v11  }
0x2b1: {  	_ =	sdelay $0x1  }
0x2b2: {  	v6 =	vadd.f32 v8, v6  }
0x2b3: {  	[tilespmem:s3+$0x0] =	vst v11;
	v7 =	vadd.f32 v10, v7  }
0x2b4: {  	[tilespmem:s3+$0x10] =	vst v6;
	v5 =	vadd.f32 v5, v9  }
0x2b5: {  	[tilespmem:s3+$0x20] =	vst v7  }
0x2b6: {  	[tilespmem:s3+$0xFFFFFFC0] =	vst v5  }
.LBB2_36:
0x2b7: {  	s3 =	sadd.s32 s5, s4;
	s11 =	sadd.s32 $0x4, s0  }
0x2b8: {  	[hbm4b:s3+s19] =	stream.strided.scatter [tilespmem:s26], [sflag:$0x5], $0x4000, s20, s19, $0x38;
	[tilespmem:$0x1E100] =	vst v63  }
0x2b9: {  	s18 =	sadd.s32 s8, s11  }
0x2ba: {  	s3 =	sshll.u32 s11, $0x4;
	s4 =	sshll.u32 s18, $0xB  }
0x2bb: {  	s3 =	sand.u32 $0x60, s3;
	s4 =	sand.u32 $0xFFC000, s4  }
0x2bc: {  	s4 =	sor.u32 s3, s4  }
0x2bd: {  	s3 =	sadd.s32 s1, s4  }
0x2be: {  	[tilespmem:s17], [sflag:$0x1] =	stream.strided.gather [hbm4b:s3+s19], $0x4000, s20, s19, $0x38;
	[tilespmem:$0x1E100] =	vst v63  }
0x2bf: {  	_ =	swait.ge [sflag:s28], $0x4000  }
0x2c0: {  	[sflag:s28] =	ssyncset.done $0x0  }
0x2c1: {  	[sflag:s28] =	ssyncadd.s32 $0xFFFFC000  }
0x2c2: {  	_ =	swait.ge [sflag:s23], $0x4000  }
0x2c3: {  	[sflag:s23] =	ssyncset.done $0x0  }
0x2c4: {  	s7 =	simm.s32 $0x16140;
	[sflag:s23] =	ssyncadd.s32 $0xFFFFC000  }
0x2c5: {  	s3 =	simm.s32 $0x40;
	[tilespmem:s7+$0xFFFFFFD0] =	vst v2  }
0x2c6: {  	v5 =	vld [tilespmem:s3+$0xFFFFFFD0];
	_ =	sdelay $0x3  }
0x2c7: {  	[tilespmem:s7+$0x0] =	vst v2  }
0x2c8: {  	[tilespmem:s7+$0xFFFFFFE0] =	vst v2;
	v10 =	vld [tilespmem:s3+$0x0];
	v6 =	vand.u32 $0x3FFF, v5  }
0x2c9: {  	v21 =	vld [tilespmem:s3+$0xFFFFFFE0]  }
0x2ca: {  	[tilespmem:s7+$0xFFFFFFC0] =	vst v2  }
0x2cb: {  	s18 =	simm.s32 $0x30C0;
	v12 =	vld [tilespmem:s3+$0xFFFFFFC0]  }
0x2cc: {  	v7 =	vld [tilespmem:s18+$0xFFFFFFD0]  }
0x2cd: {  	[tilespmem:s7+$0x30] =	vst v2;
	v11 =	vand.u32 $0x3FFF, v10;
	v9 =	vld.idx.msk [tilespmem:v6+s21+$0x0], $0xffff  }
0x2ce: {  	[tilespmem:s7+$0xFFFFFFF0] =	vst v2;
	v14 =	vld [tilespmem:s3+$0x30];
	v8 =	vand.u32 $0x3FFF, v21  }
0x2cf: {  	[tilespmem:s7+$0x10] =	vst v2;
	v6 =	vld [tilespmem:s3+$0xFFFFFFF0]  }
0x2d0: {  	v13 =	vld [tilespmem:s3+$0x10]  }
0x2d1: {  	v20 =	vld [tilespmem:s18+$0x0]  }
0x2d2: {  	v23 =	vld.idx.msk [tilespmem:v11+s21+$0x0], $0xffff;
	v22 =	vmul.f32 v9, v7  }
0x2d3: {  	v16 =	vld.idx.msk [tilespmem:v8+s21+$0x0], $0xffff;
	v8 =	vand.u32 $0x3FFF, v14  }
0x2d4: {  	v15 =	vld [tilespmem:s18+$0xFFFFFFE0];
	v7 =	vand.u32 $0x3FFF, v6;
	(xrf2) =	vadd.scan.msk.f32 $0xffff, v22  }
0x2d5: {  	v19 =	vld [tilespmem:s18+$0x30]  }
0x2d6: {  	[tilespmem:s7+$0x20] =	vst v2;
	v25 =	vld [tilespmem:s18+$0xFFFFFFF0];
	v27 =	vand.u32 $0x3FFF, v12  }
0x2d7: {  	v28 =	vand.u32 $0x3FFF, v13;
	v11 =	vld [tilespmem:s3+$0x20];
	v30 =	vmul.f32 v23, v20  }
0x2d8: {  	v24 =	vld.idx.msk [tilespmem:v8+s21+$0x0], $0xffff  }
0x2d9: {  	v17 =	vshrl.u32 v5, $0x1C;
	(xrf2) =	vadd.scan.msk.f32 $0xffff, v30;
	v7 =	vld.idx.msk [tilespmem:v7+s21+$0x0], $0xffff  }
0x2da: {  	v26 =	vshrl.u32 v10, $0xE;
	v29 =	vshrl.u32 v13, $0xE;
	v32 =	vshrl.u32 v5, $0xE  }
0x2db: {  	v5 =	vshrl.u32 v12, $0xE;
	v12 =	vshrl.u32 v12, $0x1C;
	v31 =	vperm.xlane v17, v3;
	v27 =	vld.idx.msk [tilespmem:v27+s21+$0x0], $0xffff  }
0x2dc: {  	v18 =	vmul.f32 v16, v15;
	v15 =	vshrl.u32 v11, $0x1C;
	v23 =	vld.idx.msk [tilespmem:v28+s21+$0x0], $0xffff;
	v28 =	vand.u32 $0x3FFF, v11  }
0x2dd: {  	v5 =	vand.u32 $0x3FFF, v5;
	vm4 =	veq.s32 v31, v4;
	v16 =	vld [tilespmem:s18+$0xFFFFFFC0];
	v34 =	vperm.xlane v15, v3  }
0x2de: {  	v24 =	vmul.f32 v24, v19;
	v19 =	vmul.f32 v7, v25;
	v7 =	vand.u32 $0x3FFF, v29;
	v29, _, _ =	vpop (xrf2);
	(xrf2) =	vadd.scan.msk.f32 $0xffff, v18  }
0x2df: {  	v31 =	vshrl.u32 v21, $0x1C;
	v9 =	vshrl.u32 v14, $0xE;
	v8 =	vshrl.u32 v21, $0xE;
	v20 =	vld [tilespmem:s18+$0x10]  }
0x2e0: {  	s9 =	simm.s32 $0x161C0;
	s7 =	simm.s32 $0x0;
	v33 =	vshrl.u32 v6, $0xE;
	vm1 =	veq.s32 v34, v4;
	v34 =	vld [tilespmem:s18+$0x20];
	v35 =	vsub.f32 v29, v22  }
.LBB2_37:
0x2e1: {  	[tilespmem:s9+$0xFFFFFFC0] =	vst v2;
	s7 =	sadd.s32 $0x8, s7;
	v36 =	vperm.xlane v31, v3;
	v22 =	vand.u32 $0x3FFF, v33;
	v33 =	vld.idx.msk [tilespmem:v28+s21+$0x0], $0xffff;
	s3 =	sadd.s32 $0x80, s3;
	s18 =	sadd.s32 $0x80, s18;
	(xrf2) =	vadd.scan.msk.f32 $0xffff, v24  }
0x2e2: {  	v28 =	vmul.f32 v27, v16;
	v27 =	vand.u32 $0x3FFF, v32;
	v21 =	vld [tilespmem:s3+$0xFFFFFFC0];
	[tilespmem:s9+$0xFFFFFFD0] =	vst v2;
	p1 =	slt.u32 s7, $0x300;
	v16 =	vperm.xlane v35, v17  }
0x2e3: {  	vm3 =	vmor vm4, vm0;
	v17 =	vperm.xlane v12, v3;
	v35 =	vand.u32 $0x3FFF, v26;
	v32 =	vld [tilespmem:s3+$0xFFFFFFD0];
	[tilespmem:s9+$0xFFFFFFE0] =	vst v2;
	v26, _, _ =	vpop (xrf2)  }
0x2e4: {  	v25 =	vld [tilespmem:s3+$0xFFFFFFE0];
	[tilespmem:s9+$0xFFFFFFF0] =	vst v2;
	v29 =	vsub.f32 v29, v16;
	v30 =	vsub.f32 v26, v30;
	(xrf2) =	vadd.scan.msk.f32 $0xffff, v19  }
0x2e5: {  	v37 =	vshrl.u32 v13, $0x1C;
	vm2 =	veq.s32 v17, v4;
	v17 =	vshrl.u32 v10, $0x1C;
	v16 =	vld [tilespmem:s18+$0xFFFFFFC0];
	[tilespmem:s9+$0x0] =	vst v2  }
0x2e6: {  	v38 =	vshrl.u32 v6, $0x1C;
	vm2 =	vmor vm2, vm0;
	[tilespmem:s9+$0x10] =	vst v2;
	v6 =	vld [tilespmem:s3+$0xFFFFFFF0];
	v30 =	vperm.xlane v30, v17  }
0x2e7: {  	v40 =	vperm.xlane v17, v3;
	v33 =	vmul.f32 v33, v34;
	v39 =	vand.u32 $0x3FFF, v21;
	v10 =	vld [tilespmem:s3+$0x0];
	[tilespmem:s9+$0x20] =	vst v2  }
0x2e8: {  	v17 =	vshrl.u32 v32, $0x1C;
	v34 =	vand.u32 $0x3FFF, v32;
	v13 =	vld [tilespmem:s3+$0x10];
	v41 =	vsub.f32 v26, v30;
	v26, _, _ =	vpop (xrf2)  }
0x2e9: {  	v30 =	vld [tilespmem:s18+$0xFFFFFFE0];
	v42 =	vand.u32 $0x3FFF, v25;
	[tilespmem:s9+$0x30] =	vst v2;
	v18 =	vsub.f32 v26, v18;
	(xrf2) =	vadd.scan.msk.f32 $0xffff, v33  }
0x2ea: {  	v44 =	vperm.xlane v37, v3;
	vm4 =	veq.s32 v40, v4;
	v40 =	vmul.f32 v23, v20;
	v43 =	vld [tilespmem:s3+$0x30]  }
0x2eb: {  	v14 =	vshrl.u32 v14, $0x1C;
	v45 =	vand.u32 $0x3FFF, v6;
	v46 =	vld [tilespmem:s18+$0x30];
	v18 =	vperm.xlane v18, v31;
	v20, _, _ =	vpop (xrf2)  }
0x2ec: {  	v47 =	vperm.xlane v14, v3;
	v23 =	vld [tilespmem:s18+$0xFFFFFFD0];
	v31 =	vand.u32 $0x3FFF, v10;
	v24 =	vsub.f32 v20, v24;
	(xrf2) =	vadd.scan.msk.f32 $0xffff, v40  }
0x2ed: {  	vm5 =	veq.s32 v36, v4;
	v34 =	vld.idx.msk [tilespmem:v34+s21+$0x0], $0xffff;
	v48 =	vand.u32 $0x3FFF, v13;
	v49 =	vsub.f32 v26, v18  }
0x2ee: {  	vm5 =	vmor vm5, vm0;
	vm6 =	veq.s32 v47, v4;
	v18 =	vld.idx.msk [tilespmem:v42+s21+$0x0], $0xffff;
	v24 =	vperm.xlane v24, v14;
	v36, _, _ =	vpop (xrf2)  }
0x2ef: {  	vm6 =	vmor vm6, vm0;
	v42 =	vld [tilespmem:s18+$0x0];
	v47 =	vand.u32 $0x3FFF, v43;
	v19 =	vsub.f32 v36, v19;
	(xrf2) =	vadd.scan.msk.f32 $0xffff, v28;
	v14 =	vmovc v43  }
0x2f0: {  	v50 =	vand.u32 $0x3FFF, v9;
	v43 =	vld [tilespmem:s18+$0xFFFFFFF0];
	v24 =	vsub.f32 v20, v24;
	v9 =	vshrl.u32 v14, $0xE  }
0x2f1: {  	v51 =	vand.u32 $0x3FFF, v8;
	v8 =	vshrl.u32 v25, $0xE;
	v31 =	vld.idx.msk [tilespmem:v31+s21+$0x0], $0xffff;
	v53 =	vperm.xlane v19, v38  }
0x2f2: {  	vm4 =	vmor vm4, vm0;
	v26 =	vshrl.u32 v10, $0xE;
	v38 =	vperm.xlane v38, v3;
	v20 =	vld [tilespmem:s18+$0x10]  }
0x2f3: {  	v11 =	vshrl.u32 v11, $0xE;
	v52 =	vmul.f32 v34, v23;
	v23 =	vld.idx.msk [tilespmem:v48+s21+$0x0], $0xffff;
	v34 =	vsub.f32 v36, v53;
	v19, _, _ =	vpop (xrf2)  }
0x2f4: {  	vm1 =	vmor vm1, vm0;
	v18 =	vmul.f32 v18, v30;
	v36 =	vld.idx.msk [tilespmem:v47+s21+$0x0], $0xffff;
	v30 =	vsub.f32 v19, v33  }
0x2f5: {  	vm7 =	veq.s32 v38, v4;
	v38 =	vand.u32 $0x3FFF, v11;
	(xrf2) =	vadd.scan.msk.f32 $0xffff, v52;
	[tilespmem:v50+s16+$0x0] =	vst.idx.add.f32.msk vm6, v24  }
0x2f6: {  	v47 =	vshrl.u32 v13, $0xE;
	[tilespmem:v51+s16+$0x0] =	vst.idx.add.f32.msk vm5, v49;
	vm5 =	veq.s32 v44, v4;
	v15 =	vperm.xlane v30, v15;
	v44, _, _ =	vpop (xrf2)  }
0x2f7: {  	v30 =	vmul.f32 v31, v42;
	v11 =	vld [tilespmem:s3+$0x20];
	v24 =	vsub.f32 v44, v40;
	vm5 =	vmor vm5, vm0  }
0x2f8: {  	vm6 =	vmor vm7, vm0;
	v31 =	vperm.xlane v17, v3;
	v40 =	vld.idx.msk [tilespmem:v45+s21+$0x0], $0xffff;
	v15 =	vsub.f32 v19, v15  }
0x2f9: {  	v32 =	vshrl.u32 v32, $0xE;
	(xrf2) =	vadd.scan.msk.f32 $0xffff, v30;
	[tilespmem:v35+s16+$0x0] =	vst.idx.add.f32.msk vm4, v41;
	v19 =	vperm.xlane v24, v37;
	v35, _, _ =	vpop (xrf2)  }
0x2fa: {  	v33 =	vshrl.u32 v6, $0xE;
	v24 =	vmul.f32 v36, v46;
	v36 =	vsub.f32 v35, v28;
	[tilespmem:v38+s16+$0x0] =	vst.idx.add.f32.msk vm1, v15  }
0x2fb: {  	v37 =	vshrl.u32 v21, $0xE;
	vm4 =	veq.s32 v31, v4;
	[tilespmem:v27+s16+$0x0] =	vst.idx.add.f32.msk vm3, v29;
	v19 =	vsub.f32 v44, v19  }
.Ltmp21:
0x2fc: {  	v27 =	vld.idx.msk [tilespmem:v39+s21+$0x0], $0xffff;
	v15 =	vshrl.u32 v11, $0x1C;
	v28 =	vand.u32 $0x3FFF, v11;
	v12 =	vperm.xlane v36, v12;
	(pc) =	sbr.rel @p1 .LBB2_37-.Ltmp21, $4  }
0x2fd: {  	v31 =	vperm.xlane v15, v3;
	[tilespmem:v7+s16+$0x0] =	vst.idx.add.f32.msk vm5, v19  }
0x2fe: {  	v19 =	vmul.f32 v40, v43;
	(xrf2) =	vadd.scan.msk.f32 $0xffff, v18;
	v36 =	vsub.f32 v35, v12;
	[tilespmem:v22+s16+$0x0] =	vst.idx.add.f32.msk vm6, v34  }
0x2ff: {  	v7 =	vand.u32 $0x3FFF, v47;
	v22 =	vand.u32 $0x3FFF, v37;
	v34 =	vld [tilespmem:s18+$0x20];
	vm1 =	veq.s32 v31, v4;
	v29, _, _ =	vpop (xrf2)  }
0x300: {  	s9 =	sadd.s32 $0x80, s9;
	v12 =	vshrl.u32 v21, $0x1C;
	v31 =	vshrl.u32 v25, $0x1C;
	v35 =	vsub.f32 v29, v52;
	[tilespmem:v5+s16+$0x0] =	vst.idx.add.f32.msk vm2, v36;
	v5 =	vmovc v22  }
0x301: {  	_ =	sdelay $0x3  }
0x302: {  	v21 =	vld.idx.msk [tilespmem:v28+s21+$0x0], $0xffff;
	_ =	sdelay $0x3  }
0x303: {  	(xrf2) =	vadd.scan.msk.f32 $0xffff, v24;
	v22 =	vperm.xlane v31, v3  }
0x304: {  	v16 =	vmul.f32 v27, v16;
	v21 =	vmul.f32 v21, v34  }
0x305: {  	v25 =	vand.u32 $0x3FFF, v33;
	v20 =	vmul.f32 v23, v20;
	v43 =	vand.u32 $0x3FFF, v32;
	(xrf2) =	vadd.scan.msk.f32 $0xffff, v19  }
0x306: {  	v44 =	vperm.xlane v12, v3;
	vm2 =	vmor vm4, vm0;
	v26 =	vand.u32 $0x3FFF, v26;
	v42, _, _ =	vpop (xrf2);
	(xrf2) =	vadd.scan.msk.f32 $0xffff, v21  }
0x307: {  	v10 =	vshrl.u32 v10, $0x1C;
	v14 =	vshrl.u32 v14, $0x1C;
	v13 =	vshrl.u32 v13, $0x1C;
	(xrf2) =	vadd.scan.msk.f32 $0xffff, v20  }
0x308: {  	v6 =	vshrl.u32 v6, $0x1C;
	v9 =	vand.u32 $0x3FFF, v9;
	v8 =	vand.u32 $0x3FFF, v8  }
0x309: {  	v11 =	vshrl.u32 v11, $0xE;
	v17 =	vperm.xlane v35, v17;
	v47 =	vperm.xlane v14, v3;
	v46, _, _ =	vpop (xrf2);
	(xrf2) =	vadd.scan.msk.f32 $0xffff, v16  }
0x30a: {  	vm1 =	vmor vm1, vm0;
	v51 =	vperm.xlane v13, v3;
	v52 =	vperm.xlane v6, v3  }
0x30b: {  	v11 =	vand.u32 $0x3FFF, v11;
	vm6 =	veq.s32 v22, v4;
	v30 =	vsub.f32 v42, v30  }
0x30c: {  	vm3 =	veq.s32 v44, v4;
	vm5 =	veq.s32 v47, v4;
	vm6 =	vmor vm6, vm0  }
0x30d: {  	vm7 =	veq.s32 v52, v4;
	v45 =	vperm.xlane v30, v10;
	v10 =	vperm.xlane v10, v3;
	v48, _, _ =	vpop (xrf2)  }
0x30e: {  	vm8 =	veq.s32 v51, v4;
	vm5 =	vmor vm5, vm0;
	v49 =	vsub.f32 v48, v24  }
0x30f: {  	v61 =	vsub.f32 v29, v17;
	vm13 =	veq.s32 v10, v4;
	v18 =	vsub.f32 v46, v18;
	v50, _, _ =	vpop (xrf2)  }
0x310: {  	vm15 =	vmor vm7, vm0;
	vm4 =	vmor vm13, vm0;
	v10 =	vperm.xlane v49, v14;
	v53, _, _ =	vpop (xrf2)  }
0x311: {  	v57 =	vsub.f32 v42, v45;
	v18 =	vperm.xlane v18, v31;
	v58 =	vsub.f32 v50, v19;
	v54, _, _ =	vpop (xrf2)  }
0x312: {  	vm14 =	vmor vm8, vm0;
	[tilespmem:v43+s16+$0x0] =	vst.idx.add.f32.msk vm2, v61;
	v10 =	vsub.f32 v48, v10;
	v56 =	vsub.f32 v54, v20  }
0x313: {  	v18 =	vsub.f32 v46, v18;
	v6 =	vperm.xlane v58, v6;
	v21 =	vsub.f32 v53, v21;
	v59, _, _ =	vpop (xrf2)  }
0x314: {  	vm3 =	vmor vm3, vm0;
	[tilespmem:v9+s16+$0x0] =	vst.idx.add.f32.msk vm5, v10;
	v60 =	vsub.f32 v59, v16;
	v10 =	vperm.xlane v56, v13  }
0x315: {  	[tilespmem:v8+s16+$0x0] =	vst.idx.add.f32.msk vm6, v18;
	v6 =	vsub.f32 v50, v6;
	v55 =	vperm.xlane v21, v15  }
0x316: {  	[tilespmem:v26+s16+$0x0] =	vst.idx.add.f32.msk vm4, v57;
	v63 =	vperm.xlane v60, v12;
	v62 =	vsub.f32 v54, v10  }
0x317: {  	[tilespmem:v25+s16+$0x0] =	vst.idx.add.f32.msk vm15, v6;
	v9 =	vsub.f32 v53, v55  }
0x318: {  	[tilespmem:v7+s16+$0x0] =	vst.idx.add.f32.msk vm14, v62;
	v7 =	vsub.f32 v59, v63  }
0x319: {  	[tilespmem:v11+s16+$0x0] =	vst.idx.add.f32.msk vm1, v9  }
0x31a: {  	s3 =	simm.s32 $0x191F0;
	[tilespmem:v5+s16+$0x0] =	vst.idx.add.f32.msk vm3, v7  }
0x31b: {  	[tilespmem:s3+$0xFFFFFF90] =	vst v2  }
0x31c: {  	[tilespmem:s3+$0x0] =	vst v2  }
0x31d: {  	[tilespmem:s3+$0xFFFFFFF0] =	vst v2  }
0x31e: {  	[tilespmem:s3+$0xFFFFFFE0] =	vst v2  }
0x31f: {  	[tilespmem:s3+$0xFFFFFFD0] =	vst v2  }
0x320: {  	[tilespmem:s3+$0xFFFFFFC0] =	vst v2  }
0x321: {  	s7 =	simm.s32 $0x308;
	[tilespmem:s3+$0xFFFFFFB0] =	vst v2  }
.LBB2_39:
0x322: {  	s7 =	sadd.s32 $0x8, s7;
	[tilespmem:s3+$0xFFFFFFA0] =	vst v2;
	s3 =	sadd.s32 $0x80, s3  }
0x323: {  	[tilespmem:s3+$0xFFFFFF90] =	vst v2;
	p1 =	slt.u32 s7, $0x3F8  }
0x324: {  	[tilespmem:s3+$0x0] =	vst v2  }
.Ltmp22:
0x325: {  	[tilespmem:s3+$0xFFFFFFF0] =	vst v2;
	(pc) =	sbr.rel @p1 .LBB2_39-.Ltmp22, $4  }
0x326: {  	[tilespmem:s3+$0xFFFFFFE0] =	vst v2  }
0x327: {  	[tilespmem:s3+$0xFFFFFFD0] =	vst v2  }
0x328: {  	[tilespmem:s3+$0xFFFFFFC0] =	vst v2  }
0x329: {  	[tilespmem:s3+$0xFFFFFFB0] =	vst v2  }
.Ltmp23:
0x32a: {  	(pc) =	sbr.rel @!p0 .LBB2_44-.Ltmp23, $2  }
0x32b: {  	_ =	sdelay $0x2  }
0x32c: {  	[tilespmem:s3+$0xFFFFFFA0] =	vst v2  }
0x32d: {  	s3 =	simm.s32 $0x16140  }
0x32e: {  	s7 =	simm.s32 $0x6140;
	v6 =	vld [tilespmem:s3+$0x30]  }
0x32f: {  	v7 =	vld [tilespmem:s7+$0x30]  }
0x330: {  	v5 =	vld [tilespmem:s7+$0xFFFFFFC0]  }
0x331: {  	v8 =	vld [tilespmem:s3+$0xFFFFFFD0]  }
0x332: {  	v9 =	vld [tilespmem:s7+$0xFFFFFFD0]  }
0x333: {  	v10 =	vld [tilespmem:s3+$0xFFFFFFE0]  }
0x334: {  	v11 =	vld [tilespmem:s7+$0xFFFFFFE0]  }
0x335: {  	v12 =	vld [tilespmem:s3+$0xFFFFFFF0]  }
0x336: {  	v13 =	vld [tilespmem:s7+$0xFFFFFFF0]  }
0x337: {  	v14 =	vld [tilespmem:s3+$0x0]  }
0x338: {  	v15 =	vld [tilespmem:s7+$0x0];
	v7 =	vadd.f32 v7, v6  }
0x339: {  	v9 =	vadd.f32 v9, v8;
	v6 =	vld [tilespmem:s3+$0x10]  }
0x33a: {  	v10 =	vadd.f32 v11, v10;
	v8 =	vld [tilespmem:s7+$0x10];
	[tilespmem:s3+$0x30] =	vst v7  }
0x33b: {  	v11 =	vadd.f32 v13, v12;
	[tilespmem:s3+$0xFFFFFFD0] =	vst v9;
	v7 =	vld [tilespmem:s3+$0x20]  }
0x33c: {  	[tilespmem:s3+$0xFFFFFFE0] =	vst v10;
	v10 =	vld [tilespmem:s7+$0x20]  }
0x33d: {  	s9 =	simm.s32 $0x0;
	s11 =	simm.s32 $0x161C0;
	v9 =	vld [tilespmem:s3+$0xFFFFFFC0];
	[tilespmem:s3+$0xFFFFFFF0] =	vst v11;
	v11 =	vadd.f32 v15, v14  }
.LBB2_42:
0x33e: {  	v12 =	vld [tilespmem:s11+$0x30];
	s7 =	sadd.s32 $0x80, s7  }
0x33f: {  	s9 =	sadd.s32 $0x8, s9;
	v13 =	vld [tilespmem:s7+$0x30];
	[tilespmem:s3+$0x0] =	vst v11;
	v6 =	vadd.f32 v8, v6  }
0x340: {  	p1 =	slt.u32 s9, $0x3F8;
	v8 =	vld [tilespmem:s7+$0xFFFFFFC0]  }
0x341: {  	v11 =	vld [tilespmem:s11+$0xFFFFFFD0];
	[tilespmem:s3+$0x10] =	vst v6;
	v6 =	vadd.f32 v10, v7  }
0x342: {  	v7 =	vld [tilespmem:s7+$0xFFFFFFD0];
	v14 =	vadd.f32 v5, v9  }
0x343: {  	v9 =	vld [tilespmem:s11+$0xFFFFFFE0];
	[tilespmem:s3+$0x20] =	vst v6  }
0x344: {  	v6 =	vld [tilespmem:s7+$0xFFFFFFE0];
	v10 =	vadd.f32 v13, v12;
	[tilespmem:s3+$0xFFFFFFC0] =	vst v14;
	s3 =	smov.u32 s11  }
0x345: {  	v12 =	vld [tilespmem:s11+$0xFFFFFFF0];
	v5 =	vmov v8  }
0x346: {  	v13 =	vld [tilespmem:s7+$0xFFFFFFF0];
	[tilespmem:s11+$0x30] =	vst v10  }
0x347: {  	v7 =	vadd.f32 v7, v11;
	v11 =	vld [tilespmem:s11+$0x0]  }
0x348: {  	v14 =	vld [tilespmem:s7+$0x0]  }
.Ltmp24:
0x349: {  	[tilespmem:s11+$0xFFFFFFD0] =	vst v7;
	v7 =	vadd.f32 v6, v9;
	v6 =	vld [tilespmem:s11+$0x10];
	(pc) =	sbr.rel @p1 .LBB2_42-.Ltmp24, $4  }
0x34a: {  	v8 =	vld [tilespmem:s7+$0x10]  }
0x34b: {  	[tilespmem:s11+$0xFFFFFFE0] =	vst v7;
	v12 =	vadd.f32 v13, v12;
	v7 =	vld [tilespmem:s11+$0x20]  }
0x34c: {  	v10 =	vld [tilespmem:s7+$0x20]  }
0x34d: {  	s11 =	sadd.s32 $0x80, s11;
	v9 =	vld [tilespmem:s3+$0xFFFFFFC0];
	[tilespmem:s3+$0xFFFFFFF0] =	vst v12;
	v11 =	vadd.f32 v14, v11  }
0x34e: {  	_ =	sdelay $0x1  }
0x34f: {  	v6 =	vadd.f32 v8, v6  }
0x350: {  	[tilespmem:s3+$0x0] =	vst v11;
	v7 =	vadd.f32 v10, v7  }
0x351: {  	[tilespmem:s3+$0x10] =	vst v6;
	v5 =	vadd.f32 v5, v9  }
0x352: {  	[tilespmem:s3+$0x20] =	vst v7  }
0x353: {  	[tilespmem:s3+$0xFFFFFFC0] =	vst v5  }
.LBB2_44:
0x354: {  	s2 =	sadd.s32 s5, s2;
	s18 =	sadd.s32 $0x5, s0  }
0x355: {  	[hbm4b:s2+s19] =	stream.strided.scatter [tilespmem:s16], [sflag:$0x3], $0x4000, s20, s19, $0x38;
	[tilespmem:$0x1E100] =	vst v63  }
0x356: {  	s3 =	sadd.s32 s8, s18  }
0x357: {  	s2 =	sshll.u32 s18, $0x4;
	s3 =	sshll.u32 s3, $0xB  }
0x358: {  	s2 =	sand.u32 $0x70, s2;
	s3 =	sand.u32 $0xFFC000, s3  }
0x359: {  	s2 =	sor.u32 s2, s3  }
0x35a: {  	s3 =	sadd.s32 s1, s2  }
0x35b: {  	[tilespmem:s21], [sflag:$0x2] =	stream.strided.gather [hbm4b:s3+s19], $0x4000, s20, s19, $0x38;
	[tilespmem:$0x1E100] =	vst v63  }
0x35c: {  	_ =	swait.ge [sflag:s29], $0x4000  }
0x35d: {  	[sflag:s29] =	ssyncset.done $0x0  }
0x35e: {  	[sflag:s29] =	ssyncadd.s32 $0xFFFFC000  }
0x35f: {  	_ =	swait.ge [sflag:s22], $0x4000  }
0x360: {  	[sflag:s22] =	ssyncset.done $0x0  }
0x361: {  	s7 =	simm.s32 $0x1A140;
	[sflag:s22] =	ssyncadd.s32 $0xFFFFC000  }
0x362: {  	s3 =	simm.s32 $0x40;
	[tilespmem:s7+$0xFFFFFFD0] =	vst v2  }
0x363: {  	v5 =	vld [tilespmem:s3+$0xFFFFFFD0];
	_ =	sdelay $0x3  }
0x364: {  	[tilespmem:s7+$0x0] =	vst v2  }
0x365: {  	[tilespmem:s7+$0xFFFFFFE0] =	vst v2;
	v10 =	vld [tilespmem:s3+$0x0];
	v6 =	vand.u32 $0x3FFF, v5  }
0x366: {  	v21 =	vld [tilespmem:s3+$0xFFFFFFE0]  }
0x367: {  	[tilespmem:s7+$0xFFFFFFC0] =	vst v2  }
0x368: {  	s18 =	simm.s32 $0x30C0;
	v12 =	vld [tilespmem:s3+$0xFFFFFFC0]  }
0x369: {  	v7 =	vld [tilespmem:s18+$0xFFFFFFD0]  }
0x36a: {  	[tilespmem:s7+$0x30] =	vst v2;
	v11 =	vand.u32 $0x3FFF, v10;
	v9 =	vld.idx.msk [tilespmem:v6+s17+$0x0], $0xffff  }
0x36b: {  	[tilespmem:s7+$0xFFFFFFF0] =	vst v2;
	v14 =	vld [tilespmem:s3+$0x30];
	v8 =	vand.u32 $0x3FFF, v21  }
0x36c: {  	[tilespmem:s7+$0x10] =	vst v2;
	v6 =	vld [tilespmem:s3+$0xFFFFFFF0]  }
0x36d: {  	v13 =	vld [tilespmem:s3+$0x10]  }
0x36e: {  	v20 =	vld [tilespmem:s18+$0x0]  }
0x36f: {  	v23 =	vld.idx.msk [tilespmem:v11+s17+$0x0], $0xffff;
	v22 =	vmul.f32 v9, v7  }
0x370: {  	v16 =	vld.idx.msk [tilespmem:v8+s17+$0x0], $0xffff;
	v8 =	vand.u32 $0x3FFF, v14  }
0x371: {  	v15 =	vld [tilespmem:s18+$0xFFFFFFE0];
	v7 =	vand.u32 $0x3FFF, v6;
	(xrf2) =	vadd.scan.msk.f32 $0xffff, v22  }
0x372: {  	v19 =	vld [tilespmem:s18+$0x30]  }
0x373: {  	[tilespmem:s7+$0x20] =	vst v2;
	v25 =	vld [tilespmem:s18+$0xFFFFFFF0];
	v27 =	vand.u32 $0x3FFF, v12  }
0x374: {  	v28 =	vand.u32 $0x3FFF, v13;
	v11 =	vld [tilespmem:s3+$0x20];
	v30 =	vmul.f32 v23, v20  }
0x375: {  	v24 =	vld.idx.msk [tilespmem:v8+s17+$0x0], $0xffff  }
0x376: {  	v17 =	vshrl.u32 v5, $0x1C;
	(xrf2) =	vadd.scan.msk.f32 $0xffff, v30;
	v7 =	vld.idx.msk [tilespmem:v7+s17+$0x0], $0xffff  }
0x377: {  	v26 =	vshrl.u32 v10, $0xE;
	v29 =	vshrl.u32 v13, $0xE;
	v32 =	vshrl.u32 v5, $0xE  }
0x378: {  	v5 =	vshrl.u32 v12, $0xE;
	v12 =	vshrl.u32 v12, $0x1C;
	v31 =	vperm.xlane v17, v3;
	v27 =	vld.idx.msk [tilespmem:v27+s17+$0x0], $0xffff  }
0x379: {  	v18 =	vmul.f32 v16, v15;
	v15 =	vshrl.u32 v11, $0x1C;
	v23 =	vld.idx.msk [tilespmem:v28+s17+$0x0], $0xffff;
	v28 =	vand.u32 $0x3FFF, v11  }
0x37a: {  	v5 =	vand.u32 $0x3FFF, v5;
	vm4 =	veq.s32 v31, v4;
	v16 =	vld [tilespmem:s18+$0xFFFFFFC0];
	v34 =	vperm.xlane v15, v3  }
0x37b: {  	v24 =	vmul.f32 v24, v19;
	v19 =	vmul.f32 v7, v25;
	v7 =	vand.u32 $0x3FFF, v29;
	v29, _, _ =	vpop (xrf2);
	(xrf2) =	vadd.scan.msk.f32 $0xffff, v18  }
0x37c: {  	v31 =	vshrl.u32 v21, $0x1C;
	v9 =	vshrl.u32 v14, $0xE;
	v8 =	vshrl.u32 v21, $0xE;
	v20 =	vld [tilespmem:s18+$0x10]  }
0x37d: {  	s9 =	simm.s32 $0x1A1C0;
	s7 =	simm.s32 $0x0;
	v33 =	vshrl.u32 v6, $0xE;
	vm1 =	veq.s32 v34, v4;
	v34 =	vld [tilespmem:s18+$0x20];
	v35 =	vsub.f32 v29, v22  }
.LBB2_45:
0x37e: {  	[tilespmem:s9+$0xFFFFFFC0] =	vst v2;
	s7 =	sadd.s32 $0x8, s7;
	v36 =	vperm.xlane v31, v3;
	v22 =	vand.u32 $0x3FFF, v33;
	v33 =	vld.idx.msk [tilespmem:v28+s17+$0x0], $0xffff;
	s3 =	sadd.s32 $0x80, s3;
	s18 =	sadd.s32 $0x80, s18;
	(xrf2) =	vadd.scan.msk.f32 $0xffff, v24  }
0x37f: {  	v28 =	vmul.f32 v27, v16;
	v27 =	vand.u32 $0x3FFF, v32;
	v21 =	vld [tilespmem:s3+$0xFFFFFFC0];
	[tilespmem:s9+$0xFFFFFFD0] =	vst v2;
	p1 =	slt.u32 s7, $0x300;
	v16 =	vperm.xlane v35, v17  }
0x380: {  	vm3 =	vmor vm4, vm0;
	v17 =	vperm.xlane v12, v3;
	v35 =	vand.u32 $0x3FFF, v26;
	v32 =	vld [tilespmem:s3+$0xFFFFFFD0];
	[tilespmem:s9+$0xFFFFFFE0] =	vst v2;
	v26, _, _ =	vpop (xrf2)  }
0x381: {  	v25 =	vld [tilespmem:s3+$0xFFFFFFE0];
	[tilespmem:s9+$0xFFFFFFF0] =	vst v2;
	v29 =	vsub.f32 v29, v16;
	v30 =	vsub.f32 v26, v30;
	(xrf2) =	vadd.scan.msk.f32 $0xffff, v19  }
0x382: {  	v37 =	vshrl.u32 v13, $0x1C;
	vm2 =	veq.s32 v17, v4;
	v17 =	vshrl.u32 v10, $0x1C;
	v16 =	vld [tilespmem:s18+$0xFFFFFFC0];
	[tilespmem:s9+$0x0] =	vst v2  }
0x383: {  	v38 =	vshrl.u32 v6, $0x1C;
	vm2 =	vmor vm2, vm0;
	[tilespmem:s9+$0x10] =	vst v2;
	v6 =	vld [tilespmem:s3+$0xFFFFFFF0];
	v30 =	vperm.xlane v30, v17  }
0x384: {  	v40 =	vperm.xlane v17, v3;
	v33 =	vmul.f32 v33, v34;
	v39 =	vand.u32 $0x3FFF, v21;
	v10 =	vld [tilespmem:s3+$0x0];
	[tilespmem:s9+$0x20] =	vst v2  }
0x385: {  	v17 =	vshrl.u32 v32, $0x1C;
	v34 =	vand.u32 $0x3FFF, v32;
	v13 =	vld [tilespmem:s3+$0x10];
	v41 =	vsub.f32 v26, v30;
	v26, _, _ =	vpop (xrf2)  }
0x386: {  	v30 =	vld [tilespmem:s18+$0xFFFFFFE0];
	v42 =	vand.u32 $0x3FFF, v25;
	[tilespmem:s9+$0x30] =	vst v2;
	v18 =	vsub.f32 v26, v18;
	(xrf2) =	vadd.scan.msk.f32 $0xffff, v33  }
0x387: {  	v44 =	vperm.xlane v37, v3;
	vm4 =	veq.s32 v40, v4;
	v40 =	vmul.f32 v23, v20;
	v43 =	vld [tilespmem:s3+$0x30]  }
0x388: {  	v14 =	vshrl.u32 v14, $0x1C;
	v45 =	vand.u32 $0x3FFF, v6;
	v46 =	vld [tilespmem:s18+$0x30];
	v18 =	vperm.xlane v18, v31;
	v20, _, _ =	vpop (xrf2)  }
0x389: {  	v47 =	vperm.xlane v14, v3;
	v23 =	vld [tilespmem:s18+$0xFFFFFFD0];
	v31 =	vand.u32 $0x3FFF, v10;
	v24 =	vsub.f32 v20, v24;
	(xrf2) =	vadd.scan.msk.f32 $0xffff, v40  }
0x38a: {  	vm5 =	veq.s32 v36, v4;
	v34 =	vld.idx.msk [tilespmem:v34+s17+$0x0], $0xffff;
	v48 =	vand.u32 $0x3FFF, v13;
	v49 =	vsub.f32 v26, v18  }
0x38b: {  	vm5 =	vmor vm5, vm0;
	vm6 =	veq.s32 v47, v4;
	v18 =	vld.idx.msk [tilespmem:v42+s17+$0x0], $0xffff;
	v24 =	vperm.xlane v24, v14;
	v36, _, _ =	vpop (xrf2)  }
0x38c: {  	vm6 =	vmor vm6, vm0;
	v42 =	vld [tilespmem:s18+$0x0];
	v47 =	vand.u32 $0x3FFF, v43;
	v19 =	vsub.f32 v36, v19;
	(xrf2) =	vadd.scan.msk.f32 $0xffff, v28;
	v14 =	vmovc v43  }
0x38d: {  	v50 =	vand.u32 $0x3FFF, v9;
	v43 =	vld [tilespmem:s18+$0xFFFFFFF0];
	v24 =	vsub.f32 v20, v24;
	v9 =	vshrl.u32 v14, $0xE  }
0x38e: {  	v51 =	vand.u32 $0x3FFF, v8;
	v8 =	vshrl.u32 v25, $0xE;
	v31 =	vld.idx.msk [tilespmem:v31+s17+$0x0], $0xffff;
	v53 =	vperm.xlane v19, v38  }
0x38f: {  	vm4 =	vmor vm4, vm0;
	v26 =	vshrl.u32 v10, $0xE;
	v38 =	vperm.xlane v38, v3;
	v20 =	vld [tilespmem:s18+$0x10]  }
0x390: {  	v11 =	vshrl.u32 v11, $0xE;
	v52 =	vmul.f32 v34, v23;
	v23 =	vld.idx.msk [tilespmem:v48+s17+$0x0], $0xffff;
	v34 =	vsub.f32 v36, v53;
	v19, _, _ =	vpop (xrf2)  }
0x391: {  	vm1 =	vmor vm1, vm0;
	v18 =	vmul.f32 v18, v30;
	v36 =	vld.idx.msk [tilespmem:v47+s17+$0x0], $0xffff;
	v30 =	vsub.f32 v19, v33  }
0x392: {  	vm7 =	veq.s32 v38, v4;
	v38 =	vand.u32 $0x3FFF, v11;
	(xrf2) =	vadd.scan.msk.f32 $0xffff, v52;
	[tilespmem:v50+s24+$0x0] =	vst.idx.add.f32.msk vm6, v24  }
0x393: {  	v47 =	vshrl.u32 v13, $0xE;
	[tilespmem:v51+s24+$0x0] =	vst.idx.add.f32.msk vm5, v49;
	vm5 =	veq.s32 v44, v4;
	v15 =	vperm.xlane v30, v15;
	v44, _, _ =	vpop (xrf2)  }
0x394: {  	v30 =	vmul.f32 v31, v42;
	v11 =	vld [tilespmem:s3+$0x20];
	v24 =	vsub.f32 v44, v40;
	vm5 =	vmor vm5, vm0  }
0x395: {  	vm6 =	vmor vm7, vm0;
	v31 =	vperm.xlane v17, v3;
	v40 =	vld.idx.msk [tilespmem:v45+s17+$0x0], $0xffff;
	v15 =	vsub.f32 v19, v15  }
0x396: {  	v32 =	vshrl.u32 v32, $0xE;
	(xrf2) =	vadd.scan.msk.f32 $0xffff, v30;
	[tilespmem:v35+s24+$0x0] =	vst.idx.add.f32.msk vm4, v41;
	v19 =	vperm.xlane v24, v37;
	v35, _, _ =	vpop (xrf2)  }
0x397: {  	v33 =	vshrl.u32 v6, $0xE;
	v24 =	vmul.f32 v36, v46;
	v36 =	vsub.f32 v35, v28;
	[tilespmem:v38+s24+$0x0] =	vst.idx.add.f32.msk vm1, v15  }
0x398: {  	v37 =	vshrl.u32 v21, $0xE;
	vm4 =	veq.s32 v31, v4;
	[tilespmem:v27+s24+$0x0] =	vst.idx.add.f32.msk vm3, v29;
	v19 =	vsub.f32 v44, v19  }
.Ltmp25:
0x399: {  	v27 =	vld.idx.msk [tilespmem:v39+s17+$0x0], $0xffff;
	v15 =	vshrl.u32 v11, $0x1C;
	v28 =	vand.u32 $0x3FFF, v11;
	v12 =	vperm.xlane v36, v12;
	(pc) =	sbr.rel @p1 .LBB2_45-.Ltmp25, $4  }
0x39a: {  	v31 =	vperm.xlane v15, v3;
	[tilespmem:v7+s24+$0x0] =	vst.idx.add.f32.msk vm5, v19  }
0x39b: {  	v19 =	vmul.f32 v40, v43;
	(xrf2) =	vadd.scan.msk.f32 $0xffff, v18;
	v36 =	vsub.f32 v35, v12;
	[tilespmem:v22+s24+$0x0] =	vst.idx.add.f32.msk vm6, v34  }
0x39c: {  	v7 =	vand.u32 $0x3FFF, v47;
	v22 =	vand.u32 $0x3FFF, v37;
	v34 =	vld [tilespmem:s18+$0x20];
	vm1 =	veq.s32 v31, v4;
	v29, _, _ =	vpop (xrf2)  }
0x39d: {  	s9 =	sadd.s32 $0x80, s9;
	v12 =	vshrl.u32 v21, $0x1C;
	v31 =	vshrl.u32 v25, $0x1C;
	v35 =	vsub.f32 v29, v52;
	[tilespmem:v5+s24+$0x0] =	vst.idx.add.f32.msk vm2, v36;
	v5 =	vmovc v22  }
0x39e: {  	_ =	sdelay $0x3  }
0x39f: {  	v21 =	vld.idx.msk [tilespmem:v28+s17+$0x0], $0xffff;
	_ =	sdelay $0x3  }
0x3a0: {  	(xrf2) =	vadd.scan.msk.f32 $0xffff, v24;
	v22 =	vperm.xlane v31, v3  }
0x3a1: {  	v16 =	vmul.f32 v27, v16;
	v21 =	vmul.f32 v21, v34  }
0x3a2: {  	v25 =	vand.u32 $0x3FFF, v33;
	v20 =	vmul.f32 v23, v20;
	v43 =	vand.u32 $0x3FFF, v32;
	(xrf2) =	vadd.scan.msk.f32 $0xffff, v19  }
0x3a3: {  	v44 =	vperm.xlane v12, v3;
	vm2 =	vmor vm4, vm0;
	v26 =	vand.u32 $0x3FFF, v26;
	v42, _, _ =	vpop (xrf2);
	(xrf2) =	vadd.scan.msk.f32 $0xffff, v21  }
0x3a4: {  	v10 =	vshrl.u32 v10, $0x1C;
	v14 =	vshrl.u32 v14, $0x1C;
	v13 =	vshrl.u32 v13, $0x1C;
	(xrf2) =	vadd.scan.msk.f32 $0xffff, v20  }
0x3a5: {  	v6 =	vshrl.u32 v6, $0x1C;
	v9 =	vand.u32 $0x3FFF, v9;
	v8 =	vand.u32 $0x3FFF, v8  }
0x3a6: {  	v11 =	vshrl.u32 v11, $0xE;
	v17 =	vperm.xlane v35, v17;
	v47 =	vperm.xlane v14, v3;
	v46, _, _ =	vpop (xrf2);
	(xrf2) =	vadd.scan.msk.f32 $0xffff, v16  }
0x3a7: {  	vm1 =	vmor vm1, vm0;
	v51 =	vperm.xlane v13, v3;
	v52 =	vperm.xlane v6, v3  }
0x3a8: {  	v11 =	vand.u32 $0x3FFF, v11;
	vm6 =	veq.s32 v22, v4;
	v30 =	vsub.f32 v42, v30  }
0x3a9: {  	vm3 =	veq.s32 v44, v4;
	vm5 =	veq.s32 v47, v4;
	vm6 =	vmor vm6, vm0  }
0x3aa: {  	vm7 =	veq.s32 v52, v4;
	v45 =	vperm.xlane v30, v10;
	v10 =	vperm.xlane v10, v3;
	v48, _, _ =	vpop (xrf2)  }
0x3ab: {  	vm8 =	veq.s32 v51, v4;
	vm5 =	vmor vm5, vm0;
	v49 =	vsub.f32 v48, v24  }
0x3ac: {  	v61 =	vsub.f32 v29, v17;
	vm13 =	veq.s32 v10, v4;
	v18 =	vsub.f32 v46, v18;
	v50, _, _ =	vpop (xrf2)  }
0x3ad: {  	vm15 =	vmor vm7, vm0;
	vm4 =	vmor vm13, vm0;
	v10 =	vperm.xlane v49, v14;
	v53, _, _ =	vpop (xrf2)  }
0x3ae: {  	v57 =	vsub.f32 v42, v45;
	v18 =	vperm.xlane v18, v31;
	v58 =	vsub.f32 v50, v19;
	v54, _, _ =	vpop (xrf2)  }
0x3af: {  	vm14 =	vmor vm8, vm0;
	[tilespmem:v43+s24+$0x0] =	vst.idx.add.f32.msk vm2, v61;
	v10 =	vsub.f32 v48, v10;
	v56 =	vsub.f32 v54, v20  }
0x3b0: {  	v18 =	vsub.f32 v46, v18;
	v6 =	vperm.xlane v58, v6;
	v21 =	vsub.f32 v53, v21;
	v59, _, _ =	vpop (xrf2)  }
0x3b1: {  	vm3 =	vmor vm3, vm0;
	[tilespmem:v9+s24+$0x0] =	vst.idx.add.f32.msk vm5, v10;
	v60 =	vsub.f32 v59, v16;
	v10 =	vperm.xlane v56, v13  }
0x3b2: {  	[tilespmem:v8+s24+$0x0] =	vst.idx.add.f32.msk vm6, v18;
	v6 =	vsub.f32 v50, v6;
	v55 =	vperm.xlane v21, v15  }
0x3b3: {  	[tilespmem:v26+s24+$0x0] =	vst.idx.add.f32.msk vm4, v57;
	v63 =	vperm.xlane v60, v12;
	v62 =	vsub.f32 v54, v10  }
0x3b4: {  	[tilespmem:v25+s24+$0x0] =	vst.idx.add.f32.msk vm15, v6;
	v9 =	vsub.f32 v53, v55  }
0x3b5: {  	[tilespmem:v7+s24+$0x0] =	vst.idx.add.f32.msk vm14, v62;
	v7 =	vsub.f32 v59, v63  }
0x3b6: {  	[tilespmem:v11+s24+$0x0] =	vst.idx.add.f32.msk vm1, v9  }
0x3b7: {  	s3 =	simm.s32 $0x1D1F0;
	[tilespmem:v5+s24+$0x0] =	vst.idx.add.f32.msk vm3, v7  }
0x3b8: {  	[tilespmem:s3+$0xFFFFFF90] =	vst v2  }
0x3b9: {  	[tilespmem:s3+$0x0] =	vst v2  }
0x3ba: {  	[tilespmem:s3+$0xFFFFFFF0] =	vst v2  }
0x3bb: {  	[tilespmem:s3+$0xFFFFFFE0] =	vst v2  }
0x3bc: {  	[tilespmem:s3+$0xFFFFFFD0] =	vst v2  }
0x3bd: {  	[tilespmem:s3+$0xFFFFFFC0] =	vst v2  }
0x3be: {  	s7 =	simm.s32 $0x308;
	[tilespmem:s3+$0xFFFFFFB0] =	vst v2  }
.LBB2_47:
0x3bf: {  	s7 =	sadd.s32 $0x8, s7;
	[tilespmem:s3+$0xFFFFFFA0] =	vst v2;
	s3 =	sadd.s32 $0x80, s3  }
0x3c0: {  	[tilespmem:s3+$0xFFFFFF90] =	vst v2;
	p1 =	slt.u32 s7, $0x3F8  }
0x3c1: {  	[tilespmem:s3+$0x0] =	vst v2  }
.Ltmp26:
0x3c2: {  	[tilespmem:s3+$0xFFFFFFF0] =	vst v2;
	(pc) =	sbr.rel @p1 .LBB2_47-.Ltmp26, $4  }
0x3c3: {  	[tilespmem:s3+$0xFFFFFFE0] =	vst v2  }
0x3c4: {  	[tilespmem:s3+$0xFFFFFFD0] =	vst v2  }
0x3c5: {  	[tilespmem:s3+$0xFFFFFFC0] =	vst v2  }
0x3c6: {  	[tilespmem:s3+$0xFFFFFFB0] =	vst v2  }
.Ltmp27:
0x3c7: {  	(pc) =	sbr.rel @!p0 .LBB2_52-.Ltmp27, $2  }
0x3c8: {  	_ =	sdelay $0x2  }
0x3c9: {  	[tilespmem:s3+$0xFFFFFFA0] =	vst v2  }
0x3ca: {  	s3 =	simm.s32 $0x1A140  }
0x3cb: {  	s7 =	simm.s32 $0x6140;
	v6 =	vld [tilespmem:s3+$0x30]  }
0x3cc: {  	v7 =	vld [tilespmem:s7+$0x30]  }
0x3cd: {  	v5 =	vld [tilespmem:s7+$0xFFFFFFC0]  }
0x3ce: {  	v8 =	vld [tilespmem:s3+$0xFFFFFFD0]  }
0x3cf: {  	v9 =	vld [tilespmem:s7+$0xFFFFFFD0]  }
0x3d0: {  	v10 =	vld [tilespmem:s3+$0xFFFFFFE0]  }
0x3d1: {  	v11 =	vld [tilespmem:s7+$0xFFFFFFE0]  }
0x3d2: {  	v12 =	vld [tilespmem:s3+$0xFFFFFFF0]  }
0x3d3: {  	v13 =	vld [tilespmem:s7+$0xFFFFFFF0]  }
0x3d4: {  	v14 =	vld [tilespmem:s3+$0x0]  }
0x3d5: {  	v15 =	vld [tilespmem:s7+$0x0];
	v7 =	vadd.f32 v7, v6  }
0x3d6: {  	v9 =	vadd.f32 v9, v8;
	v6 =	vld [tilespmem:s3+$0x10]  }
0x3d7: {  	v10 =	vadd.f32 v11, v10;
	v8 =	vld [tilespmem:s7+$0x10];
	[tilespmem:s3+$0x30] =	vst v7  }
0x3d8: {  	v11 =	vadd.f32 v13, v12;
	[tilespmem:s3+$0xFFFFFFD0] =	vst v9;
	v7 =	vld [tilespmem:s3+$0x20]  }
0x3d9: {  	[tilespmem:s3+$0xFFFFFFE0] =	vst v10;
	v10 =	vld [tilespmem:s7+$0x20]  }
0x3da: {  	s9 =	simm.s32 $0x0;
	s11 =	simm.s32 $0x1A1C0;
	v9 =	vld [tilespmem:s3+$0xFFFFFFC0];
	[tilespmem:s3+$0xFFFFFFF0] =	vst v11;
	v11 =	vadd.f32 v15, v14  }
.LBB2_50:
0x3db: {  	v12 =	vld [tilespmem:s11+$0x30];
	s7 =	sadd.s32 $0x80, s7  }
0x3dc: {  	s9 =	sadd.s32 $0x8, s9;
	v13 =	vld [tilespmem:s7+$0x30];
	[tilespmem:s3+$0x0] =	vst v11;
	v6 =	vadd.f32 v8, v6  }
0x3dd: {  	p1 =	slt.u32 s9, $0x3F8;
	v8 =	vld [tilespmem:s7+$0xFFFFFFC0]  }
0x3de: {  	v11 =	vld [tilespmem:s11+$0xFFFFFFD0];
	[tilespmem:s3+$0x10] =	vst v6;
	v6 =	vadd.f32 v10, v7  }
0x3df: {  	v7 =	vld [tilespmem:s7+$0xFFFFFFD0];
	v14 =	vadd.f32 v5, v9  }
0x3e0: {  	v9 =	vld [tilespmem:s11+$0xFFFFFFE0];
	[tilespmem:s3+$0x20] =	vst v6  }
0x3e1: {  	v6 =	vld [tilespmem:s7+$0xFFFFFFE0];
	v10 =	vadd.f32 v13, v12;
	[tilespmem:s3+$0xFFFFFFC0] =	vst v14;
	s3 =	smov.u32 s11  }
0x3e2: {  	v12 =	vld [tilespmem:s11+$0xFFFFFFF0];
	v5 =	vmov v8  }
0x3e3: {  	v13 =	vld [tilespmem:s7+$0xFFFFFFF0];
	[tilespmem:s11+$0x30] =	vst v10  }
0x3e4: {  	v7 =	vadd.f32 v7, v11;
	v11 =	vld [tilespmem:s11+$0x0]  }
0x3e5: {  	v14 =	vld [tilespmem:s7+$0x0]  }
.Ltmp28:
0x3e6: {  	[tilespmem:s11+$0xFFFFFFD0] =	vst v7;
	v7 =	vadd.f32 v6, v9;
	v6 =	vld [tilespmem:s11+$0x10];
	(pc) =	sbr.rel @p1 .LBB2_50-.Ltmp28, $4  }
0x3e7: {  	v8 =	vld [tilespmem:s7+$0x10]  }
0x3e8: {  	[tilespmem:s11+$0xFFFFFFE0] =	vst v7;
	v12 =	vadd.f32 v13, v12;
	v7 =	vld [tilespmem:s11+$0x20]  }
0x3e9: {  	v10 =	vld [tilespmem:s7+$0x20]  }
0x3ea: {  	s11 =	sadd.s32 $0x80, s11;
	v9 =	vld [tilespmem:s3+$0xFFFFFFC0];
	[tilespmem:s3+$0xFFFFFFF0] =	vst v12;
	v11 =	vadd.f32 v14, v11  }
0x3eb: {  	_ =	sdelay $0x1  }
0x3ec: {  	v6 =	vadd.f32 v8, v6  }
0x3ed: {  	[tilespmem:s3+$0x0] =	vst v11;
	v7 =	vadd.f32 v10, v7  }
0x3ee: {  	[tilespmem:s3+$0x10] =	vst v6;
	v5 =	vadd.f32 v5, v9  }
0x3ef: {  	[tilespmem:s3+$0x20] =	vst v7  }
0x3f0: {  	[tilespmem:s3+$0xFFFFFFC0] =	vst v5  }
.LBB2_52:
0x3f1: {  	s3 =	sadd.s32 s5, s4;
	s11 =	sadd.s32 $0x6, s0  }
0x3f2: {  	[hbm4b:s3+s19] =	stream.strided.scatter [tilespmem:s24], [sflag:$0x4], $0x4000, s20, s19, $0x38;
	[tilespmem:$0x1E100] =	vst v63  }
0x3f3: {  	s18 =	sadd.s32 s8, s11;
	s3 =	sshll.u32 s11, $0x4  }
0x3f4: {  	s4 =	sshll.u32 s18, $0xB;
	s3 =	sand.u32 $0x60, s3  }
0x3f5: {  	s4 =	sand.u32 $0xFFC000, s4;
	s3 =	sadd.s32 s1, s3  }
0x3f6: {  	s3 =	sadd.s32 s4, s3  }
0x3f7: {  	[tilespmem:s17], [sflag:$0x1] =	stream.strided.gather [hbm4b:s3+s19], $0x4000, s20, s19, $0x38;
	[tilespmem:$0x1E100] =	vst v63  }
0x3f8: {  	_ =	swait.ge [sflag:s25], $0x4000  }
0x3f9: {  	[sflag:s25] =	ssyncset.done $0x0  }
0x3fa: {  	[sflag:s25] =	ssyncadd.s32 $0xFFFFC000  }
0x3fb: {  	_ =	swait.ge [sflag:s23], $0x4000  }
0x3fc: {  	[sflag:s23] =	ssyncset.done $0x0  }
0x3fd: {  	s7 =	simm.s32 $0x12140;
	[sflag:s23] =	ssyncadd.s32 $0xFFFFC000  }
0x3fe: {  	s3 =	simm.s32 $0x40;
	[tilespmem:s7+$0xFFFFFFD0] =	vst v2  }
0x3ff: {  	v5 =	vld [tilespmem:s3+$0xFFFFFFD0];
	_ =	sdelay $0x3  }
0x400: {  	[tilespmem:s7+$0x0] =	vst v2  }
0x401: {  	[tilespmem:s7+$0xFFFFFFE0] =	vst v2;
	v10 =	vld [tilespmem:s3+$0x0];
	v6 =	vand.u32 $0x3FFF, v5  }
0x402: {  	v21 =	vld [tilespmem:s3+$0xFFFFFFE0]  }
0x403: {  	[tilespmem:s7+$0xFFFFFFC0] =	vst v2  }
0x404: {  	s4 =	simm.s32 $0x30C0;
	v12 =	vld [tilespmem:s3+$0xFFFFFFC0]  }
0x405: {  	v7 =	vld [tilespmem:s4+$0xFFFFFFD0]  }
0x406: {  	[tilespmem:s7+$0x30] =	vst v2;
	v11 =	vand.u32 $0x3FFF, v10;
	v9 =	vld.idx.msk [tilespmem:v6+s21+$0x0], $0xffff  }
0x407: {  	[tilespmem:s7+$0xFFFFFFF0] =	vst v2;
	v14 =	vld [tilespmem:s3+$0x30];
	v8 =	vand.u32 $0x3FFF, v21  }
0x408: {  	[tilespmem:s7+$0x10] =	vst v2;
	v6 =	vld [tilespmem:s3+$0xFFFFFFF0]  }
0x409: {  	v13 =	vld [tilespmem:s3+$0x10]  }
0x40a: {  	v20 =	vld [tilespmem:s4+$0x0]  }
0x40b: {  	v23 =	vld.idx.msk [tilespmem:v11+s21+$0x0], $0xffff;
	v22 =	vmul.f32 v9, v7  }
0x40c: {  	v16 =	vld.idx.msk [tilespmem:v8+s21+$0x0], $0xffff;
	v8 =	vand.u32 $0x3FFF, v14  }
0x40d: {  	v15 =	vld [tilespmem:s4+$0xFFFFFFE0];
	v7 =	vand.u32 $0x3FFF, v6;
	(xrf2) =	vadd.scan.msk.f32 $0xffff, v22  }
0x40e: {  	v19 =	vld [tilespmem:s4+$0x30]  }
0x40f: {  	[tilespmem:s7+$0x20] =	vst v2;
	v25 =	vld [tilespmem:s4+$0xFFFFFFF0];
	v27 =	vand.u32 $0x3FFF, v12  }
0x410: {  	v28 =	vand.u32 $0x3FFF, v13;
	v11 =	vld [tilespmem:s3+$0x20];
	v30 =	vmul.f32 v23, v20  }
0x411: {  	v24 =	vld.idx.msk [tilespmem:v8+s21+$0x0], $0xffff  }
0x412: {  	v17 =	vshrl.u32 v5, $0x1C;
	(xrf2) =	vadd.scan.msk.f32 $0xffff, v30;
	v7 =	vld.idx.msk [tilespmem:v7+s21+$0x0], $0xffff  }
0x413: {  	v26 =	vshrl.u32 v10, $0xE;
	v29 =	vshrl.u32 v13, $0xE;
	v32 =	vshrl.u32 v5, $0xE  }
0x414: {  	v5 =	vshrl.u32 v12, $0xE;
	v12 =	vshrl.u32 v12, $0x1C;
	v31 =	vperm.xlane v17, v3;
	v27 =	vld.idx.msk [tilespmem:v27+s21+$0x0], $0xffff  }
0x415: {  	v18 =	vmul.f32 v16, v15;
	v15 =	vshrl.u32 v11, $0x1C;
	v23 =	vld.idx.msk [tilespmem:v28+s21+$0x0], $0xffff;
	v28 =	vand.u32 $0x3FFF, v11  }
0x416: {  	v5 =	vand.u32 $0x3FFF, v5;
	vm4 =	veq.s32 v31, v4;
	v16 =	vld [tilespmem:s4+$0xFFFFFFC0];
	v34 =	vperm.xlane v15, v3  }
0x417: {  	v24 =	vmul.f32 v24, v19;
	v19 =	vmul.f32 v7, v25;
	v7 =	vand.u32 $0x3FFF, v29;
	v29, _, _ =	vpop (xrf2);
	(xrf2) =	vadd.scan.msk.f32 $0xffff, v18  }
0x418: {  	v31 =	vshrl.u32 v21, $0x1C;
	v9 =	vshrl.u32 v14, $0xE;
	v8 =	vshrl.u32 v21, $0xE;
	v20 =	vld [tilespmem:s4+$0x10]  }
0x419: {  	s9 =	simm.s32 $0x121C0;
	s7 =	simm.s32 $0x0;
	v33 =	vshrl.u32 v6, $0xE;
	vm1 =	veq.s32 v34, v4;
	v34 =	vld [tilespmem:s4+$0x20];
	v35 =	vsub.f32 v29, v22  }
.LBB2_53:
0x41a: {  	[tilespmem:s9+$0xFFFFFFC0] =	vst v2;
	s7 =	sadd.s32 $0x8, s7;
	v36 =	vperm.xlane v31, v3;
	v22 =	vand.u32 $0x3FFF, v33;
	v33 =	vld.idx.msk [tilespmem:v28+s21+$0x0], $0xffff;
	s3 =	sadd.s32 $0x80, s3;
	s4 =	sadd.s32 $0x80, s4;
	(xrf2) =	vadd.scan.msk.f32 $0xffff, v24  }
0x41b: {  	v28 =	vmul.f32 v27, v16;
	v27 =	vand.u32 $0x3FFF, v32;
	v21 =	vld [tilespmem:s3+$0xFFFFFFC0];
	[tilespmem:s9+$0xFFFFFFD0] =	vst v2;
	p1 =	slt.u32 s7, $0x300;
	v16 =	vperm.xlane v35, v17  }
0x41c: {  	vm3 =	vmor vm4, vm0;
	v17 =	vperm.xlane v12, v3;
	v35 =	vand.u32 $0x3FFF, v26;
	v32 =	vld [tilespmem:s3+$0xFFFFFFD0];
	[tilespmem:s9+$0xFFFFFFE0] =	vst v2;
	v26, _, _ =	vpop (xrf2)  }
0x41d: {  	v25 =	vld [tilespmem:s3+$0xFFFFFFE0];
	[tilespmem:s9+$0xFFFFFFF0] =	vst v2;
	v29 =	vsub.f32 v29, v16;
	v30 =	vsub.f32 v26, v30;
	(xrf2) =	vadd.scan.msk.f32 $0xffff, v19  }
0x41e: {  	v37 =	vshrl.u32 v13, $0x1C;
	vm2 =	veq.s32 v17, v4;
	v17 =	vshrl.u32 v10, $0x1C;
	v16 =	vld [tilespmem:s4+$0xFFFFFFC0];
	[tilespmem:s9+$0x0] =	vst v2  }
0x41f: {  	v38 =	vshrl.u32 v6, $0x1C;
	vm2 =	vmor vm2, vm0;
	[tilespmem:s9+$0x10] =	vst v2;
	v6 =	vld [tilespmem:s3+$0xFFFFFFF0];
	v30 =	vperm.xlane v30, v17  }
0x420: {  	v40 =	vperm.xlane v17, v3;
	v33 =	vmul.f32 v33, v34;
	v39 =	vand.u32 $0x3FFF, v21;
	v10 =	vld [tilespmem:s3+$0x0];
	[tilespmem:s9+$0x20] =	vst v2  }
0x421: {  	v17 =	vshrl.u32 v32, $0x1C;
	v34 =	vand.u32 $0x3FFF, v32;
	v13 =	vld [tilespmem:s3+$0x10];
	v41 =	vsub.f32 v26, v30;
	v26, _, _ =	vpop (xrf2)  }
0x422: {  	v30 =	vld [tilespmem:s4+$0xFFFFFFE0];
	v42 =	vand.u32 $0x3FFF, v25;
	[tilespmem:s9+$0x30] =	vst v2;
	v18 =	vsub.f32 v26, v18;
	(xrf2) =	vadd.scan.msk.f32 $0xffff, v33  }
0x423: {  	v44 =	vperm.xlane v37, v3;
	vm4 =	veq.s32 v40, v4;
	v40 =	vmul.f32 v23, v20;
	v43 =	vld [tilespmem:s3+$0x30]  }
0x424: {  	v14 =	vshrl.u32 v14, $0x1C;
	v45 =	vand.u32 $0x3FFF, v6;
	v46 =	vld [tilespmem:s4+$0x30];
	v18 =	vperm.xlane v18, v31;
	v20, _, _ =	vpop (xrf2)  }
0x425: {  	v47 =	vperm.xlane v14, v3;
	v23 =	vld [tilespmem:s4+$0xFFFFFFD0];
	v31 =	vand.u32 $0x3FFF, v10;
	v24 =	vsub.f32 v20, v24;
	(xrf2) =	vadd.scan.msk.f32 $0xffff, v40  }
0x426: {  	vm5 =	veq.s32 v36, v4;
	v34 =	vld.idx.msk [tilespmem:v34+s21+$0x0], $0xffff;
	v48 =	vand.u32 $0x3FFF, v13;
	v49 =	vsub.f32 v26, v18  }
0x427: {  	vm5 =	vmor vm5, vm0;
	vm6 =	veq.s32 v47, v4;
	v18 =	vld.idx.msk [tilespmem:v42+s21+$0x0], $0xffff;
	v24 =	vperm.xlane v24, v14;
	v36, _, _ =	vpop (xrf2)  }
0x428: {  	vm6 =	vmor vm6, vm0;
	v42 =	vld [tilespmem:s4+$0x0];
	v47 =	vand.u32 $0x3FFF, v43;
	v19 =	vsub.f32 v36, v19;
	(xrf2) =	vadd.scan.msk.f32 $0xffff, v28;
	v14 =	vmovc v43  }
0x429: {  	v50 =	vand.u32 $0x3FFF, v9;
	v43 =	vld [tilespmem:s4+$0xFFFFFFF0];
	v24 =	vsub.f32 v20, v24;
	v9 =	vshrl.u32 v14, $0xE  }
0x42a: {  	v51 =	vand.u32 $0x3FFF, v8;
	v8 =	vshrl.u32 v25, $0xE;
	v31 =	vld.idx.msk [tilespmem:v31+s21+$0x0], $0xffff;
	v53 =	vperm.xlane v19, v38  }
0x42b: {  	vm4 =	vmor vm4, vm0;
	v26 =	vshrl.u32 v10, $0xE;
	v38 =	vperm.xlane v38, v3;
	v20 =	vld [tilespmem:s4+$0x10]  }
0x42c: {  	v11 =	vshrl.u32 v11, $0xE;
	v52 =	vmul.f32 v34, v23;
	v23 =	vld.idx.msk [tilespmem:v48+s21+$0x0], $0xffff;
	v34 =	vsub.f32 v36, v53;
	v19, _, _ =	vpop (xrf2)  }
0x42d: {  	vm1 =	vmor vm1, vm0;
	v18 =	vmul.f32 v18, v30;
	v36 =	vld.idx.msk [tilespmem:v47+s21+$0x0], $0xffff;
	v30 =	vsub.f32 v19, v33  }
0x42e: {  	vm7 =	veq.s32 v38, v4;
	v38 =	vand.u32 $0x3FFF, v11;
	(xrf2) =	vadd.scan.msk.f32 $0xffff, v52;
	[tilespmem:v50+s26+$0x0] =	vst.idx.add.f32.msk vm6, v24  }
0x42f: {  	v47 =	vshrl.u32 v13, $0xE;
	[tilespmem:v51+s26+$0x0] =	vst.idx.add.f32.msk vm5, v49;
	vm5 =	veq.s32 v44, v4;
	v15 =	vperm.xlane v30, v15;
	v44, _, _ =	vpop (xrf2)  }
0x430: {  	v30 =	vmul.f32 v31, v42;
	v11 =	vld [tilespmem:s3+$0x20];
	v24 =	vsub.f32 v44, v40;
	vm5 =	vmor vm5, vm0  }
0x431: {  	vm6 =	vmor vm7, vm0;
	v31 =	vperm.xlane v17, v3;
	v40 =	vld.idx.msk [tilespmem:v45+s21+$0x0], $0xffff;
	v15 =	vsub.f32 v19, v15  }
0x432: {  	v32 =	vshrl.u32 v32, $0xE;
	(xrf2) =	vadd.scan.msk.f32 $0xffff, v30;
	[tilespmem:v35+s26+$0x0] =	vst.idx.add.f32.msk vm4, v41;
	v19 =	vperm.xlane v24, v37;
	v35, _, _ =	vpop (xrf2)  }
0x433: {  	v33 =	vshrl.u32 v6, $0xE;
	v24 =	vmul.f32 v36, v46;
	v36 =	vsub.f32 v35, v28;
	[tilespmem:v38+s26+$0x0] =	vst.idx.add.f32.msk vm1, v15  }
0x434: {  	v37 =	vshrl.u32 v21, $0xE;
	vm4 =	veq.s32 v31, v4;
	[tilespmem:v27+s26+$0x0] =	vst.idx.add.f32.msk vm3, v29;
	v19 =	vsub.f32 v44, v19  }
.Ltmp29:
0x435: {  	v27 =	vld.idx.msk [tilespmem:v39+s21+$0x0], $0xffff;
	v15 =	vshrl.u32 v11, $0x1C;
	v28 =	vand.u32 $0x3FFF, v11;
	v12 =	vperm.xlane v36, v12;
	(pc) =	sbr.rel @p1 .LBB2_53-.Ltmp29, $4  }
0x436: {  	v31 =	vperm.xlane v15, v3;
	[tilespmem:v7+s26+$0x0] =	vst.idx.add.f32.msk vm5, v19  }
0x437: {  	v19 =	vmul.f32 v40, v43;
	(xrf2) =	vadd.scan.msk.f32 $0xffff, v18;
	v36 =	vsub.f32 v35, v12;
	[tilespmem:v22+s26+$0x0] =	vst.idx.add.f32.msk vm6, v34  }
0x438: {  	v7 =	vand.u32 $0x3FFF, v47;
	v22 =	vand.u32 $0x3FFF, v37;
	v34 =	vld [tilespmem:s4+$0x20];
	vm1 =	veq.s32 v31, v4;
	v29, _, _ =	vpop (xrf2)  }
0x439: {  	s9 =	sadd.s32 $0x80, s9;
	v12 =	vshrl.u32 v21, $0x1C;
	v31 =	vshrl.u32 v25, $0x1C;
	v35 =	vsub.f32 v29, v52;
	[tilespmem:v5+s26+$0x0] =	vst.idx.add.f32.msk vm2, v36;
	v5 =	vmovc v22  }
0x43a: {  	_ =	sdelay $0x3  }
0x43b: {  	v21 =	vld.idx.msk [tilespmem:v28+s21+$0x0], $0xffff;
	_ =	sdelay $0x3  }
0x43c: {  	(xrf2) =	vadd.scan.msk.f32 $0xffff, v24;
	v22 =	vperm.xlane v31, v3  }
0x43d: {  	v16 =	vmul.f32 v27, v16;
	v21 =	vmul.f32 v21, v34  }
0x43e: {  	v25 =	vand.u32 $0x3FFF, v33;
	v20 =	vmul.f32 v23, v20;
	v43 =	vand.u32 $0x3FFF, v32;
	(xrf2) =	vadd.scan.msk.f32 $0xffff, v19  }
0x43f: {  	v44 =	vperm.xlane v12, v3;
	vm2 =	vmor vm4, vm0;
	v26 =	vand.u32 $0x3FFF, v26;
	v42, _, _ =	vpop (xrf2);
	(xrf2) =	vadd.scan.msk.f32 $0xffff, v21  }
0x440: {  	v10 =	vshrl.u32 v10, $0x1C;
	v14 =	vshrl.u32 v14, $0x1C;
	v13 =	vshrl.u32 v13, $0x1C;
	(xrf2) =	vadd.scan.msk.f32 $0xffff, v20  }
0x441: {  	v6 =	vshrl.u32 v6, $0x1C;
	v9 =	vand.u32 $0x3FFF, v9;
	v8 =	vand.u32 $0x3FFF, v8  }
0x442: {  	v11 =	vshrl.u32 v11, $0xE;
	v17 =	vperm.xlane v35, v17;
	v47 =	vperm.xlane v14, v3;
	v46, _, _ =	vpop (xrf2);
	(xrf2) =	vadd.scan.msk.f32 $0xffff, v16  }
0x443: {  	vm1 =	vmor vm1, vm0;
	v51 =	vperm.xlane v13, v3;
	v52 =	vperm.xlane v6, v3  }
0x444: {  	v11 =	vand.u32 $0x3FFF, v11;
	vm6 =	veq.s32 v22, v4;
	v30 =	vsub.f32 v42, v30  }
0x445: {  	vm3 =	veq.s32 v44, v4;
	vm5 =	veq.s32 v47, v4;
	vm6 =	vmor vm6, vm0  }
0x446: {  	vm7 =	veq.s32 v52, v4;
	v45 =	vperm.xlane v30, v10;
	v10 =	vperm.xlane v10, v3;
	v48, _, _ =	vpop (xrf2)  }
0x447: {  	vm8 =	veq.s32 v51, v4;
	vm5 =	vmor vm5, vm0;
	v49 =	vsub.f32 v48, v24  }
0x448: {  	v61 =	vsub.f32 v29, v17;
	vm13 =	veq.s32 v10, v4;
	v18 =	vsub.f32 v46, v18;
	v50, _, _ =	vpop (xrf2)  }
0x449: {  	vm15 =	vmor vm7, vm0;
	vm4 =	vmor vm13, vm0;
	v10 =	vperm.xlane v49, v14;
	v53, _, _ =	vpop (xrf2)  }
0x44a: {  	v57 =	vsub.f32 v42, v45;
	v18 =	vperm.xlane v18, v31;
	v58 =	vsub.f32 v50, v19;
	v54, _, _ =	vpop (xrf2)  }
0x44b: {  	vm14 =	vmor vm8, vm0;
	[tilespmem:v43+s26+$0x0] =	vst.idx.add.f32.msk vm2, v61;
	v10 =	vsub.f32 v48, v10;
	v56 =	vsub.f32 v54, v20  }
0x44c: {  	v18 =	vsub.f32 v46, v18;
	v6 =	vperm.xlane v58, v6;
	v21 =	vsub.f32 v53, v21;
	v59, _, _ =	vpop (xrf2)  }
0x44d: {  	vm3 =	vmor vm3, vm0;
	[tilespmem:v9+s26+$0x0] =	vst.idx.add.f32.msk vm5, v10;
	v60 =	vsub.f32 v59, v16;
	v10 =	vperm.xlane v56, v13  }
0x44e: {  	[tilespmem:v8+s26+$0x0] =	vst.idx.add.f32.msk vm6, v18;
	v6 =	vsub.f32 v50, v6;
	v55 =	vperm.xlane v21, v15  }
0x44f: {  	[tilespmem:v26+s26+$0x0] =	vst.idx.add.f32.msk vm4, v57;
	v63 =	vperm.xlane v60, v12;
	v62 =	vsub.f32 v54, v10  }
0x450: {  	[tilespmem:v25+s26+$0x0] =	vst.idx.add.f32.msk vm15, v6;
	v9 =	vsub.f32 v53, v55  }
0x451: {  	[tilespmem:v7+s26+$0x0] =	vst.idx.add.f32.msk vm14, v62;
	v7 =	vsub.f32 v59, v63  }
0x452: {  	[tilespmem:v11+s26+$0x0] =	vst.idx.add.f32.msk vm1, v9  }
0x453: {  	s3 =	simm.s32 $0x151F0;
	[tilespmem:v5+s26+$0x0] =	vst.idx.add.f32.msk vm3, v7  }
0x454: {  	[tilespmem:s3+$0xFFFFFF90] =	vst v2  }
0x455: {  	[tilespmem:s3+$0x0] =	vst v2  }
0x456: {  	[tilespmem:s3+$0xFFFFFFF0] =	vst v2  }
0x457: {  	[tilespmem:s3+$0xFFFFFFE0] =	vst v2  }
0x458: {  	[tilespmem:s3+$0xFFFFFFD0] =	vst v2  }
0x459: {  	[tilespmem:s3+$0xFFFFFFC0] =	vst v2  }
0x45a: {  	s4 =	simm.s32 $0x308;
	[tilespmem:s3+$0xFFFFFFB0] =	vst v2  }
.LBB2_55:
0x45b: {  	s4 =	sadd.s32 $0x8, s4;
	[tilespmem:s3+$0xFFFFFFA0] =	vst v2;
	s3 =	sadd.s32 $0x80, s3  }
0x45c: {  	[tilespmem:s3+$0xFFFFFF90] =	vst v2;
	p1 =	slt.u32 s4, $0x3F8  }
0x45d: {  	[tilespmem:s3+$0x0] =	vst v2  }
.Ltmp30:
0x45e: {  	[tilespmem:s3+$0xFFFFFFF0] =	vst v2;
	(pc) =	sbr.rel @p1 .LBB2_55-.Ltmp30, $4  }
0x45f: {  	[tilespmem:s3+$0xFFFFFFE0] =	vst v2  }
0x460: {  	[tilespmem:s3+$0xFFFFFFD0] =	vst v2  }
0x461: {  	[tilespmem:s3+$0xFFFFFFC0] =	vst v2  }
0x462: {  	[tilespmem:s3+$0xFFFFFFB0] =	vst v2  }
.Ltmp31:
0x463: {  	(pc) =	sbr.rel @!p0 .LBB2_60-.Ltmp31, $2  }
0x464: {  	_ =	sdelay $0x2  }
0x465: {  	[tilespmem:s3+$0xFFFFFFA0] =	vst v2  }
0x466: {  	s3 =	simm.s32 $0x12140  }
0x467: {  	s4 =	simm.s32 $0x6140;
	v6 =	vld [tilespmem:s3+$0x30]  }
0x468: {  	v7 =	vld [tilespmem:s4+$0x30]  }
0x469: {  	v5 =	vld [tilespmem:s4+$0xFFFFFFC0]  }
0x46a: {  	v8 =	vld [tilespmem:s3+$0xFFFFFFD0]  }
0x46b: {  	v9 =	vld [tilespmem:s4+$0xFFFFFFD0]  }
0x46c: {  	v10 =	vld [tilespmem:s3+$0xFFFFFFE0]  }
0x46d: {  	v11 =	vld [tilespmem:s4+$0xFFFFFFE0]  }
0x46e: {  	v12 =	vld [tilespmem:s3+$0xFFFFFFF0]  }
0x46f: {  	v13 =	vld [tilespmem:s4+$0xFFFFFFF0]  }
0x470: {  	v14 =	vld [tilespmem:s3+$0x0]  }
0x471: {  	v15 =	vld [tilespmem:s4+$0x0];
	v7 =	vadd.f32 v7, v6  }
0x472: {  	v9 =	vadd.f32 v9, v8;
	v6 =	vld [tilespmem:s3+$0x10]  }
0x473: {  	v10 =	vadd.f32 v11, v10;
	v8 =	vld [tilespmem:s4+$0x10];
	[tilespmem:s3+$0x30] =	vst v7  }
0x474: {  	v11 =	vadd.f32 v13, v12;
	[tilespmem:s3+$0xFFFFFFD0] =	vst v9;
	v7 =	vld [tilespmem:s3+$0x20]  }
0x475: {  	[tilespmem:s3+$0xFFFFFFE0] =	vst v10;
	v10 =	vld [tilespmem:s4+$0x20]  }
0x476: {  	s7 =	simm.s32 $0x0;
	s9 =	simm.s32 $0x121C0;
	v9 =	vld [tilespmem:s3+$0xFFFFFFC0];
	[tilespmem:s3+$0xFFFFFFF0] =	vst v11;
	v11 =	vadd.f32 v15, v14  }
.LBB2_58:
0x477: {  	v12 =	vld [tilespmem:s9+$0x30];
	s4 =	sadd.s32 $0x80, s4  }
0x478: {  	s7 =	sadd.s32 $0x8, s7;
	v13 =	vld [tilespmem:s4+$0x30];
	[tilespmem:s3+$0x0] =	vst v11;
	v6 =	vadd.f32 v8, v6  }
0x479: {  	p1 =	slt.u32 s7, $0x3F8;
	v8 =	vld [tilespmem:s4+$0xFFFFFFC0]  }
0x47a: {  	v11 =	vld [tilespmem:s9+$0xFFFFFFD0];
	[tilespmem:s3+$0x10] =	vst v6;
	v6 =	vadd.f32 v10, v7  }
0x47b: {  	v7 =	vld [tilespmem:s4+$0xFFFFFFD0];
	v14 =	vadd.f32 v5, v9  }
0x47c: {  	v9 =	vld [tilespmem:s9+$0xFFFFFFE0];
	[tilespmem:s3+$0x20] =	vst v6  }
0x47d: {  	v6 =	vld [tilespmem:s4+$0xFFFFFFE0];
	v10 =	vadd.f32 v13, v12;
	[tilespmem:s3+$0xFFFFFFC0] =	vst v14;
	s3 =	smov.u32 s9  }
0x47e: {  	v12 =	vld [tilespmem:s9+$0xFFFFFFF0];
	v5 =	vmov v8  }
0x47f: {  	v13 =	vld [tilespmem:s4+$0xFFFFFFF0];
	[tilespmem:s9+$0x30] =	vst v10  }
0x480: {  	v7 =	vadd.f32 v7, v11;
	v11 =	vld [tilespmem:s9+$0x0]  }
0x481: {  	v14 =	vld [tilespmem:s4+$0x0]  }
.Ltmp32:
0x482: {  	[tilespmem:s9+$0xFFFFFFD0] =	vst v7;
	v7 =	vadd.f32 v6, v9;
	v6 =	vld [tilespmem:s9+$0x10];
	(pc) =	sbr.rel @p1 .LBB2_58-.Ltmp32, $4  }
0x483: {  	v8 =	vld [tilespmem:s4+$0x10]  }
0x484: {  	[tilespmem:s9+$0xFFFFFFE0] =	vst v7;
	v12 =	vadd.f32 v13, v12;
	v7 =	vld [tilespmem:s9+$0x20]  }
0x485: {  	v10 =	vld [tilespmem:s4+$0x20]  }
0x486: {  	s9 =	sadd.s32 $0x80, s9;
	v9 =	vld [tilespmem:s3+$0xFFFFFFC0];
	[tilespmem:s3+$0xFFFFFFF0] =	vst v12;
	v11 =	vadd.f32 v14, v11  }
0x487: {  	_ =	sdelay $0x1  }
.Ltmp33:
0x488: {  	v6 =	vadd.f32 v8, v6;
	(pc) =	sbr.rel .LBB2_60-.Ltmp33, $4  }
0x489: {  	[tilespmem:s3+$0x0] =	vst v11;
	v7 =	vadd.f32 v10, v7  }
0x48a: {  	[tilespmem:s3+$0x10] =	vst v6;
	v5 =	vadd.f32 v5, v9  }
0x48b: {  	[tilespmem:s3+$0x20] =	vst v7  }
0x48c: {  	[tilespmem:s3+$0xFFFFFFC0] =	vst v5  }
.LBB2_61:
0x48d: {  	_ =	swait.ge [sflag:s28], $0x4000  }
0x48e: {  	[sflag:s28] =	ssyncset.done $0x0  }
0x48f: {  	[sflag:s28] =	ssyncadd.s32 $0xFFFFC000  }
0x490: {  	_ =	swait.ge [sflag:s22], $0x4000  }
0x491: {  	[sflag:s22] =	ssyncset.done $0x0  }
0x492: {  	s3 =	simm.s32 $0x16140;
	[sflag:s22] =	ssyncadd.s32 $0xFFFFC000  }
0x493: {  	s0 =	simm.s32 $0x40;
	[tilespmem:s3+$0xFFFFFFD0] =	vst v2  }
0x494: {  	v5 =	vld [tilespmem:s0+$0xFFFFFFD0];
	_ =	sdelay $0x3  }
0x495: {  	[tilespmem:s3+$0x0] =	vst v2  }
0x496: {  	[tilespmem:s3+$0xFFFFFFE0] =	vst v2;
	v10 =	vld [tilespmem:s0+$0x0];
	v6 =	vand.u32 $0x3FFF, v5  }
0x497: {  	v21 =	vld [tilespmem:s0+$0xFFFFFFE0]  }
0x498: {  	[tilespmem:s3+$0xFFFFFFC0] =	vst v2  }
0x499: {  	s2 =	simm.s32 $0x30C0;
	v12 =	vld [tilespmem:s0+$0xFFFFFFC0]  }
0x49a: {  	v7 =	vld [tilespmem:s2+$0xFFFFFFD0]  }
0x49b: {  	[tilespmem:s3+$0x30] =	vst v2;
	v11 =	vand.u32 $0x3FFF, v10;
	v9 =	vld.idx.msk [tilespmem:v6+s17+$0x0], $0xffff  }
0x49c: {  	[tilespmem:s3+$0xFFFFFFF0] =	vst v2;
	v14 =	vld [tilespmem:s0+$0x30];
	v8 =	vand.u32 $0x3FFF, v21  }
0x49d: {  	[tilespmem:s3+$0x10] =	vst v2;
	v6 =	vld [tilespmem:s0+$0xFFFFFFF0]  }
0x49e: {  	v13 =	vld [tilespmem:s0+$0x10]  }
0x49f: {  	v20 =	vld [tilespmem:s2+$0x0]  }
0x4a0: {  	v23 =	vld.idx.msk [tilespmem:v11+s17+$0x0], $0xffff;
	v22 =	vmul.f32 v9, v7  }
0x4a1: {  	v16 =	vld.idx.msk [tilespmem:v8+s17+$0x0], $0xffff;
	v8 =	vand.u32 $0x3FFF, v14  }
0x4a2: {  	v15 =	vld [tilespmem:s2+$0xFFFFFFE0];
	v7 =	vand.u32 $0x3FFF, v6;
	(xrf2) =	vadd.scan.msk.f32 $0xffff, v22  }
0x4a3: {  	v19 =	vld [tilespmem:s2+$0x30]  }
0x4a4: {  	[tilespmem:s3+$0x20] =	vst v2;
	v25 =	vld [tilespmem:s2+$0xFFFFFFF0];
	v27 =	vand.u32 $0x3FFF, v12  }
0x4a5: {  	v28 =	vand.u32 $0x3FFF, v13;
	v11 =	vld [tilespmem:s0+$0x20];
	v30 =	vmul.f32 v23, v20  }
0x4a6: {  	v24 =	vld.idx.msk [tilespmem:v8+s17+$0x0], $0xffff  }
0x4a7: {  	v17 =	vshrl.u32 v5, $0x1C;
	(xrf2) =	vadd.scan.msk.f32 $0xffff, v30;
	v7 =	vld.idx.msk [tilespmem:v7+s17+$0x0], $0xffff  }
0x4a8: {  	v26 =	vshrl.u32 v10, $0xE;
	v29 =	vshrl.u32 v13, $0xE;
	v32 =	vshrl.u32 v5, $0xE  }
0x4a9: {  	v5 =	vshrl.u32 v12, $0xE;
	v12 =	vshrl.u32 v12, $0x1C;
	v31 =	vperm.xlane v17, v3;
	v27 =	vld.idx.msk [tilespmem:v27+s17+$0x0], $0xffff  }
0x4aa: {  	v18 =	vmul.f32 v16, v15;
	v15 =	vshrl.u32 v11, $0x1C;
	v23 =	vld.idx.msk [tilespmem:v28+s17+$0x0], $0xffff;
	v28 =	vand.u32 $0x3FFF, v11  }
0x4ab: {  	v5 =	vand.u32 $0x3FFF, v5;
	vm4 =	veq.s32 v31, v4;
	v16 =	vld [tilespmem:s2+$0xFFFFFFC0];
	v34 =	vperm.xlane v15, v3  }
0x4ac: {  	v24 =	vmul.f32 v24, v19;
	v19 =	vmul.f32 v7, v25;
	v7 =	vand.u32 $0x3FFF, v29;
	v29, _, _ =	vpop (xrf2);
	(xrf2) =	vadd.scan.msk.f32 $0xffff, v18  }
0x4ad: {  	v31 =	vshrl.u32 v21, $0x1C;
	v9 =	vshrl.u32 v14, $0xE;
	v8 =	vshrl.u32 v21, $0xE;
	v20 =	vld [tilespmem:s2+$0x10]  }
0x4ae: {  	s4 =	simm.s32 $0x161C0;
	s3 =	simm.s32 $0x0;
	v33 =	vshrl.u32 v6, $0xE;
	vm1 =	veq.s32 v34, v4;
	v34 =	vld [tilespmem:s2+$0x20];
	v35 =	vsub.f32 v29, v22  }
.LBB2_62:
0x4af: {  	[tilespmem:s4+$0xFFFFFFC0] =	vst v2;
	s3 =	sadd.s32 $0x8, s3;
	v36 =	vperm.xlane v31, v3;
	v22 =	vand.u32 $0x3FFF, v33;
	v33 =	vld.idx.msk [tilespmem:v28+s17+$0x0], $0xffff;
	s0 =	sadd.s32 $0x80, s0;
	s2 =	sadd.s32 $0x80, s2;
	(xrf2) =	vadd.scan.msk.f32 $0xffff, v24  }
0x4b0: {  	v28 =	vmul.f32 v27, v16;
	v27 =	vand.u32 $0x3FFF, v32;
	v21 =	vld [tilespmem:s0+$0xFFFFFFC0];
	[tilespmem:s4+$0xFFFFFFD0] =	vst v2;
	p1 =	slt.u32 s3, $0x300;
	v16 =	vperm.xlane v35, v17  }
0x4b1: {  	vm3 =	vmor vm4, vm0;
	v17 =	vperm.xlane v12, v3;
	v35 =	vand.u32 $0x3FFF, v26;
	v32 =	vld [tilespmem:s0+$0xFFFFFFD0];
	[tilespmem:s4+$0xFFFFFFE0] =	vst v2;
	v26, _, _ =	vpop (xrf2)  }
0x4b2: {  	v25 =	vld [tilespmem:s0+$0xFFFFFFE0];
	[tilespmem:s4+$0xFFFFFFF0] =	vst v2;
	v29 =	vsub.f32 v29, v16;
	v30 =	vsub.f32 v26, v30;
	(xrf2) =	vadd.scan.msk.f32 $0xffff, v19  }
0x4b3: {  	v37 =	vshrl.u32 v13, $0x1C;
	vm2 =	veq.s32 v17, v4;
	v17 =	vshrl.u32 v10, $0x1C;
	v16 =	vld [tilespmem:s2+$0xFFFFFFC0];
	[tilespmem:s4+$0x0] =	vst v2  }
0x4b4: {  	v38 =	vshrl.u32 v6, $0x1C;
	vm2 =	vmor vm2, vm0;
	[tilespmem:s4+$0x10] =	vst v2;
	v6 =	vld [tilespmem:s0+$0xFFFFFFF0];
	v30 =	vperm.xlane v30, v17  }
0x4b5: {  	v40 =	vperm.xlane v17, v3;
	v33 =	vmul.f32 v33, v34;
	v39 =	vand.u32 $0x3FFF, v21;
	v10 =	vld [tilespmem:s0+$0x0];
	[tilespmem:s4+$0x20] =	vst v2  }
0x4b6: {  	v17 =	vshrl.u32 v32, $0x1C;
	v34 =	vand.u32 $0x3FFF, v32;
	v13 =	vld [tilespmem:s0+$0x10];
	v41 =	vsub.f32 v26, v30;
	v26, _, _ =	vpop (xrf2)  }
0x4b7: {  	v30 =	vld [tilespmem:s2+$0xFFFFFFE0];
	v42 =	vand.u32 $0x3FFF, v25;
	[tilespmem:s4+$0x30] =	vst v2;
	v18 =	vsub.f32 v26, v18;
	(xrf2) =	vadd.scan.msk.f32 $0xffff, v33  }
0x4b8: {  	v44 =	vperm.xlane v37, v3;
	vm4 =	veq.s32 v40, v4;
	v40 =	vmul.f32 v23, v20;
	v43 =	vld [tilespmem:s0+$0x30]  }
0x4b9: {  	v14 =	vshrl.u32 v14, $0x1C;
	v45 =	vand.u32 $0x3FFF, v6;
	v46 =	vld [tilespmem:s2+$0x30];
	v18 =	vperm.xlane v18, v31;
	v20, _, _ =	vpop (xrf2)  }
0x4ba: {  	v47 =	vperm.xlane v14, v3;
	v23 =	vld [tilespmem:s2+$0xFFFFFFD0];
	v31 =	vand.u32 $0x3FFF, v10;
	v24 =	vsub.f32 v20, v24;
	(xrf2) =	vadd.scan.msk.f32 $0xffff, v40  }
0x4bb: {  	vm5 =	veq.s32 v36, v4;
	v34 =	vld.idx.msk [tilespmem:v34+s17+$0x0], $0xffff;
	v48 =	vand.u32 $0x3FFF, v13;
	v49 =	vsub.f32 v26, v18  }
0x4bc: {  	vm5 =	vmor vm5, vm0;
	vm6 =	veq.s32 v47, v4;
	v18 =	vld.idx.msk [tilespmem:v42+s17+$0x0], $0xffff;
	v24 =	vperm.xlane v24, v14;
	v36, _, _ =	vpop (xrf2)  }
0x4bd: {  	vm6 =	vmor vm6, vm0;
	v42 =	vld [tilespmem:s2+$0x0];
	v47 =	vand.u32 $0x3FFF, v43;
	v19 =	vsub.f32 v36, v19;
	(xrf2) =	vadd.scan.msk.f32 $0xffff, v28;
	v14 =	vmovc v43  }
0x4be: {  	v50 =	vand.u32 $0x3FFF, v9;
	v43 =	vld [tilespmem:s2+$0xFFFFFFF0];
	v24 =	vsub.f32 v20, v24;
	v9 =	vshrl.u32 v14, $0xE  }
0x4bf: {  	v51 =	vand.u32 $0x3FFF, v8;
	v8 =	vshrl.u32 v25, $0xE;
	v31 =	vld.idx.msk [tilespmem:v31+s17+$0x0], $0xffff;
	v53 =	vperm.xlane v19, v38  }
0x4c0: {  	vm4 =	vmor vm4, vm0;
	v26 =	vshrl.u32 v10, $0xE;
	v38 =	vperm.xlane v38, v3;
	v20 =	vld [tilespmem:s2+$0x10]  }
0x4c1: {  	v11 =	vshrl.u32 v11, $0xE;
	v52 =	vmul.f32 v34, v23;
	v23 =	vld.idx.msk [tilespmem:v48+s17+$0x0], $0xffff;
	v34 =	vsub.f32 v36, v53;
	v19, _, _ =	vpop (xrf2)  }
0x4c2: {  	vm1 =	vmor vm1, vm0;
	v18 =	vmul.f32 v18, v30;
	v36 =	vld.idx.msk [tilespmem:v47+s17+$0x0], $0xffff;
	v30 =	vsub.f32 v19, v33  }
0x4c3: {  	vm7 =	veq.s32 v38, v4;
	v38 =	vand.u32 $0x3FFF, v11;
	(xrf2) =	vadd.scan.msk.f32 $0xffff, v52;
	[tilespmem:v50+s16+$0x0] =	vst.idx.add.f32.msk vm6, v24  }
0x4c4: {  	v47 =	vshrl.u32 v13, $0xE;
	[tilespmem:v51+s16+$0x0] =	vst.idx.add.f32.msk vm5, v49;
	vm5 =	veq.s32 v44, v4;
	v15 =	vperm.xlane v30, v15;
	v44, _, _ =	vpop (xrf2)  }
0x4c5: {  	v30 =	vmul.f32 v31, v42;
	v11 =	vld [tilespmem:s0+$0x20];
	v24 =	vsub.f32 v44, v40;
	vm5 =	vmor vm5, vm0  }
0x4c6: {  	vm6 =	vmor vm7, vm0;
	v31 =	vperm.xlane v17, v3;
	v40 =	vld.idx.msk [tilespmem:v45+s17+$0x0], $0xffff;
	v15 =	vsub.f32 v19, v15  }
0x4c7: {  	v32 =	vshrl.u32 v32, $0xE;
	(xrf2) =	vadd.scan.msk.f32 $0xffff, v30;
	[tilespmem:v35+s16+$0x0] =	vst.idx.add.f32.msk vm4, v41;
	v19 =	vperm.xlane v24, v37;
	v35, _, _ =	vpop (xrf2)  }
0x4c8: {  	v33 =	vshrl.u32 v6, $0xE;
	v24 =	vmul.f32 v36, v46;
	v36 =	vsub.f32 v35, v28;
	[tilespmem:v38+s16+$0x0] =	vst.idx.add.f32.msk vm1, v15  }
0x4c9: {  	v37 =	vshrl.u32 v21, $0xE;
	vm4 =	veq.s32 v31, v4;
	[tilespmem:v27+s16+$0x0] =	vst.idx.add.f32.msk vm3, v29;
	v19 =	vsub.f32 v44, v19  }
.Ltmp34:
0x4ca: {  	v27 =	vld.idx.msk [tilespmem:v39+s17+$0x0], $0xffff;
	v15 =	vshrl.u32 v11, $0x1C;
	v28 =	vand.u32 $0x3FFF, v11;
	v12 =	vperm.xlane v36, v12;
	(pc) =	sbr.rel @p1 .LBB2_62-.Ltmp34, $4  }
0x4cb: {  	v31 =	vperm.xlane v15, v3;
	[tilespmem:v7+s16+$0x0] =	vst.idx.add.f32.msk vm5, v19  }
0x4cc: {  	v19 =	vmul.f32 v40, v43;
	(xrf2) =	vadd.scan.msk.f32 $0xffff, v18;
	v36 =	vsub.f32 v35, v12;
	[tilespmem:v22+s16+$0x0] =	vst.idx.add.f32.msk vm6, v34  }
0x4cd: {  	v7 =	vand.u32 $0x3FFF, v47;
	v22 =	vand.u32 $0x3FFF, v37;
	v34 =	vld [tilespmem:s2+$0x20];
	vm1 =	veq.s32 v31, v4;
	v29, _, _ =	vpop (xrf2)  }
0x4ce: {  	s4 =	sadd.s32 $0x80, s4;
	v12 =	vshrl.u32 v21, $0x1C;
	v31 =	vshrl.u32 v25, $0x1C;
	v35 =	vsub.f32 v29, v52;
	[tilespmem:v5+s16+$0x0] =	vst.idx.add.f32.msk vm2, v36;
	v5 =	vmovc v22  }
0x4cf: {  	_ =	sdelay $0x3  }
0x4d0: {  	v21 =	vld.idx.msk [tilespmem:v28+s17+$0x0], $0xffff;
	_ =	sdelay $0x3  }
0x4d1: {  	(xrf2) =	vadd.scan.msk.f32 $0xffff, v24;
	v22 =	vperm.xlane v31, v3  }
0x4d2: {  	v16 =	vmul.f32 v27, v16;
	v21 =	vmul.f32 v21, v34  }
0x4d3: {  	v25 =	vand.u32 $0x3FFF, v33;
	v20 =	vmul.f32 v23, v20;
	v43 =	vand.u32 $0x3FFF, v32;
	(xrf2) =	vadd.scan.msk.f32 $0xffff, v19  }
0x4d4: {  	v44 =	vperm.xlane v12, v3;
	vm2 =	vmor vm4, vm0;
	v26 =	vand.u32 $0x3FFF, v26;
	v42, _, _ =	vpop (xrf2);
	(xrf2) =	vadd.scan.msk.f32 $0xffff, v21  }
0x4d5: {  	v10 =	vshrl.u32 v10, $0x1C;
	v14 =	vshrl.u32 v14, $0x1C;
	v13 =	vshrl.u32 v13, $0x1C;
	(xrf2) =	vadd.scan.msk.f32 $0xffff, v20  }
0x4d6: {  	v6 =	vshrl.u32 v6, $0x1C;
	v9 =	vand.u32 $0x3FFF, v9;
	v8 =	vand.u32 $0x3FFF, v8  }
0x4d7: {  	v11 =	vshrl.u32 v11, $0xE;
	v17 =	vperm.xlane v35, v17;
	v47 =	vperm.xlane v14, v3;
	v46, _, _ =	vpop (xrf2);
	(xrf2) =	vadd.scan.msk.f32 $0xffff, v16  }
0x4d8: {  	vm1 =	vmor vm1, vm0;
	v51 =	vperm.xlane v13, v3;
	v52 =	vperm.xlane v6, v3  }
0x4d9: {  	v11 =	vand.u32 $0x3FFF, v11;
	vm6 =	veq.s32 v22, v4;
	v30 =	vsub.f32 v42, v30  }
0x4da: {  	vm3 =	veq.s32 v44, v4;
	vm5 =	veq.s32 v47, v4;
	vm6 =	vmor vm6, vm0  }
0x4db: {  	vm7 =	veq.s32 v52, v4;
	v45 =	vperm.xlane v30, v10;
	v10 =	vperm.xlane v10, v3;
	v48, _, _ =	vpop (xrf2)  }
0x4dc: {  	vm8 =	veq.s32 v51, v4;
	vm5 =	vmor vm5, vm0;
	v49 =	vsub.f32 v48, v24  }
0x4dd: {  	v61 =	vsub.f32 v29, v17;
	vm13 =	veq.s32 v10, v4;
	v18 =	vsub.f32 v46, v18;
	v50, _, _ =	vpop (xrf2)  }
0x4de: {  	vm15 =	vmor vm7, vm0;
	vm4 =	vmor vm13, vm0;
	v10 =	vperm.xlane v49, v14;
	v53, _, _ =	vpop (xrf2)  }
0x4df: {  	v57 =	vsub.f32 v42, v45;
	v18 =	vperm.xlane v18, v31;
	v58 =	vsub.f32 v50, v19;
	v54, _, _ =	vpop (xrf2)  }
0x4e0: {  	vm14 =	vmor vm8, vm0;
	[tilespmem:v43+s16+$0x0] =	vst.idx.add.f32.msk vm2, v61;
	v10 =	vsub.f32 v48, v10;
	v56 =	vsub.f32 v54, v20  }
0x4e1: {  	v18 =	vsub.f32 v46, v18;
	v6 =	vperm.xlane v58, v6;
	v21 =	vsub.f32 v53, v21;
	v59, _, _ =	vpop (xrf2)  }
0x4e2: {  	vm3 =	vmor vm3, vm0;
	[tilespmem:v9+s16+$0x0] =	vst.idx.add.f32.msk vm5, v10;
	v60 =	vsub.f32 v59, v16;
	v10 =	vperm.xlane v56, v13  }
0x4e3: {  	[tilespmem:v8+s16+$0x0] =	vst.idx.add.f32.msk vm6, v18;
	v6 =	vsub.f32 v50, v6;
	v55 =	vperm.xlane v21, v15  }
0x4e4: {  	[tilespmem:v26+s16+$0x0] =	vst.idx.add.f32.msk vm4, v57;
	v63 =	vperm.xlane v60, v12;
	v62 =	vsub.f32 v54, v10  }
0x4e5: {  	[tilespmem:v25+s16+$0x0] =	vst.idx.add.f32.msk vm15, v6;
	v9 =	vsub.f32 v53, v55  }
0x4e6: {  	[tilespmem:v7+s16+$0x0] =	vst.idx.add.f32.msk vm14, v62;
	v7 =	vsub.f32 v59, v63  }
0x4e7: {  	[tilespmem:v11+s16+$0x0] =	vst.idx.add.f32.msk vm1, v9  }
0x4e8: {  	s0 =	simm.s32 $0x191F0;
	[tilespmem:v5+s16+$0x0] =	vst.idx.add.f32.msk vm3, v7  }
0x4e9: {  	[tilespmem:s0+$0xFFFFFF90] =	vst v2  }
0x4ea: {  	[tilespmem:s0+$0x0] =	vst v2  }
0x4eb: {  	[tilespmem:s0+$0xFFFFFFF0] =	vst v2  }
0x4ec: {  	[tilespmem:s0+$0xFFFFFFE0] =	vst v2  }
0x4ed: {  	[tilespmem:s0+$0xFFFFFFD0] =	vst v2  }
0x4ee: {  	[tilespmem:s0+$0xFFFFFFC0] =	vst v2  }
0x4ef: {  	s2 =	simm.s32 $0x308;
	[tilespmem:s0+$0xFFFFFFB0] =	vst v2  }
.LBB2_64:
0x4f0: {  	s2 =	sadd.s32 $0x8, s2;
	[tilespmem:s0+$0xFFFFFFA0] =	vst v2;
	s0 =	sadd.s32 $0x80, s0  }
0x4f1: {  	[tilespmem:s0+$0xFFFFFF90] =	vst v2;
	p1 =	slt.u32 s2, $0x3F8  }
0x4f2: {  	[tilespmem:s0+$0x0] =	vst v2  }
.Ltmp35:
0x4f3: {  	[tilespmem:s0+$0xFFFFFFF0] =	vst v2;
	(pc) =	sbr.rel @p1 .LBB2_64-.Ltmp35, $4  }
0x4f4: {  	[tilespmem:s0+$0xFFFFFFE0] =	vst v2  }
0x4f5: {  	[tilespmem:s0+$0xFFFFFFD0] =	vst v2  }
0x4f6: {  	[tilespmem:s0+$0xFFFFFFC0] =	vst v2  }
0x4f7: {  	[tilespmem:s0+$0xFFFFFFB0] =	vst v2  }
.Ltmp36:
0x4f8: {  	(pc) =	sbr.rel @!p0 .LBB2_69-.Ltmp36, $2  }
0x4f9: {  	_ =	sdelay $0x2  }
0x4fa: {  	[tilespmem:s0+$0xFFFFFFA0] =	vst v2  }
0x4fb: {  	s0 =	simm.s32 $0x16140  }
0x4fc: {  	s2 =	simm.s32 $0x6140;
	v6 =	vld [tilespmem:s0+$0x30]  }
0x4fd: {  	v7 =	vld [tilespmem:s2+$0x30]  }
0x4fe: {  	v5 =	vld [tilespmem:s2+$0xFFFFFFC0]  }
0x4ff: {  	v8 =	vld [tilespmem:s0+$0xFFFFFFD0]  }
0x500: {  	v9 =	vld [tilespmem:s2+$0xFFFFFFD0]  }
0x501: {  	v10 =	vld [tilespmem:s0+$0xFFFFFFE0]  }
0x502: {  	v11 =	vld [tilespmem:s2+$0xFFFFFFE0]  }
0x503: {  	v12 =	vld [tilespmem:s0+$0xFFFFFFF0]  }
0x504: {  	v13 =	vld [tilespmem:s2+$0xFFFFFFF0]  }
0x505: {  	v14 =	vld [tilespmem:s0+$0x0]  }
0x506: {  	v15 =	vld [tilespmem:s2+$0x0];
	v7 =	vadd.f32 v7, v6  }
0x507: {  	v9 =	vadd.f32 v9, v8;
	v6 =	vld [tilespmem:s0+$0x10]  }
0x508: {  	v10 =	vadd.f32 v11, v10;
	v8 =	vld [tilespmem:s2+$0x10];
	[tilespmem:s0+$0x30] =	vst v7  }
0x509: {  	v11 =	vadd.f32 v13, v12;
	[tilespmem:s0+$0xFFFFFFD0] =	vst v9;
	v7 =	vld [tilespmem:s0+$0x20]  }
0x50a: {  	[tilespmem:s0+$0xFFFFFFE0] =	vst v10;
	v10 =	vld [tilespmem:s2+$0x20]  }
0x50b: {  	s3 =	simm.s32 $0x0;
	s4 =	simm.s32 $0x161C0;
	v9 =	vld [tilespmem:s0+$0xFFFFFFC0];
	[tilespmem:s0+$0xFFFFFFF0] =	vst v11;
	v11 =	vadd.f32 v15, v14  }
.LBB2_67:
0x50c: {  	v12 =	vld [tilespmem:s4+$0x30];
	s2 =	sadd.s32 $0x80, s2  }
0x50d: {  	s3 =	sadd.s32 $0x8, s3;
	v13 =	vld [tilespmem:s2+$0x30];
	[tilespmem:s0+$0x0] =	vst v11;
	v6 =	vadd.f32 v8, v6  }
0x50e: {  	p1 =	slt.u32 s3, $0x3F8;
	v8 =	vld [tilespmem:s2+$0xFFFFFFC0]  }
0x50f: {  	v11 =	vld [tilespmem:s4+$0xFFFFFFD0];
	[tilespmem:s0+$0x10] =	vst v6;
	v6 =	vadd.f32 v10, v7  }
0x510: {  	v7 =	vld [tilespmem:s2+$0xFFFFFFD0];
	v14 =	vadd.f32 v5, v9  }
0x511: {  	v9 =	vld [tilespmem:s4+$0xFFFFFFE0];
	[tilespmem:s0+$0x20] =	vst v6  }
0x512: {  	v6 =	vld [tilespmem:s2+$0xFFFFFFE0];
	v10 =	vadd.f32 v13, v12;
	[tilespmem:s0+$0xFFFFFFC0] =	vst v14;
	s0 =	smov.u32 s4  }
0x513: {  	v12 =	vld [tilespmem:s4+$0xFFFFFFF0];
	v5 =	vmov v8  }
0x514: {  	v13 =	vld [tilespmem:s2+$0xFFFFFFF0];
	[tilespmem:s4+$0x30] =	vst v10  }
0x515: {  	v7 =	vadd.f32 v7, v11;
	v11 =	vld [tilespmem:s4+$0x0]  }
0x516: {  	v14 =	vld [tilespmem:s2+$0x0]  }
.Ltmp37:
0x517: {  	[tilespmem:s4+$0xFFFFFFD0] =	vst v7;
	v7 =	vadd.f32 v6, v9;
	v6 =	vld [tilespmem:s4+$0x10];
	(pc) =	sbr.rel @p1 .LBB2_67-.Ltmp37, $4  }
0x518: {  	v8 =	vld [tilespmem:s2+$0x10]  }
0x519: {  	[tilespmem:s4+$0xFFFFFFE0] =	vst v7;
	v12 =	vadd.f32 v13, v12;
	v7 =	vld [tilespmem:s4+$0x20]  }
0x51a: {  	v10 =	vld [tilespmem:s2+$0x20]  }
0x51b: {  	s4 =	sadd.s32 $0x80, s4;
	v9 =	vld [tilespmem:s0+$0xFFFFFFC0];
	[tilespmem:s0+$0xFFFFFFF0] =	vst v12;
	v11 =	vadd.f32 v14, v11  }
0x51c: {  	_ =	sdelay $0x1  }
0x51d: {  	v6 =	vadd.f32 v8, v6  }
0x51e: {  	[tilespmem:s0+$0x0] =	vst v11;
	v7 =	vadd.f32 v10, v7  }
0x51f: {  	[tilespmem:s0+$0x10] =	vst v6;
	v5 =	vadd.f32 v5, v9  }
0x520: {  	[tilespmem:s0+$0x20] =	vst v7  }
0x521: {  	[tilespmem:s0+$0xFFFFFFC0] =	vst v5  }
.LBB2_69:
0x522: {  	[hbm4b:s12+s19] =	stream.strided.scatter [tilespmem:s16], [sflag:$0x3], $0x4000, s20, s19, $0x38;
	[tilespmem:$0x1E100] =	vst v63  }
0x523: {  	_ =	swait.ge [sflag:s29], $0x4000  }
0x524: {  	[sflag:s29] =	ssyncset.done $0x0  }
0x525: {  	[sflag:s29] =	ssyncadd.s32 $0xFFFFC000  }
0x526: {  	_ =	swait.ge [sflag:s23], $0x4000  }
0x527: {  	[sflag:s23] =	ssyncset.done $0x0  }
0x528: {  	s3 =	simm.s32 $0x1A140;
	[sflag:s23] =	ssyncadd.s32 $0xFFFFC000  }
0x529: {  	s0 =	simm.s32 $0x40;
	[tilespmem:s3+$0xFFFFFFD0] =	vst v2  }
0x52a: {  	v5 =	vld [tilespmem:s0+$0xFFFFFFD0];
	_ =	sdelay $0x3  }
0x52b: {  	[tilespmem:s3+$0x0] =	vst v2  }
0x52c: {  	[tilespmem:s3+$0xFFFFFFE0] =	vst v2;
	v10 =	vld [tilespmem:s0+$0x0];
	v6 =	vand.u32 $0x3FFF, v5  }
0x52d: {  	v21 =	vld [tilespmem:s0+$0xFFFFFFE0]  }
0x52e: {  	[tilespmem:s3+$0xFFFFFFC0] =	vst v2  }
0x52f: {  	s2 =	simm.s32 $0x30C0;
	v12 =	vld [tilespmem:s0+$0xFFFFFFC0]  }
0x530: {  	v7 =	vld [tilespmem:s2+$0xFFFFFFD0]  }
0x531: {  	[tilespmem:s3+$0x30] =	vst v2;
	v11 =	vand.u32 $0x3FFF, v10;
	v9 =	vld.idx.msk [tilespmem:v6+s21+$0x0], $0xffff  }
0x532: {  	[tilespmem:s3+$0xFFFFFFF0] =	vst v2;
	v14 =	vld [tilespmem:s0+$0x30];
	v8 =	vand.u32 $0x3FFF, v21  }
0x533: {  	[tilespmem:s3+$0x10] =	vst v2;
	v6 =	vld [tilespmem:s0+$0xFFFFFFF0]  }
0x534: {  	v13 =	vld [tilespmem:s0+$0x10]  }
0x535: {  	v20 =	vld [tilespmem:s2+$0x0]  }
0x536: {  	v23 =	vld.idx.msk [tilespmem:v11+s21+$0x0], $0xffff;
	v22 =	vmul.f32 v9, v7  }
0x537: {  	v16 =	vld.idx.msk [tilespmem:v8+s21+$0x0], $0xffff;
	v8 =	vand.u32 $0x3FFF, v14  }
0x538: {  	v15 =	vld [tilespmem:s2+$0xFFFFFFE0];
	v7 =	vand.u32 $0x3FFF, v6;
	(xrf2) =	vadd.scan.msk.f32 $0xffff, v22  }
0x539: {  	v19 =	vld [tilespmem:s2+$0x30]  }
0x53a: {  	[tilespmem:s3+$0x20] =	vst v2;
	v25 =	vld [tilespmem:s2+$0xFFFFFFF0];
	v27 =	vand.u32 $0x3FFF, v12  }
0x53b: {  	v28 =	vand.u32 $0x3FFF, v13;
	v11 =	vld [tilespmem:s0+$0x20];
	v30 =	vmul.f32 v23, v20  }
0x53c: {  	v24 =	vld.idx.msk [tilespmem:v8+s21+$0x0], $0xffff  }
0x53d: {  	v17 =	vshrl.u32 v5, $0x1C;
	(xrf2) =	vadd.scan.msk.f32 $0xffff, v30;
	v7 =	vld.idx.msk [tilespmem:v7+s21+$0x0], $0xffff  }
0x53e: {  	v26 =	vshrl.u32 v10, $0xE;
	v29 =	vshrl.u32 v13, $0xE;
	v32 =	vshrl.u32 v5, $0xE  }
0x53f: {  	v5 =	vshrl.u32 v12, $0xE;
	v12 =	vshrl.u32 v12, $0x1C;
	v31 =	vperm.xlane v17, v3;
	v27 =	vld.idx.msk [tilespmem:v27+s21+$0x0], $0xffff  }
0x540: {  	v18 =	vmul.f32 v16, v15;
	v15 =	vshrl.u32 v11, $0x1C;
	v23 =	vld.idx.msk [tilespmem:v28+s21+$0x0], $0xffff;
	v28 =	vand.u32 $0x3FFF, v11  }
0x541: {  	v5 =	vand.u32 $0x3FFF, v5;
	vm4 =	veq.s32 v31, v4;
	v16 =	vld [tilespmem:s2+$0xFFFFFFC0];
	v34 =	vperm.xlane v15, v3  }
0x542: {  	v24 =	vmul.f32 v24, v19;
	v19 =	vmul.f32 v7, v25;
	v7 =	vand.u32 $0x3FFF, v29;
	v29, _, _ =	vpop (xrf2);
	(xrf2) =	vadd.scan.msk.f32 $0xffff, v18  }
0x543: {  	v31 =	vshrl.u32 v21, $0x1C;
	v9 =	vshrl.u32 v14, $0xE;
	v8 =	vshrl.u32 v21, $0xE;
	v20 =	vld [tilespmem:s2+$0x10]  }
0x544: {  	s4 =	simm.s32 $0x1A1C0;
	s3 =	simm.s32 $0x0;
	v33 =	vshrl.u32 v6, $0xE;
	vm1 =	veq.s32 v34, v4;
	v34 =	vld [tilespmem:s2+$0x20];
	v35 =	vsub.f32 v29, v22  }
.LBB2_70:
0x545: {  	[tilespmem:s4+$0xFFFFFFC0] =	vst v2;
	s3 =	sadd.s32 $0x8, s3;
	v36 =	vperm.xlane v31, v3;
	v22 =	vand.u32 $0x3FFF, v33;
	v33 =	vld.idx.msk [tilespmem:v28+s21+$0x0], $0xffff;
	s0 =	sadd.s32 $0x80, s0;
	s2 =	sadd.s32 $0x80, s2;
	(xrf2) =	vadd.scan.msk.f32 $0xffff, v24  }
0x546: {  	v28 =	vmul.f32 v27, v16;
	v27 =	vand.u32 $0x3FFF, v32;
	v21 =	vld [tilespmem:s0+$0xFFFFFFC0];
	[tilespmem:s4+$0xFFFFFFD0] =	vst v2;
	p1 =	slt.u32 s3, $0x300;
	v16 =	vperm.xlane v35, v17  }
0x547: {  	vm3 =	vmor vm4, vm0;
	v17 =	vperm.xlane v12, v3;
	v35 =	vand.u32 $0x3FFF, v26;
	v32 =	vld [tilespmem:s0+$0xFFFFFFD0];
	[tilespmem:s4+$0xFFFFFFE0] =	vst v2;
	v26, _, _ =	vpop (xrf2)  }
0x548: {  	v25 =	vld [tilespmem:s0+$0xFFFFFFE0];
	[tilespmem:s4+$0xFFFFFFF0] =	vst v2;
	v29 =	vsub.f32 v29, v16;
	v30 =	vsub.f32 v26, v30;
	(xrf2) =	vadd.scan.msk.f32 $0xffff, v19  }
0x549: {  	v37 =	vshrl.u32 v13, $0x1C;
	vm2 =	veq.s32 v17, v4;
	v17 =	vshrl.u32 v10, $0x1C;
	v16 =	vld [tilespmem:s2+$0xFFFFFFC0];
	[tilespmem:s4+$0x0] =	vst v2  }
0x54a: {  	v38 =	vshrl.u32 v6, $0x1C;
	vm2 =	vmor vm2, vm0;
	[tilespmem:s4+$0x10] =	vst v2;
	v6 =	vld [tilespmem:s0+$0xFFFFFFF0];
	v30 =	vperm.xlane v30, v17  }
0x54b: {  	v40 =	vperm.xlane v17, v3;
	v33 =	vmul.f32 v33, v34;
	v39 =	vand.u32 $0x3FFF, v21;
	v10 =	vld [tilespmem:s0+$0x0];
	[tilespmem:s4+$0x20] =	vst v2  }
0x54c: {  	v17 =	vshrl.u32 v32, $0x1C;
	v34 =	vand.u32 $0x3FFF, v32;
	v13 =	vld [tilespmem:s0+$0x10];
	v41 =	vsub.f32 v26, v30;
	v26, _, _ =	vpop (xrf2)  }
0x54d: {  	v30 =	vld [tilespmem:s2+$0xFFFFFFE0];
	v42 =	vand.u32 $0x3FFF, v25;
	[tilespmem:s4+$0x30] =	vst v2;
	v18 =	vsub.f32 v26, v18;
	(xrf2) =	vadd.scan.msk.f32 $0xffff, v33  }
0x54e: {  	v44 =	vperm.xlane v37, v3;
	vm4 =	veq.s32 v40, v4;
	v40 =	vmul.f32 v23, v20;
	v43 =	vld [tilespmem:s0+$0x30]  }
0x54f: {  	v14 =	vshrl.u32 v14, $0x1C;
	v45 =	vand.u32 $0x3FFF, v6;
	v46 =	vld [tilespmem:s2+$0x30];
	v18 =	vperm.xlane v18, v31;
	v20, _, _ =	vpop (xrf2)  }
0x550: {  	v47 =	vperm.xlane v14, v3;
	v23 =	vld [tilespmem:s2+$0xFFFFFFD0];
	v31 =	vand.u32 $0x3FFF, v10;
	v24 =	vsub.f32 v20, v24;
	(xrf2) =	vadd.scan.msk.f32 $0xffff, v40  }
0x551: {  	vm5 =	veq.s32 v36, v4;
	v34 =	vld.idx.msk [tilespmem:v34+s21+$0x0], $0xffff;
	v48 =	vand.u32 $0x3FFF, v13;
	v49 =	vsub.f32 v26, v18  }
0x552: {  	vm5 =	vmor vm5, vm0;
	vm6 =	veq.s32 v47, v4;
	v18 =	vld.idx.msk [tilespmem:v42+s21+$0x0], $0xffff;
	v24 =	vperm.xlane v24, v14;
	v36, _, _ =	vpop (xrf2)  }
0x553: {  	vm6 =	vmor vm6, vm0;
	v42 =	vld [tilespmem:s2+$0x0];
	v47 =	vand.u32 $0x3FFF, v43;
	v19 =	vsub.f32 v36, v19;
	(xrf2) =	vadd.scan.msk.f32 $0xffff, v28;
	v14 =	vmovc v43  }
0x554: {  	v50 =	vand.u32 $0x3FFF, v9;
	v43 =	vld [tilespmem:s2+$0xFFFFFFF0];
	v24 =	vsub.f32 v20, v24;
	v9 =	vshrl.u32 v14, $0xE  }
0x555: {  	v51 =	vand.u32 $0x3FFF, v8;
	v8 =	vshrl.u32 v25, $0xE;
	v31 =	vld.idx.msk [tilespmem:v31+s21+$0x0], $0xffff;
	v53 =	vperm.xlane v19, v38  }
0x556: {  	vm4 =	vmor vm4, vm0;
	v26 =	vshrl.u32 v10, $0xE;
	v38 =	vperm.xlane v38, v3;
	v20 =	vld [tilespmem:s2+$0x10]  }
0x557: {  	v11 =	vshrl.u32 v11, $0xE;
	v52 =	vmul.f32 v34, v23;
	v23 =	vld.idx.msk [tilespmem:v48+s21+$0x0], $0xffff;
	v34 =	vsub.f32 v36, v53;
	v19, _, _ =	vpop (xrf2)  }
0x558: {  	vm1 =	vmor vm1, vm0;
	v18 =	vmul.f32 v18, v30;
	v36 =	vld.idx.msk [tilespmem:v47+s21+$0x0], $0xffff;
	v30 =	vsub.f32 v19, v33  }
0x559: {  	vm7 =	veq.s32 v38, v4;
	v38 =	vand.u32 $0x3FFF, v11;
	(xrf2) =	vadd.scan.msk.f32 $0xffff, v52;
	[tilespmem:v50+s24+$0x0] =	vst.idx.add.f32.msk vm6, v24  }
0x55a: {  	v47 =	vshrl.u32 v13, $0xE;
	[tilespmem:v51+s24+$0x0] =	vst.idx.add.f32.msk vm5, v49;
	vm5 =	veq.s32 v44, v4;
	v15 =	vperm.xlane v30, v15;
	v44, _, _ =	vpop (xrf2)  }
0x55b: {  	v30 =	vmul.f32 v31, v42;
	v11 =	vld [tilespmem:s0+$0x20];
	v24 =	vsub.f32 v44, v40;
	vm5 =	vmor vm5, vm0  }
0x55c: {  	vm6 =	vmor vm7, vm0;
	v31 =	vperm.xlane v17, v3;
	v40 =	vld.idx.msk [tilespmem:v45+s21+$0x0], $0xffff;
	v15 =	vsub.f32 v19, v15  }
0x55d: {  	v32 =	vshrl.u32 v32, $0xE;
	(xrf2) =	vadd.scan.msk.f32 $0xffff, v30;
	[tilespmem:v35+s24+$0x0] =	vst.idx.add.f32.msk vm4, v41;
	v19 =	vperm.xlane v24, v37;
	v35, _, _ =	vpop (xrf2)  }
0x55e: {  	v33 =	vshrl.u32 v6, $0xE;
	v24 =	vmul.f32 v36, v46;
	v36 =	vsub.f32 v35, v28;
	[tilespmem:v38+s24+$0x0] =	vst.idx.add.f32.msk vm1, v15  }
0x55f: {  	v37 =	vshrl.u32 v21, $0xE;
	vm4 =	veq.s32 v31, v4;
	[tilespmem:v27+s24+$0x0] =	vst.idx.add.f32.msk vm3, v29;
	v19 =	vsub.f32 v44, v19  }
.Ltmp38:
0x560: {  	v27 =	vld.idx.msk [tilespmem:v39+s21+$0x0], $0xffff;
	v15 =	vshrl.u32 v11, $0x1C;
	v28 =	vand.u32 $0x3FFF, v11;
	v12 =	vperm.xlane v36, v12;
	(pc) =	sbr.rel @p1 .LBB2_70-.Ltmp38, $4  }
0x561: {  	v31 =	vperm.xlane v15, v3;
	[tilespmem:v7+s24+$0x0] =	vst.idx.add.f32.msk vm5, v19  }
0x562: {  	v19 =	vmul.f32 v40, v43;
	(xrf2) =	vadd.scan.msk.f32 $0xffff, v18;
	v36 =	vsub.f32 v35, v12;
	[tilespmem:v22+s24+$0x0] =	vst.idx.add.f32.msk vm6, v34  }
0x563: {  	v7 =	vand.u32 $0x3FFF, v47;
	v22 =	vand.u32 $0x3FFF, v37;
	v34 =	vld [tilespmem:s2+$0x20];
	vm1 =	veq.s32 v31, v4;
	v29, _, _ =	vpop (xrf2)  }
0x564: {  	s4 =	sadd.s32 $0x80, s4;
	v12 =	vshrl.u32 v21, $0x1C;
	v31 =	vshrl.u32 v25, $0x1C;
	v35 =	vsub.f32 v29, v52;
	[tilespmem:v5+s24+$0x0] =	vst.idx.add.f32.msk vm2, v36;
	v5 =	vmovc v22  }
0x565: {  	_ =	sdelay $0x3  }
0x566: {  	v21 =	vld.idx.msk [tilespmem:v28+s21+$0x0], $0xffff;
	_ =	sdelay $0x3  }
0x567: {  	(xrf2) =	vadd.scan.msk.f32 $0xffff, v24;
	v22 =	vperm.xlane v31, v3  }
0x568: {  	v16 =	vmul.f32 v27, v16;
	v21 =	vmul.f32 v21, v34  }
0x569: {  	v25 =	vand.u32 $0x3FFF, v33;
	v20 =	vmul.f32 v23, v20;
	v43 =	vand.u32 $0x3FFF, v32;
	(xrf2) =	vadd.scan.msk.f32 $0xffff, v19  }
0x56a: {  	v44 =	vperm.xlane v12, v3;
	vm2 =	vmor vm4, vm0;
	v26 =	vand.u32 $0x3FFF, v26;
	v42, _, _ =	vpop (xrf2);
	(xrf2) =	vadd.scan.msk.f32 $0xffff, v21  }
0x56b: {  	v10 =	vshrl.u32 v10, $0x1C;
	v14 =	vshrl.u32 v14, $0x1C;
	v13 =	vshrl.u32 v13, $0x1C;
	(xrf2) =	vadd.scan.msk.f32 $0xffff, v20  }
0x56c: {  	v6 =	vshrl.u32 v6, $0x1C;
	v9 =	vand.u32 $0x3FFF, v9;
	v8 =	vand.u32 $0x3FFF, v8  }
0x56d: {  	v11 =	vshrl.u32 v11, $0xE;
	v17 =	vperm.xlane v35, v17;
	v47 =	vperm.xlane v14, v3;
	v46, _, _ =	vpop (xrf2);
	(xrf2) =	vadd.scan.msk.f32 $0xffff, v16  }
0x56e: {  	vm1 =	vmor vm1, vm0;
	v51 =	vperm.xlane v13, v3;
	v52 =	vperm.xlane v6, v3  }
0x56f: {  	v11 =	vand.u32 $0x3FFF, v11;
	vm6 =	veq.s32 v22, v4;
	v30 =	vsub.f32 v42, v30  }
0x570: {  	vm3 =	veq.s32 v44, v4;
	vm5 =	veq.s32 v47, v4;
	vm6 =	vmor vm6, vm0  }
0x571: {  	vm7 =	veq.s32 v52, v4;
	v45 =	vperm.xlane v30, v10;
	v10 =	vperm.xlane v10, v3;
	v48, _, _ =	vpop (xrf2)  }
0x572: {  	vm8 =	veq.s32 v51, v4;
	vm5 =	vmor vm5, vm0;
	v49 =	vsub.f32 v48, v24  }
0x573: {  	v61 =	vsub.f32 v29, v17;
	vm13 =	veq.s32 v10, v4;
	v18 =	vsub.f32 v46, v18;
	v50, _, _ =	vpop (xrf2)  }
0x574: {  	vm15 =	vmor vm7, vm0;
	vm4 =	vmor vm13, vm0;
	v10 =	vperm.xlane v49, v14;
	v53, _, _ =	vpop (xrf2)  }
0x575: {  	v57 =	vsub.f32 v42, v45;
	v18 =	vperm.xlane v18, v31;
	v58 =	vsub.f32 v50, v19;
	v54, _, _ =	vpop (xrf2)  }
0x576: {  	vm14 =	vmor vm8, vm0;
	[tilespmem:v43+s24+$0x0] =	vst.idx.add.f32.msk vm2, v61;
	v10 =	vsub.f32 v48, v10;
	v56 =	vsub.f32 v54, v20  }
0x577: {  	v18 =	vsub.f32 v46, v18;
	v6 =	vperm.xlane v58, v6;
	v21 =	vsub.f32 v53, v21;
	v59, _, _ =	vpop (xrf2)  }
0x578: {  	vm3 =	vmor vm3, vm0;
	[tilespmem:v9+s24+$0x0] =	vst.idx.add.f32.msk vm5, v10;
	v60 =	vsub.f32 v59, v16;
	v10 =	vperm.xlane v56, v13  }
0x579: {  	[tilespmem:v8+s24+$0x0] =	vst.idx.add.f32.msk vm6, v18;
	v6 =	vsub.f32 v50, v6;
	v55 =	vperm.xlane v21, v15  }
0x57a: {  	[tilespmem:v26+s24+$0x0] =	vst.idx.add.f32.msk vm4, v57;
	v63 =	vperm.xlane v60, v12;
	v62 =	vsub.f32 v54, v10  }
0x57b: {  	[tilespmem:v25+s24+$0x0] =	vst.idx.add.f32.msk vm15, v6;
	v9 =	vsub.f32 v53, v55  }
0x57c: {  	[tilespmem:v7+s24+$0x0] =	vst.idx.add.f32.msk vm14, v62;
	v7 =	vsub.f32 v59, v63  }
0x57d: {  	[tilespmem:v11+s24+$0x0] =	vst.idx.add.f32.msk vm1, v9  }
0x57e: {  	s0 =	simm.s32 $0x1D1F0;
	[tilespmem:v5+s24+$0x0] =	vst.idx.add.f32.msk vm3, v7  }
0x57f: {  	[tilespmem:s0+$0xFFFFFF90] =	vst v2  }
0x580: {  	[tilespmem:s0+$0x0] =	vst v2  }
0x581: {  	[tilespmem:s0+$0xFFFFFFF0] =	vst v2  }
0x582: {  	[tilespmem:s0+$0xFFFFFFE0] =	vst v2  }
0x583: {  	[tilespmem:s0+$0xFFFFFFD0] =	vst v2  }
0x584: {  	[tilespmem:s0+$0xFFFFFFC0] =	vst v2  }
0x585: {  	s2 =	simm.s32 $0x308;
	[tilespmem:s0+$0xFFFFFFB0] =	vst v2  }
.LBB2_72:
0x586: {  	s2 =	sadd.s32 $0x8, s2;
	[tilespmem:s0+$0xFFFFFFA0] =	vst v2;
	s0 =	sadd.s32 $0x80, s0  }
0x587: {  	[tilespmem:s0+$0xFFFFFF90] =	vst v2;
	p1 =	slt.u32 s2, $0x3F8  }
0x588: {  	[tilespmem:s0+$0x0] =	vst v2  }
.Ltmp39:
0x589: {  	[tilespmem:s0+$0xFFFFFFF0] =	vst v2;
	(pc) =	sbr.rel @p1 .LBB2_72-.Ltmp39, $4  }
0x58a: {  	[tilespmem:s0+$0xFFFFFFE0] =	vst v2  }
0x58b: {  	[tilespmem:s0+$0xFFFFFFD0] =	vst v2  }
0x58c: {  	[tilespmem:s0+$0xFFFFFFC0] =	vst v2  }
0x58d: {  	[tilespmem:s0+$0xFFFFFFB0] =	vst v2  }
.Ltmp40:
0x58e: {  	(pc) =	sbr.rel @!p0 .LBB2_77-.Ltmp40, $2  }
0x58f: {  	_ =	sdelay $0x2  }
0x590: {  	[tilespmem:s0+$0xFFFFFFA0] =	vst v2  }
0x591: {  	s0 =	simm.s32 $0x1A140  }
0x592: {  	s2 =	simm.s32 $0x6140;
	v6 =	vld [tilespmem:s0+$0x30]  }
0x593: {  	v7 =	vld [tilespmem:s2+$0x30]  }
0x594: {  	v5 =	vld [tilespmem:s2+$0xFFFFFFC0]  }
0x595: {  	v8 =	vld [tilespmem:s0+$0xFFFFFFD0]  }
0x596: {  	v9 =	vld [tilespmem:s2+$0xFFFFFFD0]  }
0x597: {  	v10 =	vld [tilespmem:s0+$0xFFFFFFE0]  }
0x598: {  	v11 =	vld [tilespmem:s2+$0xFFFFFFE0]  }
0x599: {  	v12 =	vld [tilespmem:s0+$0xFFFFFFF0]  }
0x59a: {  	v13 =	vld [tilespmem:s2+$0xFFFFFFF0]  }
0x59b: {  	v14 =	vld [tilespmem:s0+$0x0]  }
0x59c: {  	v15 =	vld [tilespmem:s2+$0x0];
	v7 =	vadd.f32 v7, v6  }
0x59d: {  	v9 =	vadd.f32 v9, v8;
	v6 =	vld [tilespmem:s0+$0x10]  }
0x59e: {  	v10 =	vadd.f32 v11, v10;
	v8 =	vld [tilespmem:s2+$0x10];
	[tilespmem:s0+$0x30] =	vst v7  }
0x59f: {  	v11 =	vadd.f32 v13, v12;
	[tilespmem:s0+$0xFFFFFFD0] =	vst v9;
	v7 =	vld [tilespmem:s0+$0x20]  }
0x5a0: {  	[tilespmem:s0+$0xFFFFFFE0] =	vst v10;
	v10 =	vld [tilespmem:s2+$0x20]  }
0x5a1: {  	s3 =	simm.s32 $0x0;
	s4 =	simm.s32 $0x1A1C0;
	v9 =	vld [tilespmem:s0+$0xFFFFFFC0];
	[tilespmem:s0+$0xFFFFFFF0] =	vst v11;
	v11 =	vadd.f32 v15, v14  }
.LBB2_75:
0x5a2: {  	v12 =	vld [tilespmem:s4+$0x30];
	s2 =	sadd.s32 $0x80, s2  }
0x5a3: {  	s3 =	sadd.s32 $0x8, s3;
	v13 =	vld [tilespmem:s2+$0x30];
	[tilespmem:s0+$0x0] =	vst v11;
	v6 =	vadd.f32 v8, v6  }
0x5a4: {  	p0 =	slt.u32 s3, $0x3F8;
	v8 =	vld [tilespmem:s2+$0xFFFFFFC0]  }
0x5a5: {  	v11 =	vld [tilespmem:s4+$0xFFFFFFD0];
	[tilespmem:s0+$0x10] =	vst v6;
	v6 =	vadd.f32 v10, v7  }
0x5a6: {  	v7 =	vld [tilespmem:s2+$0xFFFFFFD0];
	v14 =	vadd.f32 v5, v9  }
0x5a7: {  	v9 =	vld [tilespmem:s4+$0xFFFFFFE0];
	[tilespmem:s0+$0x20] =	vst v6  }
0x5a8: {  	v6 =	vld [tilespmem:s2+$0xFFFFFFE0];
	v10 =	vadd.f32 v13, v12;
	[tilespmem:s0+$0xFFFFFFC0] =	vst v14;
	s0 =	smov.u32 s4  }
0x5a9: {  	v12 =	vld [tilespmem:s4+$0xFFFFFFF0];
	v5 =	vmov v8  }
0x5aa: {  	v13 =	vld [tilespmem:s2+$0xFFFFFFF0];
	[tilespmem:s4+$0x30] =	vst v10  }
0x5ab: {  	v7 =	vadd.f32 v7, v11;
	v11 =	vld [tilespmem:s4+$0x0]  }
0x5ac: {  	v14 =	vld [tilespmem:s2+$0x0]  }
.Ltmp41:
0x5ad: {  	[tilespmem:s4+$0xFFFFFFD0] =	vst v7;
	v7 =	vadd.f32 v6, v9;
	v6 =	vld [tilespmem:s4+$0x10];
	(pc) =	sbr.rel @p0 .LBB2_75-.Ltmp41, $4  }
0x5ae: {  	v8 =	vld [tilespmem:s2+$0x10]  }
0x5af: {  	[tilespmem:s4+$0xFFFFFFE0] =	vst v7;
	v12 =	vadd.f32 v13, v12;
	v7 =	vld [tilespmem:s4+$0x20]  }
0x5b0: {  	v10 =	vld [tilespmem:s2+$0x20]  }
0x5b1: {  	s4 =	sadd.s32 $0x80, s4;
	v9 =	vld [tilespmem:s0+$0xFFFFFFC0];
	[tilespmem:s0+$0xFFFFFFF0] =	vst v12;
	v11 =	vadd.f32 v14, v11  }
0x5b2: {  	_ =	sdelay $0x1  }
.Ltmp42:
0x5b3: {  	v6 =	vadd.f32 v8, v6;
	(pc) =	sbr.rel .LBB2_77-.Ltmp42, $4  }
0x5b4: {  	[tilespmem:s0+$0x0] =	vst v11;
	v7 =	vadd.f32 v10, v7  }
0x5b5: {  	[tilespmem:s0+$0x10] =	vst v6;
	v5 =	vadd.f32 v5, v9  }
0x5b6: {  	[tilespmem:s0+$0x20] =	vst v7  }
0x5b7: {  	[tilespmem:s0+$0xFFFFFFC0] =	vst v5  }
.LBB2_78:
0x5b8: {  	_ =	sfence.sel $0x180000  }
0x5b9: {  	[bflag:$0x0] =	sbarrier.arrive $0xFFFF  }
0x5ba: {  	_ =	strace $0x90000047  }
0x5bb: {  	s0 =	stileid.u32;
	[bflag:$0x2] =	sbarrier.arrive $0xFFFF  }
0x5bc: {  	p0 =	sne.s32 s0, $0x0;
	s0 =	rddreg [dreg:$0x5]  }
0x5bd: {  	s0 =	sadd.s32 @!p0 $0x100000, s0  }
0x5be: {  	[sflag:s0] =	ssyncadd.tile.s32 @!p0 $0x1;
	_ =	shalt  }
.Lfunc_end2:
_tile_overlayer_lowered:
.L_overlay_start_2:
0x5bf: {  	(tag) =	ssettag $0x2  }
0x5c0: {  	s0 =	rddreg [dreg:$0x0];
	s2 =	stileid.u32  }
0x5c1: {  	s1 =	rddreg [dreg:$0x1];
	p0 =	sne.s32 s2, $0x0  }
0x5c2: {  	s3 =	rddreg [dreg:$0x2];
	[bflag:$0x3] =	sbarrier.arrive $0xFFFF;
	s2 =	simm.s32 @!p0 $0x1C06  }
0x5c3: {  	[timem:s3], [sflag:s2] =	dma.local @!p0 [hbm:s0], s1  }
0x5c4: {  	s0 =	simm.s32 @!p0 $0x6  }
0x5c5: {  	_ =	swait.ge @!p0 [sflag:s0], s1  }
0x5c6: {  	s1 =	ssub.s32 @!p0 $0x0, s1;
	[sflag:s0] =	ssyncset.done @!p0 $0x0  }
0x5c7: {  	[sflag:s0] =	ssyncadd.s32 @!p0 s1  }
0x5c8: {  	[bflag:$0x3] =	sbarrier.arrive $0xFFFF  }
0x5c9: {  	_ =	shalt  }

</sc_bundles>
